<compile_context>
chip_gen: v7x
topology: tpu7x:2x2x1
jax: 0.10.2.dev20260603
libtpu: 0.0.44.dev20260713+nightly
codegen_flags: <defaults>
</compile_context>

<pallas_src>
import functools

import jax
import jax.numpy as jnp
from jax import lax
from jax.experimental import pallas as pl
from jax.experimental.pallas import tpu as pltpu
from jax.experimental.pallas import tpu_sc as plsc

N_NODES = 100000
EMB_DIM = 256
TABLE_ROWS = 150
LANES = 16
NUM_WORKERS = 32
CHUNK = 160
QUARTER = CHUNK // 4
NUM_CHUNKS = N_NODES // CHUNK
CPW = NUM_CHUNKS // NUM_WORKERS
NUM_TAIL = NUM_CHUNKS - CPW * NUM_WORKERS
NSTEPS = CPW + 1


def _make_sc_kernel():
  mesh = plsc.VectorSubcoreMesh(core_axis_name="c", subcore_axis_name="s")

  @functools.partial(
      pl.kernel,
      mesh=mesh,
      compiler_params=pltpu.CompilerParams(needs_layout_passes=False),
      out_type=jax.ShapeDtypeStruct((N_NODES, EMB_DIM), jnp.float32),
      scratch_types=[
          pltpu.VMEM((TABLE_ROWS, EMB_DIM), jnp.float32),
          pltpu.VMEM((CHUNK,), jnp.int32),
          pltpu.VMEM((CHUNK,), jnp.int32),
          pltpu.VMEM((8 * QUARTER, EMB_DIM), jnp.float32),
      ] + [pltpu.SemaphoreType.DMA] * 6,
  )
  def k(x_hbm, deg_hbm, table_hbm, out_hbm, table_v, idx0_v, idx1_v, x_v,
        si0, si1, sx0, sx1, so0, so1):
    si = (si0, si1)
    sx = (sx0, sx1)
    so = (so0, so1)
    idxb = (idx0_v, idx1_v)
    wid = lax.axis_index("s") * 2 + lax.axis_index("c")

    def active(t):
      return jnp.logical_and(t <= CPW, jnp.logical_or(t < CPW, wid < NUM_TAIL))

    def base(t):
      return jnp.where(t < CPW, wid * CPW + t, CPW * NUM_WORKERS + wid) * CHUNK

    def wait_idx(b):
      pltpu.make_async_copy(deg_hbm.at[pl.ds(0, CHUNK)], idxb[b], si[b]).wait()

    def wait_x(b):
      for q in range(4):
        pltpu.make_async_copy(x_hbm.at[pl.ds(0, QUARTER)],
                              x_v.at[pl.ds((4 * b + q) * QUARTER, QUARTER)],
                              sx[b]).wait()

    def wait_out(b):
      for q in range(4):
        pltpu.make_async_copy(x_v.at[pl.ds((4 * b + q) * QUARTER, QUARTER)],
                              out_hbm.at[pl.ds(0, QUARTER)],
                              so[b]).wait()

    def launch_x(t, b):
      for q in range(4):
        pltpu.async_copy(x_hbm.at[pl.ds(base(t) + q * QUARTER, QUARTER)],
                         x_v.at[pl.ds((4 * b + q) * QUARTER, QUARTER)], sx[b])

    pltpu.async_copy(deg_hbm.at[pl.ds(base(0), CHUNK)], idxb[0], si[0])
    launch_x(0, 0)
    pltpu.async_copy(deg_hbm.at[pl.ds(base(1), CHUNK)], idxb[1], si[1])
    pltpu.sync_copy(table_hbm, table_v)

    def step(j, a, o):
      @pl.when(j >= 1)
      def _():
        wait_out(o)

      @pl.when(active(j + 1))
      def _():
        launch_x(j + 1, o)

      @pl.when(active(j))
      def _():
        wait_x(a)
        wait_idx(a)

        ia = idxb[a]

        for q in range(4):
          rowbase = (4 * a + q) * QUARTER

          @plsc.parallel_loop(0, QUARTER, 1, unroll=2)
          def _(n):
            nsplat = jnp.broadcast_to(n, (LANES,))
            dsplat = plsc.load_gather(ia, [nsplat + (q * QUARTER)])
            for kk in range(EMB_DIM // LANES):
              col = lax.iota(jnp.int32, LANES) + (kk * LANES)
              emb = plsc.load_gather(table_v, [dsplat, col])
              plsc.addupdate_scatter(x_v, [nsplat + rowbase, col], emb)

          pltpu.async_copy(x_v.at[pl.ds(rowbase, QUARTER)],
                           out_hbm.at[pl.ds(base(j) + q * QUARTER, QUARTER)],
                           so[a])

        @pl.when(active(j + 2))
        def _():
          pltpu.async_copy(deg_hbm.at[pl.ds(base(j + 2), CHUNK)],
                           idxb[a], si[a])

    def pair_body(p, carry):
      step(2 * p, 0, 1)
      step(2 * p + 1, 1, 0)
      return carry

    lax.fori_loop(0, NSTEPS // 2, pair_body, 0)

    @pl.when(wid < NUM_TAIL)
    def _():
      wait_out(1)

  return k


_sc_kernel = _make_sc_kernel()


@jax.jit
def kernel(x, deg, deg_emb_table):
  return _sc_kernel(x, deg, deg_emb_table)

# --- scband reference (transcript-rebuilt; emitter-appended) ---
"""Pipeline reference for scband-graphormer-deg-encoder-6081673691511 (READ-ONLY COPY).

The authoritative reference and input builder live on the scoring server;
editing this copy changes nothing except your own understanding.
"""

import jax, jax.numpy as jnp
import numpy as np

N_NODES = 100000
EMB_DIM = 256
MAX_DEG = 150

def setup_inputs(seed: int = 0) -> dict:
    key = jax.random.key(seed)
    k1, k2, k3 = jax.random.split(key, 3)
    x = jax.random.normal(k1, (N_NODES, EMB_DIM), dtype=jnp.float32)
    deg = jax.random.randint(k2, (N_NODES,), 0, MAX_DEG, dtype=jnp.int32)
    # learned embedding table (nn.Embedding(max_deg, emb_dim))
    deg_emb_table = jax.random.normal(k3, (MAX_DEG, EMB_DIM), dtype=jnp.float32) * 0.02
    return {"x": x, "deg": deg, "deg_emb_table": deg_emb_table}

def reference(x, deg, deg_emb_table):
    # deg_emb = self.deg_emb(deg.long())
    deg_emb = jnp.take(deg_emb_table, deg, axis=0)
    # batch.x = batch.x + deg_emb
    return x + deg_emb

if __name__ == "__main__":
    import jax
    _d = setup_inputs()
    print(jax.jit(kernel)(*tuple(_d.values())))

</pallas_src>

<mosaic_0001>
#map = affine_map<(d0, d1) -> (0, 0)>
#map1 = affine_map<(d0, d1) -> (0)>
module attributes {stable_mosaic.version = 14 : i64} {
  func.func @k(%arg0: i32, %arg1: i32, %arg2: memref<100000x256xf32, #tpu.memory_space<hbm>>, %arg3: memref<100000xi32, #tpu.memory_space<hbm>>, %arg4: memref<150x256xf32, #tpu.memory_space<hbm>>, %arg5: memref<100000x256xf32, #tpu.memory_space<hbm>>, %arg6: memref<150x256xf32, #tpu.memory_space<vmem>>, %arg7: memref<160xi32, #tpu.memory_space<vmem>>, %arg8: memref<160xi32, #tpu.memory_space<vmem>>, %arg9: memref<320x256xf32, #tpu.memory_space<vmem>>, %arg10: memref<!tpu.dma_semaphore, #tpu.memory_space<semaphore_mem>>, %arg11: memref<!tpu.dma_semaphore, #tpu.memory_space<semaphore_mem>>, %arg12: memref<!tpu.dma_semaphore, #tpu.memory_space<semaphore_mem>>, %arg13: memref<!tpu.dma_semaphore, #tpu.memory_space<semaphore_mem>>, %arg14: memref<!tpu.dma_semaphore, #tpu.memory_space<semaphore_mem>>, %arg15: memref<!tpu.dma_semaphore, #tpu.memory_space<semaphore_mem>>) attributes {dimension_semantics = [#tpu.dimension_semantics<core_parallel>, #tpu.dimension_semantics<subcore_parallel>], iteration_bounds = array<i64: 2, 16>, scalar_prefetch = 0 : i64, scratch_operands = 10 : i64, tpu.core_type = #tpu.core_type<sc_vector_subcore>, window_params = [{transform_indices = #map}, {transform_indices = #map1}, {transform_indices = #map}, {transform_indices = #map}]} {
    %mul3A = arith.constant 2 : i32
    %mul3A_0 = arith.muli %arg1, %mul3A : i32
    %add3A = arith.addi %mul3A_0, %arg0 : i32
    %mul3A_1 = arith.constant 19 : i32
    %mul3A_2 = arith.muli %add3A, %mul3A_1 : i32
    %add3A_3 = arith.constant 0 : i32
    %add3A_4 = arith.addi %mul3A_2, %add3A_3 : i32
    %add3A_5 = arith.constant 608 : i32
    %add3A_6 = arith.addi %add3A_5, %add3A : i32
    %jit3A = arith.constant true
    %select_n3A = arith.select %jit3A, %add3A_4, %add3A_6 : i32
    %mul3A_7 = arith.constant 160 : i32
    %mul3A_8 = arith.muli %select_n3A, %mul3A_7 : i32
    %dma_start3A = tpu.memref_slice %arg3[%mul3A_8] : memref<100000xi32, #tpu.memory_space<hbm>> -> memref<160xi32, #tpu.memory_space<hbm>>
    %dma_start3A_9 = tpu.memref_slice %arg3[%mul3A_8] : memref<100000xi32, #tpu.memory_space<hbm>> -> memref<160xi32, #tpu.memory_space<hbm>>
    tpu.enqueue_dma source(%dma_start3A_9 : memref<160xi32, #tpu.memory_space<hbm>>) target(%arg7 : memref<160xi32, #tpu.memory_space<vmem>>) target_semaphore(%arg10 : memref<!tpu.dma_semaphore, #tpu.memory_space<semaphore_mem>>)
    %mul3A_10 = arith.constant 19 : i32
    %mul3A_11 = arith.muli %add3A, %mul3A_10 : i32
    %add3A_12 = arith.constant 0 : i32
    %add3A_13 = arith.addi %mul3A_11, %add3A_12 : i32
    %add3A_14 = arith.constant 608 : i32
    %add3A_15 = arith.addi %add3A_14, %add3A : i32
    %jit3A_16 = arith.constant true
    %select_n3A_17 = arith.select %jit3A_16, %add3A_13, %add3A_15 : i32
    %mul3A_18 = arith.constant 160 : i32
    %mul3A_19 = arith.muli %select_n3A_17, %mul3A_18 : i32
    %add3A_20 = arith.constant 0 : i32
    %add3A_21 = arith.addi %mul3A_19, %add3A_20 : i32
    %dma_start3A_22 = arith.constant 0 : i32
    %dma_start3A_23 = arith.constant 0 : i32
    %dma_start3A_24 = tpu.memref_slice %arg9[%dma_start3A_22, %dma_start3A_23] : memref<320x256xf32, #tpu.memory_space<vmem>> -> memref<40x256xf32, #tpu.memory_space<vmem>>
    %dma_start3A_25 = arith.constant 0 : i32
    %dma_start3A_26 = tpu.memref_slice %arg2[%add3A_21, %dma_start3A_25] : memref<100000x256xf32, #tpu.memory_space<hbm>> -> memref<40x256xf32, #tpu.memory_space<hbm>>
    %dma_start3A_27 = arith.constant 0 : i32
    %dma_start3A_28 = arith.constant 0 : i32
    %dma_start3A_29 = tpu.memref_slice %arg9[%dma_start3A_27, %dma_start3A_28] : memref<320x256xf32, #tpu.memory_space<vmem>> -> memref<40x256xf32, #tpu.memory_space<vmem>>
    %dma_start3A_30 = arith.constant 0 : i32
    %dma_start3A_31 = tpu.memref_slice %arg2[%add3A_21, %dma_start3A_30] : memref<100000x256xf32, #tpu.memory_space<hbm>> -> memref<40x256xf32, #tpu.memory_space<hbm>>
    tpu.enqueue_dma source(%dma_start3A_31 : memref<40x256xf32, #tpu.memory_space<hbm>>) target(%dma_start3A_29 : memref<40x256xf32, #tpu.memory_space<vmem>>) target_semaphore(%arg12 : memref<!tpu.dma_semaphore, #tpu.memory_space<semaphore_mem>>)
    %mul3A_32 = arith.constant 19 : i32
    %mul3A_33 = arith.muli %add3A, %mul3A_32 : i32
    %add3A_34 = arith.constant 0 : i32
    %add3A_35 = arith.addi %mul3A_33, %add3A_34 : i32
    %add3A_36 = arith.constant 608 : i32
    %add3A_37 = arith.addi %add3A_36, %add3A : i32
    %jit3A_38 = arith.constant true
    %select_n3A_39 = arith.select %jit3A_38, %add3A_35, %add3A_37 : i32
    %mul3A_40 = arith.constant 160 : i32
    %mul3A_41 = arith.muli %select_n3A_39, %mul3A_40 : i32
    %add3A_42 = arith.constant 40 : i32
    %add3A_43 = arith.addi %mul3A_41, %add3A_42 : i32
    %dma_start3A_44 = arith.constant 40 : i32
    %dma_start3A_45 = arith.constant 0 : i32
    %dma_start3A_46 = tpu.memref_slice %arg9[%dma_start3A_44, %dma_start3A_45] : memref<320x256xf32, #tpu.memory_space<vmem>> -> memref<40x256xf32, #tpu.memory_space<vmem>>
    %dma_start3A_47 = arith.constant 0 : i32
    %dma_start3A_48 = tpu.memref_slice %arg2[%add3A_43, %dma_start3A_47] : memref<100000x256xf32, #tpu.memory_space<hbm>> -> memref<40x256xf32, #tpu.memory_space<hbm>>
    %dma_start3A_49 = arith.constant 40 : i32
    %dma_start3A_50 = arith.constant 0 : i32
    %dma_start3A_51 = tpu.memref_slice %arg9[%dma_start3A_49, %dma_start3A_50] : memref<320x256xf32, #tpu.memory_space<vmem>> -> memref<40x256xf32, #tpu.memory_space<vmem>>
    %dma_start3A_52 = arith.constant 0 : i32
    %dma_start3A_53 = tpu.memref_slice %arg2[%add3A_43, %dma_start3A_52] : memref<100000x256xf32, #tpu.memory_space<hbm>> -> memref<40x256xf32, #tpu.memory_space<hbm>>
    tpu.enqueue_dma source(%dma_start3A_53 : memref<40x256xf32, #tpu.memory_space<hbm>>) target(%dma_start3A_51 : memref<40x256xf32, #tpu.memory_space<vmem>>) target_semaphore(%arg12 : memref<!tpu.dma_semaphore, #tpu.memory_space<semaphore_mem>>)
    %mul3A_54 = arith.constant 19 : i32
    %mul3A_55 = arith.muli %add3A, %mul3A_54 : i32
    %add3A_56 = arith.constant 0 : i32
    %add3A_57 = arith.addi %mul3A_55, %add3A_56 : i32
    %add3A_58 = arith.constant 608 : i32
    %add3A_59 = arith.addi %add3A_58, %add3A : i32
    %jit3A_60 = arith.constant true
    %select_n3A_61 = arith.select %jit3A_60, %add3A_57, %add3A_59 : i32
    %mul3A_62 = arith.constant 160 : i32
    %mul3A_63 = arith.muli %select_n3A_61, %mul3A_62 : i32
    %add3A_64 = arith.constant 80 : i32
    %add3A_65 = arith.addi %mul3A_63, %add3A_64 : i32
    %dma_start3A_66 = arith.constant 80 : i32
    %dma_start3A_67 = arith.constant 0 : i32
    %dma_start3A_68 = tpu.memref_slice %arg9[%dma_start3A_66, %dma_start3A_67] : memref<320x256xf32, #tpu.memory_space<vmem>> -> memref<40x256xf32, #tpu.memory_space<vmem>>
    %dma_start3A_69 = arith.constant 0 : i32
    %dma_start3A_70 = tpu.memref_slice %arg2[%add3A_65, %dma_start3A_69] : memref<100000x256xf32, #tpu.memory_space<hbm>> -> memref<40x256xf32, #tpu.memory_space<hbm>>
    %dma_start3A_71 = arith.constant 80 : i32
    %dma_start3A_72 = arith.constant 0 : i32
    %dma_start3A_73 = tpu.memref_slice %arg9[%dma_start3A_71, %dma_start3A_72] : memref<320x256xf32, #tpu.memory_space<vmem>> -> memref<40x256xf32, #tpu.memory_space<vmem>>
    %dma_start3A_74 = arith.constant 0 : i32
    %dma_start3A_75 = tpu.memref_slice %arg2[%add3A_65, %dma_start3A_74] : memref<100000x256xf32, #tpu.memory_space<hbm>> -> memref<40x256xf32, #tpu.memory_space<hbm>>
    tpu.enqueue_dma source(%dma_start3A_75 : memref<40x256xf32, #tpu.memory_space<hbm>>) target(%dma_start3A_73 : memref<40x256xf32, #tpu.memory_space<vmem>>) target_semaphore(%arg12 : memref<!tpu.dma_semaphore, #tpu.memory_space<semaphore_mem>>)
    %mul3A_76 = arith.constant 19 : i32
    %mul3A_77 = arith.muli %add3A, %mul3A_76 : i32
    %add3A_78 = arith.constant 0 : i32
    %add3A_79 = arith.addi %mul3A_77, %add3A_78 : i32
    %add3A_80 = arith.constant 608 : i32
    %add3A_81 = arith.addi %add3A_80, %add3A : i32
    %jit3A_82 = arith.constant true
    %select_n3A_83 = arith.select %jit3A_82, %add3A_79, %add3A_81 : i32
    %mul3A_84 = arith.constant 160 : i32
    %mul3A_85 = arith.muli %select_n3A_83, %mul3A_84 : i32
    %add3A_86 = arith.constant 120 : i32
    %add3A_87 = arith.addi %mul3A_85, %add3A_86 : i32
    %dma_start3A_88 = arith.constant 120 : i32
    %dma_start3A_89 = arith.constant 0 : i32
    %dma_start3A_90 = tpu.memref_slice %arg9[%dma_start3A_88, %dma_start3A_89] : memref<320x256xf32, #tpu.memory_space<vmem>> -> memref<40x256xf32, #tpu.memory_space<vmem>>
    %dma_start3A_91 = arith.constant 0 : i32
    %dma_start3A_92 = tpu.memref_slice %arg2[%add3A_87, %dma_start3A_91] : memref<100000x256xf32, #tpu.memory_space<hbm>> -> memref<40x256xf32, #tpu.memory_space<hbm>>
    %dma_start3A_93 = arith.constant 120 : i32
    %dma_start3A_94 = arith.constant 0 : i32
    %dma_start3A_95 = tpu.memref_slice %arg9[%dma_start3A_93, %dma_start3A_94] : memref<320x256xf32, #tpu.memory_space<vmem>> -> memref<40x256xf32, #tpu.memory_space<vmem>>
    %dma_start3A_96 = arith.constant 0 : i32
    %dma_start3A_97 = tpu.memref_slice %arg2[%add3A_87, %dma_start3A_96] : memref<100000x256xf32, #tpu.memory_space<hbm>> -> memref<40x256xf32, #tpu.memory_space<hbm>>
    tpu.enqueue_dma source(%dma_start3A_97 : memref<40x256xf32, #tpu.memory_space<hbm>>) target(%dma_start3A_95 : memref<40x256xf32, #tpu.memory_space<vmem>>) target_semaphore(%arg12 : memref<!tpu.dma_semaphore, #tpu.memory_space<semaphore_mem>>)
    %mul3A_98 = arith.constant 19 : i32
    %mul3A_99 = arith.muli %add3A, %mul3A_98 : i32
    %add3A_100 = arith.constant 1 : i32
    %add3A_101 = arith.addi %mul3A_99, %add3A_100 : i32
    %add3A_102 = arith.constant 608 : i32
    %add3A_103 = arith.addi %add3A_102, %add3A : i32
    %jit3A_104 = arith.constant true
    %select_n3A_105 = arith.select %jit3A_104, %add3A_101, %add3A_103 : i32
    %mul3A_106 = arith.constant 160 : i32
    %mul3A_107 = arith.muli %select_n3A_105, %mul3A_106 : i32
    %dma_start3A_108 = tpu.memref_slice %arg3[%mul3A_107] : memref<100000xi32, #tpu.memory_space<hbm>> -> memref<160xi32, #tpu.memory_space<hbm>>
    %dma_start3A_109 = tpu.memref_slice %arg3[%mul3A_107] : memref<100000xi32, #tpu.memory_space<hbm>> -> memref<160xi32, #tpu.memory_space<hbm>>
    tpu.enqueue_dma source(%dma_start3A_109 : memref<160xi32, #tpu.memory_space<hbm>>) target(%arg8 : memref<160xi32, #tpu.memory_space<vmem>>) target_semaphore(%arg11 : memref<!tpu.dma_semaphore, #tpu.memory_space<semaphore_mem>>)
    "tpu.region"() ({
      %run_scoped3A = tpu.sem_alloc : memref<!tpu.dma_semaphore, #tpu.memory_space<semaphore_mem>>
      tpu.enqueue_dma source(%arg4 : memref<150x256xf32, #tpu.memory_space<hbm>>) target(%arg6 : memref<150x256xf32, #tpu.memory_space<vmem>>) target_semaphore(%run_scoped3A : memref<!tpu.dma_semaphore, #tpu.memory_space<semaphore_mem>>)
      tpu.wait_dma2 semaphore(%run_scoped3A : memref<!tpu.dma_semaphore, #tpu.memory_space<semaphore_mem>>) src(%arg4 : memref<150x256xf32, #tpu.memory_space<hbm>>) dst(%arg6 : memref<150x256xf32, #tpu.memory_space<vmem>>)
      tpu.yield
    }) : () -> ()
    %scan3A = arith.constant 0 : i32
    %scan3A_110 = arith.constant 0 : i32
    %scan3A_111 = arith.constant 10 : i32
    %scan3A_112 = arith.addi %scan3A_110, %scan3A_111 : i32
    %scan3A_113 = arith.constant 1 : i32
    scf.for %scan3A_117 = %scan3A_110 to %scan3A_112 step %scan3A_113  : i32 {
      %mul3A_118 = arith.constant 2 : i32
      %mul3A_119 = arith.muli %mul3A_118, %scan3A_117 : i32
      %ge3A = arith.constant 1 : i32
      %ge3A_120 = arith.cmpi sge, %mul3A_119, %ge3A : i32
      %convert_element_type3A_121 = arith.extui %ge3A_120 : i1 to i32
      %cond3A_122 = arith.constant 0 : i32
      %cond3A_123 = arith.cmpi ne, %convert_element_type3A_121, %cond3A_122 : i32
      scf.if %cond3A_123 {
        %dma_wait3A = arith.constant 160 : i32
        %dma_wait3A_178 = arith.constant 0 : i32
        %dma_wait3A_179 = tpu.memref_slice %arg9[%dma_wait3A, %dma_wait3A_178] : memref<320x256xf32, #tpu.memory_space<vmem>> -> memref<40x256xf32, #tpu.memory_space<vmem>>
        %dma_wait3A_180 = arith.constant 0 : i32
        %dma_wait3A_181 = arith.constant 0 : i32
        %dma_wait3A_182 = tpu.memref_slice %arg5[%dma_wait3A_180, %dma_wait3A_181] : memref<100000x256xf32, #tpu.memory_space<hbm>> -> memref<40x256xf32, #tpu.memory_space<hbm>>
        %dma_wait3A_183 = arith.constant 0 : i32
        %dma_wait3A_184 = arith.constant 0 : i32
        %dma_wait3A_185 = tpu.memref_slice %arg5[%dma_wait3A_183, %dma_wait3A_184] : memref<100000x256xf32, #tpu.memory_space<hbm>> -> memref<40x256xf32, #tpu.memory_space<hbm>>
        %dma_wait3A_186 = arith.constant 160 : i32
        %dma_wait3A_187 = arith.constant 0 : i32
        %dma_wait3A_188 = tpu.memref_slice %arg9[%dma_wait3A_186, %dma_wait3A_187] : memref<320x256xf32, #tpu.memory_space<vmem>> -> memref<40x256xf32, #tpu.memory_space<vmem>>
        tpu.wait_dma2 semaphore(%arg15 : memref<!tpu.dma_semaphore, #tpu.memory_space<semaphore_mem>>) src(%dma_wait3A_188 : memref<40x256xf32, #tpu.memory_space<vmem>>) dst(%dma_wait3A_185 : memref<40x256xf32, #tpu.memory_space<hbm>>)
        %dma_wait3A_189 = arith.constant 200 : i32
        %dma_wait3A_190 = arith.constant 0 : i32
        %dma_wait3A_191 = tpu.memref_slice %arg9[%dma_wait3A_189, %dma_wait3A_190] : memref<320x256xf32, #tpu.memory_space<vmem>> -> memref<40x256xf32, #tpu.memory_space<vmem>>
        %dma_wait3A_192 = arith.constant 0 : i32
        %dma_wait3A_193 = arith.constant 0 : i32
        %dma_wait3A_194 = tpu.memref_slice %arg5[%dma_wait3A_192, %dma_wait3A_193] : memref<100000x256xf32, #tpu.memory_space<hbm>> -> memref<40x256xf32, #tpu.memory_space<hbm>>
        %dma_wait3A_195 = arith.constant 0 : i32
        %dma_wait3A_196 = arith.constant 0 : i32
        %dma_wait3A_197 = tpu.memref_slice %arg5[%dma_wait3A_195, %dma_wait3A_196] : memref<100000x256xf32, #tpu.memory_space<hbm>> -> memref<40x256xf32, #tpu.memory_space<hbm>>
        %dma_wait3A_198 = arith.constant 200 : i32
        %dma_wait3A_199 = arith.constant 0 : i32
        %dma_wait3A_200 = tpu.memref_slice %arg9[%dma_wait3A_198, %dma_wait3A_199] : memref<320x256xf32, #tpu.memory_space<vmem>> -> memref<40x256xf32, #tpu.memory_space<vmem>>
        tpu.wait_dma2 semaphore(%arg15 : memref<!tpu.dma_semaphore, #tpu.memory_space<semaphore_mem>>) src(%dma_wait3A_200 : memref<40x256xf32, #tpu.memory_space<vmem>>) dst(%dma_wait3A_197 : memref<40x256xf32, #tpu.memory_space<hbm>>)
        %dma_wait3A_201 = arith.constant 240 : i32
        %dma_wait3A_202 = arith.constant 0 : i32
        %dma_wait3A_203 = tpu.memref_slice %arg9[%dma_wait3A_201, %dma_wait3A_202] : memref<320x256xf32, #tpu.memory_space<vmem>> -> memref<40x256xf32, #tpu.memory_space<vmem>>
        %dma_wait3A_204 = arith.constant 0 : i32
        %dma_wait3A_205 = arith.constant 0 : i32
        %dma_wait3A_206 = tpu.memref_slice %arg5[%dma_wait3A_204, %dma_wait3A_205] : memref<100000x256xf32, #tpu.memory_space<hbm>> -> memref<40x256xf32, #tpu.memory_space<hbm>>
        %dma_wait3A_207 = arith.constant 0 : i32
        %dma_wait3A_208 = arith.constant 0 : i32
        %dma_wait3A_209 = tpu.memref_slice %arg5[%dma_wait3A_207, %dma_wait3A_208] : memref<100000x256xf32, #tpu.memory_space<hbm>> -> memref<40x256xf32, #tpu.memory_space<hbm>>
        %dma_wait3A_210 = arith.constant 240 : i32
        %dma_wait3A_211 = arith.constant 0 : i32
        %dma_wait3A_212 = tpu.memref_slice %arg9[%dma_wait3A_210, %dma_wait3A_211] : memref<320x256xf32, #tpu.memory_space<vmem>> -> memref<40x256xf32, #tpu.memory_space<vmem>>
        tpu.wait_dma2 semaphore(%arg15 : memref<!tpu.dma_semaphore, #tpu.memory_space<semaphore_mem>>) src(%dma_wait3A_212 : memref<40x256xf32, #tpu.memory_space<vmem>>) dst(%dma_wait3A_209 : memref<40x256xf32, #tpu.memory_space<hbm>>)
        %dma_wait3A_213 = arith.constant 280 : i32
        %dma_wait3A_214 = arith.constant 0 : i32
        %dma_wait3A_215 = tpu.memref_slice %arg9[%dma_wait3A_213, %dma_wait3A_214] : memref<320x256xf32, #tpu.memory_space<vmem>> -> memref<40x256xf32, #tpu.memory_space<vmem>>
        %dma_wait3A_216 = arith.constant 0 : i32
        %dma_wait3A_217 = arith.constant 0 : i32
        %dma_wait3A_218 = tpu.memref_slice %arg5[%dma_wait3A_216, %dma_wait3A_217] : memref<100000x256xf32, #tpu.memory_space<hbm>> -> memref<40x256xf32, #tpu.memory_space<hbm>>
        %dma_wait3A_219 = arith.constant 0 : i32
        %dma_wait3A_220 = arith.constant 0 : i32
        %dma_wait3A_221 = tpu.memref_slice %arg5[%dma_wait3A_219, %dma_wait3A_220] : memref<100000x256xf32, #tpu.memory_space<hbm>> -> memref<40x256xf32, #tpu.memory_space<hbm>>
        %dma_wait3A_222 = arith.constant 280 : i32
        %dma_wait3A_223 = arith.constant 0 : i32
        %dma_wait3A_224 = tpu.memref_slice %arg9[%dma_wait3A_222, %dma_wait3A_223] : memref<320x256xf32, #tpu.memory_space<vmem>> -> memref<40x256xf32, #tpu.memory_space<vmem>>
        tpu.wait_dma2 semaphore(%arg15 : memref<!tpu.dma_semaphore, #tpu.memory_space<semaphore_mem>>) src(%dma_wait3A_224 : memref<40x256xf32, #tpu.memory_space<vmem>>) dst(%dma_wait3A_221 : memref<40x256xf32, #tpu.memory_space<hbm>>)
      } else {
      }
      %add3A_124 = arith.constant 1 : i32
      %add3A_125 = arith.addi %mul3A_119, %add3A_124 : i32
      %le3A = arith.constant 19 : i32
      %le3A_126 = arith.cmpi sle, %add3A_125, %le3A : i32
      %lt3A_127 = arith.constant 19 : i32
      %lt3A_128 = arith.cmpi slt, %add3A_125, %lt3A_127 : i32
      %lt3A_129 = arith.constant 17 : i32
      %lt3A_130 = arith.cmpi slt, %add3A, %lt3A_129 : i32
      %or3A = arith.ori %lt3A_128, %lt3A_130 : i1
      %and3A = arith.andi %le3A_126, %or3A : i1
      %convert_element_type3A_131 = arith.extui %and3A : i1 to i32
      %cond3A_132 = arith.constant 0 : i32
      %cond3A_133 = arith.cmpi ne, %convert_element_type3A_131, %cond3A_132 : i32
      scf.if %cond3A_133 {
        %add3A_178 = arith.constant 1 : i32
        %add3A_179 = arith.addi %mul3A_119, %add3A_178 : i32
        %lt3A_180 = arith.constant 19 : i32
        %lt3A_181 = arith.cmpi slt, %add3A_179, %lt3A_180 : i32
        %mul3A_182 = arith.constant 19 : i32
        %mul3A_183 = arith.muli %add3A, %mul3A_182 : i32
        %add3A_184 = arith.addi %mul3A_183, %add3A_179 : i32
        %add3A_185 = arith.constant 608 : i32
        %add3A_186 = arith.addi %add3A_185, %add3A : i32
        %select_n3A_187 = arith.select %lt3A_181, %add3A_184, %add3A_186 : i32
        %mul3A_188 = arith.constant 160 : i32
        %mul3A_189 = arith.muli %select_n3A_187, %mul3A_188 : i32
        %add3A_190 = arith.constant 0 : i32
        %add3A_191 = arith.addi %mul3A_189, %add3A_190 : i32
        %dma_start3A_192 = arith.constant 160 : i32
        %dma_start3A_193 = arith.constant 0 : i32
        %dma_start3A_194 = tpu.memref_slice %arg9[%dma_start3A_192, %dma_start3A_193] : memref<320x256xf32, #tpu.memory_space<vmem>> -> memref<40x256xf32, #tpu.memory_space<vmem>>
        %dma_start3A_195 = arith.constant 0 : i32
        %dma_start3A_196 = tpu.memref_slice %arg2[%add3A_191, %dma_start3A_195] : memref<100000x256xf32, #tpu.memory_space<hbm>> -> memref<40x256xf32, #tpu.memory_space<hbm>>
        %dma_start3A_197 = arith.constant 160 : i32
        %dma_start3A_198 = arith.constant 0 : i32
        %dma_start3A_199 = tpu.memref_slice %arg9[%dma_start3A_197, %dma_start3A_198] : memref<320x256xf32, #tpu.memory_space<vmem>> -> memref<40x256xf32, #tpu.memory_space<vmem>>
        %dma_start3A_200 = arith.constant 0 : i32
        %dma_start3A_201 = tpu.memref_slice %arg2[%add3A_191, %dma_start3A_200] : memref<100000x256xf32, #tpu.memory_space<hbm>> -> memref<40x256xf32, #tpu.memory_space<hbm>>
        tpu.enqueue_dma source(%dma_start3A_201 : memref<40x256xf32, #tpu.memory_space<hbm>>) target(%dma_start3A_199 : memref<40x256xf32, #tpu.memory_space<vmem>>) target_semaphore(%arg13 : memref<!tpu.dma_semaphore, #tpu.memory_space<semaphore_mem>>)
        %lt3A_202 = arith.constant 19 : i32
        %lt3A_203 = arith.cmpi slt, %add3A_179, %lt3A_202 : i32
        %mul3A_204 = arith.constant 19 : i32
        %mul3A_205 = arith.muli %add3A, %mul3A_204 : i32
        %add3A_206 = arith.addi %mul3A_205, %add3A_179 : i32
        %add3A_207 = arith.constant 608 : i32
        %add3A_208 = arith.addi %add3A_207, %add3A : i32
        %select_n3A_209 = arith.select %lt3A_203, %add3A_206, %add3A_208 : i32
        %mul3A_210 = arith.constant 160 : i32
        %mul3A_211 = arith.muli %select_n3A_209, %mul3A_210 : i32
        %add3A_212 = arith.constant 40 : i32
        %add3A_213 = arith.addi %mul3A_211, %add3A_212 : i32
        %dma_start3A_214 = arith.constant 200 : i32
        %dma_start3A_215 = arith.constant 0 : i32
        %dma_start3A_216 = tpu.memref_slice %arg9[%dma_start3A_214, %dma_start3A_215] : memref<320x256xf32, #tpu.memory_space<vmem>> -> memref<40x256xf32, #tpu.memory_space<vmem>>
        %dma_start3A_217 = arith.constant 0 : i32
        %dma_start3A_218 = tpu.memref_slice %arg2[%add3A_213, %dma_start3A_217] : memref<100000x256xf32, #tpu.memory_space<hbm>> -> memref<40x256xf32, #tpu.memory_space<hbm>>
        %dma_start3A_219 = arith.constant 200 : i32
        %dma_start3A_220 = arith.constant 0 : i32
        %dma_start3A_221 = tpu.memref_slice %arg9[%dma_start3A_219, %dma_start3A_220] : memref<320x256xf32, #tpu.memory_space<vmem>> -> memref<40x256xf32, #tpu.memory_space<vmem>>
        %dma_start3A_222 = arith.constant 0 : i32
        %dma_start3A_223 = tpu.memref_slice %arg2[%add3A_213, %dma_start3A_222] : memref<100000x256xf32, #tpu.memory_space<hbm>> -> memref<40x256xf32, #tpu.memory_space<hbm>>
        tpu.enqueue_dma source(%dma_start3A_223 : memref<40x256xf32, #tpu.memory_space<hbm>>) target(%dma_start3A_221 : memref<40x256xf32, #tpu.memory_space<vmem>>) target_semaphore(%arg13 : memref<!tpu.dma_semaphore, #tpu.memory_space<semaphore_mem>>)
        %lt3A_224 = arith.constant 19 : i32
        %lt3A_225 = arith.cmpi slt, %add3A_179, %lt3A_224 : i32
        %mul3A_226 = arith.constant 19 : i32
        %mul3A_227 = arith.muli %add3A, %mul3A_226 : i32
        %add3A_228 = arith.addi %mul3A_227, %add3A_179 : i32
        %add3A_229 = arith.constant 608 : i32
        %add3A_230 = arith.addi %add3A_229, %add3A : i32
        %select_n3A_231 = arith.select %lt3A_225, %add3A_228, %add3A_230 : i32
        %mul3A_232 = arith.constant 160 : i32
        %mul3A_233 = arith.muli %select_n3A_231, %mul3A_232 : i32
        %add3A_234 = arith.constant 80 : i32
        %add3A_235 = arith.addi %mul3A_233, %add3A_234 : i32
        %dma_start3A_236 = arith.constant 240 : i32
        %dma_start3A_237 = arith.constant 0 : i32
        %dma_start3A_238 = tpu.memref_slice %arg9[%dma_start3A_236, %dma_start3A_237] : memref<320x256xf32, #tpu.memory_space<vmem>> -> memref<40x256xf32, #tpu.memory_space<vmem>>
        %dma_start3A_239 = arith.constant 0 : i32
        %dma_start3A_240 = tpu.memref_slice %arg2[%add3A_235, %dma_start3A_239] : memref<100000x256xf32, #tpu.memory_space<hbm>> -> memref<40x256xf32, #tpu.memory_space<hbm>>
        %dma_start3A_241 = arith.constant 240 : i32
        %dma_start3A_242 = arith.constant 0 : i32
        %dma_start3A_243 = tpu.memref_slice %arg9[%dma_start3A_241, %dma_start3A_242] : memref<320x256xf32, #tpu.memory_space<vmem>> -> memref<40x256xf32, #tpu.memory_space<vmem>>
        %dma_start3A_244 = arith.constant 0 : i32
        %dma_start3A_245 = tpu.memref_slice %arg2[%add3A_235, %dma_start3A_244] : memref<100000x256xf32, #tpu.memory_space<hbm>> -> memref<40x256xf32, #tpu.memory_space<hbm>>
        tpu.enqueue_dma source(%dma_start3A_245 : memref<40x256xf32, #tpu.memory_space<hbm>>) target(%dma_start3A_243 : memref<40x256xf32, #tpu.memory_space<vmem>>) target_semaphore(%arg13 : memref<!tpu.dma_semaphore, #tpu.memory_space<semaphore_mem>>)
        %lt3A_246 = arith.constant 19 : i32
        %lt3A_247 = arith.cmpi slt, %add3A_179, %lt3A_246 : i32
        %mul3A_248 = arith.constant 19 : i32
        %mul3A_249 = arith.muli %add3A, %mul3A_248 : i32
        %add3A_250 = arith.addi %mul3A_249, %add3A_179 : i32
        %add3A_251 = arith.constant 608 : i32
        %add3A_252 = arith.addi %add3A_251, %add3A : i32
        %select_n3A_253 = arith.select %lt3A_247, %add3A_250, %add3A_252 : i32
        %mul3A_254 = arith.constant 160 : i32
        %mul3A_255 = arith.muli %select_n3A_253, %mul3A_254 : i32
        %add3A_256 = arith.constant 120 : i32
        %add3A_257 = arith.addi %mul3A_255, %add3A_256 : i32
        %dma_start3A_258 = arith.constant 280 : i32
        %dma_start3A_259 = arith.constant 0 : i32
        %dma_start3A_260 = tpu.memref_slice %arg9[%dma_start3A_258, %dma_start3A_259] : memref<320x256xf32, #tpu.memory_space<vmem>> -> memref<40x256xf32, #tpu.memory_space<vmem>>
        %dma_start3A_261 = arith.constant 0 : i32
        %dma_start3A_262 = tpu.memref_slice %arg2[%add3A_257, %dma_start3A_261] : memref<100000x256xf32, #tpu.memory_space<hbm>> -> memref<40x256xf32, #tpu.memory_space<hbm>>
        %dma_start3A_263 = arith.constant 280 : i32
        %dma_start3A_264 = arith.constant 0 : i32
        %dma_start3A_265 = tpu.memref_slice %arg9[%dma_start3A_263, %dma_start3A_264] : memref<320x256xf32, #tpu.memory_space<vmem>> -> memref<40x256xf32, #tpu.memory_space<vmem>>
        %dma_start3A_266 = arith.constant 0 : i32
        %dma_start3A_267 = tpu.memref_slice %arg2[%add3A_257, %dma_start3A_266] : memref<100000x256xf32, #tpu.memory_space<hbm>> -> memref<40x256xf32, #tpu.memory_space<hbm>>
        tpu.enqueue_dma source(%dma_start3A_267 : memref<40x256xf32, #tpu.memory_space<hbm>>) target(%dma_start3A_265 : memref<40x256xf32, #tpu.memory_space<vmem>>) target_semaphore(%arg13 : memref<!tpu.dma_semaphore, #tpu.memory_space<semaphore_mem>>)
      } else {
      }
      %le3A_134 = arith.constant 19 : i32
      %le3A_135 = arith.cmpi sle, %mul3A_119, %le3A_134 : i32
      %lt3A_136 = arith.constant 19 : i32
      %lt3A_137 = arith.cmpi slt, %mul3A_119, %lt3A_136 : i32
      %lt3A_138 = arith.constant 17 : i32
      %lt3A_139 = arith.cmpi slt, %add3A, %lt3A_138 : i32
      %or3A_140 = arith.ori %lt3A_137, %lt3A_139 : i1
      %and3A_141 = arith.andi %le3A_135, %or3A_140 : i1
      %convert_element_type3A_142 = arith.extui %and3A_141 : i1 to i32
      %cond3A_143 = arith.constant 0 : i32
      %cond3A_144 = arith.cmpi ne, %convert_element_type3A_142, %cond3A_143 : i32
      scf.if %cond3A_144 {
        %dma_wait3A = arith.constant 0 : i32
        %dma_wait3A_178 = arith.constant 0 : i32
        %dma_wait3A_179 = tpu.memref_slice %arg9[%dma_wait3A, %dma_wait3A_178] : memref<320x256xf32, #tpu.memory_space<vmem>> -> memref<40x256xf32, #tpu.memory_space<vmem>>
        %dma_wait3A_180 = arith.constant 0 : i32
        %dma_wait3A_181 = arith.constant 0 : i32
        %dma_wait3A_182 = tpu.memref_slice %arg2[%dma_wait3A_180, %dma_wait3A_181] : memref<100000x256xf32, #tpu.memory_space<hbm>> -> memref<40x256xf32, #tpu.memory_space<hbm>>
        %dma_wait3A_183 = arith.constant 0 : i32
        %dma_wait3A_184 = arith.constant 0 : i32
        %dma_wait3A_185 = tpu.memref_slice %arg9[%dma_wait3A_183, %dma_wait3A_184] : memref<320x256xf32, #tpu.memory_space<vmem>> -> memref<40x256xf32, #tpu.memory_space<vmem>>
        %dma_wait3A_186 = arith.constant 0 : i32
        %dma_wait3A_187 = arith.constant 0 : i32
        %dma_wait3A_188 = tpu.memref_slice %arg2[%dma_wait3A_186, %dma_wait3A_187] : memref<100000x256xf32, #tpu.memory_space<hbm>> -> memref<40x256xf32, #tpu.memory_space<hbm>>
        tpu.wait_dma2 semaphore(%arg12 : memref<!tpu.dma_semaphore, #tpu.memory_space<semaphore_mem>>) src(%dma_wait3A_188 : memref<40x256xf32, #tpu.memory_space<hbm>>) dst(%dma_wait3A_185 : memref<40x256xf32, #tpu.memory_space<vmem>>)
        %dma_wait3A_189 = arith.constant 40 : i32
        %dma_wait3A_190 = arith.constant 0 : i32
        %dma_wait3A_191 = tpu.memref_slice %arg9[%dma_wait3A_189, %dma_wait3A_190] : memref<320x256xf32, #tpu.memory_space<vmem>> -> memref<40x256xf32, #tpu.memory_space<vmem>>
        %dma_wait3A_192 = arith.constant 0 : i32
        %dma_wait3A_193 = arith.constant 0 : i32
        %dma_wait3A_194 = tpu.memref_slice %arg2[%dma_wait3A_192, %dma_wait3A_193] : memref<100000x256xf32, #tpu.memory_space<hbm>> -> memref<40x256xf32, #tpu.memory_space<hbm>>
        %dma_wait3A_195 = arith.constant 40 : i32
        %dma_wait3A_196 = arith.constant 0 : i32
        %dma_wait3A_197 = tpu.memref_slice %arg9[%dma_wait3A_195, %dma_wait3A_196] : memref<320x256xf32, #tpu.memory_space<vmem>> -> memref<40x256xf32, #tpu.memory_space<vmem>>
        %dma_wait3A_198 = arith.constant 0 : i32
        %dma_wait3A_199 = arith.constant 0 : i32
        %dma_wait3A_200 = tpu.memref_slice %arg2[%dma_wait3A_198, %dma_wait3A_199] : memref<100000x256xf32, #tpu.memory_space<hbm>> -> memref<40x256xf32, #tpu.memory_space<hbm>>
        tpu.wait_dma2 semaphore(%arg12 : memref<!tpu.dma_semaphore, #tpu.memory_space<semaphore_mem>>) src(%dma_wait3A_200 : memref<40x256xf32, #tpu.memory_space<hbm>>) dst(%dma_wait3A_197 : memref<40x256xf32, #tpu.memory_space<vmem>>)
        %dma_wait3A_201 = arith.constant 80 : i32
        %dma_wait3A_202 = arith.constant 0 : i32
        %dma_wait3A_203 = tpu.memref_slice %arg9[%dma_wait3A_201, %dma_wait3A_202] : memref<320x256xf32, #tpu.memory_space<vmem>> -> memref<40x256xf32, #tpu.memory_space<vmem>>
        %dma_wait3A_204 = arith.constant 0 : i32
        %dma_wait3A_205 = arith.constant 0 : i32
        %dma_wait3A_206 = tpu.memref_slice %arg2[%dma_wait3A_204, %dma_wait3A_205] : memref<100000x256xf32, #tpu.memory_space<hbm>> -> memref<40x256xf32, #tpu.memory_space<hbm>>
        %dma_wait3A_207 = arith.constant 80 : i32
        %dma_wait3A_208 = arith.constant 0 : i32
        %dma_wait3A_209 = tpu.memref_slice %arg9[%dma_wait3A_207, %dma_wait3A_208] : memref<320x256xf32, #tpu.memory_space<vmem>> -> memref<40x256xf32, #tpu.memory_space<vmem>>
        %dma_wait3A_210 = arith.constant 0 : i32
        %dma_wait3A_211 = arith.constant 0 : i32
        %dma_wait3A_212 = tpu.memref_slice %arg2[%dma_wait3A_210, %dma_wait3A_211] : memref<100000x256xf32, #tpu.memory_space<hbm>> -> memref<40x256xf32, #tpu.memory_space<hbm>>
        tpu.wait_dma2 semaphore(%arg12 : memref<!tpu.dma_semaphore, #tpu.memory_space<semaphore_mem>>) src(%dma_wait3A_212 : memref<40x256xf32, #tpu.memory_space<hbm>>) dst(%dma_wait3A_209 : memref<40x256xf32, #tpu.memory_space<vmem>>)
        %dma_wait3A_213 = arith.constant 120 : i32
        %dma_wait3A_214 = arith.constant 0 : i32
        %dma_wait3A_215 = tpu.memref_slice %arg9[%dma_wait3A_213, %dma_wait3A_214] : memref<320x256xf32, #tpu.memory_space<vmem>> -> memref<40x256xf32, #tpu.memory_space<vmem>>
        %dma_wait3A_216 = arith.constant 0 : i32
        %dma_wait3A_217 = arith.constant 0 : i32
        %dma_wait3A_218 = tpu.memref_slice %arg2[%dma_wait3A_216, %dma_wait3A_217] : memref<100000x256xf32, #tpu.memory_space<hbm>> -> memref<40x256xf32, #tpu.memory_space<hbm>>
        %dma_wait3A_219 = arith.constant 120 : i32
        %dma_wait3A_220 = arith.constant 0 : i32
        %dma_wait3A_221 = tpu.memref_slice %arg9[%dma_wait3A_219, %dma_wait3A_220] : memref<320x256xf32, #tpu.memory_space<vmem>> -> memref<40x256xf32, #tpu.memory_space<vmem>>
        %dma_wait3A_222 = arith.constant 0 : i32
        %dma_wait3A_223 = arith.constant 0 : i32
        %dma_wait3A_224 = tpu.memref_slice %arg2[%dma_wait3A_222, %dma_wait3A_223] : memref<100000x256xf32, #tpu.memory_space<hbm>> -> memref<40x256xf32, #tpu.memory_space<hbm>>
        tpu.wait_dma2 semaphore(%arg12 : memref<!tpu.dma_semaphore, #tpu.memory_space<semaphore_mem>>) src(%dma_wait3A_224 : memref<40x256xf32, #tpu.memory_space<hbm>>) dst(%dma_wait3A_221 : memref<40x256xf32, #tpu.memory_space<vmem>>)
        %dma_wait3A_225 = arith.constant 0 : i32
        %dma_wait3A_226 = tpu.memref_slice %arg3[%dma_wait3A_225] : memref<100000xi32, #tpu.memory_space<hbm>> -> memref<160xi32, #tpu.memory_space<hbm>>
        %dma_wait3A_227 = arith.constant 0 : i32
        %dma_wait3A_228 = tpu.memref_slice %arg3[%dma_wait3A_227] : memref<100000xi32, #tpu.memory_space<hbm>> -> memref<160xi32, #tpu.memory_space<hbm>>
        tpu.wait_dma2 semaphore(%arg10 : memref<!tpu.dma_semaphore, #tpu.memory_space<semaphore_mem>>) src(%dma_wait3A_228 : memref<160xi32, #tpu.memory_space<hbm>>) dst(%arg7 : memref<160xi32, #tpu.memory_space<vmem>>)
        %parallel_loop3A = arith.constant 0 : i32
        %parallel_loop3A_229 = arith.constant 40 : i32
        %parallel_loop3A_230 = arith.constant 1 : i32
        scf.for %parallel_loop3A_341 = %parallel_loop3A to %parallel_loop3A_229 step %parallel_loop3A_230  : i32 {
          %parallel_loop3A_342 = vector.broadcast %parallel_loop3A_341 : i32 to vector<16xi32>
          %parallel_loop3A_343 = arith.constant 0 : i32
          %parallel_loop3A_344 = vector.broadcast %parallel_loop3A_343 : i32 to vector<16xi32>
          %parallel_loop3A_345 = arith.addi %parallel_loop3A_342, %parallel_loop3A_344 : vector<16xi32>
          %parallel_loop3A_346 = tpu.vector_load_idx %arg7[%parallel_loop3A_345] : memref<160xi32, #tpu.memory_space<vmem>>[vector<16xi32>], vector<16xi32>,
          %parallel_loop3A_347 = tpu.iota {dimensions = array<i32: 0>} : vector<16xi32>
          %parallel_loop3A_348 = arith.constant 0 : i32
          %parallel_loop3A_349 = vector.broadcast %parallel_loop3A_348 : i32 to vector<16xi32>
          %parallel_loop3A_350 = arith.addi %parallel_loop3A_347, %parallel_loop3A_349 : vector<16xi32>
          %parallel_loop3A_351 = tpu.vector_load_idx %arg6[%parallel_loop3A_346, %parallel_loop3A_350] : memref<150x256xf32, #tpu.memory_space<vmem>>[vector<16xi32>, vector<16xi32>], vector<16xf32>,
          %parallel_loop3A_352 = arith.constant 0 : i32
          %parallel_loop3A_353 = vector.broadcast %parallel_loop3A_352 : i32 to vector<16xi32>
          %parallel_loop3A_354 = arith.addi %parallel_loop3A_342, %parallel_loop3A_353 : vector<16xi32>
          tpu.vector_store_idx %arg9[%parallel_loop3A_354, %parallel_loop3A_350], %parallel_loop3A_351 {add = true} : memref<320x256xf32, #tpu.memory_space<vmem>>[vector<16xi32>, vector<16xi32>], vector<16xf32>,
          %parallel_loop3A_355 = tpu.iota {dimensions = array<i32: 0>} : vector<16xi32>
          %parallel_loop3A_356 = arith.constant 16 : i32
          %parallel_loop3A_357 = vector.broadcast %parallel_loop3A_356 : i32 to vector<16xi32>
          %parallel_loop3A_358 = arith.addi %parallel_loop3A_355, %parallel_loop3A_357 : vector<16xi32>
          %parallel_loop3A_359 = tpu.vector_load_idx %arg6[%parallel_loop3A_346, %parallel_loop3A_358] : memref<150x256xf32, #tpu.memory_space<vmem>>[vector<16xi32>, vector<16xi32>], vector<16xf32>,
          %parallel_loop3A_360 = arith.constant 0 : i32
          %parallel_loop3A_361 = vector.broadcast %parallel_loop3A_360 : i32 to vector<16xi32>
          %parallel_loop3A_362 = arith.addi %parallel_loop3A_342, %parallel_loop3A_361 : vector<16xi32>
          tpu.vector_store_idx %arg9[%parallel_loop3A_362, %parallel_loop3A_358], %parallel_loop3A_359 {add = true} : memref<320x256xf32, #tpu.memory_space<vmem>>[vector<16xi32>, vector<16xi32>], vector<16xf32>,
          %parallel_loop3A_363 = tpu.iota {dimensions = array<i32: 0>} : vector<16xi32>
          %parallel_loop3A_364 = arith.constant 32 : i32
          %parallel_loop3A_365 = vector.broadcast %parallel_loop3A_364 : i32 to vector<16xi32>
          %parallel_loop3A_366 = arith.addi %parallel_loop3A_363, %parallel_loop3A_365 : vector<16xi32>
          %parallel_loop3A_367 = tpu.vector_load_idx %arg6[%parallel_loop3A_346, %parallel_loop3A_366] : memref<150x256xf32, #tpu.memory_space<vmem>>[vector<16xi32>, vector<16xi32>], vector<16xf32>,
          %parallel_loop3A_368 = arith.constant 0 : i32
          %parallel_loop3A_369 = vector.broadcast %parallel_loop3A_368 : i32 to vector<16xi32>
          %parallel_loop3A_370 = arith.addi %parallel_loop3A_342, %parallel_loop3A_369 : vector<16xi32>
          tpu.vector_store_idx %arg9[%parallel_loop3A_370, %parallel_loop3A_366], %parallel_loop3A_367 {add = true} : memref<320x256xf32, #tpu.memory_space<vmem>>[vector<16xi32>, vector<16xi32>], vector<16xf32>,
          %parallel_loop3A_371 = tpu.iota {dimensions = array<i32: 0>} : vector<16xi32>
          %parallel_loop3A_372 = arith.constant 48 : i32
          %parallel_loop3A_373 = vector.broadcast %parallel_loop3A_372 : i32 to vector<16xi32>
          %parallel_loop3A_374 = arith.addi %parallel_loop3A_371, %parallel_loop3A_373 : vector<16xi32>
          %parallel_loop3A_375 = tpu.vector_load_idx %arg6[%parallel_loop3A_346, %parallel_loop3A_374] : memref<150x256xf32, #tpu.memory_space<vmem>>[vector<16xi32>, vector<16xi32>], vector<16xf32>,
          %parallel_loop3A_376 = arith.constant 0 : i32
          %parallel_loop3A_377 = vector.broadcast %parallel_loop3A_376 : i32 to vector<16xi32>
          %parallel_loop3A_378 = arith.addi %parallel_loop3A_342, %parallel_loop3A_377 : vector<16xi32>
          tpu.vector_store_idx %arg9[%parallel_loop3A_378, %parallel_loop3A_374], %parallel_loop3A_375 {add = true} : memref<320x256xf32, #tpu.memory_space<vmem>>[vector<16xi32>, vector<16xi32>], vector<16xf32>,
          %parallel_loop3A_379 = tpu.iota {dimensions = array<i32: 0>} : vector<16xi32>
          %parallel_loop3A_380 = arith.constant 64 : i32
          %parallel_loop3A_381 = vector.broadcast %parallel_loop3A_380 : i32 to vector<16xi32>
          %parallel_loop3A_382 = arith.addi %parallel_loop3A_379, %parallel_loop3A_381 : vector<16xi32>
          %parallel_loop3A_383 = tpu.vector_load_idx %arg6[%parallel_loop3A_346, %parallel_loop3A_382] : memref<150x256xf32, #tpu.memory_space<vmem>>[vector<16xi32>, vector<16xi32>], vector<16xf32>,
          %parallel_loop3A_384 = arith.constant 0 : i32
          %parallel_loop3A_385 = vector.broadcast %parallel_loop3A_384 : i32 to vector<16xi32>
          %parallel_loop3A_386 = arith.addi %parallel_loop3A_342, %parallel_loop3A_385 : vector<16xi32>
          tpu.vector_store_idx %arg9[%parallel_loop3A_386, %parallel_loop3A_382], %parallel_loop3A_383 {add = true} : memref<320x256xf32, #tpu.memory_space<vmem>>[vector<16xi32>, vector<16xi32>], vector<16xf32>,
          %parallel_loop3A_387 = tpu.iota {dimensions = array<i32: 0>} : vector<16xi32>
          %parallel_loop3A_388 = arith.constant 80 : i32
          %parallel_loop3A_389 = vector.broadcast %parallel_loop3A_388 : i32 to vector<16xi32>
          %parallel_loop3A_390 = arith.addi %parallel_loop3A_387, %parallel_loop3A_389 : vector<16xi32>
          %parallel_loop3A_391 = tpu.vector_load_idx %arg6[%parallel_loop3A_346, %parallel_loop3A_390] : memref<150x256xf32, #tpu.memory_space<vmem>>[vector<16xi32>, vector<16xi32>], vector<16xf32>,
          %parallel_loop3A_392 = arith.constant 0 : i32
          %parallel_loop3A_393 = vector.broadcast %parallel_loop3A_392 : i32 to vector<16xi32>
          %parallel_loop3A_394 = arith.addi %parallel_loop3A_342, %parallel_loop3A_393 : vector<16xi32>
          tpu.vector_store_idx %arg9[%parallel_loop3A_394, %parallel_loop3A_390], %parallel_loop3A_391 {add = true} : memref<320x256xf32, #tpu.memory_space<vmem>>[vector<16xi32>, vector<16xi32>], vector<16xf32>,
          %parallel_loop3A_395 = tpu.iota {dimensions = array<i32: 0>} : vector<16xi32>
          %parallel_loop3A_396 = arith.constant 96 : i32
          %parallel_loop3A_397 = vector.broadcast %parallel_loop3A_396 : i32 to vector<16xi32>
          %parallel_loop3A_398 = arith.addi %parallel_loop3A_395, %parallel_loop3A_397 : vector<16xi32>
          %parallel_loop3A_399 = tpu.vector_load_idx %arg6[%parallel_loop3A_346, %parallel_loop3A_398] : memref<150x256xf32, #tpu.memory_space<vmem>>[vector<16xi32>, vector<16xi32>], vector<16xf32>,
          %parallel_loop3A_400 = arith.constant 0 : i32
          %parallel_loop3A_401 = vector.broadcast %parallel_loop3A_400 : i32 to vector<16xi32>
          %parallel_loop3A_402 = arith.addi %parallel_loop3A_342, %parallel_loop3A_401 : vector<16xi32>
          tpu.vector_store_idx %arg9[%parallel_loop3A_402, %parallel_loop3A_398], %parallel_loop3A_399 {add = true} : memref<320x256xf32, #tpu.memory_space<vmem>>[vector<16xi32>, vector<16xi32>], vector<16xf32>,
          %parallel_loop3A_403 = tpu.iota {dimensions = array<i32: 0>} : vector<16xi32>
          %parallel_loop3A_404 = arith.constant 112 : i32
          %parallel_loop3A_405 = vector.broadcast %parallel_loop3A_404 : i32 to vector<16xi32>
          %parallel_loop3A_406 = arith.addi %parallel_loop3A_403, %parallel_loop3A_405 : vector<16xi32>
          %parallel_loop3A_407 = tpu.vector_load_idx %arg6[%parallel_loop3A_346, %parallel_loop3A_406] : memref<150x256xf32, #tpu.memory_space<vmem>>[vector<16xi32>, vector<16xi32>], vector<16xf32>,
          %parallel_loop3A_408 = arith.constant 0 : i32
          %parallel_loop3A_409 = vector.broadcast %parallel_loop3A_408 : i32 to vector<16xi32>
          %parallel_loop3A_410 = arith.addi %parallel_loop3A_342, %parallel_loop3A_409 : vector<16xi32>
          tpu.vector_store_idx %arg9[%parallel_loop3A_410, %parallel_loop3A_406], %parallel_loop3A_407 {add = true} : memref<320x256xf32, #tpu.memory_space<vmem>>[vector<16xi32>, vector<16xi32>], vector<16xf32>,
          %parallel_loop3A_411 = tpu.iota {dimensions = array<i32: 0>} : vector<16xi32>
          %parallel_loop3A_412 = arith.constant 128 : i32
          %parallel_loop3A_413 = vector.broadcast %parallel_loop3A_412 : i32 to vector<16xi32>
          %parallel_loop3A_414 = arith.addi %parallel_loop3A_411, %parallel_loop3A_413 : vector<16xi32>
          %parallel_loop3A_415 = tpu.vector_load_idx %arg6[%parallel_loop3A_346, %parallel_loop3A_414] : memref<150x256xf32, #tpu.memory_space<vmem>>[vector<16xi32>, vector<16xi32>], vector<16xf32>,
          %parallel_loop3A_416 = arith.constant 0 : i32
          %parallel_loop3A_417 = vector.broadcast %parallel_loop3A_416 : i32 to vector<16xi32>
          %parallel_loop3A_418 = arith.addi %parallel_loop3A_342, %parallel_loop3A_417 : vector<16xi32>
          tpu.vector_store_idx %arg9[%parallel_loop3A_418, %parallel_loop3A_414], %parallel_loop3A_415 {add = true} : memref<320x256xf32, #tpu.memory_space<vmem>>[vector<16xi32>, vector<16xi32>], vector<16xf32>,
          %parallel_loop3A_419 = tpu.iota {dimensions = array<i32: 0>} : vector<16xi32>
          %parallel_loop3A_420 = arith.constant 144 : i32
          %parallel_loop3A_421 = vector.broadcast %parallel_loop3A_420 : i32 to vector<16xi32>
          %parallel_loop3A_422 = arith.addi %parallel_loop3A_419, %parallel_loop3A_421 : vector<16xi32>
          %parallel_loop3A_423 = tpu.vector_load_idx %arg6[%parallel_loop3A_346, %parallel_loop3A_422] : memref<150x256xf32, #tpu.memory_space<vmem>>[vector<16xi32>, vector<16xi32>], vector<16xf32>,
          %parallel_loop3A_424 = arith.constant 0 : i32
          %parallel_loop3A_425 = vector.broadcast %parallel_loop3A_424 : i32 to vector<16xi32>
          %parallel_loop3A_426 = arith.addi %parallel_loop3A_342, %parallel_loop3A_425 : vector<16xi32>
          tpu.vector_store_idx %arg9[%parallel_loop3A_426, %parallel_loop3A_422], %parallel_loop3A_423 {add = true} : memref<320x256xf32, #tpu.memory_space<vmem>>[vector<16xi32>, vector<16xi32>], vector<16xf32>,
          %parallel_loop3A_427 = tpu.iota {dimensions = array<i32: 0>} : vector<16xi32>
          %parallel_loop3A_428 = arith.constant 160 : i32
          %parallel_loop3A_429 = vector.broadcast %parallel_loop3A_428 : i32 to vector<16xi32>
          %parallel_loop3A_430 = arith.addi %parallel_loop3A_427, %parallel_loop3A_429 : vector<16xi32>
          %parallel_loop3A_431 = tpu.vector_load_idx %arg6[%parallel_loop3A_346, %parallel_loop3A_430] : memref<150x256xf32, #tpu.memory_space<vmem>>[vector<16xi32>, vector<16xi32>], vector<16xf32>,
          %parallel_loop3A_432 = arith.constant 0 : i32
          %parallel_loop3A_433 = vector.broadcast %parallel_loop3A_432 : i32 to vector<16xi32>
          %parallel_loop3A_434 = arith.addi %parallel_loop3A_342, %parallel_loop3A_433 : vector<16xi32>
          tpu.vector_store_idx %arg9[%parallel_loop3A_434, %parallel_loop3A_430], %parallel_loop3A_431 {add = true} : memref<320x256xf32, #tpu.memory_space<vmem>>[vector<16xi32>, vector<16xi32>], vector<16xf32>,
          %parallel_loop3A_435 = tpu.iota {dimensions = array<i32: 0>} : vector<16xi32>
          %parallel_loop3A_436 = arith.constant 176 : i32
          %parallel_loop3A_437 = vector.broadcast %parallel_loop3A_436 : i32 to vector<16xi32>
          %parallel_loop3A_438 = arith.addi %parallel_loop3A_435, %parallel_loop3A_437 : vector<16xi32>
          %parallel_loop3A_439 = tpu.vector_load_idx %arg6[%parallel_loop3A_346, %parallel_loop3A_438] : memref<150x256xf32, #tpu.memory_space<vmem>>[vector<16xi32>, vector<16xi32>], vector<16xf32>,
          %parallel_loop3A_440 = arith.constant 0 : i32
          %parallel_loop3A_441 = vector.broadcast %parallel_loop3A_440 : i32 to vector<16xi32>
          %parallel_loop3A_442 = arith.addi %parallel_loop3A_342, %parallel_loop3A_441 : vector<16xi32>
          tpu.vector_store_idx %arg9[%parallel_loop3A_442, %parallel_loop3A_438], %parallel_loop3A_439 {add = true} : memref<320x256xf32, #tpu.memory_space<vmem>>[vector<16xi32>, vector<16xi32>], vector<16xf32>,
          %parallel_loop3A_443 = tpu.iota {dimensions = array<i32: 0>} : vector<16xi32>
          %parallel_loop3A_444 = arith.constant 192 : i32
          %parallel_loop3A_445 = vector.broadcast %parallel_loop3A_444 : i32 to vector<16xi32>
          %parallel_loop3A_446 = arith.addi %parallel_loop3A_443, %parallel_loop3A_445 : vector<16xi32>
          %parallel_loop3A_447 = tpu.vector_load_idx %arg6[%parallel_loop3A_346, %parallel_loop3A_446] : memref<150x256xf32, #tpu.memory_space<vmem>>[vector<16xi32>, vector<16xi32>], vector<16xf32>,
          %parallel_loop3A_448 = arith.constant 0 : i32
          %parallel_loop3A_449 = vector.broadcast %parallel_loop3A_448 : i32 to vector<16xi32>
          %parallel_loop3A_450 = arith.addi %parallel_loop3A_342, %parallel_loop3A_449 : vector<16xi32>
          tpu.vector_store_idx %arg9[%parallel_loop3A_450, %parallel_loop3A_446], %parallel_loop3A_447 {add = true} : memref<320x256xf32, #tpu.memory_space<vmem>>[vector<16xi32>, vector<16xi32>], vector<16xf32>,
          %parallel_loop3A_451 = tpu.iota {dimensions = array<i32: 0>} : vector<16xi32>
          %parallel_loop3A_452 = arith.constant 208 : i32
          %parallel_loop3A_453 = vector.broadcast %parallel_loop3A_452 : i32 to vector<16xi32>
          %parallel_loop3A_454 = arith.addi %parallel_loop3A_451, %parallel_loop3A_453 : vector<16xi32>
          %parallel_loop3A_455 = tpu.vector_load_idx %arg6[%parallel_loop3A_346, %parallel_loop3A_454] : memref<150x256xf32, #tpu.memory_space<vmem>>[vector<16xi32>, vector<16xi32>], vector<16xf32>,
          %parallel_loop3A_456 = arith.constant 0 : i32
          %parallel_loop3A_457 = vector.broadcast %parallel_loop3A_456 : i32 to vector<16xi32>
          %parallel_loop3A_458 = arith.addi %parallel_loop3A_342, %parallel_loop3A_457 : vector<16xi32>
          tpu.vector_store_idx %arg9[%parallel_loop3A_458, %parallel_loop3A_454], %parallel_loop3A_455 {add = true} : memref<320x256xf32, #tpu.memory_space<vmem>>[vector<16xi32>, vector<16xi32>], vector<16xf32>,
          %parallel_loop3A_459 = tpu.iota {dimensions = array<i32: 0>} : vector<16xi32>
          %parallel_loop3A_460 = arith.constant 224 : i32
          %parallel_loop3A_461 = vector.broadcast %parallel_loop3A_460 : i32 to vector<16xi32>
          %parallel_loop3A_462 = arith.addi %parallel_loop3A_459, %parallel_loop3A_461 : vector<16xi32>
          %parallel_loop3A_463 = tpu.vector_load_idx %arg6[%parallel_loop3A_346, %parallel_loop3A_462] : memref<150x256xf32, #tpu.memory_space<vmem>>[vector<16xi32>, vector<16xi32>], vector<16xf32>,
          %parallel_loop3A_464 = arith.constant 0 : i32
          %parallel_loop3A_465 = vector.broadcast %parallel_loop3A_464 : i32 to vector<16xi32>
          %parallel_loop3A_466 = arith.addi %parallel_loop3A_342, %parallel_loop3A_465 : vector<16xi32>
          tpu.vector_store_idx %arg9[%parallel_loop3A_466, %parallel_loop3A_462], %parallel_loop3A_463 {add = true} : memref<320x256xf32, #tpu.memory_space<vmem>>[vector<16xi32>, vector<16xi32>], vector<16xf32>,
          %parallel_loop3A_467 = tpu.iota {dimensions = array<i32: 0>} : vector<16xi32>
          %parallel_loop3A_468 = arith.constant 240 : i32
          %parallel_loop3A_469 = vector.broadcast %parallel_loop3A_468 : i32 to vector<16xi32>
          %parallel_loop3A_470 = arith.addi %parallel_loop3A_467, %parallel_loop3A_469 : vector<16xi32>
          %parallel_loop3A_471 = tpu.vector_load_idx %arg6[%parallel_loop3A_346, %parallel_loop3A_470] : memref<150x256xf32, #tpu.memory_space<vmem>>[vector<16xi32>, vector<16xi32>], vector<16xf32>,
          %parallel_loop3A_472 = arith.constant 0 : i32
          %parallel_loop3A_473 = vector.broadcast %parallel_loop3A_472 : i32 to vector<16xi32>
          %parallel_loop3A_474 = arith.addi %parallel_loop3A_342, %parallel_loop3A_473 : vector<16xi32>
          tpu.vector_store_idx %arg9[%parallel_loop3A_474, %parallel_loop3A_470], %parallel_loop3A_471 {add = true} : memref<320x256xf32, #tpu.memory_space<vmem>>[vector<16xi32>, vector<16xi32>], vector<16xf32>,
        } {sc.loop_unroll_factor = 2 : i64, sc.parallel_access}
        %lt3A_231 = arith.constant 19 : i32
        %lt3A_232 = arith.cmpi slt, %mul3A_119, %lt3A_231 : i32
        %mul3A_233 = arith.constant 19 : i32
        %mul3A_234 = arith.muli %add3A, %mul3A_233 : i32
        %add3A_235 = arith.addi %mul3A_234, %mul3A_119 : i32
        %add3A_236 = arith.constant 608 : i32
        %add3A_237 = arith.addi %add3A_236, %add3A : i32
        %select_n3A_238 = arith.select %lt3A_232, %add3A_235, %add3A_237 : i32
        %mul3A_239 = arith.constant 160 : i32
        %mul3A_240 = arith.muli %select_n3A_238, %mul3A_239 : i32
        %add3A_241 = arith.constant 0 : i32
        %add3A_242 = arith.addi %mul3A_240, %add3A_241 : i32
        %dma_start3A_243 = arith.constant 0 : i32
        %dma_start3A_244 = arith.constant 0 : i32
        %dma_start3A_245 = tpu.memref_slice %arg9[%dma_start3A_243, %dma_start3A_244] : memref<320x256xf32, #tpu.memory_space<vmem>> -> memref<40x256xf32, #tpu.memory_space<vmem>>
        %dma_start3A_246 = arith.constant 0 : i32
        %dma_start3A_247 = tpu.memref_slice %arg5[%add3A_242, %dma_start3A_246] : memref<100000x256xf32, #tpu.memory_space<hbm>> -> memref<40x256xf32, #tpu.memory_space<hbm>>
        %dma_start3A_248 = arith.constant 0 : i32
        %dma_start3A_249 = tpu.memref_slice %arg5[%add3A_242, %dma_start3A_248] : memref<100000x256xf32, #tpu.memory_space<hbm>> -> memref<40x256xf32, #tpu.memory_space<hbm>>
        %dma_start3A_250 = arith.constant 0 : i32
        %dma_start3A_251 = arith.constant 0 : i32
        %dma_start3A_252 = tpu.memref_slice %arg9[%dma_start3A_250, %dma_start3A_251] : memref<320x256xf32, #tpu.memory_space<vmem>> -> memref<40x256xf32, #tpu.memory_space<vmem>>
        tpu.enqueue_dma source(%dma_start3A_252 : memref<40x256xf32, #tpu.memory_space<vmem>>) target(%dma_start3A_249 : memref<40x256xf32, #tpu.memory_space<hbm>>) target_semaphore(%arg14 : memref<!tpu.dma_semaphore, #tpu.memory_space<semaphore_mem>>)
        %parallel_loop3A_253 = arith.constant 0 : i32
        %parallel_loop3A_254 = arith.constant 40 : i32
        %parallel_loop3A_255 = arith.constant 1 : i32
        scf.for %parallel_loop3A_341 = %parallel_loop3A_253 to %parallel_loop3A_254 step %parallel_loop3A_255  : i32 {
          %parallel_loop3A_342 = vector.broadcast %parallel_loop3A_341 : i32 to vector<16xi32>
          %parallel_loop3A_343 = arith.constant 40 : i32
          %parallel_loop3A_344 = vector.broadcast %parallel_loop3A_343 : i32 to vector<16xi32>
          %parallel_loop3A_345 = arith.addi %parallel_loop3A_342, %parallel_loop3A_344 : vector<16xi32>
          %parallel_loop3A_346 = tpu.vector_load_idx %arg7[%parallel_loop3A_345] : memref<160xi32, #tpu.memory_space<vmem>>[vector<16xi32>], vector<16xi32>,
          %parallel_loop3A_347 = tpu.iota {dimensions = array<i32: 0>} : vector<16xi32>
          %parallel_loop3A_348 = arith.constant 0 : i32
          %parallel_loop3A_349 = vector.broadcast %parallel_loop3A_348 : i32 to vector<16xi32>
          %parallel_loop3A_350 = arith.addi %parallel_loop3A_347, %parallel_loop3A_349 : vector<16xi32>
          %parallel_loop3A_351 = tpu.vector_load_idx %arg6[%parallel_loop3A_346, %parallel_loop3A_350] : memref<150x256xf32, #tpu.memory_space<vmem>>[vector<16xi32>, vector<16xi32>], vector<16xf32>,
          %parallel_loop3A_352 = arith.constant 40 : i32
          %parallel_loop3A_353 = vector.broadcast %parallel_loop3A_352 : i32 to vector<16xi32>
          %parallel_loop3A_354 = arith.addi %parallel_loop3A_342, %parallel_loop3A_353 : vector<16xi32>
          tpu.vector_store_idx %arg9[%parallel_loop3A_354, %parallel_loop3A_350], %parallel_loop3A_351 {add = true} : memref<320x256xf32, #tpu.memory_space<vmem>>[vector<16xi32>, vector<16xi32>], vector<16xf32>,
          %parallel_loop3A_355 = tpu.iota {dimensions = array<i32: 0>} : vector<16xi32>
          %parallel_loop3A_356 = arith.constant 16 : i32
          %parallel_loop3A_357 = vector.broadcast %parallel_loop3A_356 : i32 to vector<16xi32>
          %parallel_loop3A_358 = arith.addi %parallel_loop3A_355, %parallel_loop3A_357 : vector<16xi32>
          %parallel_loop3A_359 = tpu.vector_load_idx %arg6[%parallel_loop3A_346, %parallel_loop3A_358] : memref<150x256xf32, #tpu.memory_space<vmem>>[vector<16xi32>, vector<16xi32>], vector<16xf32>,
          %parallel_loop3A_360 = arith.constant 40 : i32
          %parallel_loop3A_361 = vector.broadcast %parallel_loop3A_360 : i32 to vector<16xi32>
          %parallel_loop3A_362 = arith.addi %parallel_loop3A_342, %parallel_loop3A_361 : vector<16xi32>
          tpu.vector_store_idx %arg9[%parallel_loop3A_362, %parallel_loop3A_358], %parallel_loop3A_359 {add = true} : memref<320x256xf32, #tpu.memory_space<vmem>>[vector<16xi32>, vector<16xi32>], vector<16xf32>,
          %parallel_loop3A_363 = tpu.iota {dimensions = array<i32: 0>} : vector<16xi32>
          %parallel_loop3A_364 = arith.constant 32 : i32
          %parallel_loop3A_365 = vector.broadcast %parallel_loop3A_364 : i32 to vector<16xi32>
          %parallel_loop3A_366 = arith.addi %parallel_loop3A_363, %parallel_loop3A_365 : vector<16xi32>
          %parallel_loop3A_367 = tpu.vector_load_idx %arg6[%parallel_loop3A_346, %parallel_loop3A_366] : memref<150x256xf32, #tpu.memory_space<vmem>>[vector<16xi32>, vector<16xi32>], vector<16xf32>,
          %parallel_loop3A_368 = arith.constant 40 : i32
          %parallel_loop3A_369 = vector.broadcast %parallel_loop3A_368 : i32 to vector<16xi32>
          %parallel_loop3A_370 = arith.addi %parallel_loop3A_342, %parallel_loop3A_369 : vector<16xi32>
          tpu.vector_store_idx %arg9[%parallel_loop3A_370, %parallel_loop3A_366], %parallel_loop3A_367 {add = true} : memref<320x256xf32, #tpu.memory_space<vmem>>[vector<16xi32>, vector<16xi32>], vector<16xf32>,
          %parallel_loop3A_371 = tpu.iota {dimensions = array<i32: 0>} : vector<16xi32>
          %parallel_loop3A_372 = arith.constant 48 : i32
          %parallel_loop3A_373 = vector.broadcast %parallel_loop3A_372 : i32 to vector<16xi32>
          %parallel_loop3A_374 = arith.addi %parallel_loop3A_371, %parallel_loop3A_373 : vector<16xi32>
          %parallel_loop3A_375 = tpu.vector_load_idx %arg6[%parallel_loop3A_346, %parallel_loop3A_374] : memref<150x256xf32, #tpu.memory_space<vmem>>[vector<16xi32>, vector<16xi32>], vector<16xf32>,
          %parallel_loop3A_376 = arith.constant 40 : i32
          %parallel_loop3A_377 = vector.broadcast %parallel_loop3A_376 : i32 to vector<16xi32>
          %parallel_loop3A_378 = arith.addi %parallel_loop3A_342, %parallel_loop3A_377 : vector<16xi32>
          tpu.vector_store_idx %arg9[%parallel_loop3A_378, %parallel_loop3A_374], %parallel_loop3A_375 {add = true} : memref<320x256xf32, #tpu.memory_space<vmem>>[vector<16xi32>, vector<16xi32>], vector<16xf32>,
          %parallel_loop3A_379 = tpu.iota {dimensions = array<i32: 0>} : vector<16xi32>
          %parallel_loop3A_380 = arith.constant 64 : i32
          %parallel_loop3A_381 = vector.broadcast %parallel_loop3A_380 : i32 to vector<16xi32>
          %parallel_loop3A_382 = arith.addi %parallel_loop3A_379, %parallel_loop3A_381 : vector<16xi32>
          %parallel_loop3A_383 = tpu.vector_load_idx %arg6[%parallel_loop3A_346, %parallel_loop3A_382] : memref<150x256xf32, #tpu.memory_space<vmem>>[vector<16xi32>, vector<16xi32>], vector<16xf32>,
          %parallel_loop3A_384 = arith.constant 40 : i32
          %parallel_loop3A_385 = vector.broadcast %parallel_loop3A_384 : i32 to vector<16xi32>
          %parallel_loop3A_386 = arith.addi %parallel_loop3A_342, %parallel_loop3A_385 : vector<16xi32>
          tpu.vector_store_idx %arg9[%parallel_loop3A_386, %parallel_loop3A_382], %parallel_loop3A_383 {add = true} : memref<320x256xf32, #tpu.memory_space<vmem>>[vector<16xi32>, vector<16xi32>], vector<16xf32>,
          %parallel_loop3A_387 = tpu.iota {dimensions = array<i32: 0>} : vector<16xi32>
          %parallel_loop3A_388 = arith.constant 80 : i32
          %parallel_loop3A_389 = vector.broadcast %parallel_loop3A_388 : i32 to vector<16xi32>
          %parallel_loop3A_390 = arith.addi %parallel_loop3A_387, %parallel_loop3A_389 : vector<16xi32>
          %parallel_loop3A_391 = tpu.vector_load_idx %arg6[%parallel_loop3A_346, %parallel_loop3A_390] : memref<150x256xf32, #tpu.memory_space<vmem>>[vector<16xi32>, vector<16xi32>], vector<16xf32>,
          %parallel_loop3A_392 = arith.constant 40 : i32
          %parallel_loop3A_393 = vector.broadcast %parallel_loop3A_392 : i32 to vector<16xi32>
          %parallel_loop3A_394 = arith.addi %parallel_loop3A_342, %parallel_loop3A_393 : vector<16xi32>
          tpu.vector_store_idx %arg9[%parallel_loop3A_394, %parallel_loop3A_390], %parallel_loop3A_391 {add = true} : memref<320x256xf32, #tpu.memory_space<vmem>>[vector<16xi32>, vector<16xi32>], vector<16xf32>,
          %parallel_loop3A_395 = tpu.iota {dimensions = array<i32: 0>} : vector<16xi32>
          %parallel_loop3A_396 = arith.constant 96 : i32
          %parallel_loop3A_397 = vector.broadcast %parallel_loop3A_396 : i32 to vector<16xi32>
          %parallel_loop3A_398 = arith.addi %parallel_loop3A_395, %parallel_loop3A_397 : vector<16xi32>
          %parallel_loop3A_399 = tpu.vector_load_idx %arg6[%parallel_loop3A_346, %parallel_loop3A_398] : memref<150x256xf32, #tpu.memory_space<vmem>>[vector<16xi32>, vector<16xi32>], vector<16xf32>,
          %parallel_loop3A_400 = arith.constant 40 : i32
          %parallel_loop3A_401 = vector.broadcast %parallel_loop3A_400 : i32 to vector<16xi32>
          %parallel_loop3A_402 = arith.addi %parallel_loop3A_342, %parallel_loop3A_401 : vector<16xi32>
          tpu.vector_store_idx %arg9[%parallel_loop3A_402, %parallel_loop3A_398], %parallel_loop3A_399 {add = true} : memref<320x256xf32, #tpu.memory_space<vmem>>[vector<16xi32>, vector<16xi32>], vector<16xf32>,
          %parallel_loop3A_403 = tpu.iota {dimensions = array<i32: 0>} : vector<16xi32>
          %parallel_loop3A_404 = arith.constant 112 : i32
          %parallel_loop3A_405 = vector.broadcast %parallel_loop3A_404 : i32 to vector<16xi32>
          %parallel_loop3A_406 = arith.addi %parallel_loop3A_403, %parallel_loop3A_405 : vector<16xi32>
          %parallel_loop3A_407 = tpu.vector_load_idx %arg6[%parallel_loop3A_346, %parallel_loop3A_406] : memref<150x256xf32, #tpu.memory_space<vmem>>[vector<16xi32>, vector<16xi32>], vector<16xf32>,
          %parallel_loop3A_408 = arith.constant 40 : i32
          %parallel_loop3A_409 = vector.broadcast %parallel_loop3A_408 : i32 to vector<16xi32>
          %parallel_loop3A_410 = arith.addi %parallel_loop3A_342, %parallel_loop3A_409 : vector<16xi32>
          tpu.vector_store_idx %arg9[%parallel_loop3A_410, %parallel_loop3A_406], %parallel_loop3A_407 {add = true} : memref<320x256xf32, #tpu.memory_space<vmem>>[vector<16xi32>, vector<16xi32>], vector<16xf32>,
          %parallel_loop3A_411 = tpu.iota {dimensions = array<i32: 0>} : vector<16xi32>
          %parallel_loop3A_412 = arith.constant 128 : i32
          %parallel_loop3A_413 = vector.broadcast %parallel_loop3A_412 : i32 to vector<16xi32>
          %parallel_loop3A_414 = arith.addi %parallel_loop3A_411, %parallel_loop3A_413 : vector<16xi32>
          %parallel_loop3A_415 = tpu.vector_load_idx %arg6[%parallel_loop3A_346, %parallel_loop3A_414] : memref<150x256xf32, #tpu.memory_space<vmem>>[vector<16xi32>, vector<16xi32>], vector<16xf32>,
          %parallel_loop3A_416 = arith.constant 40 : i32
          %parallel_loop3A_417 = vector.broadcast %parallel_loop3A_416 : i32 to vector<16xi32>
          %parallel_loop3A_418 = arith.addi %parallel_loop3A_342, %parallel_loop3A_417 : vector<16xi32>
          tpu.vector_store_idx %arg9[%parallel_loop3A_418, %parallel_loop3A_414], %parallel_loop3A_415 {add = true} : memref<320x256xf32, #tpu.memory_space<vmem>>[vector<16xi32>, vector<16xi32>], vector<16xf32>,
          %parallel_loop3A_419 = tpu.iota {dimensions = array<i32: 0>} : vector<16xi32>
          %parallel_loop3A_420 = arith.constant 144 : i32
          %parallel_loop3A_421 = vector.broadcast %parallel_loop3A_420 : i32 to vector<16xi32>
          %parallel_loop3A_422 = arith.addi %parallel_loop3A_419, %parallel_loop3A_421 : vector<16xi32>
          %parallel_loop3A_423 = tpu.vector_load_idx %arg6[%parallel_loop3A_346, %parallel_loop3A_422] : memref<150x256xf32, #tpu.memory_space<vmem>>[vector<16xi32>, vector<16xi32>], vector<16xf32>,
          %parallel_loop3A_424 = arith.constant 40 : i32
          %parallel_loop3A_425 = vector.broadcast %parallel_loop3A_424 : i32 to vector<16xi32>
          %parallel_loop3A_426 = arith.addi %parallel_loop3A_342, %parallel_loop3A_425 : vector<16xi32>
          tpu.vector_store_idx %arg9[%parallel_loop3A_426, %parallel_loop3A_422], %parallel_loop3A_423 {add = true} : memref<320x256xf32, #tpu.memory_space<vmem>>[vector<16xi32>, vector<16xi32>], vector<16xf32>,
          %parallel_loop3A_427 = tpu.iota {dimensions = array<i32: 0>} : vector<16xi32>
          %parallel_loop3A_428 = arith.constant 160 : i32
          %parallel_loop3A_429 = vector.broadcast %parallel_loop3A_428 : i32 to vector<16xi32>
          %parallel_loop3A_430 = arith.addi %parallel_loop3A_427, %parallel_loop3A_429 : vector<16xi32>
          %parallel_loop3A_431 = tpu.vector_load_idx %arg6[%parallel_loop3A_346, %parallel_loop3A_430] : memref<150x256xf32, #tpu.memory_space<vmem>>[vector<16xi32>, vector<16xi32>], vector<16xf32>,
          %parallel_loop3A_432 = arith.constant 40 : i32
          %parallel_loop3A_433 = vector.broadcast %parallel_loop3A_432 : i32 to vector<16xi32>
          %parallel_loop3A_434 = arith.addi %parallel_loop3A_342, %parallel_loop3A_433 : vector<16xi32>
          tpu.vector_store_idx %arg9[%parallel_loop3A_434, %parallel_loop3A_430], %parallel_loop3A_431 {add = true} : memref<320x256xf32, #tpu.memory_space<vmem>>[vector<16xi32>, vector<16xi32>], vector<16xf32>,
          %parallel_loop3A_435 = tpu.iota {dimensions = array<i32: 0>} : vector<16xi32>
          %parallel_loop3A_436 = arith.constant 176 : i32
          %parallel_loop3A_437 = vector.broadcast %parallel_loop3A_436 : i32 to vector<16xi32>
          %parallel_loop3A_438 = arith.addi %parallel_loop3A_435, %parallel_loop3A_437 : vector<16xi32>
          %parallel_loop3A_439 = tpu.vector_load_idx %arg6[%parallel_loop3A_346, %parallel_loop3A_438] : memref<150x256xf32, #tpu.memory_space<vmem>>[vector<16xi32>, vector<16xi32>], vector<16xf32>,
          %parallel_loop3A_440 = arith.constant 40 : i32
          %parallel_loop3A_441 = vector.broadcast %parallel_loop3A_440 : i32 to vector<16xi32>
          %parallel_loop3A_442 = arith.addi %parallel_loop3A_342, %parallel_loop3A_441 : vector<16xi32>
          tpu.vector_store_idx %arg9[%parallel_loop3A_442, %parallel_loop3A_438], %parallel_loop3A_439 {add = true} : memref<320x256xf32, #tpu.memory_space<vmem>>[vector<16xi32>, vector<16xi32>], vector<16xf32>,
          %parallel_loop3A_443 = tpu.iota {dimensions = array<i32: 0>} : vector<16xi32>
          %parallel_loop3A_444 = arith.constant 192 : i32
          %parallel_loop3A_445 = vector.broadcast %parallel_loop3A_444 : i32 to vector<16xi32>
          %parallel_loop3A_446 = arith.addi %parallel_loop3A_443, %parallel_loop3A_445 : vector<16xi32>
          %parallel_loop3A_447 = tpu.vector_load_idx %arg6[%parallel_loop3A_346, %parallel_loop3A_446] : memref<150x256xf32, #tpu.memory_space<vmem>>[vector<16xi32>, vector<16xi32>], vector<16xf32>,
          %parallel_loop3A_448 = arith.constant 40 : i32
          %parallel_loop3A_449 = vector.broadcast %parallel_loop3A_448 : i32 to vector<16xi32>
          %parallel_loop3A_450 = arith.addi %parallel_loop3A_342, %parallel_loop3A_449 : vector<16xi32>
          tpu.vector_store_idx %arg9[%parallel_loop3A_450, %parallel_loop3A_446], %parallel_loop3A_447 {add = true} : memref<320x256xf32, #tpu.memory_space<vmem>>[vector<16xi32>, vector<16xi32>], vector<16xf32>,
          %parallel_loop3A_451 = tpu.iota {dimensions = array<i32: 0>} : vector<16xi32>
          %parallel_loop3A_452 = arith.constant 208 : i32
          %parallel_loop3A_453 = vector.broadcast %parallel_loop3A_452 : i32 to vector<16xi32>
          %parallel_loop3A_454 = arith.addi %parallel_loop3A_451, %parallel_loop3A_453 : vector<16xi32>
          %parallel_loop3A_455 = tpu.vector_load_idx %arg6[%parallel_loop3A_346, %parallel_loop3A_454] : memref<150x256xf32, #tpu.memory_space<vmem>>[vector<16xi32>, vector<16xi32>], vector<16xf32>,
          %parallel_loop3A_456 = arith.constant 40 : i32
          %parallel_loop3A_457 = vector.broadcast %parallel_loop3A_456 : i32 to vector<16xi32>
          %parallel_loop3A_458 = arith.addi %parallel_loop3A_342, %parallel_loop3A_457 : vector<16xi32>
          tpu.vector_store_idx %arg9[%parallel_loop3A_458, %parallel_loop3A_454], %parallel_loop3A_455 {add = true} : memref<320x256xf32, #tpu.memory_space<vmem>>[vector<16xi32>, vector<16xi32>], vector<16xf32>,
          %parallel_loop3A_459 = tpu.iota {dimensions = array<i32: 0>} : vector<16xi32>
          %parallel_loop3A_460 = arith.constant 224 : i32
          %parallel_loop3A_461 = vector.broadcast %parallel_loop3A_460 : i32 to vector<16xi32>
          %parallel_loop3A_462 = arith.addi %parallel_loop3A_459, %parallel_loop3A_461 : vector<16xi32>
          %parallel_loop3A_463 = tpu.vector_load_idx %arg6[%parallel_loop3A_346, %parallel_loop3A_462] : memref<150x256xf32, #tpu.memory_space<vmem>>[vector<16xi32>, vector<16xi32>], vector<16xf32>,
          %parallel_loop3A_464 = arith.constant 40 : i32
          %parallel_loop3A_465 = vector.broadcast %parallel_loop3A_464 : i32 to vector<16xi32>
          %parallel_loop3A_466 = arith.addi %parallel_loop3A_342, %parallel_loop3A_465 : vector<16xi32>
          tpu.vector_store_idx %arg9[%parallel_loop3A_466, %parallel_loop3A_462], %parallel_loop3A_463 {add = true} : memref<320x256xf32, #tpu.memory_space<vmem>>[vector<16xi32>, vector<16xi32>], vector<16xf32>,
          %parallel_loop3A_467 = tpu.iota {dimensions = array<i32: 0>} : vector<16xi32>
          %parallel_loop3A_468 = arith.constant 240 : i32
          %parallel_loop3A_469 = vector.broadcast %parallel_loop3A_468 : i32 to vector<16xi32>
          %parallel_loop3A_470 = arith.addi %parallel_loop3A_467, %parallel_loop3A_469 : vector<16xi32>
          %parallel_loop3A_471 = tpu.vector_load_idx %arg6[%parallel_loop3A_346, %parallel_loop3A_470] : memref<150x256xf32, #tpu.memory_space<vmem>>[vector<16xi32>, vector<16xi32>], vector<16xf32>,
          %parallel_loop3A_472 = arith.constant 40 : i32
          %parallel_loop3A_473 = vector.broadcast %parallel_loop3A_472 : i32 to vector<16xi32>
          %parallel_loop3A_474 = arith.addi %parallel_loop3A_342, %parallel_loop3A_473 : vector<16xi32>
          tpu.vector_store_idx %arg9[%parallel_loop3A_474, %parallel_loop3A_470], %parallel_loop3A_471 {add = true} : memref<320x256xf32, #tpu.memory_space<vmem>>[vector<16xi32>, vector<16xi32>], vector<16xf32>,
        } {sc.loop_unroll_factor = 2 : i64, sc.parallel_access}
        %lt3A_256 = arith.constant 19 : i32
        %lt3A_257 = arith.cmpi slt, %mul3A_119, %lt3A_256 : i32
        %mul3A_258 = arith.constant 19 : i32
        %mul3A_259 = arith.muli %add3A, %mul3A_258 : i32
        %add3A_260 = arith.addi %mul3A_259, %mul3A_119 : i32
        %add3A_261 = arith.constant 608 : i32
        %add3A_262 = arith.addi %add3A_261, %add3A : i32
        %select_n3A_263 = arith.select %lt3A_257, %add3A_260, %add3A_262 : i32
        %mul3A_264 = arith.constant 160 : i32
        %mul3A_265 = arith.muli %select_n3A_263, %mul3A_264 : i32
        %add3A_266 = arith.constant 40 : i32
        %add3A_267 = arith.addi %mul3A_265, %add3A_266 : i32
        %dma_start3A_268 = arith.constant 40 : i32
        %dma_start3A_269 = arith.constant 0 : i32
        %dma_start3A_270 = tpu.memref_slice %arg9[%dma_start3A_268, %dma_start3A_269] : memref<320x256xf32, #tpu.memory_space<vmem>> -> memref<40x256xf32, #tpu.memory_space<vmem>>
        %dma_start3A_271 = arith.constant 0 : i32
        %dma_start3A_272 = tpu.memref_slice %arg5[%add3A_267, %dma_start3A_271] : memref<100000x256xf32, #tpu.memory_space<hbm>> -> memref<40x256xf32, #tpu.memory_space<hbm>>
        %dma_start3A_273 = arith.constant 0 : i32
        %dma_start3A_274 = tpu.memref_slice %arg5[%add3A_267, %dma_start3A_273] : memref<100000x256xf32, #tpu.memory_space<hbm>> -> memref<40x256xf32, #tpu.memory_space<hbm>>
        %dma_start3A_275 = arith.constant 40 : i32
        %dma_start3A_276 = arith.constant 0 : i32
        %dma_start3A_277 = tpu.memref_slice %arg9[%dma_start3A_275, %dma_start3A_276] : memref<320x256xf32, #tpu.memory_space<vmem>> -> memref<40x256xf32, #tpu.memory_space<vmem>>
        tpu.enqueue_dma source(%dma_start3A_277 : memref<40x256xf32, #tpu.memory_space<vmem>>) target(%dma_start3A_274 : memref<40x256xf32, #tpu.memory_space<hbm>>) target_semaphore(%arg14 : memref<!tpu.dma_semaphore, #tpu.memory_space<semaphore_mem>>)
        %parallel_loop3A_278 = arith.constant 0 : i32
        %parallel_loop3A_279 = arith.constant 40 : i32
        %parallel_loop3A_280 = arith.constant 1 : i32
        scf.for %parallel_loop3A_341 = %parallel_loop3A_278 to %parallel_loop3A_279 step %parallel_loop3A_280  : i32 {
          %parallel_loop3A_342 = vector.broadcast %parallel_loop3A_341 : i32 to vector<16xi32>
          %parallel_loop3A_343 = arith.constant 80 : i32
          %parallel_loop3A_344 = vector.broadcast %parallel_loop3A_343 : i32 to vector<16xi32>
          %parallel_loop3A_345 = arith.addi %parallel_loop3A_342, %parallel_loop3A_344 : vector<16xi32>
          %parallel_loop3A_346 = tpu.vector_load_idx %arg7[%parallel_loop3A_345] : memref<160xi32, #tpu.memory_space<vmem>>[vector<16xi32>], vector<16xi32>,
          %parallel_loop3A_347 = tpu.iota {dimensions = array<i32: 0>} : vector<16xi32>
          %parallel_loop3A_348 = arith.constant 0 : i32
          %parallel_loop3A_349 = vector.broadcast %parallel_loop3A_348 : i32 to vector<16xi32>
          %parallel_loop3A_350 = arith.addi %parallel_loop3A_347, %parallel_loop3A_349 : vector<16xi32>
          %parallel_loop3A_351 = tpu.vector_load_idx %arg6[%parallel_loop3A_346, %parallel_loop3A_350] : memref<150x256xf32, #tpu.memory_space<vmem>>[vector<16xi32>, vector<16xi32>], vector<16xf32>,
          %parallel_loop3A_352 = arith.constant 80 : i32
          %parallel_loop3A_353 = vector.broadcast %parallel_loop3A_352 : i32 to vector<16xi32>
          %parallel_loop3A_354 = arith.addi %parallel_loop3A_342, %parallel_loop3A_353 : vector<16xi32>
          tpu.vector_store_idx %arg9[%parallel_loop3A_354, %parallel_loop3A_350], %parallel_loop3A_351 {add = true} : memref<320x256xf32, #tpu.memory_space<vmem>>[vector<16xi32>, vector<16xi32>], vector<16xf32>,
          %parallel_loop3A_355 = tpu.iota {dimensions = array<i32: 0>} : vector<16xi32>
          %parallel_loop3A_356 = arith.constant 16 : i32
          %parallel_loop3A_357 = vector.broadcast %parallel_loop3A_356 : i32 to vector<16xi32>
          %parallel_loop3A_358 = arith.addi %parallel_loop3A_355, %parallel_loop3A_357 : vector<16xi32>
          %parallel_loop3A_359 = tpu.vector_load_idx %arg6[%parallel_loop3A_346, %parallel_loop3A_358] : memref<150x256xf32, #tpu.memory_space<vmem>>[vector<16xi32>, vector<16xi32>], vector<16xf32>,
          %parallel_loop3A_360 = arith.constant 80 : i32
          %parallel_loop3A_361 = vector.broadcast %parallel_loop3A_360 : i32 to vector<16xi32>
          %parallel_loop3A_362 = arith.addi %parallel_loop3A_342, %parallel_loop3A_361 : vector<16xi32>
          tpu.vector_store_idx %arg9[%parallel_loop3A_362, %parallel_loop3A_358], %parallel_loop3A_359 {add = true} : memref<320x256xf32, #tpu.memory_space<vmem>>[vector<16xi32>, vector<16xi32>], vector<16xf32>,
          %parallel_loop3A_363 = tpu.iota {dimensions = array<i32: 0>} : vector<16xi32>
          %parallel_loop3A_364 = arith.constant 32 : i32
          %parallel_loop3A_365 = vector.broadcast %parallel_loop3A_364 : i32 to vector<16xi32>
          %parallel_loop3A_366 = arith.addi %parallel_loop3A_363, %parallel_loop3A_365 : vector<16xi32>
          %parallel_loop3A_367 = tpu.vector_load_idx %arg6[%parallel_loop3A_346, %parallel_loop3A_366] : memref<150x256xf32, #tpu.memory_space<vmem>>[vector<16xi32>, vector<16xi32>], vector<16xf32>,
          %parallel_loop3A_368 = arith.constant 80 : i32
          %parallel_loop3A_369 = vector.broadcast %parallel_loop3A_368 : i32 to vector<16xi32>
          %parallel_loop3A_370 = arith.addi %parallel_loop3A_342, %parallel_loop3A_369 : vector<16xi32>
          tpu.vector_store_idx %arg9[%parallel_loop3A_370, %parallel_loop3A_366], %parallel_loop3A_367 {add = true} : memref<320x256xf32, #tpu.memory_space<vmem>>[vector<16xi32>, vector<16xi32>], vector<16xf32>,
          %parallel_loop3A_371 = tpu.iota {dimensions = array<i32: 0>} : vector<16xi32>
          %parallel_loop3A_372 = arith.constant 48 : i32
          %parallel_loop3A_373 = vector.broadcast %parallel_loop3A_372 : i32 to vector<16xi32>
          %parallel_loop3A_374 = arith.addi %parallel_loop3A_371, %parallel_loop3A_373 : vector<16xi32>
          %parallel_loop3A_375 = tpu.vector_load_idx %arg6[%parallel_loop3A_346, %parallel_loop3A_374] : memref<150x256xf32, #tpu.memory_space<vmem>>[vector<16xi32>, vector<16xi32>], vector<16xf32>,
          %parallel_loop3A_376 = arith.constant 80 : i32
          %parallel_loop3A_377 = vector.broadcast %parallel_loop3A_376 : i32 to vector<16xi32>
          %parallel_loop3A_378 = arith.addi %parallel_loop3A_342, %parallel_loop3A_377 : vector<16xi32>
          tpu.vector_store_idx %arg9[%parallel_loop3A_378, %parallel_loop3A_374], %parallel_loop3A_375 {add = true} : memref<320x256xf32, #tpu.memory_space<vmem>>[vector<16xi32>, vector<16xi32>], vector<16xf32>,
          %parallel_loop3A_379 = tpu.iota {dimensions = array<i32: 0>} : vector<16xi32>
          %parallel_loop3A_380 = arith.constant 64 : i32
          %parallel_loop3A_381 = vector.broadcast %parallel_loop3A_380 : i32 to vector<16xi32>
          %parallel_loop3A_382 = arith.addi %parallel_loop3A_379, %parallel_loop3A_381 : vector<16xi32>
          %parallel_loop3A_383 = tpu.vector_load_idx %arg6[%parallel_loop3A_346, %parallel_loop3A_382] : memref<150x256xf32, #tpu.memory_space<vmem>>[vector<16xi32>, vector<16xi32>], vector<16xf32>,
          %parallel_loop3A_384 = arith.constant 80 : i32
          %parallel_loop3A_385 = vector.broadcast %parallel_loop3A_384 : i32 to vector<16xi32>
          %parallel_loop3A_386 = arith.addi %parallel_loop3A_342, %parallel_loop3A_385 : vector<16xi32>
          tpu.vector_store_idx %arg9[%parallel_loop3A_386, %parallel_loop3A_382], %parallel_loop3A_383 {add = true} : memref<320x256xf32, #tpu.memory_space<vmem>>[vector<16xi32>, vector<16xi32>], vector<16xf32>,
          %parallel_loop3A_387 = tpu.iota {dimensions = array<i32: 0>} : vector<16xi32>
          %parallel_loop3A_388 = arith.constant 80 : i32
          %parallel_loop3A_389 = vector.broadcast %parallel_loop3A_388 : i32 to vector<16xi32>
          %parallel_loop3A_390 = arith.addi %parallel_loop3A_387, %parallel_loop3A_389 : vector<16xi32>
          %parallel_loop3A_391 = tpu.vector_load_idx %arg6[%parallel_loop3A_346, %parallel_loop3A_390] : memref<150x256xf32, #tpu.memory_space<vmem>>[vector<16xi32>, vector<16xi32>], vector<16xf32>,
          %parallel_loop3A_392 = arith.constant 80 : i32
          %parallel_loop3A_393 = vector.broadcast %parallel_loop3A_392 : i32 to vector<16xi32>
          %parallel_loop3A_394 = arith.addi %parallel_loop3A_342, %parallel_loop3A_393 : vector<16xi32>
          tpu.vector_store_idx %arg9[%parallel_loop3A_394, %parallel_loop3A_390], %parallel_loop3A_391 {add = true} : memref<320x256xf32, #tpu.memory_space<vmem>>[vector<16xi32>, vector<16xi32>], vector<16xf32>,
          %parallel_loop3A_395 = tpu.iota {dimensions = array<i32: 0>} : vector<16xi32>
          %parallel_loop3A_396 = arith.constant 96 : i32
          %parallel_loop3A_397 = vector.broadcast %parallel_loop3A_396 : i32 to vector<16xi32>
          %parallel_loop3A_398 = arith.addi %parallel_loop3A_395, %parallel_loop3A_397 : vector<16xi32>
          %parallel_loop3A_399 = tpu.vector_load_idx %arg6[%parallel_loop3A_346, %parallel_loop3A_398] : memref<150x256xf32, #tpu.memory_space<vmem>>[vector<16xi32>, vector<16xi32>], vector<16xf32>,
          %parallel_loop3A_400 = arith.constant 80 : i32
          %parallel_loop3A_401 = vector.broadcast %parallel_loop3A_400 : i32 to vector<16xi32>
          %parallel_loop3A_402 = arith.addi %parallel_loop3A_342, %parallel_loop3A_401 : vector<16xi32>
          tpu.vector_store_idx %arg9[%parallel_loop3A_402, %parallel_loop3A_398], %parallel_loop3A_399 {add = true} : memref<320x256xf32, #tpu.memory_space<vmem>>[vector<16xi32>, vector<16xi32>], vector<16xf32>,
          %parallel_loop3A_403 = tpu.iota {dimensions = array<i32: 0>} : vector<16xi32>
          %parallel_loop3A_404 = arith.constant 112 : i32
          %parallel_loop3A_405 = vector.broadcast %parallel_loop3A_404 : i32 to vector<16xi32>
          %parallel_loop3A_406 = arith.addi %parallel_loop3A_403, %parallel_loop3A_405 : vector<16xi32>
          %parallel_loop3A_407 = tpu.vector_load_idx %arg6[%parallel_loop3A_346, %parallel_loop3A_406] : memref<150x256xf32, #tpu.memory_space<vmem>>[vector<16xi32>, vector<16xi32>], vector<16xf32>,
          %parallel_loop3A_408 = arith.constant 80 : i32
          %parallel_loop3A_409 = vector.broadcast %parallel_loop3A_408 : i32 to vector<16xi32>
          %parallel_loop3A_410 = arith.addi %parallel_loop3A_342, %parallel_loop3A_409 : vector<16xi32>
          tpu.vector_store_idx %arg9[%parallel_loop3A_410, %parallel_loop3A_406], %parallel_loop3A_407 {add = true} : memref<320x256xf32, #tpu.memory_space<vmem>>[vector<16xi32>, vector<16xi32>], vector<16xf32>,
          %parallel_loop3A_411 = tpu.iota {dimensions = array<i32: 0>} : vector<16xi32>
          %parallel_loop3A_412 = arith.constant 128 : i32
          %parallel_loop3A_413 = vector.broadcast %parallel_loop3A_412 : i32 to vector<16xi32>
          %parallel_loop3A_414 = arith.addi %parallel_loop3A_411, %parallel_loop3A_413 : vector<16xi32>
          %parallel_loop3A_415 = tpu.vector_load_idx %arg6[%parallel_loop3A_346, %parallel_loop3A_414] : memref<150x256xf32, #tpu.memory_space<vmem>>[vector<16xi32>, vector<16xi32>], vector<16xf32>,
          %parallel_loop3A_416 = arith.constant 80 : i32
          %parallel_loop3A_417 = vector.broadcast %parallel_loop3A_416 : i32 to vector<16xi32>
          %parallel_loop3A_418 = arith.addi %parallel_loop3A_342, %parallel_loop3A_417 : vector<16xi32>
          tpu.vector_store_idx %arg9[%parallel_loop3A_418, %parallel_loop3A_414], %parallel_loop3A_415 {add = true} : memref<320x256xf32, #tpu.memory_space<vmem>>[vector<16xi32>, vector<16xi32>], vector<16xf32>,
          %parallel_loop3A_419 = tpu.iota {dimensions = array<i32: 0>} : vector<16xi32>
          %parallel_loop3A_420 = arith.constant 144 : i32
          %parallel_loop3A_421 = vector.broadcast %parallel_loop3A_420 : i32 to vector<16xi32>
          %parallel_loop3A_422 = arith.addi %parallel_loop3A_419, %parallel_loop3A_421 : vector<16xi32>
          %parallel_loop3A_423 = tpu.vector_load_idx %arg6[%parallel_loop3A_346, %parallel_loop3A_422] : memref<150x256xf32, #tpu.memory_space<vmem>>[vector<16xi32>, vector<16xi32>], vector<16xf32>,
          %parallel_loop3A_424 = arith.constant 80 : i32
          %parallel_loop3A_425 = vector.broadcast %parallel_loop3A_424 : i32 to vector<16xi32>
          %parallel_loop3A_426 = arith.addi %parallel_loop3A_342, %parallel_loop3A_425 : vector<16xi32>
          tpu.vector_store_idx %arg9[%parallel_loop3A_426, %parallel_loop3A_422], %parallel_loop3A_423 {add = true} : memref<320x256xf32, #tpu.memory_space<vmem>>[vector<16xi32>, vector<16xi32>], vector<16xf32>,
          %parallel_loop3A_427 = tpu.iota {dimensions = array<i32: 0>} : vector<16xi32>
          %parallel_loop3A_428 = arith.constant 160 : i32
          %parallel_loop3A_429 = vector.broadcast %parallel_loop3A_428 : i32 to vector<16xi32>
          %parallel_loop3A_430 = arith.addi %parallel_loop3A_427, %parallel_loop3A_429 : vector<16xi32>
          %parallel_loop3A_431 = tpu.vector_load_idx %arg6[%parallel_loop3A_346, %parallel_loop3A_430] : memref<150x256xf32, #tpu.memory_space<vmem>>[vector<16xi32>, vector<16xi32>], vector<16xf32>,
          %parallel_loop3A_432 = arith.constant 80 : i32
          %parallel_loop3A_433 = vector.broadcast %parallel_loop3A_432 : i32 to vector<16xi32>
          %parallel_loop3A_434 = arith.addi %parallel_loop3A_342, %parallel_loop3A_433 : vector<16xi32>
          tpu.vector_store_idx %arg9[%parallel_loop3A_434, %parallel_loop3A_430], %parallel_loop3A_431 {add = true} : memref<320x256xf32, #tpu.memory_space<vmem>>[vector<16xi32>, vector<16xi32>], vector<16xf32>,
          %parallel_loop3A_435 = tpu.iota {dimensions = array<i32: 0>} : vector<16xi32>
          %parallel_loop3A_436 = arith.constant 176 : i32
          %parallel_loop3A_437 = vector.broadcast %parallel_loop3A_436 : i32 to vector<16xi32>
          %parallel_loop3A_438 = arith.addi %parallel_loop3A_435, %parallel_loop3A_437 : vector<16xi32>
          %parallel_loop3A_439 = tpu.vector_load_idx %arg6[%parallel_loop3A_346, %parallel_loop3A_438] : memref<150x256xf32, #tpu.memory_space<vmem>>[vector<16xi32>, vector<16xi32>], vector<16xf32>,
          %parallel_loop3A_440 = arith.constant 80 : i32
          %parallel_loop3A_441 = vector.broadcast %parallel_loop3A_440 : i32 to vector<16xi32>
          %parallel_loop3A_442 = arith.addi %parallel_loop3A_342, %parallel_loop3A_441 : vector<16xi32>
          tpu.vector_store_idx %arg9[%parallel_loop3A_442, %parallel_loop3A_438], %parallel_loop3A_439 {add = true} : memref<320x256xf32, #tpu.memory_space<vmem>>[vector<16xi32>, vector<16xi32>], vector<16xf32>,
          %parallel_loop3A_443 = tpu.iota {dimensions = array<i32: 0>} : vector<16xi32>
          %parallel_loop3A_444 = arith.constant 192 : i32
          %parallel_loop3A_445 = vector.broadcast %parallel_loop3A_444 : i32 to vector<16xi32>
          %parallel_loop3A_446 = arith.addi %parallel_loop3A_443, %parallel_loop3A_445 : vector<16xi32>
          %parallel_loop3A_447 = tpu.vector_load_idx %arg6[%parallel_loop3A_346, %parallel_loop3A_446] : memref<150x256xf32, #tpu.memory_space<vmem>>[vector<16xi32>, vector<16xi32>], vector<16xf32>,
          %parallel_loop3A_448 = arith.constant 80 : i32
          %parallel_loop3A_449 = vector.broadcast %parallel_loop3A_448 : i32 to vector<16xi32>
          %parallel_loop3A_450 = arith.addi %parallel_loop3A_342, %parallel_loop3A_449 : vector<16xi32>
          tpu.vector_store_idx %arg9[%parallel_loop3A_450, %parallel_loop3A_446], %parallel_loop3A_447 {add = true} : memref<320x256xf32, #tpu.memory_space<vmem>>[vector<16xi32>, vector<16xi32>], vector<16xf32>,
          %parallel_loop3A_451 = tpu.iota {dimensions = array<i32: 0>} : vector<16xi32>
          %parallel_loop3A_452 = arith.constant 208 : i32
          %parallel_loop3A_453 = vector.broadcast %parallel_loop3A_452 : i32 to vector<16xi32>
          %parallel_loop3A_454 = arith.addi %parallel_loop3A_451, %parallel_loop3A_453 : vector<16xi32>
          %parallel_loop3A_455 = tpu.vector_load_idx %arg6[%parallel_loop3A_346, %parallel_loop3A_454] : memref<150x256xf32, #tpu.memory_space<vmem>>[vector<16xi32>, vector<16xi32>], vector<16xf32>,
          %parallel_loop3A_456 = arith.constant 80 : i32
          %parallel_loop3A_457 = vector.broadcast %parallel_loop3A_456 : i32 to vector<16xi32>
          %parallel_loop3A_458 = arith.addi %parallel_loop3A_342, %parallel_loop3A_457 : vector<16xi32>
          tpu.vector_store_idx %arg9[%parallel_loop3A_458, %parallel_loop3A_454], %parallel_loop3A_455 {add = true} : memref<320x256xf32, #tpu.memory_space<vmem>>[vector<16xi32>, vector<16xi32>], vector<16xf32>,
          %parallel_loop3A_459 = tpu.iota {dimensions = array<i32: 0>} : vector<16xi32>
          %parallel_loop3A_460 = arith.constant 224 : i32
          %parallel_loop3A_461 = vector.broadcast %parallel_loop3A_460 : i32 to vector<16xi32>
          %parallel_loop3A_462 = arith.addi %parallel_loop3A_459, %parallel_loop3A_461 : vector<16xi32>
          %parallel_loop3A_463 = tpu.vector_load_idx %arg6[%parallel_loop3A_346, %parallel_loop3A_462] : memref<150x256xf32, #tpu.memory_space<vmem>>[vector<16xi32>, vector<16xi32>], vector<16xf32>,
          %parallel_loop3A_464 = arith.constant 80 : i32
          %parallel_loop3A_465 = vector.broadcast %parallel_loop3A_464 : i32 to vector<16xi32>
          %parallel_loop3A_466 = arith.addi %parallel_loop3A_342, %parallel_loop3A_465 : vector<16xi32>
          tpu.vector_store_idx %arg9[%parallel_loop3A_466, %parallel_loop3A_462], %parallel_loop3A_463 {add = true} : memref<320x256xf32, #tpu.memory_space<vmem>>[vector<16xi32>, vector<16xi32>], vector<16xf32>,
          %parallel_loop3A_467 = tpu.iota {dimensions = array<i32: 0>} : vector<16xi32>
          %parallel_loop3A_468 = arith.constant 240 : i32
          %parallel_loop3A_469 = vector.broadcast %parallel_loop3A_468 : i32 to vector<16xi32>
          %parallel_loop3A_470 = arith.addi %parallel_loop3A_467, %parallel_loop3A_469 : vector<16xi32>
          %parallel_loop3A_471 = tpu.vector_load_idx %arg6[%parallel_loop3A_346, %parallel_loop3A_470] : memref<150x256xf32, #tpu.memory_space<vmem>>[vector<16xi32>, vector<16xi32>], vector<16xf32>,
          %parallel_loop3A_472 = arith.constant 80 : i32
          %parallel_loop3A_473 = vector.broadcast %parallel_loop3A_472 : i32 to vector<16xi32>
          %parallel_loop3A_474 = arith.addi %parallel_loop3A_342, %parallel_loop3A_473 : vector<16xi32>
          tpu.vector_store_idx %arg9[%parallel_loop3A_474, %parallel_loop3A_470], %parallel_loop3A_471 {add = true} : memref<320x256xf32, #tpu.memory_space<vmem>>[vector<16xi32>, vector<16xi32>], vector<16xf32>,
        } {sc.loop_unroll_factor = 2 : i64, sc.parallel_access}
        %lt3A_281 = arith.constant 19 : i32
        %lt3A_282 = arith.cmpi slt, %mul3A_119, %lt3A_281 : i32
        %mul3A_283 = arith.constant 19 : i32
        %mul3A_284 = arith.muli %add3A, %mul3A_283 : i32
        %add3A_285 = arith.addi %mul3A_284, %mul3A_119 : i32
        %add3A_286 = arith.constant 608 : i32
        %add3A_287 = arith.addi %add3A_286, %add3A : i32
        %select_n3A_288 = arith.select %lt3A_282, %add3A_285, %add3A_287 : i32
        %mul3A_289 = arith.constant 160 : i32
        %mul3A_290 = arith.muli %select_n3A_288, %mul3A_289 : i32
        %add3A_291 = arith.constant 80 : i32
        %add3A_292 = arith.addi %mul3A_290, %add3A_291 : i32
        %dma_start3A_293 = arith.constant 80 : i32
        %dma_start3A_294 = arith.constant 0 : i32
        %dma_start3A_295 = tpu.memref_slice %arg9[%dma_start3A_293, %dma_start3A_294] : memref<320x256xf32, #tpu.memory_space<vmem>> -> memref<40x256xf32, #tpu.memory_space<vmem>>
        %dma_start3A_296 = arith.constant 0 : i32
        %dma_start3A_297 = tpu.memref_slice %arg5[%add3A_292, %dma_start3A_296] : memref<100000x256xf32, #tpu.memory_space<hbm>> -> memref<40x256xf32, #tpu.memory_space<hbm>>
        %dma_start3A_298 = arith.constant 0 : i32
        %dma_start3A_299 = tpu.memref_slice %arg5[%add3A_292, %dma_start3A_298] : memref<100000x256xf32, #tpu.memory_space<hbm>> -> memref<40x256xf32, #tpu.memory_space<hbm>>
        %dma_start3A_300 = arith.constant 80 : i32
        %dma_start3A_301 = arith.constant 0 : i32
        %dma_start3A_302 = tpu.memref_slice %arg9[%dma_start3A_300, %dma_start3A_301] : memref<320x256xf32, #tpu.memory_space<vmem>> -> memref<40x256xf32, #tpu.memory_space<vmem>>
        tpu.enqueue_dma source(%dma_start3A_302 : memref<40x256xf32, #tpu.memory_space<vmem>>) target(%dma_start3A_299 : memref<40x256xf32, #tpu.memory_space<hbm>>) target_semaphore(%arg14 : memref<!tpu.dma_semaphore, #tpu.memory_space<semaphore_mem>>)
        %parallel_loop3A_303 = arith.constant 0 : i32
        %parallel_loop3A_304 = arith.constant 40 : i32
        %parallel_loop3A_305 = arith.constant 1 : i32
        scf.for %parallel_loop3A_341 = %parallel_loop3A_303 to %parallel_loop3A_304 step %parallel_loop3A_305  : i32 {
          %parallel_loop3A_342 = vector.broadcast %parallel_loop3A_341 : i32 to vector<16xi32>
          %parallel_loop3A_343 = arith.constant 120 : i32
          %parallel_loop3A_344 = vector.broadcast %parallel_loop3A_343 : i32 to vector<16xi32>
          %parallel_loop3A_345 = arith.addi %parallel_loop3A_342, %parallel_loop3A_344 : vector<16xi32>
          %parallel_loop3A_346 = tpu.vector_load_idx %arg7[%parallel_loop3A_345] : memref<160xi32, #tpu.memory_space<vmem>>[vector<16xi32>], vector<16xi32>,
          %parallel_loop3A_347 = tpu.iota {dimensions = array<i32: 0>} : vector<16xi32>
          %parallel_loop3A_348 = arith.constant 0 : i32
          %parallel_loop3A_349 = vector.broadcast %parallel_loop3A_348 : i32 to vector<16xi32>
          %parallel_loop3A_350 = arith.addi %parallel_loop3A_347, %parallel_loop3A_349 : vector<16xi32>
          %parallel_loop3A_351 = tpu.vector_load_idx %arg6[%parallel_loop3A_346, %parallel_loop3A_350] : memref<150x256xf32, #tpu.memory_space<vmem>>[vector<16xi32>, vector<16xi32>], vector<16xf32>,
          %parallel_loop3A_352 = arith.constant 120 : i32
          %parallel_loop3A_353 = vector.broadcast %parallel_loop3A_352 : i32 to vector<16xi32>
          %parallel_loop3A_354 = arith.addi %parallel_loop3A_342, %parallel_loop3A_353 : vector<16xi32>
          tpu.vector_store_idx %arg9[%parallel_loop3A_354, %parallel_loop3A_350], %parallel_loop3A_351 {add = true} : memref<320x256xf32, #tpu.memory_space<vmem>>[vector<16xi32>, vector<16xi32>], vector<16xf32>,
          %parallel_loop3A_355 = tpu.iota {dimensions = array<i32: 0>} : vector<16xi32>
          %parallel_loop3A_356 = arith.constant 16 : i32
          %parallel_loop3A_357 = vector.broadcast %parallel_loop3A_356 : i32 to vector<16xi32>
          %parallel_loop3A_358 = arith.addi %parallel_loop3A_355, %parallel_loop3A_357 : vector<16xi32>
          %parallel_loop3A_359 = tpu.vector_load_idx %arg6[%parallel_loop3A_346, %parallel_loop3A_358] : memref<150x256xf32, #tpu.memory_space<vmem>>[vector<16xi32>, vector<16xi32>], vector<16xf32>,
          %parallel_loop3A_360 = arith.constant 120 : i32
          %parallel_loop3A_361 = vector.broadcast %parallel_loop3A_360 : i32 to vector<16xi32>
          %parallel_loop3A_362 = arith.addi %parallel_loop3A_342, %parallel_loop3A_361 : vector<16xi32>
          tpu.vector_store_idx %arg9[%parallel_loop3A_362, %parallel_loop3A_358], %parallel_loop3A_359 {add = true} : memref<320x256xf32, #tpu.memory_space<vmem>>[vector<16xi32>, vector<16xi32>], vector<16xf32>,
          %parallel_loop3A_363 = tpu.iota {dimensions = array<i32: 0>} : vector<16xi32>
          %parallel_loop3A_364 = arith.constant 32 : i32
          %parallel_loop3A_365 = vector.broadcast %parallel_loop3A_364 : i32 to vector<16xi32>
          %parallel_loop3A_366 = arith.addi %parallel_loop3A_363, %parallel_loop3A_365 : vector<16xi32>
          %parallel_loop3A_367 = tpu.vector_load_idx %arg6[%parallel_loop3A_346, %parallel_loop3A_366] : memref<150x256xf32, #tpu.memory_space<vmem>>[vector<16xi32>, vector<16xi32>], vector<16xf32>,
          %parallel_loop3A_368 = arith.constant 120 : i32
          %parallel_loop3A_369 = vector.broadcast %parallel_loop3A_368 : i32 to vector<16xi32>
          %parallel_loop3A_370 = arith.addi %parallel_loop3A_342, %parallel_loop3A_369 : vector<16xi32>
          tpu.vector_store_idx %arg9[%parallel_loop3A_370, %parallel_loop3A_366], %parallel_loop3A_367 {add = true} : memref<320x256xf32, #tpu.memory_space<vmem>>[vector<16xi32>, vector<16xi32>], vector<16xf32>,
          %parallel_loop3A_371 = tpu.iota {dimensions = array<i32: 0>} : vector<16xi32>
          %parallel_loop3A_372 = arith.constant 48 : i32
          %parallel_loop3A_373 = vector.broadcast %parallel_loop3A_372 : i32 to vector<16xi32>
          %parallel_loop3A_374 = arith.addi %parallel_loop3A_371, %parallel_loop3A_373 : vector<16xi32>
          %parallel_loop3A_375 = tpu.vector_load_idx %arg6[%parallel_loop3A_346, %parallel_loop3A_374] : memref<150x256xf32, #tpu.memory_space<vmem>>[vector<16xi32>, vector<16xi32>], vector<16xf32>,
          %parallel_loop3A_376 = arith.constant 120 : i32
          %parallel_loop3A_377 = vector.broadcast %parallel_loop3A_376 : i32 to vector<16xi32>
          %parallel_loop3A_378 = arith.addi %parallel_loop3A_342, %parallel_loop3A_377 : vector<16xi32>
          tpu.vector_store_idx %arg9[%parallel_loop3A_378, %parallel_loop3A_374], %parallel_loop3A_375 {add = true} : memref<320x256xf32, #tpu.memory_space<vmem>>[vector<16xi32>, vector<16xi32>], vector<16xf32>,
          %parallel_loop3A_379 = tpu.iota {dimensions = array<i32: 0>} : vector<16xi32>
          %parallel_loop3A_380 = arith.constant 64 : i32
          %parallel_loop3A_381 = vector.broadcast %parallel_loop3A_380 : i32 to vector<16xi32>
          %parallel_loop3A_382 = arith.addi %parallel_loop3A_379, %parallel_loop3A_381 : vector<16xi32>
          %parallel_loop3A_383 = tpu.vector_load_idx %arg6[%parallel_loop3A_346, %parallel_loop3A_382] : memref<150x256xf32, #tpu.memory_space<vmem>>[vector<16xi32>, vector<16xi32>], vector<16xf32>,
          %parallel_loop3A_384 = arith.constant 120 : i32
          %parallel_loop3A_385 = vector.broadcast %parallel_loop3A_384 : i32 to vector<16xi32>
          %parallel_loop3A_386 = arith.addi %parallel_loop3A_342, %parallel_loop3A_385 : vector<16xi32>
          tpu.vector_store_idx %arg9[%parallel_loop3A_386, %parallel_loop3A_382], %parallel_loop3A_383 {add = true} : memref<320x256xf32, #tpu.memory_space<vmem>>[vector<16xi32>, vector<16xi32>], vector<16xf32>,
          %parallel_loop3A_387 = tpu.iota {dimensions = array<i32: 0>} : vector<16xi32>
          %parallel_loop3A_388 = arith.constant 80 : i32
          %parallel_loop3A_389 = vector.broadcast %parallel_loop3A_388 : i32 to vector<16xi32>
          %parallel_loop3A_390 = arith.addi %parallel_loop3A_387, %parallel_loop3A_389 : vector<16xi32>
          %parallel_loop3A_391 = tpu.vector_load_idx %arg6[%parallel_loop3A_346, %parallel_loop3A_390] : memref<150x256xf32, #tpu.memory_space<vmem>>[vector<16xi32>, vector<16xi32>], vector<16xf32>,
          %parallel_loop3A_392 = arith.constant 120 : i32
          %parallel_loop3A_393 = vector.broadcast %parallel_loop3A_392 : i32 to vector<16xi32>
          %parallel_loop3A_394 = arith.addi %parallel_loop3A_342, %parallel_loop3A_393 : vector<16xi32>
          tpu.vector_store_idx %arg9[%parallel_loop3A_394, %parallel_loop3A_390], %parallel_loop3A_391 {add = true} : memref<320x256xf32, #tpu.memory_space<vmem>>[vector<16xi32>, vector<16xi32>], vector<16xf32>,
          %parallel_loop3A_395 = tpu.iota {dimensions = array<i32: 0>} : vector<16xi32>
          %parallel_loop3A_396 = arith.constant 96 : i32
          %parallel_loop3A_397 = vector.broadcast %parallel_loop3A_396 : i32 to vector<16xi32>
          %parallel_loop3A_398 = arith.addi %parallel_loop3A_395, %parallel_loop3A_397 : vector<16xi32>
          %parallel_loop3A_399 = tpu.vector_load_idx %arg6[%parallel_loop3A_346, %parallel_loop3A_398] : memref<150x256xf32, #tpu.memory_space<vmem>>[vector<16xi32>, vector<16xi32>], vector<16xf32>,
          %parallel_loop3A_400 = arith.constant 120 : i32
          %parallel_loop3A_401 = vector.broadcast %parallel_loop3A_400 : i32 to vector<16xi32>
          %parallel_loop3A_402 = arith.addi %parallel_loop3A_342, %parallel_loop3A_401 : vector<16xi32>
          tpu.vector_store_idx %arg9[%parallel_loop3A_402, %parallel_loop3A_398], %parallel_loop3A_399 {add = true} : memref<320x256xf32, #tpu.memory_space<vmem>>[vector<16xi32>, vector<16xi32>], vector<16xf32>,
          %parallel_loop3A_403 = tpu.iota {dimensions = array<i32: 0>} : vector<16xi32>
          %parallel_loop3A_404 = arith.constant 112 : i32
          %parallel_loop3A_405 = vector.broadcast %parallel_loop3A_404 : i32 to vector<16xi32>
          %parallel_loop3A_406 = arith.addi %parallel_loop3A_403, %parallel_loop3A_405 : vector<16xi32>
          %parallel_loop3A_407 = tpu.vector_load_idx %arg6[%parallel_loop3A_346, %parallel_loop3A_406] : memref<150x256xf32, #tpu.memory_space<vmem>>[vector<16xi32>, vector<16xi32>], vector<16xf32>,
          %parallel_loop3A_408 = arith.constant 120 : i32
          %parallel_loop3A_409 = vector.broadcast %parallel_loop3A_408 : i32 to vector<16xi32>
          %parallel_loop3A_410 = arith.addi %parallel_loop3A_342, %parallel_loop3A_409 : vector<16xi32>
          tpu.vector_store_idx %arg9[%parallel_loop3A_410, %parallel_loop3A_406], %parallel_loop3A_407 {add = true} : memref<320x256xf32, #tpu.memory_space<vmem>>[vector<16xi32>, vector<16xi32>], vector<16xf32>,
          %parallel_loop3A_411 = tpu.iota {dimensions = array<i32: 0>} : vector<16xi32>
          %parallel_loop3A_412 = arith.constant 128 : i32
          %parallel_loop3A_413 = vector.broadcast %parallel_loop3A_412 : i32 to vector<16xi32>
          %parallel_loop3A_414 = arith.addi %parallel_loop3A_411, %parallel_loop3A_413 : vector<16xi32>
          %parallel_loop3A_415 = tpu.vector_load_idx %arg6[%parallel_loop3A_346, %parallel_loop3A_414] : memref<150x256xf32, #tpu.memory_space<vmem>>[vector<16xi32>, vector<16xi32>], vector<16xf32>,
          %parallel_loop3A_416 = arith.constant 120 : i32
          %parallel_loop3A_417 = vector.broadcast %parallel_loop3A_416 : i32 to vector<16xi32>
          %parallel_loop3A_418 = arith.addi %parallel_loop3A_342, %parallel_loop3A_417 : vector<16xi32>
          tpu.vector_store_idx %arg9[%parallel_loop3A_418, %parallel_loop3A_414], %parallel_loop3A_415 {add = true} : memref<320x256xf32, #tpu.memory_space<vmem>>[vector<16xi32>, vector<16xi32>], vector<16xf32>,
          %parallel_loop3A_419 = tpu.iota {dimensions = array<i32: 0>} : vector<16xi32>
          %parallel_loop3A_420 = arith.constant 144 : i32
          %parallel_loop3A_421 = vector.broadcast %parallel_loop3A_420 : i32 to vector<16xi32>
          %parallel_loop3A_422 = arith.addi %parallel_loop3A_419, %parallel_loop3A_421 : vector<16xi32>
          %parallel_loop3A_423 = tpu.vector_load_idx %arg6[%parallel_loop3A_346, %parallel_loop3A_422] : memref<150x256xf32, #tpu.memory_space<vmem>>[vector<16xi32>, vector<16xi32>], vector<16xf32>,
          %parallel_loop3A_424 = arith.constant 120 : i32
          %parallel_loop3A_425 = vector.broadcast %parallel_loop3A_424 : i32 to vector<16xi32>
          %parallel_loop3A_426 = arith.addi %parallel_loop3A_342, %parallel_loop3A_425 : vector<16xi32>
          tpu.vector_store_idx %arg9[%parallel_loop3A_426, %parallel_loop3A_422], %parallel_loop3A_423 {add = true} : memref<320x256xf32, #tpu.memory_space<vmem>>[vector<16xi32>, vector<16xi32>], vector<16xf32>,
          %parallel_loop3A_427 = tpu.iota {dimensions = array<i32: 0>} : vector<16xi32>
          %parallel_loop3A_428 = arith.constant 160 : i32
          %parallel_loop3A_429 = vector.broadcast %parallel_loop3A_428 : i32 to vector<16xi32>
          %parallel_loop3A_430 = arith.addi %parallel_loop3A_427, %parallel_loop3A_429 : vector<16xi32>
          %parallel_loop3A_431 = tpu.vector_load_idx %arg6[%parallel_loop3A_346, %parallel_loop3A_430] : memref<150x256xf32, #tpu.memory_space<vmem>>[vector<16xi32>, vector<16xi32>], vector<16xf32>,
          %parallel_loop3A_432 = arith.constant 120 : i32
          %parallel_loop3A_433 = vector.broadcast %parallel_loop3A_432 : i32 to vector<16xi32>
          %parallel_loop3A_434 = arith.addi %parallel_loop3A_342, %parallel_loop3A_433 : vector<16xi32>
          tpu.vector_store_idx %arg9[%parallel_loop3A_434, %parallel_loop3A_430], %parallel_loop3A_431 {add = true} : memref<320x256xf32, #tpu.memory_space<vmem>>[vector<16xi32>, vector<16xi32>], vector<16xf32>,
          %parallel_loop3A_435 = tpu.iota {dimensions = array<i32: 0>} : vector<16xi32>
          %parallel_loop3A_436 = arith.constant 176 : i32
          %parallel_loop3A_437 = vector.broadcast %parallel_loop3A_436 : i32 to vector<16xi32>
          %parallel_loop3A_438 = arith.addi %parallel_loop3A_435, %parallel_loop3A_437 : vector<16xi32>
          %parallel_loop3A_439 = tpu.vector_load_idx %arg6[%parallel_loop3A_346, %parallel_loop3A_438] : memref<150x256xf32, #tpu.memory_space<vmem>>[vector<16xi32>, vector<16xi32>], vector<16xf32>,
          %parallel_loop3A_440 = arith.constant 120 : i32
          %parallel_loop3A_441 = vector.broadcast %parallel_loop3A_440 : i32 to vector<16xi32>
          %parallel_loop3A_442 = arith.addi %parallel_loop3A_342, %parallel_loop3A_441 : vector<16xi32>
          tpu.vector_store_idx %arg9[%parallel_loop3A_442, %parallel_loop3A_438], %parallel_loop3A_439 {add = true} : memref<320x256xf32, #tpu.memory_space<vmem>>[vector<16xi32>, vector<16xi32>], vector<16xf32>,
          %parallel_loop3A_443 = tpu.iota {dimensions = array<i32: 0>} : vector<16xi32>
          %parallel_loop3A_444 = arith.constant 192 : i32
          %parallel_loop3A_445 = vector.broadcast %parallel_loop3A_444 : i32 to vector<16xi32>
          %parallel_loop3A_446 = arith.addi %parallel_loop3A_443, %parallel_loop3A_445 : vector<16xi32>
          %parallel_loop3A_447 = tpu.vector_load_idx %arg6[%parallel_loop3A_346, %parallel_loop3A_446] : memref<150x256xf32, #tpu.memory_space<vmem>>[vector<16xi32>, vector<16xi32>], vector<16xf32>,
          %parallel_loop3A_448 = arith.constant 120 : i32
          %parallel_loop3A_449 = vector.broadcast %parallel_loop3A_448 : i32 to vector<16xi32>
          %parallel_loop3A_450 = arith.addi %parallel_loop3A_342, %parallel_loop3A_449 : vector<16xi32>
          tpu.vector_store_idx %arg9[%parallel_loop3A_450, %parallel_loop3A_446], %parallel_loop3A_447 {add = true} : memref<320x256xf32, #tpu.memory_space<vmem>>[vector<16xi32>, vector<16xi32>], vector<16xf32>,
          %parallel_loop3A_451 = tpu.iota {dimensions = array<i32: 0>} : vector<16xi32>
          %parallel_loop3A_452 = arith.constant 208 : i32
          %parallel_loop3A_453 = vector.broadcast %parallel_loop3A_452 : i32 to vector<16xi32>
          %parallel_loop3A_454 = arith.addi %parallel_loop3A_451, %parallel_loop3A_453 : vector<16xi32>
          %parallel_loop3A_455 = tpu.vector_load_idx %arg6[%parallel_loop3A_346, %parallel_loop3A_454] : memref<150x256xf32, #tpu.memory_space<vmem>>[vector<16xi32>, vector<16xi32>], vector<16xf32>,
          %parallel_loop3A_456 = arith.constant 120 : i32
          %parallel_loop3A_457 = vector.broadcast %parallel_loop3A_456 : i32 to vector<16xi32>
          %parallel_loop3A_458 = arith.addi %parallel_loop3A_342, %parallel_loop3A_457 : vector<16xi32>
          tpu.vector_store_idx %arg9[%parallel_loop3A_458, %parallel_loop3A_454], %parallel_loop3A_455 {add = true} : memref<320x256xf32, #tpu.memory_space<vmem>>[vector<16xi32>, vector<16xi32>], vector<16xf32>,
          %parallel_loop3A_459 = tpu.iota {dimensions = array<i32: 0>} : vector<16xi32>
          %parallel_loop3A_460 = arith.constant 224 : i32
          %parallel_loop3A_461 = vector.broadcast %parallel_loop3A_460 : i32 to vector<16xi32>
          %parallel_loop3A_462 = arith.addi %parallel_loop3A_459, %parallel_loop3A_461 : vector<16xi32>
          %parallel_loop3A_463 = tpu.vector_load_idx %arg6[%parallel_loop3A_346, %parallel_loop3A_462] : memref<150x256xf32, #tpu.memory_space<vmem>>[vector<16xi32>, vector<16xi32>], vector<16xf32>,
          %parallel_loop3A_464 = arith.constant 120 : i32
          %parallel_loop3A_465 = vector.broadcast %parallel_loop3A_464 : i32 to vector<16xi32>
          %parallel_loop3A_466 = arith.addi %parallel_loop3A_342, %parallel_loop3A_465 : vector<16xi32>
          tpu.vector_store_idx %arg9[%parallel_loop3A_466, %parallel_loop3A_462], %parallel_loop3A_463 {add = true} : memref<320x256xf32, #tpu.memory_space<vmem>>[vector<16xi32>, vector<16xi32>], vector<16xf32>,
          %parallel_loop3A_467 = tpu.iota {dimensions = array<i32: 0>} : vector<16xi32>
          %parallel_loop3A_468 = arith.constant 240 : i32
          %parallel_loop3A_469 = vector.broadcast %parallel_loop3A_468 : i32 to vector<16xi32>
          %parallel_loop3A_470 = arith.addi %parallel_loop3A_467, %parallel_loop3A_469 : vector<16xi32>
          %parallel_loop3A_471 = tpu.vector_load_idx %arg6[%parallel_loop3A_346, %parallel_loop3A_470] : memref<150x256xf32, #tpu.memory_space<vmem>>[vector<16xi32>, vector<16xi32>], vector<16xf32>,
          %parallel_loop3A_472 = arith.constant 120 : i32
          %parallel_loop3A_473 = vector.broadcast %parallel_loop3A_472 : i32 to vector<16xi32>
          %parallel_loop3A_474 = arith.addi %parallel_loop3A_342, %parallel_loop3A_473 : vector<16xi32>
          tpu.vector_store_idx %arg9[%parallel_loop3A_474, %parallel_loop3A_470], %parallel_loop3A_471 {add = true} : memref<320x256xf32, #tpu.memory_space<vmem>>[vector<16xi32>, vector<16xi32>], vector<16xf32>,
        } {sc.loop_unroll_factor = 2 : i64, sc.parallel_access}
        %lt3A_306 = arith.constant 19 : i32
        %lt3A_307 = arith.cmpi slt, %mul3A_119, %lt3A_306 : i32
        %mul3A_308 = arith.constant 19 : i32
        %mul3A_309 = arith.muli %add3A, %mul3A_308 : i32
        %add3A_310 = arith.addi %mul3A_309, %mul3A_119 : i32
        %add3A_311 = arith.constant 608 : i32
        %add3A_312 = arith.addi %add3A_311, %add3A : i32
        %select_n3A_313 = arith.select %lt3A_307, %add3A_310, %add3A_312 : i32
        %mul3A_314 = arith.constant 160 : i32
        %mul3A_315 = arith.muli %select_n3A_313, %mul3A_314 : i32
        %add3A_316 = arith.constant 120 : i32
        %add3A_317 = arith.addi %mul3A_315, %add3A_316 : i32
        %dma_start3A_318 = arith.constant 120 : i32
        %dma_start3A_319 = arith.constant 0 : i32
        %dma_start3A_320 = tpu.memref_slice %arg9[%dma_start3A_318, %dma_start3A_319] : memref<320x256xf32, #tpu.memory_space<vmem>> -> memref<40x256xf32, #tpu.memory_space<vmem>>
        %dma_start3A_321 = arith.constant 0 : i32
        %dma_start3A_322 = tpu.memref_slice %arg5[%add3A_317, %dma_start3A_321] : memref<100000x256xf32, #tpu.memory_space<hbm>> -> memref<40x256xf32, #tpu.memory_space<hbm>>
        %dma_start3A_323 = arith.constant 0 : i32
        %dma_start3A_324 = tpu.memref_slice %arg5[%add3A_317, %dma_start3A_323] : memref<100000x256xf32, #tpu.memory_space<hbm>> -> memref<40x256xf32, #tpu.memory_space<hbm>>
        %dma_start3A_325 = arith.constant 120 : i32
        %dma_start3A_326 = arith.constant 0 : i32
        %dma_start3A_327 = tpu.memref_slice %arg9[%dma_start3A_325, %dma_start3A_326] : memref<320x256xf32, #tpu.memory_space<vmem>> -> memref<40x256xf32, #tpu.memory_space<vmem>>
        tpu.enqueue_dma source(%dma_start3A_327 : memref<40x256xf32, #tpu.memory_space<vmem>>) target(%dma_start3A_324 : memref<40x256xf32, #tpu.memory_space<hbm>>) target_semaphore(%arg14 : memref<!tpu.dma_semaphore, #tpu.memory_space<semaphore_mem>>)
        %add3A_328 = arith.constant 2 : i32
        %add3A_329 = arith.addi %mul3A_119, %add3A_328 : i32
        %le3A_330 = arith.constant 19 : i32
        %le3A_331 = arith.cmpi sle, %add3A_329, %le3A_330 : i32
        %lt3A_332 = arith.constant 19 : i32
        %lt3A_333 = arith.cmpi slt, %add3A_329, %lt3A_332 : i32
        %lt3A_334 = arith.constant 17 : i32
        %lt3A_335 = arith.cmpi slt, %add3A, %lt3A_334 : i32
        %or3A_336 = arith.ori %lt3A_333, %lt3A_335 : i1
        %and3A_337 = arith.andi %le3A_331, %or3A_336 : i1
        %convert_element_type3A_338 = arith.extui %and3A_337 : i1 to i32
        %cond3A_339 = arith.constant 0 : i32
        %cond3A_340 = arith.cmpi ne, %convert_element_type3A_338, %cond3A_339 : i32
        scf.if %cond3A_340 {
          %add3A_341 = arith.constant 2 : i32
          %add3A_342 = arith.addi %mul3A_119, %add3A_341 : i32
          %lt3A_343 = arith.constant 19 : i32
          %lt3A_344 = arith.cmpi slt, %add3A_342, %lt3A_343 : i32
          %mul3A_345 = arith.constant 19 : i32
          %mul3A_346 = arith.muli %add3A, %mul3A_345 : i32
          %add3A_347 = arith.addi %mul3A_346, %add3A_342 : i32
          %add3A_348 = arith.constant 608 : i32
          %add3A_349 = arith.addi %add3A_348, %add3A : i32
          %select_n3A_350 = arith.select %lt3A_344, %add3A_347, %add3A_349 : i32
          %mul3A_351 = arith.constant 160 : i32
          %mul3A_352 = arith.muli %select_n3A_350, %mul3A_351 : i32
          %dma_start3A_353 = tpu.memref_slice %arg3[%mul3A_352] : memref<100000xi32, #tpu.memory_space<hbm>> -> memref<160xi32, #tpu.memory_space<hbm>>
          %dma_start3A_354 = tpu.memref_slice %arg3[%mul3A_352] : memref<100000xi32, #tpu.memory_space<hbm>> -> memref<160xi32, #tpu.memory_space<hbm>>
          tpu.enqueue_dma source(%dma_start3A_354 : memref<160xi32, #tpu.memory_space<hbm>>) target(%arg7 : memref<160xi32, #tpu.memory_space<vmem>>) target_semaphore(%arg10 : memref<!tpu.dma_semaphore, #tpu.memory_space<semaphore_mem>>)
        } else {
        }
      } else {
      }
      %mul3A_145 = arith.constant 2 : i32
      %mul3A_146 = arith.muli %mul3A_145, %scan3A_117 : i32
      %add3A_147 = arith.constant 1 : i32
      %add3A_148 = arith.addi %mul3A_146, %add3A_147 : i32
      %ge3A_149 = arith.constant 1 : i32
      %ge3A_150 = arith.cmpi sge, %add3A_148, %ge3A_149 : i32
      %convert_element_type3A_151 = arith.extui %ge3A_150 : i1 to i32
      %cond3A_152 = arith.constant 0 : i32
      %cond3A_153 = arith.cmpi ne, %convert_element_type3A_151, %cond3A_152 : i32
      scf.if %cond3A_153 {
        %dma_wait3A = arith.constant 0 : i32
        %dma_wait3A_178 = arith.constant 0 : i32
        %dma_wait3A_179 = tpu.memref_slice %arg9[%dma_wait3A, %dma_wait3A_178] : memref<320x256xf32, #tpu.memory_space<vmem>> -> memref<40x256xf32, #tpu.memory_space<vmem>>
        %dma_wait3A_180 = arith.constant 0 : i32
        %dma_wait3A_181 = arith.constant 0 : i32
        %dma_wait3A_182 = tpu.memref_slice %arg5[%dma_wait3A_180, %dma_wait3A_181] : memref<100000x256xf32, #tpu.memory_space<hbm>> -> memref<40x256xf32, #tpu.memory_space<hbm>>
        %dma_wait3A_183 = arith.constant 0 : i32
        %dma_wait3A_184 = arith.constant 0 : i32
        %dma_wait3A_185 = tpu.memref_slice %arg5[%dma_wait3A_183, %dma_wait3A_184] : memref<100000x256xf32, #tpu.memory_space<hbm>> -> memref<40x256xf32, #tpu.memory_space<hbm>>
        %dma_wait3A_186 = arith.constant 0 : i32
        %dma_wait3A_187 = arith.constant 0 : i32
        %dma_wait3A_188 = tpu.memref_slice %arg9[%dma_wait3A_186, %dma_wait3A_187] : memref<320x256xf32, #tpu.memory_space<vmem>> -> memref<40x256xf32, #tpu.memory_space<vmem>>
        tpu.wait_dma2 semaphore(%arg14 : memref<!tpu.dma_semaphore, #tpu.memory_space<semaphore_mem>>) src(%dma_wait3A_188 : memref<40x256xf32, #tpu.memory_space<vmem>>) dst(%dma_wait3A_185 : memref<40x256xf32, #tpu.memory_space<hbm>>)
        %dma_wait3A_189 = arith.constant 40 : i32
        %dma_wait3A_190 = arith.constant 0 : i32
        %dma_wait3A_191 = tpu.memref_slice %arg9[%dma_wait3A_189, %dma_wait3A_190] : memref<320x256xf32, #tpu.memory_space<vmem>> -> memref<40x256xf32, #tpu.memory_space<vmem>>
        %dma_wait3A_192 = arith.constant 0 : i32
        %dma_wait3A_193 = arith.constant 0 : i32
        %dma_wait3A_194 = tpu.memref_slice %arg5[%dma_wait3A_192, %dma_wait3A_193] : memref<100000x256xf32, #tpu.memory_space<hbm>> -> memref<40x256xf32, #tpu.memory_space<hbm>>
        %dma_wait3A_195 = arith.constant 0 : i32
        %dma_wait3A_196 = arith.constant 0 : i32
        %dma_wait3A_197 = tpu.memref_slice %arg5[%dma_wait3A_195, %dma_wait3A_196] : memref<100000x256xf32, #tpu.memory_space<hbm>> -> memref<40x256xf32, #tpu.memory_space<hbm>>
        %dma_wait3A_198 = arith.constant 40 : i32
        %dma_wait3A_199 = arith.constant 0 : i32
        %dma_wait3A_200 = tpu.memref_slice %arg9[%dma_wait3A_198, %dma_wait3A_199] : memref<320x256xf32, #tpu.memory_space<vmem>> -> memref<40x256xf32, #tpu.memory_space<vmem>>
        tpu.wait_dma2 semaphore(%arg14 : memref<!tpu.dma_semaphore, #tpu.memory_space<semaphore_mem>>) src(%dma_wait3A_200 : memref<40x256xf32, #tpu.memory_space<vmem>>) dst(%dma_wait3A_197 : memref<40x256xf32, #tpu.memory_space<hbm>>)
        %dma_wait3A_201 = arith.constant 80 : i32
        %dma_wait3A_202 = arith.constant 0 : i32
        %dma_wait3A_203 = tpu.memref_slice %arg9[%dma_wait3A_201, %dma_wait3A_202] : memref<320x256xf32, #tpu.memory_space<vmem>> -> memref<40x256xf32, #tpu.memory_space<vmem>>
        %dma_wait3A_204 = arith.constant 0 : i32
        %dma_wait3A_205 = arith.constant 0 : i32
        %dma_wait3A_206 = tpu.memref_slice %arg5[%dma_wait3A_204, %dma_wait3A_205] : memref<100000x256xf32, #tpu.memory_space<hbm>> -> memref<40x256xf32, #tpu.memory_space<hbm>>
        %dma_wait3A_207 = arith.constant 0 : i32
        %dma_wait3A_208 = arith.constant 0 : i32
        %dma_wait3A_209 = tpu.memref_slice %arg5[%dma_wait3A_207, %dma_wait3A_208] : memref<100000x256xf32, #tpu.memory_space<hbm>> -> memref<40x256xf32, #tpu.memory_space<hbm>>
        %dma_wait3A_210 = arith.constant 80 : i32
        %dma_wait3A_211 = arith.constant 0 : i32
        %dma_wait3A_212 = tpu.memref_slice %arg9[%dma_wait3A_210, %dma_wait3A_211] : memref<320x256xf32, #tpu.memory_space<vmem>> -> memref<40x256xf32, #tpu.memory_space<vmem>>
        tpu.wait_dma2 semaphore(%arg14 : memref<!tpu.dma_semaphore, #tpu.memory_space<semaphore_mem>>) src(%dma_wait3A_212 : memref<40x256xf32, #tpu.memory_space<vmem>>) dst(%dma_wait3A_209 : memref<40x256xf32, #tpu.memory_space<hbm>>)
        %dma_wait3A_213 = arith.constant 120 : i32
        %dma_wait3A_214 = arith.constant 0 : i32
        %dma_wait3A_215 = tpu.memref_slice %arg9[%dma_wait3A_213, %dma_wait3A_214] : memref<320x256xf32, #tpu.memory_space<vmem>> -> memref<40x256xf32, #tpu.memory_space<vmem>>
        %dma_wait3A_216 = arith.constant 0 : i32
        %dma_wait3A_217 = arith.constant 0 : i32
        %dma_wait3A_218 = tpu.memref_slice %arg5[%dma_wait3A_216, %dma_wait3A_217] : memref<100000x256xf32, #tpu.memory_space<hbm>> -> memref<40x256xf32, #tpu.memory_space<hbm>>
        %dma_wait3A_219 = arith.constant 0 : i32
        %dma_wait3A_220 = arith.constant 0 : i32
        %dma_wait3A_221 = tpu.memref_slice %arg5[%dma_wait3A_219, %dma_wait3A_220] : memref<100000x256xf32, #tpu.memory_space<hbm>> -> memref<40x256xf32, #tpu.memory_space<hbm>>
        %dma_wait3A_222 = arith.constant 120 : i32
        %dma_wait3A_223 = arith.constant 0 : i32
        %dma_wait3A_224 = tpu.memref_slice %arg9[%dma_wait3A_222, %dma_wait3A_223] : memref<320x256xf32, #tpu.memory_space<vmem>> -> memref<40x256xf32, #tpu.memory_space<vmem>>
        tpu.wait_dma2 semaphore(%arg14 : memref<!tpu.dma_semaphore, #tpu.memory_space<semaphore_mem>>) src(%dma_wait3A_224 : memref<40x256xf32, #tpu.memory_space<vmem>>) dst(%dma_wait3A_221 : memref<40x256xf32, #tpu.memory_space<hbm>>)
      } else {
      }
      %add3A_154 = arith.constant 1 : i32
      %add3A_155 = arith.addi %add3A_148, %add3A_154 : i32
      %le3A_156 = arith.constant 19 : i32
      %le3A_157 = arith.cmpi sle, %add3A_155, %le3A_156 : i32
      %lt3A_158 = arith.constant 19 : i32
      %lt3A_159 = arith.cmpi slt, %add3A_155, %lt3A_158 : i32
      %lt3A_160 = arith.constant 17 : i32
      %lt3A_161 = arith.cmpi slt, %add3A, %lt3A_160 : i32
      %or3A_162 = arith.ori %lt3A_159, %lt3A_161 : i1
      %and3A_163 = arith.andi %le3A_157, %or3A_162 : i1
      %convert_element_type3A_164 = arith.extui %and3A_163 : i1 to i32
      %cond3A_165 = arith.constant 0 : i32
      %cond3A_166 = arith.cmpi ne, %convert_element_type3A_164, %cond3A_165 : i32
      scf.if %cond3A_166 {
        %add3A_178 = arith.constant 1 : i32
        %add3A_179 = arith.addi %add3A_148, %add3A_178 : i32
        %lt3A_180 = arith.constant 19 : i32
        %lt3A_181 = arith.cmpi slt, %add3A_179, %lt3A_180 : i32
        %mul3A_182 = arith.constant 19 : i32
        %mul3A_183 = arith.muli %add3A, %mul3A_182 : i32
        %add3A_184 = arith.addi %mul3A_183, %add3A_179 : i32
        %add3A_185 = arith.constant 608 : i32
        %add3A_186 = arith.addi %add3A_185, %add3A : i32
        %select_n3A_187 = arith.select %lt3A_181, %add3A_184, %add3A_186 : i32
        %mul3A_188 = arith.constant 160 : i32
        %mul3A_189 = arith.muli %select_n3A_187, %mul3A_188 : i32
        %add3A_190 = arith.constant 0 : i32
        %add3A_191 = arith.addi %mul3A_189, %add3A_190 : i32
        %dma_start3A_192 = arith.constant 0 : i32
        %dma_start3A_193 = arith.constant 0 : i32
        %dma_start3A_194 = tpu.memref_slice %arg9[%dma_start3A_192, %dma_start3A_193] : memref<320x256xf32, #tpu.memory_space<vmem>> -> memref<40x256xf32, #tpu.memory_space<vmem>>
        %dma_start3A_195 = arith.constant 0 : i32
        %dma_start3A_196 = tpu.memref_slice %arg2[%add3A_191, %dma_start3A_195] : memref<100000x256xf32, #tpu.memory_space<hbm>> -> memref<40x256xf32, #tpu.memory_space<hbm>>
        %dma_start3A_197 = arith.constant 0 : i32
        %dma_start3A_198 = arith.constant 0 : i32
        %dma_start3A_199 = tpu.memref_slice %arg9[%dma_start3A_197, %dma_start3A_198] : memref<320x256xf32, #tpu.memory_space<vmem>> -> memref<40x256xf32, #tpu.memory_space<vmem>>
        %dma_start3A_200 = arith.constant 0 : i32
        %dma_start3A_201 = tpu.memref_slice %arg2[%add3A_191, %dma_start3A_200] : memref<100000x256xf32, #tpu.memory_space<hbm>> -> memref<40x256xf32, #tpu.memory_space<hbm>>
        tpu.enqueue_dma source(%dma_start3A_201 : memref<40x256xf32, #tpu.memory_space<hbm>>) target(%dma_start3A_199 : memref<40x256xf32, #tpu.memory_space<vmem>>) target_semaphore(%arg12 : memref<!tpu.dma_semaphore, #tpu.memory_space<semaphore_mem>>)
        %lt3A_202 = arith.constant 19 : i32
        %lt3A_203 = arith.cmpi slt, %add3A_179, %lt3A_202 : i32
        %mul3A_204 = arith.constant 19 : i32
        %mul3A_205 = arith.muli %add3A, %mul3A_204 : i32
        %add3A_206 = arith.addi %mul3A_205, %add3A_179 : i32
        %add3A_207 = arith.constant 608 : i32
        %add3A_208 = arith.addi %add3A_207, %add3A : i32
        %select_n3A_209 = arith.select %lt3A_203, %add3A_206, %add3A_208 : i32
        %mul3A_210 = arith.constant 160 : i32
        %mul3A_211 = arith.muli %select_n3A_209, %mul3A_210 : i32
        %add3A_212 = arith.constant 40 : i32
        %add3A_213 = arith.addi %mul3A_211, %add3A_212 : i32
        %dma_start3A_214 = arith.constant 40 : i32
        %dma_start3A_215 = arith.constant 0 : i32
        %dma_start3A_216 = tpu.memref_slice %arg9[%dma_start3A_214, %dma_start3A_215] : memref<320x256xf32, #tpu.memory_space<vmem>> -> memref<40x256xf32, #tpu.memory_space<vmem>>
        %dma_start3A_217 = arith.constant 0 : i32
        %dma_start3A_218 = tpu.memref_slice %arg2[%add3A_213, %dma_start3A_217] : memref<100000x256xf32, #tpu.memory_space<hbm>> -> memref<40x256xf32, #tpu.memory_space<hbm>>
        %dma_start3A_219 = arith.constant 40 : i32
        %dma_start3A_220 = arith.constant 0 : i32
        %dma_start3A_221 = tpu.memref_slice %arg9[%dma_start3A_219, %dma_start3A_220] : memref<320x256xf32, #tpu.memory_space<vmem>> -> memref<40x256xf32, #tpu.memory_space<vmem>>
        %dma_start3A_222 = arith.constant 0 : i32
        %dma_start3A_223 = tpu.memref_slice %arg2[%add3A_213, %dma_start3A_222] : memref<100000x256xf32, #tpu.memory_space<hbm>> -> memref<40x256xf32, #tpu.memory_space<hbm>>
        tpu.enqueue_dma source(%dma_start3A_223 : memref<40x256xf32, #tpu.memory_space<hbm>>) target(%dma_start3A_221 : memref<40x256xf32, #tpu.memory_space<vmem>>) target_semaphore(%arg12 : memref<!tpu.dma_semaphore, #tpu.memory_space<semaphore_mem>>)
        %lt3A_224 = arith.constant 19 : i32
        %lt3A_225 = arith.cmpi slt, %add3A_179, %lt3A_224 : i32
        %mul3A_226 = arith.constant 19 : i32
        %mul3A_227 = arith.muli %add3A, %mul3A_226 : i32
        %add3A_228 = arith.addi %mul3A_227, %add3A_179 : i32
        %add3A_229 = arith.constant 608 : i32
        %add3A_230 = arith.addi %add3A_229, %add3A : i32
        %select_n3A_231 = arith.select %lt3A_225, %add3A_228, %add3A_230 : i32
        %mul3A_232 = arith.constant 160 : i32
        %mul3A_233 = arith.muli %select_n3A_231, %mul3A_232 : i32
        %add3A_234 = arith.constant 80 : i32
        %add3A_235 = arith.addi %mul3A_233, %add3A_234 : i32
        %dma_start3A_236 = arith.constant 80 : i32
        %dma_start3A_237 = arith.constant 0 : i32
        %dma_start3A_238 = tpu.memref_slice %arg9[%dma_start3A_236, %dma_start3A_237] : memref<320x256xf32, #tpu.memory_space<vmem>> -> memref<40x256xf32, #tpu.memory_space<vmem>>
        %dma_start3A_239 = arith.constant 0 : i32
        %dma_start3A_240 = tpu.memref_slice %arg2[%add3A_235, %dma_start3A_239] : memref<100000x256xf32, #tpu.memory_space<hbm>> -> memref<40x256xf32, #tpu.memory_space<hbm>>
        %dma_start3A_241 = arith.constant 80 : i32
        %dma_start3A_242 = arith.constant 0 : i32
        %dma_start3A_243 = tpu.memref_slice %arg9[%dma_start3A_241, %dma_start3A_242] : memref<320x256xf32, #tpu.memory_space<vmem>> -> memref<40x256xf32, #tpu.memory_space<vmem>>
        %dma_start3A_244 = arith.constant 0 : i32
        %dma_start3A_245 = tpu.memref_slice %arg2[%add3A_235, %dma_start3A_244] : memref<100000x256xf32, #tpu.memory_space<hbm>> -> memref<40x256xf32, #tpu.memory_space<hbm>>
        tpu.enqueue_dma source(%dma_start3A_245 : memref<40x256xf32, #tpu.memory_space<hbm>>) target(%dma_start3A_243 : memref<40x256xf32, #tpu.memory_space<vmem>>) target_semaphore(%arg12 : memref<!tpu.dma_semaphore, #tpu.memory_space<semaphore_mem>>)
        %lt3A_246 = arith.constant 19 : i32
        %lt3A_247 = arith.cmpi slt, %add3A_179, %lt3A_246 : i32
        %mul3A_248 = arith.constant 19 : i32
        %mul3A_249 = arith.muli %add3A, %mul3A_248 : i32
        %add3A_250 = arith.addi %mul3A_249, %add3A_179 : i32
        %add3A_251 = arith.constant 608 : i32
        %add3A_252 = arith.addi %add3A_251, %add3A : i32
        %select_n3A_253 = arith.select %lt3A_247, %add3A_250, %add3A_252 : i32
        %mul3A_254 = arith.constant 160 : i32
        %mul3A_255 = arith.muli %select_n3A_253, %mul3A_254 : i32
        %add3A_256 = arith.constant 120 : i32
        %add3A_257 = arith.addi %mul3A_255, %add3A_256 : i32
        %dma_start3A_258 = arith.constant 120 : i32
        %dma_start3A_259 = arith.constant 0 : i32
        %dma_start3A_260 = tpu.memref_slice %arg9[%dma_start3A_258, %dma_start3A_259] : memref<320x256xf32, #tpu.memory_space<vmem>> -> memref<40x256xf32, #tpu.memory_space<vmem>>
        %dma_start3A_261 = arith.constant 0 : i32
        %dma_start3A_262 = tpu.memref_slice %arg2[%add3A_257, %dma_start3A_261] : memref<100000x256xf32, #tpu.memory_space<hbm>> -> memref<40x256xf32, #tpu.memory_space<hbm>>
        %dma_start3A_263 = arith.constant 120 : i32
        %dma_start3A_264 = arith.constant 0 : i32
        %dma_start3A_265 = tpu.memref_slice %arg9[%dma_start3A_263, %dma_start3A_264] : memref<320x256xf32, #tpu.memory_space<vmem>> -> memref<40x256xf32, #tpu.memory_space<vmem>>
        %dma_start3A_266 = arith.constant 0 : i32
        %dma_start3A_267 = tpu.memref_slice %arg2[%add3A_257, %dma_start3A_266] : memref<100000x256xf32, #tpu.memory_space<hbm>> -> memref<40x256xf32, #tpu.memory_space<hbm>>
        tpu.enqueue_dma source(%dma_start3A_267 : memref<40x256xf32, #tpu.memory_space<hbm>>) target(%dma_start3A_265 : memref<40x256xf32, #tpu.memory_space<vmem>>) target_semaphore(%arg12 : memref<!tpu.dma_semaphore, #tpu.memory_space<semaphore_mem>>)
      } else {
      }
      %le3A_167 = arith.constant 19 : i32
      %le3A_168 = arith.cmpi sle, %add3A_148, %le3A_167 : i32
      %lt3A_169 = arith.constant 19 : i32
      %lt3A_170 = arith.cmpi slt, %add3A_148, %lt3A_169 : i32
      %lt3A_171 = arith.constant 17 : i32
      %lt3A_172 = arith.cmpi slt, %add3A, %lt3A_171 : i32
      %or3A_173 = arith.ori %lt3A_170, %lt3A_172 : i1
      %and3A_174 = arith.andi %le3A_168, %or3A_173 : i1
      %convert_element_type3A_175 = arith.extui %and3A_174 : i1 to i32
      %cond3A_176 = arith.constant 0 : i32
      %cond3A_177 = arith.cmpi ne, %convert_element_type3A_175, %cond3A_176 : i32
      scf.if %cond3A_177 {
        %dma_wait3A = arith.constant 160 : i32
        %dma_wait3A_178 = arith.constant 0 : i32
        %dma_wait3A_179 = tpu.memref_slice %arg9[%dma_wait3A, %dma_wait3A_178] : memref<320x256xf32, #tpu.memory_space<vmem>> -> memref<40x256xf32, #tpu.memory_space<vmem>>
        %dma_wait3A_180 = arith.constant 0 : i32
        %dma_wait3A_181 = arith.constant 0 : i32
        %dma_wait3A_182 = tpu.memref_slice %arg2[%dma_wait3A_180, %dma_wait3A_181] : memref<100000x256xf32, #tpu.memory_space<hbm>> -> memref<40x256xf32, #tpu.memory_space<hbm>>
        %dma_wait3A_183 = arith.constant 160 : i32
        %dma_wait3A_184 = arith.constant 0 : i32
        %dma_wait3A_185 = tpu.memref_slice %arg9[%dma_wait3A_183, %dma_wait3A_184] : memref<320x256xf32, #tpu.memory_space<vmem>> -> memref<40x256xf32, #tpu.memory_space<vmem>>
        %dma_wait3A_186 = arith.constant 0 : i32
        %dma_wait3A_187 = arith.constant 0 : i32
        %dma_wait3A_188 = tpu.memref_slice %arg2[%dma_wait3A_186, %dma_wait3A_187] : memref<100000x256xf32, #tpu.memory_space<hbm>> -> memref<40x256xf32, #tpu.memory_space<hbm>>
        tpu.wait_dma2 semaphore(%arg13 : memref<!tpu.dma_semaphore, #tpu.memory_space<semaphore_mem>>) src(%dma_wait3A_188 : memref<40x256xf32, #tpu.memory_space<hbm>>) dst(%dma_wait3A_185 : memref<40x256xf32, #tpu.memory_space<vmem>>)
        %dma_wait3A_189 = arith.constant 200 : i32
        %dma_wait3A_190 = arith.constant 0 : i32
        %dma_wait3A_191 = tpu.memref_slice %arg9[%dma_wait3A_189, %dma_wait3A_190] : memref<320x256xf32, #tpu.memory_space<vmem>> -> memref<40x256xf32, #tpu.memory_space<vmem>>
        %dma_wait3A_192 = arith.constant 0 : i32
        %dma_wait3A_193 = arith.constant 0 : i32
        %dma_wait3A_194 = tpu.memref_slice %arg2[%dma_wait3A_192, %dma_wait3A_193] : memref<100000x256xf32, #tpu.memory_space<hbm>> -> memref<40x256xf32, #tpu.memory_space<hbm>>
        %dma_wait3A_195 = arith.constant 200 : i32
        %dma_wait3A_196 = arith.constant 0 : i32
        %dma_wait3A_197 = tpu.memref_slice %arg9[%dma_wait3A_195, %dma_wait3A_196] : memref<320x256xf32, #tpu.memory_space<vmem>> -> memref<40x256xf32, #tpu.memory_space<vmem>>
        %dma_wait3A_198 = arith.constant 0 : i32
        %dma_wait3A_199 = arith.constant 0 : i32
        %dma_wait3A_200 = tpu.memref_slice %arg2[%dma_wait3A_198, %dma_wait3A_199] : memref<100000x256xf32, #tpu.memory_space<hbm>> -> memref<40x256xf32, #tpu.memory_space<hbm>>
        tpu.wait_dma2 semaphore(%arg13 : memref<!tpu.dma_semaphore, #tpu.memory_space<semaphore_mem>>) src(%dma_wait3A_200 : memref<40x256xf32, #tpu.memory_space<hbm>>) dst(%dma_wait3A_197 : memref<40x256xf32, #tpu.memory_space<vmem>>)
        %dma_wait3A_201 = arith.constant 240 : i32
        %dma_wait3A_202 = arith.constant 0 : i32
        %dma_wait3A_203 = tpu.memref_slice %arg9[%dma_wait3A_201, %dma_wait3A_202] : memref<320x256xf32, #tpu.memory_space<vmem>> -> memref<40x256xf32, #tpu.memory_space<vmem>>
        %dma_wait3A_204 = arith.constant 0 : i32
        %dma_wait3A_205 = arith.constant 0 : i32
        %dma_wait3A_206 = tpu.memref_slice %arg2[%dma_wait3A_204, %dma_wait3A_205] : memref<100000x256xf32, #tpu.memory_space<hbm>> -> memref<40x256xf32, #tpu.memory_space<hbm>>
        %dma_wait3A_207 = arith.constant 240 : i32
        %dma_wait3A_208 = arith.constant 0 : i32
        %dma_wait3A_209 = tpu.memref_slice %arg9[%dma_wait3A_207, %dma_wait3A_208] : memref<320x256xf32, #tpu.memory_space<vmem>> -> memref<40x256xf32, #tpu.memory_space<vmem>>
        %dma_wait3A_210 = arith.constant 0 : i32
        %dma_wait3A_211 = arith.constant 0 : i32
        %dma_wait3A_212 = tpu.memref_slice %arg2[%dma_wait3A_210, %dma_wait3A_211] : memref<100000x256xf32, #tpu.memory_space<hbm>> -> memref<40x256xf32, #tpu.memory_space<hbm>>
        tpu.wait_dma2 semaphore(%arg13 : memref<!tpu.dma_semaphore, #tpu.memory_space<semaphore_mem>>) src(%dma_wait3A_212 : memref<40x256xf32, #tpu.memory_space<hbm>>) dst(%dma_wait3A_209 : memref<40x256xf32, #tpu.memory_space<vmem>>)
        %dma_wait3A_213 = arith.constant 280 : i32
        %dma_wait3A_214 = arith.constant 0 : i32
        %dma_wait3A_215 = tpu.memref_slice %arg9[%dma_wait3A_213, %dma_wait3A_214] : memref<320x256xf32, #tpu.memory_space<vmem>> -> memref<40x256xf32, #tpu.memory_space<vmem>>
        %dma_wait3A_216 = arith.constant 0 : i32
        %dma_wait3A_217 = arith.constant 0 : i32
        %dma_wait3A_218 = tpu.memref_slice %arg2[%dma_wait3A_216, %dma_wait3A_217] : memref<100000x256xf32, #tpu.memory_space<hbm>> -> memref<40x256xf32, #tpu.memory_space<hbm>>
        %dma_wait3A_219 = arith.constant 280 : i32
        %dma_wait3A_220 = arith.constant 0 : i32
        %dma_wait3A_221 = tpu.memref_slice %arg9[%dma_wait3A_219, %dma_wait3A_220] : memref<320x256xf32, #tpu.memory_space<vmem>> -> memref<40x256xf32, #tpu.memory_space<vmem>>
        %dma_wait3A_222 = arith.constant 0 : i32
        %dma_wait3A_223 = arith.constant 0 : i32
        %dma_wait3A_224 = tpu.memref_slice %arg2[%dma_wait3A_222, %dma_wait3A_223] : memref<100000x256xf32, #tpu.memory_space<hbm>> -> memref<40x256xf32, #tpu.memory_space<hbm>>
        tpu.wait_dma2 semaphore(%arg13 : memref<!tpu.dma_semaphore, #tpu.memory_space<semaphore_mem>>) src(%dma_wait3A_224 : memref<40x256xf32, #tpu.memory_space<hbm>>) dst(%dma_wait3A_221 : memref<40x256xf32, #tpu.memory_space<vmem>>)
        %dma_wait3A_225 = arith.constant 0 : i32
        %dma_wait3A_226 = tpu.memref_slice %arg3[%dma_wait3A_225] : memref<100000xi32, #tpu.memory_space<hbm>> -> memref<160xi32, #tpu.memory_space<hbm>>
        %dma_wait3A_227 = arith.constant 0 : i32
        %dma_wait3A_228 = tpu.memref_slice %arg3[%dma_wait3A_227] : memref<100000xi32, #tpu.memory_space<hbm>> -> memref<160xi32, #tpu.memory_space<hbm>>
        tpu.wait_dma2 semaphore(%arg11 : memref<!tpu.dma_semaphore, #tpu.memory_space<semaphore_mem>>) src(%dma_wait3A_228 : memref<160xi32, #tpu.memory_space<hbm>>) dst(%arg8 : memref<160xi32, #tpu.memory_space<vmem>>)
        %parallel_loop3A = arith.constant 0 : i32
        %parallel_loop3A_229 = arith.constant 40 : i32
        %parallel_loop3A_230 = arith.constant 1 : i32
        scf.for %parallel_loop3A_341 = %parallel_loop3A to %parallel_loop3A_229 step %parallel_loop3A_230  : i32 {
          %parallel_loop3A_342 = vector.broadcast %parallel_loop3A_341 : i32 to vector<16xi32>
          %parallel_loop3A_343 = arith.constant 0 : i32
          %parallel_loop3A_344 = vector.broadcast %parallel_loop3A_343 : i32 to vector<16xi32>
          %parallel_loop3A_345 = arith.addi %parallel_loop3A_342, %parallel_loop3A_344 : vector<16xi32>
          %parallel_loop3A_346 = tpu.vector_load_idx %arg8[%parallel_loop3A_345] : memref<160xi32, #tpu.memory_space<vmem>>[vector<16xi32>], vector<16xi32>,
          %parallel_loop3A_347 = tpu.iota {dimensions = array<i32: 0>} : vector<16xi32>
          %parallel_loop3A_348 = arith.constant 0 : i32
          %parallel_loop3A_349 = vector.broadcast %parallel_loop3A_348 : i32 to vector<16xi32>
          %parallel_loop3A_350 = arith.addi %parallel_loop3A_347, %parallel_loop3A_349 : vector<16xi32>
          %parallel_loop3A_351 = tpu.vector_load_idx %arg6[%parallel_loop3A_346, %parallel_loop3A_350] : memref<150x256xf32, #tpu.memory_space<vmem>>[vector<16xi32>, vector<16xi32>], vector<16xf32>,
          %parallel_loop3A_352 = arith.constant 160 : i32
          %parallel_loop3A_353 = vector.broadcast %parallel_loop3A_352 : i32 to vector<16xi32>
          %parallel_loop3A_354 = arith.addi %parallel_loop3A_342, %parallel_loop3A_353 : vector<16xi32>
          tpu.vector_store_idx %arg9[%parallel_loop3A_354, %parallel_loop3A_350], %parallel_loop3A_351 {add = true} : memref<320x256xf32, #tpu.memory_space<vmem>>[vector<16xi32>, vector<16xi32>], vector<16xf32>,
          %parallel_loop3A_355 = tpu.iota {dimensions = array<i32: 0>} : vector<16xi32>
          %parallel_loop3A_356 = arith.constant 16 : i32
          %parallel_loop3A_357 = vector.broadcast %parallel_loop3A_356 : i32 to vector<16xi32>
          %parallel_loop3A_358 = arith.addi %parallel_loop3A_355, %parallel_loop3A_357 : vector<16xi32>
          %parallel_loop3A_359 = tpu.vector_load_idx %arg6[%parallel_loop3A_346, %parallel_loop3A_358] : memref<150x256xf32, #tpu.memory_space<vmem>>[vector<16xi32>, vector<16xi32>], vector<16xf32>,
          %parallel_loop3A_360 = arith.constant 160 : i32
          %parallel_loop3A_361 = vector.broadcast %parallel_loop3A_360 : i32 to vector<16xi32>
          %parallel_loop3A_362 = arith.addi %parallel_loop3A_342, %parallel_loop3A_361 : vector<16xi32>
          tpu.vector_store_idx %arg9[%parallel_loop3A_362, %parallel_loop3A_358], %parallel_loop3A_359 {add = true} : memref<320x256xf32, #tpu.memory_space<vmem>>[vector<16xi32>, vector<16xi32>], vector<16xf32>,
          %parallel_loop3A_363 = tpu.iota {dimensions = array<i32: 0>} : vector<16xi32>
          %parallel_loop3A_364 = arith.constant 32 : i32
          %parallel_loop3A_365 = vector.broadcast %parallel_loop3A_364 : i32 to vector<16xi32>
          %parallel_loop3A_366 = arith.addi %parallel_loop3A_363, %parallel_loop3A_365 : vector<16xi32>
          %parallel_loop3A_367 = tpu.vector_load_idx %arg6[%parallel_loop3A_346, %parallel_loop3A_366] : memref<150x256xf32, #tpu.memory_space<vmem>>[vector<16xi32>, vector<16xi32>], vector<16xf32>,
          %parallel_loop3A_368 = arith.constant 160 : i32
          %parallel_loop3A_369 = vector.broadcast %parallel_loop3A_368 : i32 to vector<16xi32>
          %parallel_loop3A_370 = arith.addi %parallel_loop3A_342, %parallel_loop3A_369 : vector<16xi32>
          tpu.vector_store_idx %arg9[%parallel_loop3A_370, %parallel_loop3A_366], %parallel_loop3A_367 {add = true} : memref<320x256xf32, #tpu.memory_space<vmem>>[vector<16xi32>, vector<16xi32>], vector<16xf32>,
          %parallel_loop3A_371 = tpu.iota {dimensions = array<i32: 0>} : vector<16xi32>
          %parallel_loop3A_372 = arith.constant 48 : i32
          %parallel_loop3A_373 = vector.broadcast %parallel_loop3A_372 : i32 to vector<16xi32>
          %parallel_loop3A_374 = arith.addi %parallel_loop3A_371, %parallel_loop3A_373 : vector<16xi32>
          %parallel_loop3A_375 = tpu.vector_load_idx %arg6[%parallel_loop3A_346, %parallel_loop3A_374] : memref<150x256xf32, #tpu.memory_space<vmem>>[vector<16xi32>, vector<16xi32>], vector<16xf32>,
          %parallel_loop3A_376 = arith.constant 160 : i32
          %parallel_loop3A_377 = vector.broadcast %parallel_loop3A_376 : i32 to vector<16xi32>
          %parallel_loop3A_378 = arith.addi %parallel_loop3A_342, %parallel_loop3A_377 : vector<16xi32>
          tpu.vector_store_idx %arg9[%parallel_loop3A_378, %parallel_loop3A_374], %parallel_loop3A_375 {add = true} : memref<320x256xf32, #tpu.memory_space<vmem>>[vector<16xi32>, vector<16xi32>], vector<16xf32>,
          %parallel_loop3A_379 = tpu.iota {dimensions = array<i32: 0>} : vector<16xi32>
          %parallel_loop3A_380 = arith.constant 64 : i32
          %parallel_loop3A_381 = vector.broadcast %parallel_loop3A_380 : i32 to vector<16xi32>
          %parallel_loop3A_382 = arith.addi %parallel_loop3A_379, %parallel_loop3A_381 : vector<16xi32>
          %parallel_loop3A_383 = tpu.vector_load_idx %arg6[%parallel_loop3A_346, %parallel_loop3A_382] : memref<150x256xf32, #tpu.memory_space<vmem>>[vector<16xi32>, vector<16xi32>], vector<16xf32>,
          %parallel_loop3A_384 = arith.constant 160 : i32
          %parallel_loop3A_385 = vector.broadcast %parallel_loop3A_384 : i32 to vector<16xi32>
          %parallel_loop3A_386 = arith.addi %parallel_loop3A_342, %parallel_loop3A_385 : vector<16xi32>
          tpu.vector_store_idx %arg9[%parallel_loop3A_386, %parallel_loop3A_382], %parallel_loop3A_383 {add = true} : memref<320x256xf32, #tpu.memory_space<vmem>>[vector<16xi32>, vector<16xi32>], vector<16xf32>,
          %parallel_loop3A_387 = tpu.iota {dimensions = array<i32: 0>} : vector<16xi32>
          %parallel_loop3A_388 = arith.constant 80 : i32
          %parallel_loop3A_389 = vector.broadcast %parallel_loop3A_388 : i32 to vector<16xi32>
          %parallel_loop3A_390 = arith.addi %parallel_loop3A_387, %parallel_loop3A_389 : vector<16xi32>
          %parallel_loop3A_391 = tpu.vector_load_idx %arg6[%parallel_loop3A_346, %parallel_loop3A_390] : memref<150x256xf32, #tpu.memory_space<vmem>>[vector<16xi32>, vector<16xi32>], vector<16xf32>,
          %parallel_loop3A_392 = arith.constant 160 : i32
          %parallel_loop3A_393 = vector.broadcast %parallel_loop3A_392 : i32 to vector<16xi32>
          %parallel_loop3A_394 = arith.addi %parallel_loop3A_342, %parallel_loop3A_393 : vector<16xi32>
          tpu.vector_store_idx %arg9[%parallel_loop3A_394, %parallel_loop3A_390], %parallel_loop3A_391 {add = true} : memref<320x256xf32, #tpu.memory_space<vmem>>[vector<16xi32>, vector<16xi32>], vector<16xf32>,
          %parallel_loop3A_395 = tpu.iota {dimensions = array<i32: 0>} : vector<16xi32>
          %parallel_loop3A_396 = arith.constant 96 : i32
          %parallel_loop3A_397 = vector.broadcast %parallel_loop3A_396 : i32 to vector<16xi32>
          %parallel_loop3A_398 = arith.addi %parallel_loop3A_395, %parallel_loop3A_397 : vector<16xi32>
          %parallel_loop3A_399 = tpu.vector_load_idx %arg6[%parallel_loop3A_346, %parallel_loop3A_398] : memref<150x256xf32, #tpu.memory_space<vmem>>[vector<16xi32>, vector<16xi32>], vector<16xf32>,
          %parallel_loop3A_400 = arith.constant 160 : i32
          %parallel_loop3A_401 = vector.broadcast %parallel_loop3A_400 : i32 to vector<16xi32>
          %parallel_loop3A_402 = arith.addi %parallel_loop3A_342, %parallel_loop3A_401 : vector<16xi32>
          tpu.vector_store_idx %arg9[%parallel_loop3A_402, %parallel_loop3A_398], %parallel_loop3A_399 {add = true} : memref<320x256xf32, #tpu.memory_space<vmem>>[vector<16xi32>, vector<16xi32>], vector<16xf32>,
          %parallel_loop3A_403 = tpu.iota {dimensions = array<i32: 0>} : vector<16xi32>
          %parallel_loop3A_404 = arith.constant 112 : i32
          %parallel_loop3A_405 = vector.broadcast %parallel_loop3A_404 : i32 to vector<16xi32>
          %parallel_loop3A_406 = arith.addi %parallel_loop3A_403, %parallel_loop3A_405 : vector<16xi32>
          %parallel_loop3A_407 = tpu.vector_load_idx %arg6[%parallel_loop3A_346, %parallel_loop3A_406] : memref<150x256xf32, #tpu.memory_space<vmem>>[vector<16xi32>, vector<16xi32>], vector<16xf32>,
          %parallel_loop3A_408 = arith.constant 160 : i32
          %parallel_loop3A_409 = vector.broadcast %parallel_loop3A_408 : i32 to vector<16xi32>
          %parallel_loop3A_410 = arith.addi %parallel_loop3A_342, %parallel_loop3A_409 : vector<16xi32>
          tpu.vector_store_idx %arg9[%parallel_loop3A_410, %parallel_loop3A_406], %parallel_loop3A_407 {add = true} : memref<320x256xf32, #tpu.memory_space<vmem>>[vector<16xi32>, vector<16xi32>], vector<16xf32>,
          %parallel_loop3A_411 = tpu.iota {dimensions = array<i32: 0>} : vector<16xi32>
          %parallel_loop3A_412 = arith.constant 128 : i32
          %parallel_loop3A_413 = vector.broadcast %parallel_loop3A_412 : i32 to vector<16xi32>
          %parallel_loop3A_414 = arith.addi %parallel_loop3A_411, %parallel_loop3A_413 : vector<16xi32>
          %parallel_loop3A_415 = tpu.vector_load_idx %arg6[%parallel_loop3A_346, %parallel_loop3A_414] : memref<150x256xf32, #tpu.memory_space<vmem>>[vector<16xi32>, vector<16xi32>], vector<16xf32>,
          %parallel_loop3A_416 = arith.constant 160 : i32
          %parallel_loop3A_417 = vector.broadcast %parallel_loop3A_416 : i32 to vector<16xi32>
          %parallel_loop3A_418 = arith.addi %parallel_loop3A_342, %parallel_loop3A_417 : vector<16xi32>
          tpu.vector_store_idx %arg9[%parallel_loop3A_418, %parallel_loop3A_414], %parallel_loop3A_415 {add = true} : memref<320x256xf32, #tpu.memory_space<vmem>>[vector<16xi32>, vector<16xi32>], vector<16xf32>,
          %parallel_loop3A_419 = tpu.iota {dimensions = array<i32: 0>} : vector<16xi32>
          %parallel_loop3A_420 = arith.constant 144 : i32
          %parallel_loop3A_421 = vector.broadcast %parallel_loop3A_420 : i32 to vector<16xi32>
          %parallel_loop3A_422 = arith.addi %parallel_loop3A_419, %parallel_loop3A_421 : vector<16xi32>
          %parallel_loop3A_423 = tpu.vector_load_idx %arg6[%parallel_loop3A_346, %parallel_loop3A_422] : memref<150x256xf32, #tpu.memory_space<vmem>>[vector<16xi32>, vector<16xi32>], vector<16xf32>,
          %parallel_loop3A_424 = arith.constant 160 : i32
          %parallel_loop3A_425 = vector.broadcast %parallel_loop3A_424 : i32 to vector<16xi32>
          %parallel_loop3A_426 = arith.addi %parallel_loop3A_342, %parallel_loop3A_425 : vector<16xi32>
          tpu.vector_store_idx %arg9[%parallel_loop3A_426, %parallel_loop3A_422], %parallel_loop3A_423 {add = true} : memref<320x256xf32, #tpu.memory_space<vmem>>[vector<16xi32>, vector<16xi32>], vector<16xf32>,
          %parallel_loop3A_427 = tpu.iota {dimensions = array<i32: 0>} : vector<16xi32>
          %parallel_loop3A_428 = arith.constant 160 : i32
          %parallel_loop3A_429 = vector.broadcast %parallel_loop3A_428 : i32 to vector<16xi32>
          %parallel_loop3A_430 = arith.addi %parallel_loop3A_427, %parallel_loop3A_429 : vector<16xi32>
          %parallel_loop3A_431 = tpu.vector_load_idx %arg6[%parallel_loop3A_346, %parallel_loop3A_430] : memref<150x256xf32, #tpu.memory_space<vmem>>[vector<16xi32>, vector<16xi32>], vector<16xf32>,
          %parallel_loop3A_432 = arith.constant 160 : i32
          %parallel_loop3A_433 = vector.broadcast %parallel_loop3A_432 : i32 to vector<16xi32>
          %parallel_loop3A_434 = arith.addi %parallel_loop3A_342, %parallel_loop3A_433 : vector<16xi32>
          tpu.vector_store_idx %arg9[%parallel_loop3A_434, %parallel_loop3A_430], %parallel_loop3A_431 {add = true} : memref<320x256xf32, #tpu.memory_space<vmem>>[vector<16xi32>, vector<16xi32>], vector<16xf32>,
          %parallel_loop3A_435 = tpu.iota {dimensions = array<i32: 0>} : vector<16xi32>
          %parallel_loop3A_436 = arith.constant 176 : i32
          %parallel_loop3A_437 = vector.broadcast %parallel_loop3A_436 : i32 to vector<16xi32>
          %parallel_loop3A_438 = arith.addi %parallel_loop3A_435, %parallel_loop3A_437 : vector<16xi32>
          %parallel_loop3A_439 = tpu.vector_load_idx %arg6[%parallel_loop3A_346, %parallel_loop3A_438] : memref<150x256xf32, #tpu.memory_space<vmem>>[vector<16xi32>, vector<16xi32>], vector<16xf32>,
          %parallel_loop3A_440 = arith.constant 160 : i32
          %parallel_loop3A_441 = vector.broadcast %parallel_loop3A_440 : i32 to vector<16xi32>
          %parallel_loop3A_442 = arith.addi %parallel_loop3A_342, %parallel_loop3A_441 : vector<16xi32>
          tpu.vector_store_idx %arg9[%parallel_loop3A_442, %parallel_loop3A_438], %parallel_loop3A_439 {add = true} : memref<320x256xf32, #tpu.memory_space<vmem>>[vector<16xi32>, vector<16xi32>], vector<16xf32>,
          %parallel_loop3A_443 = tpu.iota {dimensions = array<i32: 0>} : vector<16xi32>
          %parallel_loop3A_444 = arith.constant 192 : i32
          %parallel_loop3A_445 = vector.broadcast %parallel_loop3A_444 : i32 to vector<16xi32>
          %parallel_loop3A_446 = arith.addi %parallel_loop3A_443, %parallel_loop3A_445 : vector<16xi32>
          %parallel_loop3A_447 = tpu.vector_load_idx %arg6[%parallel_loop3A_346, %parallel_loop3A_446] : memref<150x256xf32, #tpu.memory_space<vmem>>[vector<16xi32>, vector<16xi32>], vector<16xf32>,
          %parallel_loop3A_448 = arith.constant 160 : i32
          %parallel_loop3A_449 = vector.broadcast %parallel_loop3A_448 : i32 to vector<16xi32>
          %parallel_loop3A_450 = arith.addi %parallel_loop3A_342, %parallel_loop3A_449 : vector<16xi32>
          tpu.vector_store_idx %arg9[%parallel_loop3A_450, %parallel_loop3A_446], %parallel_loop3A_447 {add = true} : memref<320x256xf32, #tpu.memory_space<vmem>>[vector<16xi32>, vector<16xi32>], vector<16xf32>,
          %parallel_loop3A_451 = tpu.iota {dimensions = array<i32: 0>} : vector<16xi32>
          %parallel_loop3A_452 = arith.constant 208 : i32
          %parallel_loop3A_453 = vector.broadcast %parallel_loop3A_452 : i32 to vector<16xi32>
          %parallel_loop3A_454 = arith.addi %parallel_loop3A_451, %parallel_loop3A_453 : vector<16xi32>
          %parallel_loop3A_455 = tpu.vector_load_idx %arg6[%parallel_loop3A_346, %parallel_loop3A_454] : memref<150x256xf32, #tpu.memory_space<vmem>>[vector<16xi32>, vector<16xi32>], vector<16xf32>,
          %parallel_loop3A_456 = arith.constant 160 : i32
          %parallel_loop3A_457 = vector.broadcast %parallel_loop3A_456 : i32 to vector<16xi32>
          %parallel_loop3A_458 = arith.addi %parallel_loop3A_342, %parallel_loop3A_457 : vector<16xi32>
          tpu.vector_store_idx %arg9[%parallel_loop3A_458, %parallel_loop3A_454], %parallel_loop3A_455 {add = true} : memref<320x256xf32, #tpu.memory_space<vmem>>[vector<16xi32>, vector<16xi32>], vector<16xf32>,
          %parallel_loop3A_459 = tpu.iota {dimensions = array<i32: 0>} : vector<16xi32>
          %parallel_loop3A_460 = arith.constant 224 : i32
          %parallel_loop3A_461 = vector.broadcast %parallel_loop3A_460 : i32 to vector<16xi32>
          %parallel_loop3A_462 = arith.addi %parallel_loop3A_459, %parallel_loop3A_461 : vector<16xi32>
          %parallel_loop3A_463 = tpu.vector_load_idx %arg6[%parallel_loop3A_346, %parallel_loop3A_462] : memref<150x256xf32, #tpu.memory_space<vmem>>[vector<16xi32>, vector<16xi32>], vector<16xf32>,
          %parallel_loop3A_464 = arith.constant 160 : i32
          %parallel_loop3A_465 = vector.broadcast %parallel_loop3A_464 : i32 to vector<16xi32>
          %parallel_loop3A_466 = arith.addi %parallel_loop3A_342, %parallel_loop3A_465 : vector<16xi32>
          tpu.vector_store_idx %arg9[%parallel_loop3A_466, %parallel_loop3A_462], %parallel_loop3A_463 {add = true} : memref<320x256xf32, #tpu.memory_space<vmem>>[vector<16xi32>, vector<16xi32>], vector<16xf32>,
          %parallel_loop3A_467 = tpu.iota {dimensions = array<i32: 0>} : vector<16xi32>
          %parallel_loop3A_468 = arith.constant 240 : i32
          %parallel_loop3A_469 = vector.broadcast %parallel_loop3A_468 : i32 to vector<16xi32>
          %parallel_loop3A_470 = arith.addi %parallel_loop3A_467, %parallel_loop3A_469 : vector<16xi32>
          %parallel_loop3A_471 = tpu.vector_load_idx %arg6[%parallel_loop3A_346, %parallel_loop3A_470] : memref<150x256xf32, #tpu.memory_space<vmem>>[vector<16xi32>, vector<16xi32>], vector<16xf32>,
          %parallel_loop3A_472 = arith.constant 160 : i32
          %parallel_loop3A_473 = vector.broadcast %parallel_loop3A_472 : i32 to vector<16xi32>
          %parallel_loop3A_474 = arith.addi %parallel_loop3A_342, %parallel_loop3A_473 : vector<16xi32>
          tpu.vector_store_idx %arg9[%parallel_loop3A_474, %parallel_loop3A_470], %parallel_loop3A_471 {add = true} : memref<320x256xf32, #tpu.memory_space<vmem>>[vector<16xi32>, vector<16xi32>], vector<16xf32>,
        } {sc.loop_unroll_factor = 2 : i64, sc.parallel_access}
        %lt3A_231 = arith.constant 19 : i32
        %lt3A_232 = arith.cmpi slt, %add3A_148, %lt3A_231 : i32
        %mul3A_233 = arith.constant 19 : i32
        %mul3A_234 = arith.muli %add3A, %mul3A_233 : i32
        %add3A_235 = arith.addi %mul3A_234, %add3A_148 : i32
        %add3A_236 = arith.constant 608 : i32
        %add3A_237 = arith.addi %add3A_236, %add3A : i32
        %select_n3A_238 = arith.select %lt3A_232, %add3A_235, %add3A_237 : i32
        %mul3A_239 = arith.constant 160 : i32
        %mul3A_240 = arith.muli %select_n3A_238, %mul3A_239 : i32
        %add3A_241 = arith.constant 0 : i32
        %add3A_242 = arith.addi %mul3A_240, %add3A_241 : i32
        %dma_start3A_243 = arith.constant 160 : i32
        %dma_start3A_244 = arith.constant 0 : i32
        %dma_start3A_245 = tpu.memref_slice %arg9[%dma_start3A_243, %dma_start3A_244] : memref<320x256xf32, #tpu.memory_space<vmem>> -> memref<40x256xf32, #tpu.memory_space<vmem>>
        %dma_start3A_246 = arith.constant 0 : i32
        %dma_start3A_247 = tpu.memref_slice %arg5[%add3A_242, %dma_start3A_246] : memref<100000x256xf32, #tpu.memory_space<hbm>> -> memref<40x256xf32, #tpu.memory_space<hbm>>
        %dma_start3A_248 = arith.constant 0 : i32
        %dma_start3A_249 = tpu.memref_slice %arg5[%add3A_242, %dma_start3A_248] : memref<100000x256xf32, #tpu.memory_space<hbm>> -> memref<40x256xf32, #tpu.memory_space<hbm>>
        %dma_start3A_250 = arith.constant 160 : i32
        %dma_start3A_251 = arith.constant 0 : i32
        %dma_start3A_252 = tpu.memref_slice %arg9[%dma_start3A_250, %dma_start3A_251] : memref<320x256xf32, #tpu.memory_space<vmem>> -> memref<40x256xf32, #tpu.memory_space<vmem>>
        tpu.enqueue_dma source(%dma_start3A_252 : memref<40x256xf32, #tpu.memory_space<vmem>>) target(%dma_start3A_249 : memref<40x256xf32, #tpu.memory_space<hbm>>) target_semaphore(%arg15 : memref<!tpu.dma_semaphore, #tpu.memory_space<semaphore_mem>>)
        %parallel_loop3A_253 = arith.constant 0 : i32
        %parallel_loop3A_254 = arith.constant 40 : i32
        %parallel_loop3A_255 = arith.constant 1 : i32
        scf.for %parallel_loop3A_341 = %parallel_loop3A_253 to %parallel_loop3A_254 step %parallel_loop3A_255  : i32 {
          %parallel_loop3A_342 = vector.broadcast %parallel_loop3A_341 : i32 to vector<16xi32>
          %parallel_loop3A_343 = arith.constant 40 : i32
          %parallel_loop3A_344 = vector.broadcast %parallel_loop3A_343 : i32 to vector<16xi32>
          %parallel_loop3A_345 = arith.addi %parallel_loop3A_342, %parallel_loop3A_344 : vector<16xi32>
          %parallel_loop3A_346 = tpu.vector_load_idx %arg8[%parallel_loop3A_345] : memref<160xi32, #tpu.memory_space<vmem>>[vector<16xi32>], vector<16xi32>,
          %parallel_loop3A_347 = tpu.iota {dimensions = array<i32: 0>} : vector<16xi32>
          %parallel_loop3A_348 = arith.constant 0 : i32
          %parallel_loop3A_349 = vector.broadcast %parallel_loop3A_348 : i32 to vector<16xi32>
          %parallel_loop3A_350 = arith.addi %parallel_loop3A_347, %parallel_loop3A_349 : vector<16xi32>
          %parallel_loop3A_351 = tpu.vector_load_idx %arg6[%parallel_loop3A_346, %parallel_loop3A_350] : memref<150x256xf32, #tpu.memory_space<vmem>>[vector<16xi32>, vector<16xi32>], vector<16xf32>,
          %parallel_loop3A_352 = arith.constant 200 : i32
          %parallel_loop3A_353 = vector.broadcast %parallel_loop3A_352 : i32 to vector<16xi32>
          %parallel_loop3A_354 = arith.addi %parallel_loop3A_342, %parallel_loop3A_353 : vector<16xi32>
          tpu.vector_store_idx %arg9[%parallel_loop3A_354, %parallel_loop3A_350], %parallel_loop3A_351 {add = true} : memref<320x256xf32, #tpu.memory_space<vmem>>[vector<16xi32>, vector<16xi32>], vector<16xf32>,
          %parallel_loop3A_355 = tpu.iota {dimensions = array<i32: 0>} : vector<16xi32>
          %parallel_loop3A_356 = arith.constant 16 : i32
          %parallel_loop3A_357 = vector.broadcast %parallel_loop3A_356 : i32 to vector<16xi32>
          %parallel_loop3A_358 = arith.addi %parallel_loop3A_355, %parallel_loop3A_357 : vector<16xi32>
          %parallel_loop3A_359 = tpu.vector_load_idx %arg6[%parallel_loop3A_346, %parallel_loop3A_358] : memref<150x256xf32, #tpu.memory_space<vmem>>[vector<16xi32>, vector<16xi32>], vector<16xf32>,
          %parallel_loop3A_360 = arith.constant 200 : i32
          %parallel_loop3A_361 = vector.broadcast %parallel_loop3A_360 : i32 to vector<16xi32>
          %parallel_loop3A_362 = arith.addi %parallel_loop3A_342, %parallel_loop3A_361 : vector<16xi32>
          tpu.vector_store_idx %arg9[%parallel_loop3A_362, %parallel_loop3A_358], %parallel_loop3A_359 {add = true} : memref<320x256xf32, #tpu.memory_space<vmem>>[vector<16xi32>, vector<16xi32>], vector<16xf32>,
          %parallel_loop3A_363 = tpu.iota {dimensions = array<i32: 0>} : vector<16xi32>
          %parallel_loop3A_364 = arith.constant 32 : i32
          %parallel_loop3A_365 = vector.broadcast %parallel_loop3A_364 : i32 to vector<16xi32>
          %parallel_loop3A_366 = arith.addi %parallel_loop3A_363, %parallel_loop3A_365 : vector<16xi32>
          %parallel_loop3A_367 = tpu.vector_load_idx %arg6[%parallel_loop3A_346, %parallel_loop3A_366] : memref<150x256xf32, #tpu.memory_space<vmem>>[vector<16xi32>, vector<16xi32>], vector<16xf32>,
          %parallel_loop3A_368 = arith.constant 200 : i32
          %parallel_loop3A_369 = vector.broadcast %parallel_loop3A_368 : i32 to vector<16xi32>
          %parallel_loop3A_370 = arith.addi %parallel_loop3A_342, %parallel_loop3A_369 : vector<16xi32>
          tpu.vector_store_idx %arg9[%parallel_loop3A_370, %parallel_loop3A_366], %parallel_loop3A_367 {add = true} : memref<320x256xf32, #tpu.memory_space<vmem>>[vector<16xi32>, vector<16xi32>], vector<16xf32>,
          %parallel_loop3A_371 = tpu.iota {dimensions = array<i32: 0>} : vector<16xi32>
          %parallel_loop3A_372 = arith.constant 48 : i32
          %parallel_loop3A_373 = vector.broadcast %parallel_loop3A_372 : i32 to vector<16xi32>
          %parallel_loop3A_374 = arith.addi %parallel_loop3A_371, %parallel_loop3A_373 : vector<16xi32>
          %parallel_loop3A_375 = tpu.vector_load_idx %arg6[%parallel_loop3A_346, %parallel_loop3A_374] : memref<150x256xf32, #tpu.memory_space<vmem>>[vector<16xi32>, vector<16xi32>], vector<16xf32>,
          %parallel_loop3A_376 = arith.constant 200 : i32
          %parallel_loop3A_377 = vector.broadcast %parallel_loop3A_376 : i32 to vector<16xi32>
          %parallel_loop3A_378 = arith.addi %parallel_loop3A_342, %parallel_loop3A_377 : vector<16xi32>
          tpu.vector_store_idx %arg9[%parallel_loop3A_378, %parallel_loop3A_374], %parallel_loop3A_375 {add = true} : memref<320x256xf32, #tpu.memory_space<vmem>>[vector<16xi32>, vector<16xi32>], vector<16xf32>,
          %parallel_loop3A_379 = tpu.iota {dimensions = array<i32: 0>} : vector<16xi32>
          %parallel_loop3A_380 = arith.constant 64 : i32
          %parallel_loop3A_381 = vector.broadcast %parallel_loop3A_380 : i32 to vector<16xi32>
          %parallel_loop3A_382 = arith.addi %parallel_loop3A_379, %parallel_loop3A_381 : vector<16xi32>
          %parallel_loop3A_383 = tpu.vector_load_idx %arg6[%parallel_loop3A_346, %parallel_loop3A_382] : memref<150x256xf32, #tpu.memory_space<vmem>>[vector<16xi32>, vector<16xi32>], vector<16xf32>,
          %parallel_loop3A_384 = arith.constant 200 : i32
          %parallel_loop3A_385 = vector.broadcast %parallel_loop3A_384 : i32 to vector<16xi32>
          %parallel_loop3A_386 = arith.addi %parallel_loop3A_342, %parallel_loop3A_385 : vector<16xi32>
          tpu.vector_store_idx %arg9[%parallel_loop3A_386, %parallel_loop3A_382], %parallel_loop3A_383 {add = true} : memref<320x256xf32, #tpu.memory_space<vmem>>[vector<16xi32>, vector<16xi32>], vector<16xf32>,
          %parallel_loop3A_387 = tpu.iota {dimensions = array<i32: 0>} : vector<16xi32>
          %parallel_loop3A_388 = arith.constant 80 : i32
          %parallel_loop3A_389 = vector.broadcast %parallel_loop3A_388 : i32 to vector<16xi32>
          %parallel_loop3A_390 = arith.addi %parallel_loop3A_387, %parallel_loop3A_389 : vector<16xi32>
          %parallel_loop3A_391 = tpu.vector_load_idx %arg6[%parallel_loop3A_346, %parallel_loop3A_390] : memref<150x256xf32, #tpu.memory_space<vmem>>[vector<16xi32>, vector<16xi32>], vector<16xf32>,
          %parallel_loop3A_392 = arith.constant 200 : i32
          %parallel_loop3A_393 = vector.broadcast %parallel_loop3A_392 : i32 to vector<16xi32>
          %parallel_loop3A_394 = arith.addi %parallel_loop3A_342, %parallel_loop3A_393 : vector<16xi32>
          tpu.vector_store_idx %arg9[%parallel_loop3A_394, %parallel_loop3A_390], %parallel_loop3A_391 {add = true} : memref<320x256xf32, #tpu.memory_space<vmem>>[vector<16xi32>, vector<16xi32>], vector<16xf32>,
          %parallel_loop3A_395 = tpu.iota {dimensions = array<i32: 0>} : vector<16xi32>
          %parallel_loop3A_396 = arith.constant 96 : i32
          %parallel_loop3A_397 = vector.broadcast %parallel_loop3A_396 : i32 to vector<16xi32>
          %parallel_loop3A_398 = arith.addi %parallel_loop3A_395, %parallel_loop3A_397 : vector<16xi32>
          %parallel_loop3A_399 = tpu.vector_load_idx %arg6[%parallel_loop3A_346, %parallel_loop3A_398] : memref<150x256xf32, #tpu.memory_space<vmem>>[vector<16xi32>, vector<16xi32>], vector<16xf32>,
          %parallel_loop3A_400 = arith.constant 200 : i32
          %parallel_loop3A_401 = vector.broadcast %parallel_loop3A_400 : i32 to vector<16xi32>
          %parallel_loop3A_402 = arith.addi %parallel_loop3A_342, %parallel_loop3A_401 : vector<16xi32>
          tpu.vector_store_idx %arg9[%parallel_loop3A_402, %parallel_loop3A_398], %parallel_loop3A_399 {add = true} : memref<320x256xf32, #tpu.memory_space<vmem>>[vector<16xi32>, vector<16xi32>], vector<16xf32>,
          %parallel_loop3A_403 = tpu.iota {dimensions = array<i32: 0>} : vector<16xi32>
          %parallel_loop3A_404 = arith.constant 112 : i32
          %parallel_loop3A_405 = vector.broadcast %parallel_loop3A_404 : i32 to vector<16xi32>
          %parallel_loop3A_406 = arith.addi %parallel_loop3A_403, %parallel_loop3A_405 : vector<16xi32>
          %parallel_loop3A_407 = tpu.vector_load_idx %arg6[%parallel_loop3A_346, %parallel_loop3A_406] : memref<150x256xf32, #tpu.memory_space<vmem>>[vector<16xi32>, vector<16xi32>], vector<16xf32>,
          %parallel_loop3A_408 = arith.constant 200 : i32
          %parallel_loop3A_409 = vector.broadcast %parallel_loop3A_408 : i32 to vector<16xi32>
          %parallel_loop3A_410 = arith.addi %parallel_loop3A_342, %parallel_loop3A_409 : vector<16xi32>
          tpu.vector_store_idx %arg9[%parallel_loop3A_410, %parallel_loop3A_406], %parallel_loop3A_407 {add = true} : memref<320x256xf32, #tpu.memory_space<vmem>>[vector<16xi32>, vector<16xi32>], vector<16xf32>,
          %parallel_loop3A_411 = tpu.iota {dimensions = array<i32: 0>} : vector<16xi32>
          %parallel_loop3A_412 = arith.constant 128 : i32
          %parallel_loop3A_413 = vector.broadcast %parallel_loop3A_412 : i32 to vector<16xi32>
          %parallel_loop3A_414 = arith.addi %parallel_loop3A_411, %parallel_loop3A_413 : vector<16xi32>
          %parallel_loop3A_415 = tpu.vector_load_idx %arg6[%parallel_loop3A_346, %parallel_loop3A_414] : memref<150x256xf32, #tpu.memory_space<vmem>>[vector<16xi32>, vector<16xi32>], vector<16xf32>,
          %parallel_loop3A_416 = arith.constant 200 : i32
          %parallel_loop3A_417 = vector.broadcast %parallel_loop3A_416 : i32 to vector<16xi32>
          %parallel_loop3A_418 = arith.addi %parallel_loop3A_342, %parallel_loop3A_417 : vector<16xi32>
          tpu.vector_store_idx %arg9[%parallel_loop3A_418, %parallel_loop3A_414], %parallel_loop3A_415 {add = true} : memref<320x256xf32, #tpu.memory_space<vmem>>[vector<16xi32>, vector<16xi32>], vector<16xf32>,
          %parallel_loop3A_419 = tpu.iota {dimensions = array<i32: 0>} : vector<16xi32>
          %parallel_loop3A_420 = arith.constant 144 : i32
          %parallel_loop3A_421 = vector.broadcast %parallel_loop3A_420 : i32 to vector<16xi32>
          %parallel_loop3A_422 = arith.addi %parallel_loop3A_419, %parallel_loop3A_421 : vector<16xi32>
          %parallel_loop3A_423 = tpu.vector_load_idx %arg6[%parallel_loop3A_346, %parallel_loop3A_422] : memref<150x256xf32, #tpu.memory_space<vmem>>[vector<16xi32>, vector<16xi32>], vector<16xf32>,
          %parallel_loop3A_424 = arith.constant 200 : i32
          %parallel_loop3A_425 = vector.broadcast %parallel_loop3A_424 : i32 to vector<16xi32>
          %parallel_loop3A_426 = arith.addi %parallel_loop3A_342, %parallel_loop3A_425 : vector<16xi32>
          tpu.vector_store_idx %arg9[%parallel_loop3A_426, %parallel_loop3A_422], %parallel_loop3A_423 {add = true} : memref<320x256xf32, #tpu.memory_space<vmem>>[vector<16xi32>, vector<16xi32>], vector<16xf32>,
          %parallel_loop3A_427 = tpu.iota {dimensions = array<i32: 0>} : vector<16xi32>
          %parallel_loop3A_428 = arith.constant 160 : i32
          %parallel_loop3A_429 = vector.broadcast %parallel_loop3A_428 : i32 to vector<16xi32>
          %parallel_loop3A_430 = arith.addi %parallel_loop3A_427, %parallel_loop3A_429 : vector<16xi32>
          %parallel_loop3A_431 = tpu.vector_load_idx %arg6[%parallel_loop3A_346, %parallel_loop3A_430] : memref<150x256xf32, #tpu.memory_space<vmem>>[vector<16xi32>, vector<16xi32>], vector<16xf32>,
          %parallel_loop3A_432 = arith.constant 200 : i32
          %parallel_loop3A_433 = vector.broadcast %parallel_loop3A_432 : i32 to vector<16xi32>
          %parallel_loop3A_434 = arith.addi %parallel_loop3A_342, %parallel_loop3A_433 : vector<16xi32>
          tpu.vector_store_idx %arg9[%parallel_loop3A_434, %parallel_loop3A_430], %parallel_loop3A_431 {add = true} : memref<320x256xf32, #tpu.memory_space<vmem>>[vector<16xi32>, vector<16xi32>], vector<16xf32>,
          %parallel_loop3A_435 = tpu.iota {dimensions = array<i32: 0>} : vector<16xi32>
          %parallel_loop3A_436 = arith.constant 176 : i32
          %parallel_loop3A_437 = vector.broadcast %parallel_loop3A_436 : i32 to vector<16xi32>
          %parallel_loop3A_438 = arith.addi %parallel_loop3A_435, %parallel_loop3A_437 : vector<16xi32>
          %parallel_loop3A_439 = tpu.vector_load_idx %arg6[%parallel_loop3A_346, %parallel_loop3A_438] : memref<150x256xf32, #tpu.memory_space<vmem>>[vector<16xi32>, vector<16xi32>], vector<16xf32>,
          %parallel_loop3A_440 = arith.constant 200 : i32
          %parallel_loop3A_441 = vector.broadcast %parallel_loop3A_440 : i32 to vector<16xi32>
          %parallel_loop3A_442 = arith.addi %parallel_loop3A_342, %parallel_loop3A_441 : vector<16xi32>
          tpu.vector_store_idx %arg9[%parallel_loop3A_442, %parallel_loop3A_438], %parallel_loop3A_439 {add = true} : memref<320x256xf32, #tpu.memory_space<vmem>>[vector<16xi32>, vector<16xi32>], vector<16xf32>,
          %parallel_loop3A_443 = tpu.iota {dimensions = array<i32: 0>} : vector<16xi32>
          %parallel_loop3A_444 = arith.constant 192 : i32
          %parallel_loop3A_445 = vector.broadcast %parallel_loop3A_444 : i32 to vector<16xi32>
          %parallel_loop3A_446 = arith.addi %parallel_loop3A_443, %parallel_loop3A_445 : vector<16xi32>
          %parallel_loop3A_447 = tpu.vector_load_idx %arg6[%parallel_loop3A_346, %parallel_loop3A_446] : memref<150x256xf32, #tpu.memory_space<vmem>>[vector<16xi32>, vector<16xi32>], vector<16xf32>,
          %parallel_loop3A_448 = arith.constant 200 : i32
          %parallel_loop3A_449 = vector.broadcast %parallel_loop3A_448 : i32 to vector<16xi32>
          %parallel_loop3A_450 = arith.addi %parallel_loop3A_342, %parallel_loop3A_449 : vector<16xi32>
          tpu.vector_store_idx %arg9[%parallel_loop3A_450, %parallel_loop3A_446], %parallel_loop3A_447 {add = true} : memref<320x256xf32, #tpu.memory_space<vmem>>[vector<16xi32>, vector<16xi32>], vector<16xf32>,
          %parallel_loop3A_451 = tpu.iota {dimensions = array<i32: 0>} : vector<16xi32>
          %parallel_loop3A_452 = arith.constant 208 : i32
          %parallel_loop3A_453 = vector.broadcast %parallel_loop3A_452 : i32 to vector<16xi32>
          %parallel_loop3A_454 = arith.addi %parallel_loop3A_451, %parallel_loop3A_453 : vector<16xi32>
          %parallel_loop3A_455 = tpu.vector_load_idx %arg6[%parallel_loop3A_346, %parallel_loop3A_454] : memref<150x256xf32, #tpu.memory_space<vmem>>[vector<16xi32>, vector<16xi32>], vector<16xf32>,
          %parallel_loop3A_456 = arith.constant 200 : i32
          %parallel_loop3A_457 = vector.broadcast %parallel_loop3A_456 : i32 to vector<16xi32>
          %parallel_loop3A_458 = arith.addi %parallel_loop3A_342, %parallel_loop3A_457 : vector<16xi32>
          tpu.vector_store_idx %arg9[%parallel_loop3A_458, %parallel_loop3A_454], %parallel_loop3A_455 {add = true} : memref<320x256xf32, #tpu.memory_space<vmem>>[vector<16xi32>, vector<16xi32>], vector<16xf32>,
          %parallel_loop3A_459 = tpu.iota {dimensions = array<i32: 0>} : vector<16xi32>
          %parallel_loop3A_460 = arith.constant 224 : i32
          %parallel_loop3A_461 = vector.broadcast %parallel_loop3A_460 : i32 to vector<16xi32>
          %parallel_loop3A_462 = arith.addi %parallel_loop3A_459, %parallel_loop3A_461 : vector<16xi32>
          %parallel_loop3A_463 = tpu.vector_load_idx %arg6[%parallel_loop3A_346, %parallel_loop3A_462] : memref<150x256xf32, #tpu.memory_space<vmem>>[vector<16xi32>, vector<16xi32>], vector<16xf32>,
          %parallel_loop3A_464 = arith.constant 200 : i32
          %parallel_loop3A_465 = vector.broadcast %parallel_loop3A_464 : i32 to vector<16xi32>
          %parallel_loop3A_466 = arith.addi %parallel_loop3A_342, %parallel_loop3A_465 : vector<16xi32>
          tpu.vector_store_idx %arg9[%parallel_loop3A_466, %parallel_loop3A_462], %parallel_loop3A_463 {add = true} : memref<320x256xf32, #tpu.memory_space<vmem>>[vector<16xi32>, vector<16xi32>], vector<16xf32>,
          %parallel_loop3A_467 = tpu.iota {dimensions = array<i32: 0>} : vector<16xi32>
          %parallel_loop3A_468 = arith.constant 240 : i32
          %parallel_loop3A_469 = vector.broadcast %parallel_loop3A_468 : i32 to vector<16xi32>
          %parallel_loop3A_470 = arith.addi %parallel_loop3A_467, %parallel_loop3A_469 : vector<16xi32>
          %parallel_loop3A_471 = tpu.vector_load_idx %arg6[%parallel_loop3A_346, %parallel_loop3A_470] : memref<150x256xf32, #tpu.memory_space<vmem>>[vector<16xi32>, vector<16xi32>], vector<16xf32>,
          %parallel_loop3A_472 = arith.constant 200 : i32
          %parallel_loop3A_473 = vector.broadcast %parallel_loop3A_472 : i32 to vector<16xi32>
          %parallel_loop3A_474 = arith.addi %parallel_loop3A_342, %parallel_loop3A_473 : vector<16xi32>
          tpu.vector_store_idx %arg9[%parallel_loop3A_474, %parallel_loop3A_470], %parallel_loop3A_471 {add = true} : memref<320x256xf32, #tpu.memory_space<vmem>>[vector<16xi32>, vector<16xi32>], vector<16xf32>,
        } {sc.loop_unroll_factor = 2 : i64, sc.parallel_access}
        %lt3A_256 = arith.constant 19 : i32
        %lt3A_257 = arith.cmpi slt, %add3A_148, %lt3A_256 : i32
        %mul3A_258 = arith.constant 19 : i32
        %mul3A_259 = arith.muli %add3A, %mul3A_258 : i32
        %add3A_260 = arith.addi %mul3A_259, %add3A_148 : i32
        %add3A_261 = arith.constant 608 : i32
        %add3A_262 = arith.addi %add3A_261, %add3A : i32
        %select_n3A_263 = arith.select %lt3A_257, %add3A_260, %add3A_262 : i32
        %mul3A_264 = arith.constant 160 : i32
        %mul3A_265 = arith.muli %select_n3A_263, %mul3A_264 : i32
        %add3A_266 = arith.constant 40 : i32
        %add3A_267 = arith.addi %mul3A_265, %add3A_266 : i32
        %dma_start3A_268 = arith.constant 200 : i32
        %dma_start3A_269 = arith.constant 0 : i32
        %dma_start3A_270 = tpu.memref_slice %arg9[%dma_start3A_268, %dma_start3A_269] : memref<320x256xf32, #tpu.memory_space<vmem>> -> memref<40x256xf32, #tpu.memory_space<vmem>>
        %dma_start3A_271 = arith.constant 0 : i32
        %dma_start3A_272 = tpu.memref_slice %arg5[%add3A_267, %dma_start3A_271] : memref<100000x256xf32, #tpu.memory_space<hbm>> -> memref<40x256xf32, #tpu.memory_space<hbm>>
        %dma_start3A_273 = arith.constant 0 : i32
        %dma_start3A_274 = tpu.memref_slice %arg5[%add3A_267, %dma_start3A_273] : memref<100000x256xf32, #tpu.memory_space<hbm>> -> memref<40x256xf32, #tpu.memory_space<hbm>>
        %dma_start3A_275 = arith.constant 200 : i32
        %dma_start3A_276 = arith.constant 0 : i32
        %dma_start3A_277 = tpu.memref_slice %arg9[%dma_start3A_275, %dma_start3A_276] : memref<320x256xf32, #tpu.memory_space<vmem>> -> memref<40x256xf32, #tpu.memory_space<vmem>>
        tpu.enqueue_dma source(%dma_start3A_277 : memref<40x256xf32, #tpu.memory_space<vmem>>) target(%dma_start3A_274 : memref<40x256xf32, #tpu.memory_space<hbm>>) target_semaphore(%arg15 : memref<!tpu.dma_semaphore, #tpu.memory_space<semaphore_mem>>)
        %parallel_loop3A_278 = arith.constant 0 : i32
        %parallel_loop3A_279 = arith.constant 40 : i32
        %parallel_loop3A_280 = arith.constant 1 : i32
        scf.for %parallel_loop3A_341 = %parallel_loop3A_278 to %parallel_loop3A_279 step %parallel_loop3A_280  : i32 {
          %parallel_loop3A_342 = vector.broadcast %parallel_loop3A_341 : i32 to vector<16xi32>
          %parallel_loop3A_343 = arith.constant 80 : i32
          %parallel_loop3A_344 = vector.broadcast %parallel_loop3A_343 : i32 to vector<16xi32>
          %parallel_loop3A_345 = arith.addi %parallel_loop3A_342, %parallel_loop3A_344 : vector<16xi32>
          %parallel_loop3A_346 = tpu.vector_load_idx %arg8[%parallel_loop3A_345] : memref<160xi32, #tpu.memory_space<vmem>>[vector<16xi32>], vector<16xi32>,
          %parallel_loop3A_347 = tpu.iota {dimensions = array<i32: 0>} : vector<16xi32>
          %parallel_loop3A_348 = arith.constant 0 : i32
          %parallel_loop3A_349 = vector.broadcast %parallel_loop3A_348 : i32 to vector<16xi32>
          %parallel_loop3A_350 = arith.addi %parallel_loop3A_347, %parallel_loop3A_349 : vector<16xi32>
          %parallel_loop3A_351 = tpu.vector_load_idx %arg6[%parallel_loop3A_346, %parallel_loop3A_350] : memref<150x256xf32, #tpu.memory_space<vmem>>[vector<16xi32>, vector<16xi32>], vector<16xf32>,
          %parallel_loop3A_352 = arith.constant 240 : i32
          %parallel_loop3A_353 = vector.broadcast %parallel_loop3A_352 : i32 to vector<16xi32>
          %parallel_loop3A_354 = arith.addi %parallel_loop3A_342, %parallel_loop3A_353 : vector<16xi32>
          tpu.vector_store_idx %arg9[%parallel_loop3A_354, %parallel_loop3A_350], %parallel_loop3A_351 {add = true} : memref<320x256xf32, #tpu.memory_space<vmem>>[vector<16xi32>, vector<16xi32>], vector<16xf32>,
          %parallel_loop3A_355 = tpu.iota {dimensions = array<i32: 0>} : vector<16xi32>
          %parallel_loop3A_356 = arith.constant 16 : i32
          %parallel_loop3A_357 = vector.broadcast %parallel_loop3A_356 : i32 to vector<16xi32>
          %parallel_loop3A_358 = arith.addi %parallel_loop3A_355, %parallel_loop3A_357 : vector<16xi32>
          %parallel_loop3A_359 = tpu.vector_load_idx %arg6[%parallel_loop3A_346, %parallel_loop3A_358] : memref<150x256xf32, #tpu.memory_space<vmem>>[vector<16xi32>, vector<16xi32>], vector<16xf32>,
          %parallel_loop3A_360 = arith.constant 240 : i32
          %parallel_loop3A_361 = vector.broadcast %parallel_loop3A_360 : i32 to vector<16xi32>
          %parallel_loop3A_362 = arith.addi %parallel_loop3A_342, %parallel_loop3A_361 : vector<16xi32>
          tpu.vector_store_idx %arg9[%parallel_loop3A_362, %parallel_loop3A_358], %parallel_loop3A_359 {add = true} : memref<320x256xf32, #tpu.memory_space<vmem>>[vector<16xi32>, vector<16xi32>], vector<16xf32>,
          %parallel_loop3A_363 = tpu.iota {dimensions = array<i32: 0>} : vector<16xi32>
          %parallel_loop3A_364 = arith.constant 32 : i32
          %parallel_loop3A_365 = vector.broadcast %parallel_loop3A_364 : i32 to vector<16xi32>
          %parallel_loop3A_366 = arith.addi %parallel_loop3A_363, %parallel_loop3A_365 : vector<16xi32>
          %parallel_loop3A_367 = tpu.vector_load_idx %arg6[%parallel_loop3A_346, %parallel_loop3A_366] : memref<150x256xf32, #tpu.memory_space<vmem>>[vector<16xi32>, vector<16xi32>], vector<16xf32>,
          %parallel_loop3A_368 = arith.constant 240 : i32
          %parallel_loop3A_369 = vector.broadcast %parallel_loop3A_368 : i32 to vector<16xi32>
          %parallel_loop3A_370 = arith.addi %parallel_loop3A_342, %parallel_loop3A_369 : vector<16xi32>
          tpu.vector_store_idx %arg9[%parallel_loop3A_370, %parallel_loop3A_366], %parallel_loop3A_367 {add = true} : memref<320x256xf32, #tpu.memory_space<vmem>>[vector<16xi32>, vector<16xi32>], vector<16xf32>,
          %parallel_loop3A_371 = tpu.iota {dimensions = array<i32: 0>} : vector<16xi32>
          %parallel_loop3A_372 = arith.constant 48 : i32
          %parallel_loop3A_373 = vector.broadcast %parallel_loop3A_372 : i32 to vector<16xi32>
          %parallel_loop3A_374 = arith.addi %parallel_loop3A_371, %parallel_loop3A_373 : vector<16xi32>
          %parallel_loop3A_375 = tpu.vector_load_idx %arg6[%parallel_loop3A_346, %parallel_loop3A_374] : memref<150x256xf32, #tpu.memory_space<vmem>>[vector<16xi32>, vector<16xi32>], vector<16xf32>,
          %parallel_loop3A_376 = arith.constant 240 : i32
          %parallel_loop3A_377 = vector.broadcast %parallel_loop3A_376 : i32 to vector<16xi32>
          %parallel_loop3A_378 = arith.addi %parallel_loop3A_342, %parallel_loop3A_377 : vector<16xi32>
          tpu.vector_store_idx %arg9[%parallel_loop3A_378, %parallel_loop3A_374], %parallel_loop3A_375 {add = true} : memref<320x256xf32, #tpu.memory_space<vmem>>[vector<16xi32>, vector<16xi32>], vector<16xf32>,
          %parallel_loop3A_379 = tpu.iota {dimensions = array<i32: 0>} : vector<16xi32>
          %parallel_loop3A_380 = arith.constant 64 : i32
          %parallel_loop3A_381 = vector.broadcast %parallel_loop3A_380 : i32 to vector<16xi32>
          %parallel_loop3A_382 = arith.addi %parallel_loop3A_379, %parallel_loop3A_381 : vector<16xi32>
          %parallel_loop3A_383 = tpu.vector_load_idx %arg6[%parallel_loop3A_346, %parallel_loop3A_382] : memref<150x256xf32, #tpu.memory_space<vmem>>[vector<16xi32>, vector<16xi32>], vector<16xf32>,
          %parallel_loop3A_384 = arith.constant 240 : i32
          %parallel_loop3A_385 = vector.broadcast %parallel_loop3A_384 : i32 to vector<16xi32>
          %parallel_loop3A_386 = arith.addi %parallel_loop3A_342, %parallel_loop3A_385 : vector<16xi32>
          tpu.vector_store_idx %arg9[%parallel_loop3A_386, %parallel_loop3A_382], %parallel_loop3A_383 {add = true} : memref<320x256xf32, #tpu.memory_space<vmem>>[vector<16xi32>, vector<16xi32>], vector<16xf32>,
          %parallel_loop3A_387 = tpu.iota {dimensions = array<i32: 0>} : vector<16xi32>
          %parallel_loop3A_388 = arith.constant 80 : i32
          %parallel_loop3A_389 = vector.broadcast %parallel_loop3A_388 : i32 to vector<16xi32>
          %parallel_loop3A_390 = arith.addi %parallel_loop3A_387, %parallel_loop3A_389 : vector<16xi32>
          %parallel_loop3A_391 = tpu.vector_load_idx %arg6[%parallel_loop3A_346, %parallel_loop3A_390] : memref<150x256xf32, #tpu.memory_space<vmem>>[vector<16xi32>, vector<16xi32>], vector<16xf32>,
          %parallel_loop3A_392 = arith.constant 240 : i32
          %parallel_loop3A_393 = vector.broadcast %parallel_loop3A_392 : i32 to vector<16xi32>
          %parallel_loop3A_394 = arith.addi %parallel_loop3A_342, %parallel_loop3A_393 : vector<16xi32>
          tpu.vector_store_idx %arg9[%parallel_loop3A_394, %parallel_loop3A_390], %parallel_loop3A_391 {add = true} : memref<320x256xf32, #tpu.memory_space<vmem>>[vector<16xi32>, vector<16xi32>], vector<16xf32>,
          %parallel_loop3A_395 = tpu.iota {dimensions = array<i32: 0>} : vector<16xi32>
          %parallel_loop3A_396 = arith.constant 96 : i32
          %parallel_loop3A_397 = vector.broadcast %parallel_loop3A_396 : i32 to vector<16xi32>
          %parallel_loop3A_398 = arith.addi %parallel_loop3A_395, %parallel_loop3A_397 : vector<16xi32>
          %parallel_loop3A_399 = tpu.vector_load_idx %arg6[%parallel_loop3A_346, %parallel_loop3A_398] : memref<150x256xf32, #tpu.memory_space<vmem>>[vector<16xi32>, vector<16xi32>], vector<16xf32>,
          %parallel_loop3A_400 = arith.constant 240 : i32
          %parallel_loop3A_401 = vector.broadcast %parallel_loop3A_400 : i32 to vector<16xi32>
          %parallel_loop3A_402 = arith.addi %parallel_loop3A_342, %parallel_loop3A_401 : vector<16xi32>
          tpu.vector_store_idx %arg9[%parallel_loop3A_402, %parallel_loop3A_398], %parallel_loop3A_399 {add = true} : memref<320x256xf32, #tpu.memory_space<vmem>>[vector<16xi32>, vector<16xi32>], vector<16xf32>,
          %parallel_loop3A_403 = tpu.iota {dimensions = array<i32: 0>} : vector<16xi32>
          %parallel_loop3A_404 = arith.constant 112 : i32
          %parallel_loop3A_405 = vector.broadcast %parallel_loop3A_404 : i32 to vector<16xi32>
          %parallel_loop3A_406 = arith.addi %parallel_loop3A_403, %parallel_loop3A_405 : vector<16xi32>
          %parallel_loop3A_407 = tpu.vector_load_idx %arg6[%parallel_loop3A_346, %parallel_loop3A_406] : memref<150x256xf32, #tpu.memory_space<vmem>>[vector<16xi32>, vector<16xi32>], vector<16xf32>,
          %parallel_loop3A_408 = arith.constant 240 : i32
          %parallel_loop3A_409 = vector.broadcast %parallel_loop3A_408 : i32 to vector<16xi32>
          %parallel_loop3A_410 = arith.addi %parallel_loop3A_342, %parallel_loop3A_409 : vector<16xi32>
          tpu.vector_store_idx %arg9[%parallel_loop3A_410, %parallel_loop3A_406], %parallel_loop3A_407 {add = true} : memref<320x256xf32, #tpu.memory_space<vmem>>[vector<16xi32>, vector<16xi32>], vector<16xf32>,
          %parallel_loop3A_411 = tpu.iota {dimensions = array<i32: 0>} : vector<16xi32>
          %parallel_loop3A_412 = arith.constant 128 : i32
          %parallel_loop3A_413 = vector.broadcast %parallel_loop3A_412 : i32 to vector<16xi32>
          %parallel_loop3A_414 = arith.addi %parallel_loop3A_411, %parallel_loop3A_413 : vector<16xi32>
          %parallel_loop3A_415 = tpu.vector_load_idx %arg6[%parallel_loop3A_346, %parallel_loop3A_414] : memref<150x256xf32, #tpu.memory_space<vmem>>[vector<16xi32>, vector<16xi32>], vector<16xf32>,
          %parallel_loop3A_416 = arith.constant 240 : i32
          %parallel_loop3A_417 = vector.broadcast %parallel_loop3A_416 : i32 to vector<16xi32>
          %parallel_loop3A_418 = arith.addi %parallel_loop3A_342, %parallel_loop3A_417 : vector<16xi32>
          tpu.vector_store_idx %arg9[%parallel_loop3A_418, %parallel_loop3A_414], %parallel_loop3A_415 {add = true} : memref<320x256xf32, #tpu.memory_space<vmem>>[vector<16xi32>, vector<16xi32>], vector<16xf32>,
          %parallel_loop3A_419 = tpu.iota {dimensions = array<i32: 0>} : vector<16xi32>
          %parallel_loop3A_420 = arith.constant 144 : i32
          %parallel_loop3A_421 = vector.broadcast %parallel_loop3A_420 : i32 to vector<16xi32>
          %parallel_loop3A_422 = arith.addi %parallel_loop3A_419, %parallel_loop3A_421 : vector<16xi32>
          %parallel_loop3A_423 = tpu.vector_load_idx %arg6[%parallel_loop3A_346, %parallel_loop3A_422] : memref<150x256xf32, #tpu.memory_space<vmem>>[vector<16xi32>, vector<16xi32>], vector<16xf32>,
          %parallel_loop3A_424 = arith.constant 240 : i32
          %parallel_loop3A_425 = vector.broadcast %parallel_loop3A_424 : i32 to vector<16xi32>
          %parallel_loop3A_426 = arith.addi %parallel_loop3A_342, %parallel_loop3A_425 : vector<16xi32>
          tpu.vector_store_idx %arg9[%parallel_loop3A_426, %parallel_loop3A_422], %parallel_loop3A_423 {add = true} : memref<320x256xf32, #tpu.memory_space<vmem>>[vector<16xi32>, vector<16xi32>], vector<16xf32>,
          %parallel_loop3A_427 = tpu.iota {dimensions = array<i32: 0>} : vector<16xi32>
          %parallel_loop3A_428 = arith.constant 160 : i32
          %parallel_loop3A_429 = vector.broadcast %parallel_loop3A_428 : i32 to vector<16xi32>
          %parallel_loop3A_430 = arith.addi %parallel_loop3A_427, %parallel_loop3A_429 : vector<16xi32>
          %parallel_loop3A_431 = tpu.vector_load_idx %arg6[%parallel_loop3A_346, %parallel_loop3A_430] : memref<150x256xf32, #tpu.memory_space<vmem>>[vector<16xi32>, vector<16xi32>], vector<16xf32>,
          %parallel_loop3A_432 = arith.constant 240 : i32
          %parallel_loop3A_433 = vector.broadcast %parallel_loop3A_432 : i32 to vector<16xi32>
          %parallel_loop3A_434 = arith.addi %parallel_loop3A_342, %parallel_loop3A_433 : vector<16xi32>
          tpu.vector_store_idx %arg9[%parallel_loop3A_434, %parallel_loop3A_430], %parallel_loop3A_431 {add = true} : memref<320x256xf32, #tpu.memory_space<vmem>>[vector<16xi32>, vector<16xi32>], vector<16xf32>,
          %parallel_loop3A_435 = tpu.iota {dimensions = array<i32: 0>} : vector<16xi32>
          %parallel_loop3A_436 = arith.constant 176 : i32
          %parallel_loop3A_437 = vector.broadcast %parallel_loop3A_436 : i32 to vector<16xi32>
          %parallel_loop3A_438 = arith.addi %parallel_loop3A_435, %parallel_loop3A_437 : vector<16xi32>
          %parallel_loop3A_439 = tpu.vector_load_idx %arg6[%parallel_loop3A_346, %parallel_loop3A_438] : memref<150x256xf32, #tpu.memory_space<vmem>>[vector<16xi32>, vector<16xi32>], vector<16xf32>,
          %parallel_loop3A_440 = arith.constant 240 : i32
          %parallel_loop3A_441 = vector.broadcast %parallel_loop3A_440 : i32 to vector<16xi32>
          %parallel_loop3A_442 = arith.addi %parallel_loop3A_342, %parallel_loop3A_441 : vector<16xi32>
          tpu.vector_store_idx %arg9[%parallel_loop3A_442, %parallel_loop3A_438], %parallel_loop3A_439 {add = true} : memref<320x256xf32, #tpu.memory_space<vmem>>[vector<16xi32>, vector<16xi32>], vector<16xf32>,
          %parallel_loop3A_443 = tpu.iota {dimensions = array<i32: 0>} : vector<16xi32>
          %parallel_loop3A_444 = arith.constant 192 : i32
          %parallel_loop3A_445 = vector.broadcast %parallel_loop3A_444 : i32 to vector<16xi32>
          %parallel_loop3A_446 = arith.addi %parallel_loop3A_443, %parallel_loop3A_445 : vector<16xi32>
          %parallel_loop3A_447 = tpu.vector_load_idx %arg6[%parallel_loop3A_346, %parallel_loop3A_446] : memref<150x256xf32, #tpu.memory_space<vmem>>[vector<16xi32>, vector<16xi32>], vector<16xf32>,
          %parallel_loop3A_448 = arith.constant 240 : i32
          %parallel_loop3A_449 = vector.broadcast %parallel_loop3A_448 : i32 to vector<16xi32>
          %parallel_loop3A_450 = arith.addi %parallel_loop3A_342, %parallel_loop3A_449 : vector<16xi32>
          tpu.vector_store_idx %arg9[%parallel_loop3A_450, %parallel_loop3A_446], %parallel_loop3A_447 {add = true} : memref<320x256xf32, #tpu.memory_space<vmem>>[vector<16xi32>, vector<16xi32>], vector<16xf32>,
          %parallel_loop3A_451 = tpu.iota {dimensions = array<i32: 0>} : vector<16xi32>
          %parallel_loop3A_452 = arith.constant 208 : i32
          %parallel_loop3A_453 = vector.broadcast %parallel_loop3A_452 : i32 to vector<16xi32>
          %parallel_loop3A_454 = arith.addi %parallel_loop3A_451, %parallel_loop3A_453 : vector<16xi32>
          %parallel_loop3A_455 = tpu.vector_load_idx %arg6[%parallel_loop3A_346, %parallel_loop3A_454] : memref<150x256xf32, #tpu.memory_space<vmem>>[vector<16xi32>, vector<16xi32>], vector<16xf32>,
          %parallel_loop3A_456 = arith.constant 240 : i32
          %parallel_loop3A_457 = vector.broadcast %parallel_loop3A_456 : i32 to vector<16xi32>
          %parallel_loop3A_458 = arith.addi %parallel_loop3A_342, %parallel_loop3A_457 : vector<16xi32>
          tpu.vector_store_idx %arg9[%parallel_loop3A_458, %parallel_loop3A_454], %parallel_loop3A_455 {add = true} : memref<320x256xf32, #tpu.memory_space<vmem>>[vector<16xi32>, vector<16xi32>], vector<16xf32>,
          %parallel_loop3A_459 = tpu.iota {dimensions = array<i32: 0>} : vector<16xi32>
          %parallel_loop3A_460 = arith.constant 224 : i32
          %parallel_loop3A_461 = vector.broadcast %parallel_loop3A_460 : i32 to vector<16xi32>
          %parallel_loop3A_462 = arith.addi %parallel_loop3A_459, %parallel_loop3A_461 : vector<16xi32>
          %parallel_loop3A_463 = tpu.vector_load_idx %arg6[%parallel_loop3A_346, %parallel_loop3A_462] : memref<150x256xf32, #tpu.memory_space<vmem>>[vector<16xi32>, vector<16xi32>], vector<16xf32>,
          %parallel_loop3A_464 = arith.constant 240 : i32
          %parallel_loop3A_465 = vector.broadcast %parallel_loop3A_464 : i32 to vector<16xi32>
          %parallel_loop3A_466 = arith.addi %parallel_loop3A_342, %parallel_loop3A_465 : vector<16xi32>
          tpu.vector_store_idx %arg9[%parallel_loop3A_466, %parallel_loop3A_462], %parallel_loop3A_463 {add = true} : memref<320x256xf32, #tpu.memory_space<vmem>>[vector<16xi32>, vector<16xi32>], vector<16xf32>,
          %parallel_loop3A_467 = tpu.iota {dimensions = array<i32: 0>} : vector<16xi32>
          %parallel_loop3A_468 = arith.constant 240 : i32
          %parallel_loop3A_469 = vector.broadcast %parallel_loop3A_468 : i32 to vector<16xi32>
          %parallel_loop3A_470 = arith.addi %parallel_loop3A_467, %parallel_loop3A_469 : vector<16xi32>
          %parallel_loop3A_471 = tpu.vector_load_idx %arg6[%parallel_loop3A_346, %parallel_loop3A_470] : memref<150x256xf32, #tpu.memory_space<vmem>>[vector<16xi32>, vector<16xi32>], vector<16xf32>,
          %parallel_loop3A_472 = arith.constant 240 : i32
          %parallel_loop3A_473 = vector.broadcast %parallel_loop3A_472 : i32 to vector<16xi32>
          %parallel_loop3A_474 = arith.addi %parallel_loop3A_342, %parallel_loop3A_473 : vector<16xi32>
          tpu.vector_store_idx %arg9[%parallel_loop3A_474, %parallel_loop3A_470], %parallel_loop3A_471 {add = true} : memref<320x256xf32, #tpu.memory_space<vmem>>[vector<16xi32>, vector<16xi32>], vector<16xf32>,
        } {sc.loop_unroll_factor = 2 : i64, sc.parallel_access}
        %lt3A_281 = arith.constant 19 : i32
        %lt3A_282 = arith.cmpi slt, %add3A_148, %lt3A_281 : i32
        %mul3A_283 = arith.constant 19 : i32
        %mul3A_284 = arith.muli %add3A, %mul3A_283 : i32
        %add3A_285 = arith.addi %mul3A_284, %add3A_148 : i32
        %add3A_286 = arith.constant 608 : i32
        %add3A_287 = arith.addi %add3A_286, %add3A : i32
        %select_n3A_288 = arith.select %lt3A_282, %add3A_285, %add3A_287 : i32
        %mul3A_289 = arith.constant 160 : i32
        %mul3A_290 = arith.muli %select_n3A_288, %mul3A_289 : i32
        %add3A_291 = arith.constant 80 : i32
        %add3A_292 = arith.addi %mul3A_290, %add3A_291 : i32
        %dma_start3A_293 = arith.constant 240 : i32
        %dma_start3A_294 = arith.constant 0 : i32
        %dma_start3A_295 = tpu.memref_slice %arg9[%dma_start3A_293, %dma_start3A_294] : memref<320x256xf32, #tpu.memory_space<vmem>> -> memref<40x256xf32, #tpu.memory_space<vmem>>
        %dma_start3A_296 = arith.constant 0 : i32
        %dma_start3A_297 = tpu.memref_slice %arg5[%add3A_292, %dma_start3A_296] : memref<100000x256xf32, #tpu.memory_space<hbm>> -> memref<40x256xf32, #tpu.memory_space<hbm>>
        %dma_start3A_298 = arith.constant 0 : i32
        %dma_start3A_299 = tpu.memref_slice %arg5[%add3A_292, %dma_start3A_298] : memref<100000x256xf32, #tpu.memory_space<hbm>> -> memref<40x256xf32, #tpu.memory_space<hbm>>
        %dma_start3A_300 = arith.constant 240 : i32
        %dma_start3A_301 = arith.constant 0 : i32
        %dma_start3A_302 = tpu.memref_slice %arg9[%dma_start3A_300, %dma_start3A_301] : memref<320x256xf32, #tpu.memory_space<vmem>> -> memref<40x256xf32, #tpu.memory_space<vmem>>
        tpu.enqueue_dma source(%dma_start3A_302 : memref<40x256xf32, #tpu.memory_space<vmem>>) target(%dma_start3A_299 : memref<40x256xf32, #tpu.memory_space<hbm>>) target_semaphore(%arg15 : memref<!tpu.dma_semaphore, #tpu.memory_space<semaphore_mem>>)
        %parallel_loop3A_303 = arith.constant 0 : i32
        %parallel_loop3A_304 = arith.constant 40 : i32
        %parallel_loop3A_305 = arith.constant 1 : i32
        scf.for %parallel_loop3A_341 = %parallel_loop3A_303 to %parallel_loop3A_304 step %parallel_loop3A_305  : i32 {
          %parallel_loop3A_342 = vector.broadcast %parallel_loop3A_341 : i32 to vector<16xi32>
          %parallel_loop3A_343 = arith.constant 120 : i32
          %parallel_loop3A_344 = vector.broadcast %parallel_loop3A_343 : i32 to vector<16xi32>
          %parallel_loop3A_345 = arith.addi %parallel_loop3A_342, %parallel_loop3A_344 : vector<16xi32>
          %parallel_loop3A_346 = tpu.vector_load_idx %arg8[%parallel_loop3A_345] : memref<160xi32, #tpu.memory_space<vmem>>[vector<16xi32>], vector<16xi32>,
          %parallel_loop3A_347 = tpu.iota {dimensions = array<i32: 0>} : vector<16xi32>
          %parallel_loop3A_348 = arith.constant 0 : i32
          %parallel_loop3A_349 = vector.broadcast %parallel_loop3A_348 : i32 to vector<16xi32>
          %parallel_loop3A_350 = arith.addi %parallel_loop3A_347, %parallel_loop3A_349 : vector<16xi32>
          %parallel_loop3A_351 = tpu.vector_load_idx %arg6[%parallel_loop3A_346, %parallel_loop3A_350] : memref<150x256xf32, #tpu.memory_space<vmem>>[vector<16xi32>, vector<16xi32>], vector<16xf32>,
          %parallel_loop3A_352 = arith.constant 280 : i32
          %parallel_loop3A_353 = vector.broadcast %parallel_loop3A_352 : i32 to vector<16xi32>
          %parallel_loop3A_354 = arith.addi %parallel_loop3A_342, %parallel_loop3A_353 : vector<16xi32>
          tpu.vector_store_idx %arg9[%parallel_loop3A_354, %parallel_loop3A_350], %parallel_loop3A_351 {add = true} : memref<320x256xf32, #tpu.memory_space<vmem>>[vector<16xi32>, vector<16xi32>], vector<16xf32>,
          %parallel_loop3A_355 = tpu.iota {dimensions = array<i32: 0>} : vector<16xi32>
          %parallel_loop3A_356 = arith.constant 16 : i32
          %parallel_loop3A_357 = vector.broadcast %parallel_loop3A_356 : i32 to vector<16xi32>
          %parallel_loop3A_358 = arith.addi %parallel_loop3A_355, %parallel_loop3A_357 : vector<16xi32>
          %parallel_loop3A_359 = tpu.vector_load_idx %arg6[%parallel_loop3A_346, %parallel_loop3A_358] : memref<150x256xf32, #tpu.memory_space<vmem>>[vector<16xi32>, vector<16xi32>], vector<16xf32>,
          %parallel_loop3A_360 = arith.constant 280 : i32
          %parallel_loop3A_361 = vector.broadcast %parallel_loop3A_360 : i32 to vector<16xi32>
          %parallel_loop3A_362 = arith.addi %parallel_loop3A_342, %parallel_loop3A_361 : vector<16xi32>
          tpu.vector_store_idx %arg9[%parallel_loop3A_362, %parallel_loop3A_358], %parallel_loop3A_359 {add = true} : memref<320x256xf32, #tpu.memory_space<vmem>>[vector<16xi32>, vector<16xi32>], vector<16xf32>,
          %parallel_loop3A_363 = tpu.iota {dimensions = array<i32: 0>} : vector<16xi32>
          %parallel_loop3A_364 = arith.constant 32 : i32
          %parallel_loop3A_365 = vector.broadcast %parallel_loop3A_364 : i32 to vector<16xi32>
          %parallel_loop3A_366 = arith.addi %parallel_loop3A_363, %parallel_loop3A_365 : vector<16xi32>
          %parallel_loop3A_367 = tpu.vector_load_idx %arg6[%parallel_loop3A_346, %parallel_loop3A_366] : memref<150x256xf32, #tpu.memory_space<vmem>>[vector<16xi32>, vector<16xi32>], vector<16xf32>,
          %parallel_loop3A_368 = arith.constant 280 : i32
          %parallel_loop3A_369 = vector.broadcast %parallel_loop3A_368 : i32 to vector<16xi32>
          %parallel_loop3A_370 = arith.addi %parallel_loop3A_342, %parallel_loop3A_369 : vector<16xi32>
          tpu.vector_store_idx %arg9[%parallel_loop3A_370, %parallel_loop3A_366], %parallel_loop3A_367 {add = true} : memref<320x256xf32, #tpu.memory_space<vmem>>[vector<16xi32>, vector<16xi32>], vector<16xf32>,
          %parallel_loop3A_371 = tpu.iota {dimensions = array<i32: 0>} : vector<16xi32>
          %parallel_loop3A_372 = arith.constant 48 : i32
          %parallel_loop3A_373 = vector.broadcast %parallel_loop3A_372 : i32 to vector<16xi32>
          %parallel_loop3A_374 = arith.addi %parallel_loop3A_371, %parallel_loop3A_373 : vector<16xi32>
          %parallel_loop3A_375 = tpu.vector_load_idx %arg6[%parallel_loop3A_346, %parallel_loop3A_374] : memref<150x256xf32, #tpu.memory_space<vmem>>[vector<16xi32>, vector<16xi32>], vector<16xf32>,
          %parallel_loop3A_376 = arith.constant 280 : i32
          %parallel_loop3A_377 = vector.broadcast %parallel_loop3A_376 : i32 to vector<16xi32>
          %parallel_loop3A_378 = arith.addi %parallel_loop3A_342, %parallel_loop3A_377 : vector<16xi32>
          tpu.vector_store_idx %arg9[%parallel_loop3A_378, %parallel_loop3A_374], %parallel_loop3A_375 {add = true} : memref<320x256xf32, #tpu.memory_space<vmem>>[vector<16xi32>, vector<16xi32>], vector<16xf32>,
          %parallel_loop3A_379 = tpu.iota {dimensions = array<i32: 0>} : vector<16xi32>
          %parallel_loop3A_380 = arith.constant 64 : i32
          %parallel_loop3A_381 = vector.broadcast %parallel_loop3A_380 : i32 to vector<16xi32>
          %parallel_loop3A_382 = arith.addi %parallel_loop3A_379, %parallel_loop3A_381 : vector<16xi32>
          %parallel_loop3A_383 = tpu.vector_load_idx %arg6[%parallel_loop3A_346, %parallel_loop3A_382] : memref<150x256xf32, #tpu.memory_space<vmem>>[vector<16xi32>, vector<16xi32>], vector<16xf32>,
          %parallel_loop3A_384 = arith.constant 280 : i32
          %parallel_loop3A_385 = vector.broadcast %parallel_loop3A_384 : i32 to vector<16xi32>
          %parallel_loop3A_386 = arith.addi %parallel_loop3A_342, %parallel_loop3A_385 : vector<16xi32>
          tpu.vector_store_idx %arg9[%parallel_loop3A_386, %parallel_loop3A_382], %parallel_loop3A_383 {add = true} : memref<320x256xf32, #tpu.memory_space<vmem>>[vector<16xi32>, vector<16xi32>], vector<16xf32>,
          %parallel_loop3A_387 = tpu.iota {dimensions = array<i32: 0>} : vector<16xi32>
          %parallel_loop3A_388 = arith.constant 80 : i32
          %parallel_loop3A_389 = vector.broadcast %parallel_loop3A_388 : i32 to vector<16xi32>
          %parallel_loop3A_390 = arith.addi %parallel_loop3A_387, %parallel_loop3A_389 : vector<16xi32>
          %parallel_loop3A_391 = tpu.vector_load_idx %arg6[%parallel_loop3A_346, %parallel_loop3A_390] : memref<150x256xf32, #tpu.memory_space<vmem>>[vector<16xi32>, vector<16xi32>], vector<16xf32>,
          %parallel_loop3A_392 = arith.constant 280 : i32
          %parallel_loop3A_393 = vector.broadcast %parallel_loop3A_392 : i32 to vector<16xi32>
          %parallel_loop3A_394 = arith.addi %parallel_loop3A_342, %parallel_loop3A_393 : vector<16xi32>
          tpu.vector_store_idx %arg9[%parallel_loop3A_394, %parallel_loop3A_390], %parallel_loop3A_391 {add = true} : memref<320x256xf32, #tpu.memory_space<vmem>>[vector<16xi32>, vector<16xi32>], vector<16xf32>,
          %parallel_loop3A_395 = tpu.iota {dimensions = array<i32: 0>} : vector<16xi32>
          %parallel_loop3A_396 = arith.constant 96 : i32
          %parallel_loop3A_397 = vector.broadcast %parallel_loop3A_396 : i32 to vector<16xi32>
          %parallel_loop3A_398 = arith.addi %parallel_loop3A_395, %parallel_loop3A_397 : vector<16xi32>
          %parallel_loop3A_399 = tpu.vector_load_idx %arg6[%parallel_loop3A_346, %parallel_loop3A_398] : memref<150x256xf32, #tpu.memory_space<vmem>>[vector<16xi32>, vector<16xi32>], vector<16xf32>,
          %parallel_loop3A_400 = arith.constant 280 : i32
          %parallel_loop3A_401 = vector.broadcast %parallel_loop3A_400 : i32 to vector<16xi32>
          %parallel_loop3A_402 = arith.addi %parallel_loop3A_342, %parallel_loop3A_401 : vector<16xi32>
          tpu.vector_store_idx %arg9[%parallel_loop3A_402, %parallel_loop3A_398], %parallel_loop3A_399 {add = true} : memref<320x256xf32, #tpu.memory_space<vmem>>[vector<16xi32>, vector<16xi32>], vector<16xf32>,
          %parallel_loop3A_403 = tpu.iota {dimensions = array<i32: 0>} : vector<16xi32>
          %parallel_loop3A_404 = arith.constant 112 : i32
          %parallel_loop3A_405 = vector.broadcast %parallel_loop3A_404 : i32 to vector<16xi32>
          %parallel_loop3A_406 = arith.addi %parallel_loop3A_403, %parallel_loop3A_405 : vector<16xi32>
          %parallel_loop3A_407 = tpu.vector_load_idx %arg6[%parallel_loop3A_346, %parallel_loop3A_406] : memref<150x256xf32, #tpu.memory_space<vmem>>[vector<16xi32>, vector<16xi32>], vector<16xf32>,
          %parallel_loop3A_408 = arith.constant 280 : i32
          %parallel_loop3A_409 = vector.broadcast %parallel_loop3A_408 : i32 to vector<16xi32>
          %parallel_loop3A_410 = arith.addi %parallel_loop3A_342, %parallel_loop3A_409 : vector<16xi32>
          tpu.vector_store_idx %arg9[%parallel_loop3A_410, %parallel_loop3A_406], %parallel_loop3A_407 {add = true} : memref<320x256xf32, #tpu.memory_space<vmem>>[vector<16xi32>, vector<16xi32>], vector<16xf32>,
          %parallel_loop3A_411 = tpu.iota {dimensions = array<i32: 0>} : vector<16xi32>
          %parallel_loop3A_412 = arith.constant 128 : i32
          %parallel_loop3A_413 = vector.broadcast %parallel_loop3A_412 : i32 to vector<16xi32>
          %parallel_loop3A_414 = arith.addi %parallel_loop3A_411, %parallel_loop3A_413 : vector<16xi32>
          %parallel_loop3A_415 = tpu.vector_load_idx %arg6[%parallel_loop3A_346, %parallel_loop3A_414] : memref<150x256xf32, #tpu.memory_space<vmem>>[vector<16xi32>, vector<16xi32>], vector<16xf32>,
          %parallel_loop3A_416 = arith.constant 280 : i32
          %parallel_loop3A_417 = vector.broadcast %parallel_loop3A_416 : i32 to vector<16xi32>
          %parallel_loop3A_418 = arith.addi %parallel_loop3A_342, %parallel_loop3A_417 : vector<16xi32>
          tpu.vector_store_idx %arg9[%parallel_loop3A_418, %parallel_loop3A_414], %parallel_loop3A_415 {add = true} : memref<320x256xf32, #tpu.memory_space<vmem>>[vector<16xi32>, vector<16xi32>], vector<16xf32>,
          %parallel_loop3A_419 = tpu.iota {dimensions = array<i32: 0>} : vector<16xi32>
          %parallel_loop3A_420 = arith.constant 144 : i32
          %parallel_loop3A_421 = vector.broadcast %parallel_loop3A_420 : i32 to vector<16xi32>
          %parallel_loop3A_422 = arith.addi %parallel_loop3A_419, %parallel_loop3A_421 : vector<16xi32>
          %parallel_loop3A_423 = tpu.vector_load_idx %arg6[%parallel_loop3A_346, %parallel_loop3A_422] : memref<150x256xf32, #tpu.memory_space<vmem>>[vector<16xi32>, vector<16xi32>], vector<16xf32>,
          %parallel_loop3A_424 = arith.constant 280 : i32
          %parallel_loop3A_425 = vector.broadcast %parallel_loop3A_424 : i32 to vector<16xi32>
          %parallel_loop3A_426 = arith.addi %parallel_loop3A_342, %parallel_loop3A_425 : vector<16xi32>
          tpu.vector_store_idx %arg9[%parallel_loop3A_426, %parallel_loop3A_422], %parallel_loop3A_423 {add = true} : memref<320x256xf32, #tpu.memory_space<vmem>>[vector<16xi32>, vector<16xi32>], vector<16xf32>,
          %parallel_loop3A_427 = tpu.iota {dimensions = array<i32: 0>} : vector<16xi32>
          %parallel_loop3A_428 = arith.constant 160 : i32
          %parallel_loop3A_429 = vector.broadcast %parallel_loop3A_428 : i32 to vector<16xi32>
          %parallel_loop3A_430 = arith.addi %parallel_loop3A_427, %parallel_loop3A_429 : vector<16xi32>
          %parallel_loop3A_431 = tpu.vector_load_idx %arg6[%parallel_loop3A_346, %parallel_loop3A_430] : memref<150x256xf32, #tpu.memory_space<vmem>>[vector<16xi32>, vector<16xi32>], vector<16xf32>,
          %parallel_loop3A_432 = arith.constant 280 : i32
          %parallel_loop3A_433 = vector.broadcast %parallel_loop3A_432 : i32 to vector<16xi32>
          %parallel_loop3A_434 = arith.addi %parallel_loop3A_342, %parallel_loop3A_433 : vector<16xi32>
          tpu.vector_store_idx %arg9[%parallel_loop3A_434, %parallel_loop3A_430], %parallel_loop3A_431 {add = true} : memref<320x256xf32, #tpu.memory_space<vmem>>[vector<16xi32>, vector<16xi32>], vector<16xf32>,
          %parallel_loop3A_435 = tpu.iota {dimensions = array<i32: 0>} : vector<16xi32>
          %parallel_loop3A_436 = arith.constant 176 : i32
          %parallel_loop3A_437 = vector.broadcast %parallel_loop3A_436 : i32 to vector<16xi32>
          %parallel_loop3A_438 = arith.addi %parallel_loop3A_435, %parallel_loop3A_437 : vector<16xi32>
          %parallel_loop3A_439 = tpu.vector_load_idx %arg6[%parallel_loop3A_346, %parallel_loop3A_438] : memref<150x256xf32, #tpu.memory_space<vmem>>[vector<16xi32>, vector<16xi32>], vector<16xf32>,
          %parallel_loop3A_440 = arith.constant 280 : i32
          %parallel_loop3A_441 = vector.broadcast %parallel_loop3A_440 : i32 to vector<16xi32>
          %parallel_loop3A_442 = arith.addi %parallel_loop3A_342, %parallel_loop3A_441 : vector<16xi32>
          tpu.vector_store_idx %arg9[%parallel_loop3A_442, %parallel_loop3A_438], %parallel_loop3A_439 {add = true} : memref<320x256xf32, #tpu.memory_space<vmem>>[vector<16xi32>, vector<16xi32>], vector<16xf32>,
          %parallel_loop3A_443 = tpu.iota {dimensions = array<i32: 0>} : vector<16xi32>
          %parallel_loop3A_444 = arith.constant 192 : i32
          %parallel_loop3A_445 = vector.broadcast %parallel_loop3A_444 : i32 to vector<16xi32>
          %parallel_loop3A_446 = arith.addi %parallel_loop3A_443, %parallel_loop3A_445 : vector<16xi32>
          %parallel_loop3A_447 = tpu.vector_load_idx %arg6[%parallel_loop3A_346, %parallel_loop3A_446] : memref<150x256xf32, #tpu.memory_space<vmem>>[vector<16xi32>, vector<16xi32>], vector<16xf32>,
          %parallel_loop3A_448 = arith.constant 280 : i32
          %parallel_loop3A_449 = vector.broadcast %parallel_loop3A_448 : i32 to vector<16xi32>
          %parallel_loop3A_450 = arith.addi %parallel_loop3A_342, %parallel_loop3A_449 : vector<16xi32>
          tpu.vector_store_idx %arg9[%parallel_loop3A_450, %parallel_loop3A_446], %parallel_loop3A_447 {add = true} : memref<320x256xf32, #tpu.memory_space<vmem>>[vector<16xi32>, vector<16xi32>], vector<16xf32>,
          %parallel_loop3A_451 = tpu.iota {dimensions = array<i32: 0>} : vector<16xi32>
          %parallel_loop3A_452 = arith.constant 208 : i32
          %parallel_loop3A_453 = vector.broadcast %parallel_loop3A_452 : i32 to vector<16xi32>
          %parallel_loop3A_454 = arith.addi %parallel_loop3A_451, %parallel_loop3A_453 : vector<16xi32>
          %parallel_loop3A_455 = tpu.vector_load_idx %arg6[%parallel_loop3A_346, %parallel_loop3A_454] : memref<150x256xf32, #tpu.memory_space<vmem>>[vector<16xi32>, vector<16xi32>], vector<16xf32>,
          %parallel_loop3A_456 = arith.constant 280 : i32
          %parallel_loop3A_457 = vector.broadcast %parallel_loop3A_456 : i32 to vector<16xi32>
          %parallel_loop3A_458 = arith.addi %parallel_loop3A_342, %parallel_loop3A_457 : vector<16xi32>
          tpu.vector_store_idx %arg9[%parallel_loop3A_458, %parallel_loop3A_454], %parallel_loop3A_455 {add = true} : memref<320x256xf32, #tpu.memory_space<vmem>>[vector<16xi32>, vector<16xi32>], vector<16xf32>,
          %parallel_loop3A_459 = tpu.iota {dimensions = array<i32: 0>} : vector<16xi32>
          %parallel_loop3A_460 = arith.constant 224 : i32
          %parallel_loop3A_461 = vector.broadcast %parallel_loop3A_460 : i32 to vector<16xi32>
          %parallel_loop3A_462 = arith.addi %parallel_loop3A_459, %parallel_loop3A_461 : vector<16xi32>
          %parallel_loop3A_463 = tpu.vector_load_idx %arg6[%parallel_loop3A_346, %parallel_loop3A_462] : memref<150x256xf32, #tpu.memory_space<vmem>>[vector<16xi32>, vector<16xi32>], vector<16xf32>,
          %parallel_loop3A_464 = arith.constant 280 : i32
          %parallel_loop3A_465 = vector.broadcast %parallel_loop3A_464 : i32 to vector<16xi32>
          %parallel_loop3A_466 = arith.addi %parallel_loop3A_342, %parallel_loop3A_465 : vector<16xi32>
          tpu.vector_store_idx %arg9[%parallel_loop3A_466, %parallel_loop3A_462], %parallel_loop3A_463 {add = true} : memref<320x256xf32, #tpu.memory_space<vmem>>[vector<16xi32>, vector<16xi32>], vector<16xf32>,
          %parallel_loop3A_467 = tpu.iota {dimensions = array<i32: 0>} : vector<16xi32>
          %parallel_loop3A_468 = arith.constant 240 : i32
          %parallel_loop3A_469 = vector.broadcast %parallel_loop3A_468 : i32 to vector<16xi32>
          %parallel_loop3A_470 = arith.addi %parallel_loop3A_467, %parallel_loop3A_469 : vector<16xi32>
          %parallel_loop3A_471 = tpu.vector_load_idx %arg6[%parallel_loop3A_346, %parallel_loop3A_470] : memref<150x256xf32, #tpu.memory_space<vmem>>[vector<16xi32>, vector<16xi32>], vector<16xf32>,
          %parallel_loop3A_472 = arith.constant 280 : i32
          %parallel_loop3A_473 = vector.broadcast %parallel_loop3A_472 : i32 to vector<16xi32>
          %parallel_loop3A_474 = arith.addi %parallel_loop3A_342, %parallel_loop3A_473 : vector<16xi32>
          tpu.vector_store_idx %arg9[%parallel_loop3A_474, %parallel_loop3A_470], %parallel_loop3A_471 {add = true} : memref<320x256xf32, #tpu.memory_space<vmem>>[vector<16xi32>, vector<16xi32>], vector<16xf32>,
        } {sc.loop_unroll_factor = 2 : i64, sc.parallel_access}
        %lt3A_306 = arith.constant 19 : i32
        %lt3A_307 = arith.cmpi slt, %add3A_148, %lt3A_306 : i32
        %mul3A_308 = arith.constant 19 : i32
        %mul3A_309 = arith.muli %add3A, %mul3A_308 : i32
        %add3A_310 = arith.addi %mul3A_309, %add3A_148 : i32
        %add3A_311 = arith.constant 608 : i32
        %add3A_312 = arith.addi %add3A_311, %add3A : i32
        %select_n3A_313 = arith.select %lt3A_307, %add3A_310, %add3A_312 : i32
        %mul3A_314 = arith.constant 160 : i32
        %mul3A_315 = arith.muli %select_n3A_313, %mul3A_314 : i32
        %add3A_316 = arith.constant 120 : i32
        %add3A_317 = arith.addi %mul3A_315, %add3A_316 : i32
        %dma_start3A_318 = arith.constant 280 : i32
        %dma_start3A_319 = arith.constant 0 : i32
        %dma_start3A_320 = tpu.memref_slice %arg9[%dma_start3A_318, %dma_start3A_319] : memref<320x256xf32, #tpu.memory_space<vmem>> -> memref<40x256xf32, #tpu.memory_space<vmem>>
        %dma_start3A_321 = arith.constant 0 : i32
        %dma_start3A_322 = tpu.memref_slice %arg5[%add3A_317, %dma_start3A_321] : memref<100000x256xf32, #tpu.memory_space<hbm>> -> memref<40x256xf32, #tpu.memory_space<hbm>>
        %dma_start3A_323 = arith.constant 0 : i32
        %dma_start3A_324 = tpu.memref_slice %arg5[%add3A_317, %dma_start3A_323] : memref<100000x256xf32, #tpu.memory_space<hbm>> -> memref<40x256xf32, #tpu.memory_space<hbm>>
        %dma_start3A_325 = arith.constant 280 : i32
        %dma_start3A_326 = arith.constant 0 : i32
        %dma_start3A_327 = tpu.memref_slice %arg9[%dma_start3A_325, %dma_start3A_326] : memref<320x256xf32, #tpu.memory_space<vmem>> -> memref<40x256xf32, #tpu.memory_space<vmem>>
        tpu.enqueue_dma source(%dma_start3A_327 : memref<40x256xf32, #tpu.memory_space<vmem>>) target(%dma_start3A_324 : memref<40x256xf32, #tpu.memory_space<hbm>>) target_semaphore(%arg15 : memref<!tpu.dma_semaphore, #tpu.memory_space<semaphore_mem>>)
        %add3A_328 = arith.constant 2 : i32
        %add3A_329 = arith.addi %add3A_148, %add3A_328 : i32
        %le3A_330 = arith.constant 19 : i32
        %le3A_331 = arith.cmpi sle, %add3A_329, %le3A_330 : i32
        %lt3A_332 = arith.constant 19 : i32
        %lt3A_333 = arith.cmpi slt, %add3A_329, %lt3A_332 : i32
        %lt3A_334 = arith.constant 17 : i32
        %lt3A_335 = arith.cmpi slt, %add3A, %lt3A_334 : i32
        %or3A_336 = arith.ori %lt3A_333, %lt3A_335 : i1
        %and3A_337 = arith.andi %le3A_331, %or3A_336 : i1
        %convert_element_type3A_338 = arith.extui %and3A_337 : i1 to i32
        %cond3A_339 = arith.constant 0 : i32
        %cond3A_340 = arith.cmpi ne, %convert_element_type3A_338, %cond3A_339 : i32
        scf.if %cond3A_340 {
          %add3A_341 = arith.constant 2 : i32
          %add3A_342 = arith.addi %add3A_148, %add3A_341 : i32
          %lt3A_343 = arith.constant 19 : i32
          %lt3A_344 = arith.cmpi slt, %add3A_342, %lt3A_343 : i32
          %mul3A_345 = arith.constant 19 : i32
          %mul3A_346 = arith.muli %add3A, %mul3A_345 : i32
          %add3A_347 = arith.addi %mul3A_346, %add3A_342 : i32
          %add3A_348 = arith.constant 608 : i32
          %add3A_349 = arith.addi %add3A_348, %add3A : i32
          %select_n3A_350 = arith.select %lt3A_344, %add3A_347, %add3A_349 : i32
          %mul3A_351 = arith.constant 160 : i32
          %mul3A_352 = arith.muli %select_n3A_350, %mul3A_351 : i32
          %dma_start3A_353 = tpu.memref_slice %arg3[%mul3A_352] : memref<100000xi32, #tpu.memory_space<hbm>> -> memref<160xi32, #tpu.memory_space<hbm>>
          %dma_start3A_354 = tpu.memref_slice %arg3[%mul3A_352] : memref<100000xi32, #tpu.memory_space<hbm>> -> memref<160xi32, #tpu.memory_space<hbm>>
          tpu.enqueue_dma source(%dma_start3A_354 : memref<160xi32, #tpu.memory_space<hbm>>) target(%arg8 : memref<160xi32, #tpu.memory_space<vmem>>) target_semaphore(%arg11 : memref<!tpu.dma_semaphore, #tpu.memory_space<semaphore_mem>>)
        } else {
        }
      } else {
      }
    }
    %scan3A_114 = arith.constant 10 : i32
    %lt3A = arith.constant 17 : i32
    %lt3A_115 = arith.cmpi slt, %add3A, %lt3A : i32
    %convert_element_type3A = arith.extui %lt3A_115 : i1 to i32
    %cond3A = arith.constant 0 : i32
    %cond3A_116 = arith.cmpi ne, %convert_element_type3A, %cond3A : i32
    scf.if %cond3A_116 {
      %dma_wait3A = arith.constant 160 : i32
      %dma_wait3A_117 = arith.constant 0 : i32
      %dma_wait3A_118 = tpu.memref_slice %arg9[%dma_wait3A, %dma_wait3A_117] : memref<320x256xf32, #tpu.memory_space<vmem>> -> memref<40x256xf32, #tpu.memory_space<vmem>>
      %dma_wait3A_119 = arith.constant 0 : i32
      %dma_wait3A_120 = arith.constant 0 : i32
      %dma_wait3A_121 = tpu.memref_slice %arg5[%dma_wait3A_119, %dma_wait3A_120] : memref<100000x256xf32, #tpu.memory_space<hbm>> -> memref<40x256xf32, #tpu.memory_space<hbm>>
      %dma_wait3A_122 = arith.constant 0 : i32
      %dma_wait3A_123 = arith.constant 0 : i32
      %dma_wait3A_124 = tpu.memref_slice %arg5[%dma_wait3A_122, %dma_wait3A_123] : memref<100000x256xf32, #tpu.memory_space<hbm>> -> memref<40x256xf32, #tpu.memory_space<hbm>>
      %dma_wait3A_125 = arith.constant 160 : i32
      %dma_wait3A_126 = arith.constant 0 : i32
      %dma_wait3A_127 = tpu.memref_slice %arg9[%dma_wait3A_125, %dma_wait3A_126] : memref<320x256xf32, #tpu.memory_space<vmem>> -> memref<40x256xf32, #tpu.memory_space<vmem>>
      tpu.wait_dma2 semaphore(%arg15 : memref<!tpu.dma_semaphore, #tpu.memory_space<semaphore_mem>>) src(%dma_wait3A_127 : memref<40x256xf32, #tpu.memory_space<vmem>>) dst(%dma_wait3A_124 : memref<40x256xf32, #tpu.memory_space<hbm>>)
      %dma_wait3A_128 = arith.constant 200 : i32
      %dma_wait3A_129 = arith.constant 0 : i32
      %dma_wait3A_130 = tpu.memref_slice %arg9[%dma_wait3A_128, %dma_wait3A_129] : memref<320x256xf32, #tpu.memory_space<vmem>> -> memref<40x256xf32, #tpu.memory_space<vmem>>
      %dma_wait3A_131 = arith.constant 0 : i32
      %dma_wait3A_132 = arith.constant 0 : i32
      %dma_wait3A_133 = tpu.memref_slice %arg5[%dma_wait3A_131, %dma_wait3A_132] : memref<100000x256xf32, #tpu.memory_space<hbm>> -> memref<40x256xf32, #tpu.memory_space<hbm>>
      %dma_wait3A_134 = arith.constant 0 : i32
      %dma_wait3A_135 = arith.constant 0 : i32
      %dma_wait3A_136 = tpu.memref_slice %arg5[%dma_wait3A_134, %dma_wait3A_135] : memref<100000x256xf32, #tpu.memory_space<hbm>> -> memref<40x256xf32, #tpu.memory_space<hbm>>
      %dma_wait3A_137 = arith.constant 200 : i32
      %dma_wait3A_138 = arith.constant 0 : i32
      %dma_wait3A_139 = tpu.memref_slice %arg9[%dma_wait3A_137, %dma_wait3A_138] : memref<320x256xf32, #tpu.memory_space<vmem>> -> memref<40x256xf32, #tpu.memory_space<vmem>>
      tpu.wait_dma2 semaphore(%arg15 : memref<!tpu.dma_semaphore, #tpu.memory_space<semaphore_mem>>) src(%dma_wait3A_139 : memref<40x256xf32, #tpu.memory_space<vmem>>) dst(%dma_wait3A_136 : memref<40x256xf32, #tpu.memory_space<hbm>>)
      %dma_wait3A_140 = arith.constant 240 : i32
      %dma_wait3A_141 = arith.constant 0 : i32
      %dma_wait3A_142 = tpu.memref_slice %arg9[%dma_wait3A_140, %dma_wait3A_141] : memref<320x256xf32, #tpu.memory_space<vmem>> -> memref<40x256xf32, #tpu.memory_space<vmem>>
      %dma_wait3A_143 = arith.constant 0 : i32
      %dma_wait3A_144 = arith.constant 0 : i32
      %dma_wait3A_145 = tpu.memref_slice %arg5[%dma_wait3A_143, %dma_wait3A_144] : memref<100000x256xf32, #tpu.memory_space<hbm>> -> memref<40x256xf32, #tpu.memory_space<hbm>>
      %dma_wait3A_146 = arith.constant 0 : i32
      %dma_wait3A_147 = arith.constant 0 : i32
      %dma_wait3A_148 = tpu.memref_slice %arg5[%dma_wait3A_146, %dma_wait3A_147] : memref<100000x256xf32, #tpu.memory_space<hbm>> -> memref<40x256xf32, #tpu.memory_space<hbm>>
      %dma_wait3A_149 = arith.constant 240 : i32
      %dma_wait3A_150 = arith.constant 0 : i32
      %dma_wait3A_151 = tpu.memref_slice %arg9[%dma_wait3A_149, %dma_wait3A_150] : memref<320x256xf32, #tpu.memory_space<vmem>> -> memref<40x256xf32, #tpu.memory_space<vmem>>
      tpu.wait_dma2 semaphore(%arg15 : memref<!tpu.dma_semaphore, #tpu.memory_space<semaphore_mem>>) src(%dma_wait3A_151 : memref<40x256xf32, #tpu.memory_space<vmem>>) dst(%dma_wait3A_148 : memref<40x256xf32, #tpu.memory_space<hbm>>)
      %dma_wait3A_152 = arith.constant 280 : i32
      %dma_wait3A_153 = arith.constant 0 : i32
      %dma_wait3A_154 = tpu.memref_slice %arg9[%dma_wait3A_152, %dma_wait3A_153] : memref<320x256xf32, #tpu.memory_space<vmem>> -> memref<40x256xf32, #tpu.memory_space<vmem>>
      %dma_wait3A_155 = arith.constant 0 : i32
      %dma_wait3A_156 = arith.constant 0 : i32
      %dma_wait3A_157 = tpu.memref_slice %arg5[%dma_wait3A_155, %dma_wait3A_156] : memref<100000x256xf32, #tpu.memory_space<hbm>> -> memref<40x256xf32, #tpu.memory_space<hbm>>
      %dma_wait3A_158 = arith.constant 0 : i32
      %dma_wait3A_159 = arith.constant 0 : i32
      %dma_wait3A_160 = tpu.memref_slice %arg5[%dma_wait3A_158, %dma_wait3A_159] : memref<100000x256xf32, #tpu.memory_space<hbm>> -> memref<40x256xf32, #tpu.memory_space<hbm>>
      %dma_wait3A_161 = arith.constant 280 : i32
      %dma_wait3A_162 = arith.constant 0 : i32
      %dma_wait3A_163 = tpu.memref_slice %arg9[%dma_wait3A_161, %dma_wait3A_162] : memref<320x256xf32, #tpu.memory_space<vmem>> -> memref<40x256xf32, #tpu.memory_space<vmem>>
      tpu.wait_dma2 semaphore(%arg15 : memref<!tpu.dma_semaphore, #tpu.memory_space<semaphore_mem>>) src(%dma_wait3A_163 : memref<40x256xf32, #tpu.memory_space<vmem>>) dst(%dma_wait3A_160 : memref<40x256xf32, #tpu.memory_space<hbm>>)
    } else {
    }
    return
  }
}

</mosaic_0001>

<sc_bundles>
// kernel: kernel.3.cloned.1.call-start
scs
__scs_entry_jumppad:
0x0: {  	(pc) =	sbr.rel $0x88, $3  }
0x1: {  	(tag) =	ssettag $0x0;
	lr =	simm.s32 $0x1  }
0x2: {  	[smem:$0x3F9E] =	sst lr;
	_ =	strace $0xD0000000  }
0x3: {  	_ = 	snop  }
0x4: {  	_ = 	snop  }
0x5: {  	_ = 	snop  }
0x6: {  	_ = 	snop  }
0x7: {  	_ = 	snop  }
__scs_overlays_trampoline_lowered:
0x8: {  	[smem:$0x3FAD] =	sst s0  }
0x9: {  	[smem:$0x3FAE] =	sst s1  }
0xa: {  	[smem:$0x3FAF] =	sst s2  }
0xb: {  	[smem:$0x3FB0] =	sst s3  }
0xc: {  	[smem:$0x3FB1] =	sst s4  }
0xd: {  	[smem:$0x3FB2] =	sst s5  }
0xe: {  	[smem:$0x3FB3] =	sst s6  }
0xf: {  	[smem:$0x3FB4] =	sst s7  }
0x10: {  	[smem:$0x3FB5] =	sst s8  }
0x11: {  	[smem:$0x3FB6] =	sst s9;
	s0 =	simm.s32 @!p0 $0x0  }
0x12: {  	s1 =	sld [smem:$0x3F9C];
	s0 =	simm.s32 @p0 $0x1  }
0x13: {  	[smem:$0x3FB7] =	sst s0;
	s0 =	simm.s32 @!p1 $0x0  }
0x14: {  	s2 =	sld [smem:$0x3F9B];
	s0 =	simm.s32 @p1 $0x1  }
0x15: {  	[smem:$0x3FB8] =	sst s0;
	s0 =	simm.s32 @!p2 $0x0  }
0x16: {  	s3 =	sld [smem:$0x3FDB];
	s0 =	simm.s32 @p2 $0x1  }
0x17: {  	s4 =	simm.s32 $0x1BF5;
	[smem:$0x3FBA] =	sst s0  }
0x18: {  	s0 =	sld [smem:$0x3F9D];
	_ =	swait.ge [sflag:s4], $0x0  }
0x19: {  	s7 =	sld [smem:$0x3F9E]  }
0x1a: {  	s8 =	sadd.s32 $0xFFFFE003, lr  }
0x1b: {  	s9 =	sadd.s32 $0xFFFFFEF7, lr;
	s5 =	simm.s32 $0xFFFFFFFF;
	p2 =	slt.u32 s8, $0xFFFFF086  }
0x1c: {  	p1 =	slt.u32 s9, $0xF7A;
	s5 =	simm.s32 @!p2 $0x0  }
0x1d: {  	s5 =	simm.s32 @p1 $0x1;
	p0 =	seq.s32 s7, s2  }
0x1e: {  	s7 =	smul.u32 @!p0 $0xF7A, s2;
	p2 =	seq.s32 @!p0 s5, $0x0  }
0x1f: {  	s9 =	smul.u32 $0xF7A, s1;
	s8 =	simm.s32 @!p0 $0x1BF5;
	p2 =	por !p2, p0  }
0x20: {  	[sflag:s8] =	ssyncset.s32 @!p0 $0xFFFFF086;
	s6 =	sadd.s32 @!p0 s3, s7;
	s7 =	simm.s32 @!p0 $0x108  }
0x21: {  	s3 =	sadd.s32 s3, s9;
	s6 =	sadd.s32 @!p0 $0x88, s6;
	s7 =	simm.s32 @p2 $0x1082  }
0x22: {  	[simem:s7], [sflag:s8] =	dma.local @!p0 [hbm:s6], $0xF7A  }
0x23: {  	s9 =	sor.u32 $0xD0000000, s2;
	s6 =	simm.s32 $0x108;
	_ =	swait.ge @!p0 [sflag:s8], $0x0  }
0x24: {  	s3 =	sadd.s32 $0x88, s3;
	s6 =	simm.s32 @!p1 $0x1082;
	[sflag:s4] =	ssyncset.s32 $0xFFFFF086  }
0x25: {  	[simem:s6], [sflag:s4] =	dma.local [hbm:s3], $0xF7A  }
0x26: {  	[smem:$0x3F9E] =	sst s1;
	(tag) =	ssettag s2;
	_ =	strace s9  }
0x27: {  	s1 =	sld [smem:$0x3FAE]  }
0x28: {  	s2 =	sld [smem:$0x3FAF]  }
0x29: {  	s4 =	sld [smem:$0x3FB1]  }
0x2a: {  	p0 =	seq.s32 s5, $0x0;
	s5 =	sld [smem:$0x3FB2]  }
0x2b: {  	s6 =	sld [smem:$0x3FB3]  }
0x2c: {  	s7 =	sld [smem:$0x3FB4]  }
0x2d: {  	s3 =	simm.s32 $0x108;
	s8 =	sld [smem:$0x3FB5]  }
0x2e: {  	s3 =	simm.s32 @!p0 $0x1082;
	s9 =	sld [smem:$0x3FB6]  }
0x2f: {  	lr =	sadd.s32 s0, s3;
	s0 =	sld [smem:$0x3FAD]  }
0x30: {  	s3 =	sld [smem:$0x3FB0]  }
0x31: {  	[smem:$0x3FB9] =	sst s10  }
0x32: {  	s10 =	sld [smem:$0x3FB7];
	_ =	sdelay $0x3  }
0x33: {  	p0 =	seq.s32 s10, $0x1;
	s10 =	sld [smem:$0x3FB9];
	_ =	sdelay $0x3  }
0x34: {  	[smem:$0x3FB9] =	sst s10  }
0x35: {  	s10 =	sld [smem:$0x3FB8];
	_ =	sdelay $0x3  }
0x36: {  	p1 =	seq.s32 s10, $0x1;
	s10 =	sld [smem:$0x3FB9];
	_ =	sdelay $0x3  }
0x37: {  	[smem:$0x3FB9] =	sst s10  }
0x38: {  	s10 =	sld [smem:$0x3FBA]  }
0x39: {  	_ = 	snop;
	(pc) =	sbr.ind lr, $3  }
0x3a: {  	_ = 	snop  }
0x3b: {  	_ = 	snop  }
0x3c: {  	p2 =	seq.s32 s10, $0x1;
	s10 =	sld [smem:$0x3FB9]  }
0x3d: {  	_ =	shalt  }
0x3e: {  	_ =	shalt  }
0x3f: {  	_ =	shalt  }
0x40: {  	_ =	shalt  }
0x41: {  	_ =	shalt  }
0x42: {  	_ =	shalt  }
0x43: {  	_ =	shalt  }
0x44: {  	_ =	shalt  }
0x45: {  	_ =	shalt  }
0x46: {  	_ =	shalt  }
0x47: {  	_ =	shalt  }
0x48: {  	_ =	shalt  }
0x49: {  	_ =	shalt  }
0x4a: {  	_ =	shalt  }
0x4b: {  	_ =	shalt  }
0x4c: {  	_ =	shalt  }
0x4d: {  	_ =	shalt  }
0x4e: {  	_ =	shalt  }
0x4f: {  	_ =	shalt  }
0x50: {  	_ =	shalt  }
0x51: {  	_ =	shalt  }
0x52: {  	_ =	shalt  }
0x53: {  	_ =	shalt  }
0x54: {  	_ =	shalt  }
0x55: {  	_ =	shalt  }
0x56: {  	_ =	shalt  }
0x57: {  	_ =	shalt  }
0x58: {  	_ =	shalt  }
0x59: {  	_ =	shalt  }
0x5a: {  	_ =	shalt  }
0x5b: {  	_ =	shalt  }
0x5c: {  	_ =	shalt  }
0x5d: {  	_ =	shalt  }
0x5e: {  	_ =	shalt  }
0x5f: {  	_ =	shalt  }
0x60: {  	_ =	shalt  }
0x61: {  	_ =	shalt  }
0x62: {  	_ =	shalt  }
0x63: {  	_ =	shalt  }
0x64: {  	_ =	shalt  }
0x65: {  	_ =	shalt  }
0x66: {  	_ =	shalt  }
0x67: {  	_ =	shalt  }
0x68: {  	_ =	shalt  }
0x69: {  	_ =	shalt  }
0x6a: {  	_ =	shalt  }
0x6b: {  	_ =	shalt  }
0x6c: {  	_ =	shalt  }
0x6d: {  	_ =	shalt  }
0x6e: {  	_ =	shalt  }
0x6f: {  	_ =	shalt  }
0x70: {  	_ =	shalt  }
0x71: {  	_ =	shalt  }
0x72: {  	_ =	shalt  }
0x73: {  	_ =	shalt  }
0x74: {  	_ =	shalt  }
0x75: {  	_ =	shalt  }
0x76: {  	_ =	shalt  }
0x77: {  	_ =	shalt  }
0x78: {  	_ =	shalt  }
0x79: {  	_ =	shalt  }
0x7a: {  	_ =	shalt  }
0x7b: {  	_ =	shalt  }
0x7c: {  	_ =	shalt  }
0x7d: {  	_ =	shalt  }
0x7e: {  	_ =	shalt  }
0x7f: {  	_ =	shalt  }
0x80: {  	_ =	shalt  }
0x81: {  	_ =	shalt  }
0x82: {  	_ =	shalt  }
0x83: {  	_ =	shalt  }
0x84: {  	_ =	shalt  }
0x85: {  	_ =	shalt  }
0x86: {  	_ =	shalt  }
0x87: {  	_ =	shalt  }
.Lfunc_end0:
.L_simem_size_0:
called_computation_lowered:
.L_overlay_start_0:
0x88: {  	s2 =	sld [smem:$0x3FD9]  }
0x89: {  	s3 =	sld [smem:$0x3FFE];
	_ =	sdelay $0x1  }
0x8a: {  	s1 =	srdreg.scid  }
0x8b: {  	s0 =	sand.u32 $0x1, s1  }
0x8c: {  	s18 =	sshll.u32 s0, $0xA;
	s2 =	sadd.s32 s3, s2  }
0x8d: {  	s2 =	sadd.s32 s2, s18  }
0x8e: {  	[smem:$0x3FC5] =	sst s2  }
0x8f: {  	_ = 	snop  }
0x90: {  	s2 =	sld [smem:$0x3FC9]  }
0x91: {  	s19 =	sld [smem:$0x3FC8]  }
0x92: {  	s4 =	sld [smem:$0x3FC7]  }
0x93: {  	s5 =	sld [smem:$0x3FD0];
	(tm) =	ssettm $0x1  }
0x94: {  	s6 =	sld [smem:$0x3FFB];
	_ =	sdelay $0x3  }
0x95: {  	_ =	strace s6  }
0x96: {  	s6 =	sld [smem:$0x3FFC];
	_ =	sdelay $0x3  }
0x97: {  	_ =	strace s6  }
0x98: {  	s6 =	sld [smem:$0x3FFD];
	_ =	sdelay $0x3  }
0x99: {  	_ =	strace s6  }
0x9a: {  	_ =	strace $0x8FFFFFFF  }
0x9b: {  	s20 =	sld [smem:$0x3FDB];
	_ =	sdelay $0x1  }
0x9c: {  	s7 =	simm.s32 $_scs_section_size  }
0x9d: {  	s8 =	simm.s32 $_size__tile_overlayer_lowered;
	s9 =	simm.s32 $_tile_overlayer_lowered  }
0x9e: {  	s23 =	simm.s32 $0x1BFF;
	s22 =	sshll.u32 s9, $0x1;
	s6 =	sadd.s32 s7, s20  }
0x9f: {  	s10 =	simm.s32 $0x0;
	s21 =	sshll.u32 s8, $0x1;
	s8 =	sadd.s32 s22, s6  }
0xa0: {  	[timem:s10], [sflag:s23] =	dma.local [hbm:s8], s21  }
0xa1: {  	_ =	swait.ge [sflag:s23], s21  }
0xa2: {  	s7 =	ssub.s32 $0x0, s21;
	[sflag:s23] =	ssyncset.done $0x0  }
0xa3: {  	[sflag:s23] =	ssyncadd.s32 s7;
	_ =	sdelay $0x1  }
0xa4: {  	s24 =	simm.s32 $0x1B8B  }
0xa5: {  	_ =	swait.ge [sflag:s24], $0x1  }
0xa6: {  	[sflag:s24] =	ssyncset.done $0x0  }
0xa7: {  	s25 =	simm.s32 $0x1B8E;
	[sflag:s24] =	ssyncadd.s32 $0xFFFFFFFF  }
0xa8: {  	s26 =	simm.s32 $execute0_lowered;
	[smem:$0x3FD2] =	sst s25  }
0xa9: {  	s7 =	sshll.u32 s26, $0x1;
	_ =	strace $0x80000046;
	[dreg:$0x1] =	wrdreg $0xFFFFFFFF  }
0xaa: {  	s28 =	simm.s32 $_size_execute0_lowered;
	s6 =	sadd.s32 s6, s7;
	[dreg:$0x0] =	wrdreg $0x0  }
0xab: {  	s7 =	sshll.u32 s28, $0x1;
	[dreg:$0x2] =	wrdreg s6  }
0xac: {  	[dreg:$0x3] =	wrdreg s7  }
0xad: {  	[dreg:$0x4] =	wrdreg $0xC0  }
0xae: {  	_ =	task [dreg:s10], $0x5FFFF  }
0xaf: {  	[dreg:$0x1] =	wrdreg $0xFFFFFFFF  }
0xb0: {  	[dreg:$0x0] =	wrdreg $0x60  }
0xb1: {  	[dreg:$0x2] =	wrdreg s2  }
0xb2: {  	[dreg:$0x3] =	wrdreg s19  }
0xb3: {  	[dreg:$0x4] =	wrdreg s4  }
0xb4: {  	[dreg:$0x5] =	wrdreg s5  }
0xb5: {  	[dreg:$0x6] =	wrdreg $0x9  }
0xb6: {  	_ =	task.clear_ibuf [dreg:s10], $0x7FFFF;
	_ =	strace $0x90000046  }
0xb7: {  	s29 =	simm.s32 $0x9;
	_ =	strace $0x80000048  }
0xb8: {  	_ =	swait.ge [sflag:s29], $0x1  }
0xb9: {  	[sflag:s29] =	ssyncadd.s32 $0xFFFFFFFF  }
0xba: {  	_ =	strace $0x90000048  }
0xbb: {  	_ =	sfence  }
0xbc: {  	s30 =	sld [smem:$0x0];
	_ =	sdelay $0x2  }
0xbd: {  	s31 =	sshll.u32 s1, $0xD;
	s1 =	sshrl.u32 s1, $0x2  }
0xbe: {  	s3 =	sand.u32 $0x4000, s31;
	s1 =	sadd.s32 s1, s30  }
0xbf: {  	s0 =	sor.u32 s3, s0;
	s1 =	sshll.u32 s1, $0x11  }
0xc0: {  	s0 =	sor.u32 s1, s0  }
0xc1: {  	s0 =	sadd.s32 $0x8F2B, s0  }
0xc2: {  	[sflag:s0] =	ssyncadd.remote.s32 $0x1  }
0xc3: {  	_ =	sfence.sel $0xFFFF  }
0xc4: {  	[dreg:$0x0] =	wrdreg $0xFFFFFFFF;
	(pc) =	sbr.abs _section_cstart, $3  }
0xc5: {  	[dreg:$0x1] =	wrdreg $0xFFFFFFFF  }
0xc6: {  	_ =	task.clear_ibuf [dreg:s10], $0x2FFFF;
	_ =	strace $0x9FFFFFFF  }
0xc7: {  	(tm) =	ssettm $0x7FFFFFFF  }
tec
execute0_lowered:
.L_overlay_start_1:
0x0: {  	(tag) =	ssettag $0x1  }
0x1: {  	s1 =	rddreg [dreg:$0x0]  }
0x2: {  	s2 =	rddreg [dreg:$0x1];
	s0 =	srdreg.scid  }
0x3: {  	s3 =	stileid.u32;
	s5 =	rddreg [dreg:$0x3]  }
0x4: {  	s6 =	simm.s32 $0x0;
	s0 =	sand.u32 $0x1, s0;
	s3 =	sshll.u32 s3, $0x1  }
0x5: {  	s19 =	simm.s32 $0x9800;
	s28 =	simm.s32 $0x16200;
	s3 =	sor.u32 s0, s3  }
0x6: {  	s29 =	simm.s32 $0x18A00;
	s30 =	simm.s32 $0x1B200;
	s4 =	smul.u32 $0x17C, s3  }
0x7: {  	s31 =	simm.s32 $0x3;
	s12 =	simm.s32 $0x0;
	s7 =	smul.u32 $0xBE000, s3  }
0x8: {  	[smem:$0x7FF] =	sst s6;
	s0 =	ssub.s32 $0x2, s0;
	s8 =	smul.u32 $0x17C00, s3  }
0x9: {  	_ =	strace $0x80000047;
	s9 =	sshrl.u32 s0, $0x1;
	s10 =	smul.u32 $0xBE0, s3  }
0xa: {  	s11 =	smul.u32 $0x13, s3;
	p0 =	slt.u32 s3, $0x11;
	s14 =	sor.u32 $0x260, s3  }
0xb: {  	v0 =	vlaneseq.u32;
	p1 =	sgt.u32 s3, $0x10;
	s3 =	simm.s32 $0x1;
	s0 =	ssub.s32 s0, s9  }
0xc: {  	v1 =	vor.u32 $0x10, v0;
	v16 =	vor.u32 $0xA000, v0;
	s7 =	sshrl.u32 s7, $0x3;
	s4 =	sadd.s32 s2, s4;
	s21 =	sadd.s32 s1, s8  }
0xd: {  	v2 =	vor.u32 $0x20, v0;
	v3 =	vor.u32 $0x30, v0;
	v17 =	vor.u32 $0xA400, v0;
	[tilespmem:$0x1FF60] =	vst v16;
	s23 =	sshrl.u32 s10, $0x3;
	s15 =	sadd.s32 $0x2, s11;
	[dreg:$0x5] =	wrdreg s4  }
0xe: {  	v4 =	vor.u32 $0x40, v0;
	v5 =	vor.u32 $0x50, v0;
	v18 =	vor.u32 $0xA410, v0;
	[tilespmem:$0x1FF70] =	vst v17;
	s16 =	sadd.s32 $0x3, s11;
	s0 =	smax.u32 s0, $0x1;
	[dreg:$0x6] =	wrdreg s21  }
0xf: {  	v6 =	vor.u32 $0x60, v0;
	v7 =	vor.u32 $0x70, v0;
	v28 =	vor.u32 $0xA010, v0;
	[tilespmem:$0x1FF80] =	vst v18;
	s26 =	sadd.s32 $0x1, s11;
	s8 =	simm.s32 $0x6;
	[dreg:$0xb] =	wrdreg s0  }
0x10: {  	v8 =	vor.u32 $0x400, v0;
	v9 =	vor.u32 $0x410, v0;
	v29 =	vor.u32 $0xA020, v0;
	[tilespmem:$0x1FF90] =	vst v28;
	s20 =	sadd.s32 s1, s7;
	s7 =	sadd.s32 s2, s23;
	[dreg:$0xc] =	wrdreg s26  }
0x11: {  	v10 =	vor.u32 $0x420, v0;
	v30 =	vor.u32 $0xA030, v0;
	[tilespmem:$0x1FFA0] =	vst v29;
	s21 =	simm.s32 $0xC200;
	s23 =	simm.s32 $0x11200;
	s22 =	sadd.s32 $0x500, s20  }
.Ltmp0:
0x12: {  	v11 =	vor.u32 $0x430, v0;
	v12 =	vor.u32 $0x440, v0;
	v31 =	vor.u32 $0xA040, v0;
	[tilespmem:$0x1FFB0] =	vst v30;
	s24 =	sadd.s32 $0xA00, s20;
	[dreg:$0x7] =	wrdreg s22;
	(pc) =	sbr.rel .LBB2_1-.Ltmp0, $4  }
0x13: {  	v13 =	vor.u32 $0x450, v0;
	v14 =	vor.u32 $0x460, v0;
	v52 =	vor.u32 $0xA050, v0;
	[tilespmem:$0x1FFC0] =	vst v31;
	s26 =	simm.s32 $0x13A00;
	s4 =	sadd.s32 $0xF00, s20;
	[dreg:$0x8] =	wrdreg s24  }
0x14: {  	v15 =	vor.u32 $0x470, v0;
	v19 =	vor.u32 $0xA420, v0;
	v53 =	vor.u32 $0xA060, v0;
	[tilespmem:$0x1FFD0] =	vst v52;
	s0 =	simm.s32 $0x5;
	s25 =	sadd.s32 $0x14, s7;
	[dreg:$0x9] =	wrdreg s4  }
0x15: {  	v20 =	vor.u32 $0xA430, v0;
	v21 =	vor.u32 $0xA440, v0;
	v54 =	vor.u32 $0xA070, v0;
	[tilespmem:$0x1FFE0] =	vst v53;
	s20 =	simm.s32 $0x9A00;
	s7 =	simm.s32 $0x2;
	[dreg:$0xa] =	wrdreg s25  }
0x16: {  	v22 =	vor.u32 $0xA450, v0;
	v23 =	vor.u32 $0xA460, v0;
	v24 =	vor.u32 $0xA470, v0;
	[tilespmem:$0x1FFF0] =	vst v54;
	s22 =	simm.s32 $0xEA00;
	s24 =	simm.s32 $0x9900;
	s4 =	simm.s32 $0x4  }
.LBB2_27:
0x17: {  	s9 =	simm.s32 @!p1 $0x6  }
0x18: {  	_ =	swait.ge @!p1 [sflag:s9], $0x2800  }
0x19: {  	[sflag:s9] =	ssyncset.done @!p1 $0x0  }
0x1a: {  	[sflag:s9] =	ssyncadd.s32 @!p1 $0xFFFFD800  }
0x1b: {  	_ =	swait.ge @!p1 [sflag:s9], $0x2800  }
0x1c: {  	[sflag:s9] =	ssyncset.done @!p1 $0x0  }
0x1d: {  	[sflag:s9] =	ssyncadd.s32 @!p1 $0xFFFFD800  }
0x1e: {  	_ =	swait.ge @!p1 [sflag:s9], $0x2800  }
0x1f: {  	[sflag:s9] =	ssyncset.done @!p1 $0x0  }
0x20: {  	[sflag:s9] =	ssyncadd.s32 @!p1 $0xFFFFD800  }
0x21: {  	_ =	swait.ge @!p1 [sflag:s9], $0x2800  }
0x22: {  	s12 =	rddreg [dreg:$0xd]  }
0x23: {  	s10 =	rddreg [dreg:$0xb];
	s12 =	sadd.s32 $0x1, s12  }
0x24: {  	p2 =	sne.s32 s12, s10  }
.Ltmp1:
0x25: {  	_ = 	snop;
	(pc) =	sbr.rel @!p2 .LBB2_28-.Ltmp1, $3  }
0x26: {  	_ =	sdelay $0x1  }
0x27: {  	[sflag:s9] =	ssyncset.done @!p1 $0x0  }
0x28: {  	[sflag:s9] =	ssyncadd.s32 @!p1 $0xFFFFD800  }
.LBB2_1:
0x29: {  	[dreg:$0xd] =	wrdreg s12  }
0x2a: {  	s9 =	rddreg [dreg:$0x5]  }
0x2b: {  	[tilespmem:s19], [sflag:$0x1] =	stream.linear.gather [hbm4b:s9+s6], $0xA0, $0x38;
	[tilespmem:$0x1DA00] =	vst v63  }
0x2c: {  	s25 =	rddreg [dreg:$0x6]  }
0x2d: {  	[tilespmem:s20], [sflag:$0x3] =	stream.linear.gather [hbm4b:s25+s6], $0x2800, $0x38;
	[tilespmem:$0x1DA00] =	vst v63  }
0x2e: {  	s10 =	rddreg [dreg:$0x7]  }
0x2f: {  	[tilespmem:s21], [sflag:$0x3] =	stream.linear.gather [hbm4b:s10+s6], $0x2800, $0x38;
	[tilespmem:$0x1DA00] =	vst v63  }
0x30: {  	s12 =	rddreg [dreg:$0x8]  }
0x31: {  	[tilespmem:s22], [sflag:$0x3] =	stream.linear.gather [hbm4b:s12+s6], $0x2800, $0x38;
	[tilespmem:$0x1DA00] =	vst v63  }
0x32: {  	s13 =	rddreg [dreg:$0x9]  }
0x33: {  	[tilespmem:s23], [sflag:$0x3] =	stream.linear.gather [hbm4b:s13+s6], $0x2800, $0x38;
	[tilespmem:$0x1DA00] =	vst v63  }
0x34: {  	s17 =	rddreg [dreg:$0xa]  }
0x35: {  	[tilespmem:s24], [sflag:$0x2] =	stream.linear.gather [hbm4b:s17+s6], $0xA0, $0x38;
	[tilespmem:$0x1DA00] =	vst v63  }
.Ltmp2:
0x36: {  	s18 =	rddreg [dreg:$0x2];
	s25 =	simm.s32 $0x7;
	(pc) =	sbr.rel .LBB2_2-.Ltmp2, $4  }
0x37: {  	[tilespmem:s6], [sflag:$0x7] =	stream.linear.gather [hbm4b:s18+s6], $0x9800, $0x38;
	[tilespmem:$0x1DA00] =	vst v63  }
0x38: {  	_ =	swait.ge [sflag:s25], $0x9800  }
0x39: {  	[sflag:s25] =	ssyncset.done $0x0  }
0x3a: {  	s10 =	simm.s32 $0x0;
	[sflag:s25] =	ssyncadd.s32 $0xFFFF6800  }
.LBB2_26:
0x3b: {  	s10 =	sadd.s32 $0x1, s10  }
0x3c: {  	p2 =	sne.s32 s10, $0xA  }
.Ltmp3:
0x3d: {  	_ = 	snop;
	(pc) =	sbr.rel @!p2 .LBB2_27-.Ltmp3, $1  }
0x3e: {  	_ =	sdelay $0x3  }
.LBB2_2:
0x3f: {  	p2 =	seq.s32 s10, $0x0  }
.Ltmp4:
0x40: {  	_ = 	snop;
	(pc) =	sbr.rel @p2 .LBB2_3-.Ltmp4, $2  }
0x41: {  	_ =	sdelay $0x2  }
0x42: {  	s12 =	sshll.u32 s10, $0x1;
	p5 =	por $0x1, $0x1  }
0x43: {  	_ =	swait.ge [sflag:s8], $0x2800  }
0x44: {  	[sflag:s8] =	ssyncset.done $0x0  }
0x45: {  	[sflag:s8] =	ssyncadd.s32 $0xFFFFD800  }
0x46: {  	_ =	swait.ge [sflag:s8], $0x2800  }
0x47: {  	s13 =	sor.u32 $0x1, s12;
	[sflag:s8] =	ssyncset.done $0x0  }
0x48: {  	p2 =	sgt.u32 @!p0 s13, $0x12;
	[sflag:s8] =	ssyncadd.s32 $0xFFFFD800  }
0x49: {  	p2 =	por p0, !p2;
	_ =	swait.ge [sflag:s8], $0x2800  }
.Ltmp5:
0x4a: {  	[sflag:s8] =	ssyncset.done $0x0;
	(pc) =	sbr.rel @p2 .LBB2_6-.Ltmp5, $4  }
0x4b: {  	[sflag:s8] =	ssyncadd.s32 $0xFFFFD800  }
0x4c: {  	_ =	swait.ge [sflag:s8], $0x2800  }
0x4d: {  	[sflag:s8] =	ssyncset.done $0x0  }
0x4e: {  	[sflag:s8] =	ssyncadd.s32 $0xFFFFD800  }
.Ltmp6:
0x4f: {  	(pc) =	sbr.rel .LBB2_8-.Ltmp6, $3  }
0x50: {  	_ =	sdelay $0x1  }
0x51: {  	s13 =	simm.s32 $0x13  }
0x52: {  	p2 =	por $0x0, $0x0;
	p5 =	por $0x0, $0x0;
	p3 =	por $0x0, $0x0  }
.LBB2_3:
.Ltmp7:
0x53: {  	(pc) =	sbr.rel .LBB2_7-.Ltmp7, $2  }
0x54: {  	_ =	sdelay $0x2  }
0x55: {  	s13 =	simm.s32 $0x1;
	p3 =	por $0x1, $0x1;
	s9 =	rddreg [dreg:$0xc]  }
.LBB2_6:
0x56: {  	p2 =	slt.u32 s13, $0x13;
	s17 =	sadd.s32 s11, s13;
	s9 =	smov.u32 s14  }
0x57: {  	p3 =	slt.u32 s13, $0x13;
	s9 =	smov.u32 @p2 s17  }
.LBB2_7:
0x58: {  	s17 =	smul.u32 $0x1400, s9  }
0x59: {  	s25 =	smul.u32 $0xA000, s9;
	_ =	sdelay $0x1  }
0x5a: {  	s17 =	sadd.s32 s1, s17;
	s9 =	sshrl.u32 s25, $0x3  }
0x5b: {  	[tilespmem:s26], [sflag:$0x4] =	stream.linear.gather [hbm4b:s17+s6], $0x2800, $0x38;
	[tilespmem:$0x1DA00] =	vst v63  }
0x5c: {  	s9 =	sadd.s32 s1, s9  }
0x5d: {  	s18 =	sadd.s32 $0x500, s9  }
0x5e: {  	[tilespmem:s28], [sflag:$0x4] =	stream.linear.gather [hbm4b:s18+s6], $0x2800, $0x38;
	[tilespmem:$0x1DA00] =	vst v63  }
0x5f: {  	s25 =	sadd.s32 $0xA00, s9  }
0x60: {  	[tilespmem:s29], [sflag:$0x4] =	stream.linear.gather [hbm4b:s25+s6], $0x2800, $0x38;
	[tilespmem:$0x1DA00] =	vst v63  }
0x61: {  	p2 =	por p0, p0;
	s9 =	sadd.s32 $0xF00, s9  }
0x62: {  	[tilespmem:s30], [sflag:$0x4] =	stream.linear.gather [hbm4b:s9+s6], $0x2800, $0x38;
	[tilespmem:$0x1DA00] =	vst v63  }
.LBB2_8:
0x63: {  	_ =	swait.ge [sflag:s31], $0x2800  }
0x64: {  	[sflag:s31] =	ssyncset.done $0x0  }
0x65: {  	[sflag:s31] =	ssyncadd.s32 $0xFFFFD800  }
0x66: {  	_ =	swait.ge [sflag:s31], $0x2800  }
0x67: {  	[sflag:s31] =	ssyncset.done $0x0  }
0x68: {  	[sflag:s31] =	ssyncadd.s32 $0xFFFFD800  }
0x69: {  	_ =	swait.ge [sflag:s31], $0x2800  }
0x6a: {  	[sflag:s31] =	ssyncset.done $0x0  }
0x6b: {  	[sflag:s31] =	ssyncadd.s32 $0xFFFFD800  }
0x6c: {  	s9 =	simm.s32 $0x0;
	_ =	swait.ge [sflag:s31], $0x2800  }
0x6d: {  	v25 =	vmov s9;
	[sflag:s31] =	ssyncset.done $0x0  }
0x6e: {  	s18 =	simm.s32 $0x1;
	[sflag:s31] =	ssyncadd.s32 $0xFFFFD800  }
0x6f: {  	v26 =	vmov s18;
	_ =	swait.ge [sflag:s3], $0xA0  }
0x70: {  	[sflag:s3] =	ssyncset.done $0x0  }
0x71: {  	[sflag:s3] =	ssyncadd.s32 $0xFFFFFF60  }
0x72: {  	v27 =	vld.idx.msk [tilespmem:v25+s19+$0x0], $0xffff;
	_ =	sdelay $0x1  }
0x73: {  	v32 =	vld.idx.msk [tilespmem:v26+s19+$0x0], $0xffff;
	_ =	sdelay $0x2  }
0x74: {  	v33 =	vshll.u32 v27, $0x8;
	v27 =	vshll.u32 v27, $0x7  }
0x75: {  	v33 =	vand.u32 $0xFFFFF800, v33;
	v27 =	vand.u32 $0x380, v27  }
0x76: {  	v61 =	vshll.u32 v32, $0x8;
	v32 =	vshll.u32 v32, $0x7;
	v35 =	vor.u32 v27, v33  }
0x77: {  	v32 =	vand.u32 $0x380, v32;
	v33 =	vand.u32 $0xFFFFF800, v61;
	v27 =	vor.u32 v0, v35  }
0x78: {  	v34 =	vor.u32 v32, v33  }
0x79: {  	v36 =	vshll.u32 v25, $0x8;
	v25 =	vshll.u32 v25, $0x7;
	v63 =	vor.u32 v0, v34  }
0x7a: {  	v62 =	vand.u32 $0x3800, v36;
	v25 =	vand.u32 $0x300, v25  }
0x7b: {  	v40 =	vshll.u32 v26, $0x8;
	v26 =	vshll.u32 v26, $0x7;
	v32 =	vor.u32 v25, v62  }
0x7c: {  	v26 =	vand.u32 $0x380, v26;
	v33 =	vand.u32 $0x3800, v40;
	v25 =	vld.idx.msk [tilespmem:v27+s6+$0x0], $0xffff;
	v27 =	vor.u32 v0, v32  }
0x7d: {  	v37 =	vor.u32 v1, v35;
	v33 =	vor.u32 v26, v33  }
0x7e: {  	v41 =	vor.u32 v0, v33;
	v26 =	vld.idx.msk [tilespmem:v63+s6+$0x0], $0xffff  }
0x7f: {  	v38 =	vor.u32 v1, v34;
	_ =	sdelay $0x1  }
0x80: {  	[tilespmem:v27+s20+$0x0] =	vst.idx.add.f32.msk $0xffff, v25  }
0x81: {  	v27 =	vor.u32 v1, v32;
	v25 =	vld.idx.msk [tilespmem:v37+s6+$0x0], $0xffff  }
0x82: {  	v42 =	vor.u32 v2, v35;
	[tilespmem:v41+s20+$0x0] =	vst.idx.add.f32.msk $0xffff, v26  }
0x83: {  	v43 =	vor.u32 v1, v33;
	v26 =	vld.idx.msk [tilespmem:v38+s6+$0x0], $0xffff  }
0x84: {  	v44 =	vor.u32 v2, v34;
	_ =	sdelay $0x1  }
0x85: {  	[tilespmem:v27+s20+$0x0] =	vst.idx.add.f32.msk $0xffff, v25  }
0x86: {  	v27 =	vor.u32 v2, v32;
	v25 =	vld.idx.msk [tilespmem:v42+s6+$0x0], $0xffff  }
0x87: {  	v45 =	vor.u32 v3, v35;
	[tilespmem:v43+s20+$0x0] =	vst.idx.add.f32.msk $0xffff, v26  }
0x88: {  	v46 =	vor.u32 v2, v33;
	v26 =	vld.idx.msk [tilespmem:v44+s6+$0x0], $0xffff  }
0x89: {  	v47 =	vor.u32 v3, v34  }
0x8a: {  	s25 =	simm.s32 $0x2  }
0x8b: {  	v39 =	vmov s25;
	[tilespmem:v27+s20+$0x0] =	vst.idx.add.f32.msk $0xffff, v25  }
0x8c: {  	v27 =	vor.u32 v3, v32;
	v25 =	vld.idx.msk [tilespmem:v45+s6+$0x0], $0xffff  }
0x8d: {  	v48 =	vor.u32 v4, v35;
	[tilespmem:v46+s20+$0x0] =	vst.idx.add.f32.msk $0xffff, v26  }
0x8e: {  	v49 =	vor.u32 v3, v33;
	v26 =	vld.idx.msk [tilespmem:v47+s6+$0x0], $0xffff  }
0x8f: {  	v50 =	vor.u32 v4, v34  }
0x90: {  	v51 =	vld.idx.msk [tilespmem:v39+s19+$0x0], $0xffff  }
0x91: {  	[tilespmem:v27+s20+$0x0] =	vst.idx.add.f32.msk $0xffff, v25  }
0x92: {  	v27 =	vor.u32 v4, v32;
	v25 =	vld.idx.msk [tilespmem:v48+s6+$0x0], $0xffff  }
0x93: {  	v40 =	vor.u32 v5, v35;
	[tilespmem:v49+s20+$0x0] =	vst.idx.add.f32.msk $0xffff, v26  }
0x94: {  	v55 =	vor.u32 v4, v33;
	v26 =	vld.idx.msk [tilespmem:v50+s6+$0x0], $0xffff  }
0x95: {  	v56 =	vor.u32 v5, v34;
	_ =	sdelay $0x1  }
0x96: {  	[tilespmem:v27+s20+$0x0] =	vst.idx.add.f32.msk $0xffff, v25  }
0x97: {  	v27 =	vor.u32 v5, v32;
	v25 =	vld.idx.msk [tilespmem:v40+s6+$0x0], $0xffff  }
0x98: {  	v58 =	vshll.u32 v51, $0x7;
	v57 =	vor.u32 v6, v35;
	[tilespmem:v55+s20+$0x0] =	vst.idx.add.f32.msk $0xffff, v26;
	v26 =	vshll.u32 v51, $0x8  }
0x99: {  	v36 =	vand.u32 $0x380, v58;
	v60 =	vor.u32 v5, v33;
	v59 =	vld.idx.msk [tilespmem:v56+s6+$0x0], $0xffff;
	v26 =	vand.u32 $0xFFFFF800, v26  }
0x9a: {  	v36 =	vor.u32 v36, v26;
	v26 =	vor.u32 v6, v34;
	_ =	sdelay $0x1  }
0x9b: {  	[tilespmem:v27+s20+$0x0] =	vst.idx.add.f32.msk $0xffff, v25;
	v25 =	vor.u32 v0, v36  }
0x9c: {  	v46 =	vor.u32 v6, v32;
	v27 =	vld.idx.msk [tilespmem:v57+s6+$0x0], $0xffff  }
0x9d: {  	v61 =	vshll.u32 v39, $0x8;
	v62 =	vshll.u32 v39, $0x7;
	v41 =	vor.u32 v7, v35;
	[tilespmem:v60+s20+$0x0] =	vst.idx.add.f32.msk $0xffff, v59  }
0x9e: {  	v63 =	vand.u32 $0x300, v62;
	v44 =	vor.u32 v6, v33;
	v40 =	vld.idx.msk [tilespmem:v26+s6+$0x0], $0xffff;
	v26 =	vand.u32 $0x3800, v61  }
0x9f: {  	v45 =	vor.u32 v7, v34;
	v37 =	vor.u32 v63, v26  }
0xa0: {  	v43 =	vor.u32 v0, v37;
	v39 =	vld.idx.msk [tilespmem:v25+s6+$0x0], $0xffff  }
0xa1: {  	s17 =	simm.s32 $0x4;
	s9 =	simm.s32 $0x3;
	v42 =	vor.u32 v1, v36;
	[tilespmem:v46+s20+$0x0] =	vst.idx.add.f32.msk $0xffff, v27  }
.LBB2_9:
0xa2: {  	p4 =	slt.u32 s17, $0x26;
	v25 =	vmov s9;
	v26 =	vld.idx.msk [tilespmem:v41+s6+$0x0], $0xffff  }
0xa3: {  	v27 =	vor.u32 v7, v32;
	[tilespmem:v44+s20+$0x0] =	vst.idx.add.f32.msk $0xffff, v40  }
0xa4: {  	v40 =	vor.u32 v8, v35;
	v41 =	vld.idx.msk [tilespmem:v45+s6+$0x0], $0xffff  }
0xa5: {  	[tilespmem:v43+s20+$0x0] =	vst.idx.add.f32.msk $0xffff, v39;
	v39 =	vor.u32 v7, v33  }
0xa6: {  	v43 =	vor.u32 v8, v34;
	v42 =	vld.idx.msk [tilespmem:v42+s6+$0x0], $0xffff  }
0xa7: {  	v44 =	vor.u32 v1, v37;
	v45 =	vld.idx.msk [tilespmem:v25+s19+$0x0], $0xffff  }
0xa8: {  	v46 =	vor.u32 v2, v36;
	[tilespmem:v27+s20+$0x0] =	vst.idx.add.f32.msk $0xffff, v26  }
0xa9: {  	v38 =	vmov s17;
	v26 =	vld.idx.msk [tilespmem:v40+s6+$0x0], $0xffff  }
0xaa: {  	v27 =	vor.u32 v8, v32;
	[tilespmem:v39+s20+$0x0] =	vst.idx.add.f32.msk $0xffff, v41  }
0xab: {  	v40 =	vor.u32 v9, v35;
	v41 =	vld.idx.msk [tilespmem:v43+s6+$0x0], $0xffff  }
0xac: {  	[tilespmem:v44+s20+$0x0] =	vst.idx.add.f32.msk $0xffff, v42;
	v42 =	vor.u32 v8, v33  }
0xad: {  	v44 =	vshll.u32 v45, $0x8;
	v45 =	vshll.u32 v45, $0x7;
	v43 =	vld.idx.msk [tilespmem:v46+s6+$0x0], $0xffff;
	v46 =	vor.u32 v9, v34  }
0xae: {  	v47 =	vor.u32 v2, v37;
	v44 =	vand.u32 $0xFFFFF800, v44;
	v45 =	vand.u32 $0x380, v45;
	v39 =	vld.idx.msk [tilespmem:v38+s19+$0x0], $0xffff  }
0xaf: {  	v48 =	vor.u32 v3, v36;
	v44 =	vor.u32 v45, v44;
	[tilespmem:v27+s20+$0x0] =	vst.idx.add.f32.msk $0xffff, v26  }
0xb0: {  	v26 =	vor.u32 v0, v44;
	v27 =	vld.idx.msk [tilespmem:v40+s6+$0x0], $0xffff  }
0xb1: {  	v45 =	vor.u32 v9, v32;
	[tilespmem:v42+s20+$0x0] =	vst.idx.add.f32.msk $0xffff, v41  }
0xb2: {  	v41 =	vor.u32 v10, v35;
	v42 =	vld.idx.msk [tilespmem:v46+s6+$0x0], $0xffff  }
0xb3: {  	v40 =	vshll.u32 v25, $0x8;
	v25 =	vshll.u32 v25, $0x7;
	[tilespmem:v47+s20+$0x0] =	vst.idx.add.f32.msk $0xffff, v43;
	v43 =	vor.u32 v9, v33  }
0xb4: {  	v40 =	vand.u32 $0x3800, v40;
	v25 =	vand.u32 $0x380, v25;
	v47 =	vor.u32 v10, v34;
	v46 =	vld.idx.msk [tilespmem:v48+s6+$0x0], $0xffff  }
0xb5: {  	v40 =	vor.u32 v25, v40;
	v48 =	vor.u32 v3, v37;
	v26 =	vld.idx.msk [tilespmem:v26+s6+$0x0], $0xffff  }
0xb6: {  	v25 =	vor.u32 v0, v40;
	[tilespmem:v45+s20+$0x0] =	vst.idx.add.f32.msk $0xffff, v27  }
0xb7: {  	v27 =	vor.u32 v1, v44;
	v41 =	vld.idx.msk [tilespmem:v41+s6+$0x0], $0xffff  }
0xb8: {  	v45 =	vor.u32 v10, v32;
	[tilespmem:v43+s20+$0x0] =	vst.idx.add.f32.msk $0xffff, v42  }
0xb9: {  	v42 =	vor.u32 v11, v35;
	v43 =	vld.idx.msk [tilespmem:v47+s6+$0x0], $0xffff  }
0xba: {  	[tilespmem:v48+s20+$0x0] =	vst.idx.add.f32.msk $0xffff, v46;
	v46 =	vor.u32 v10, v33  }
0xbb: {  	[tilespmem:v25+s20+$0x0] =	vst.idx.add.f32.msk $0xffff, v26;
	v25 =	vor.u32 v11, v34  }
0xbc: {  	v26 =	vor.u32 v4, v36;
	v27 =	vld.idx.msk [tilespmem:v27+s6+$0x0], $0xffff  }
0xbd: {  	v47 =	vor.u32 v1, v40;
	[tilespmem:v45+s20+$0x0] =	vst.idx.add.f32.msk $0xffff, v41  }
0xbe: {  	v41 =	vor.u32 v2, v44;
	v42 =	vld.idx.msk [tilespmem:v42+s6+$0x0], $0xffff  }
0xbf: {  	v45 =	vor.u32 v11, v32;
	[tilespmem:v46+s20+$0x0] =	vst.idx.add.f32.msk $0xffff, v43  }
0xc0: {  	v43 =	vor.u32 v12, v35;
	v25 =	vld.idx.msk [tilespmem:v25+s6+$0x0], $0xffff  }
0xc1: {  	v46 =	vor.u32 v11, v33;
	v26 =	vld.idx.msk [tilespmem:v26+s6+$0x0], $0xffff  }
0xc2: {  	[tilespmem:v47+s20+$0x0] =	vst.idx.add.f32.msk $0xffff, v27;
	v27 =	vor.u32 v12, v34  }
0xc3: {  	v47 =	vor.u32 v4, v37;
	v41 =	vld.idx.msk [tilespmem:v41+s6+$0x0], $0xffff  }
0xc4: {  	v48 =	vor.u32 v2, v40;
	[tilespmem:v45+s20+$0x0] =	vst.idx.add.f32.msk $0xffff, v42  }
0xc5: {  	v42 =	vor.u32 v3, v44;
	v43 =	vld.idx.msk [tilespmem:v43+s6+$0x0], $0xffff  }
0xc6: {  	v45 =	vor.u32 v12, v32;
	[tilespmem:v46+s20+$0x0] =	vst.idx.add.f32.msk $0xffff, v25  }
0xc7: {  	v25 =	vor.u32 v13, v35;
	v27 =	vld.idx.msk [tilespmem:v27+s6+$0x0], $0xffff  }
0xc8: {  	[tilespmem:v47+s20+$0x0] =	vst.idx.add.f32.msk $0xffff, v26;
	v26 =	vor.u32 v12, v33  }
0xc9: {  	[tilespmem:v48+s20+$0x0] =	vst.idx.add.f32.msk $0xffff, v41;
	v41 =	vor.u32 v13, v34  }
0xca: {  	v46 =	vor.u32 v5, v36;
	v42 =	vld.idx.msk [tilespmem:v42+s6+$0x0], $0xffff  }
0xcb: {  	v47 =	vor.u32 v3, v40;
	[tilespmem:v45+s20+$0x0] =	vst.idx.add.f32.msk $0xffff, v43  }
0xcc: {  	v43 =	vor.u32 v4, v44;
	v25 =	vld.idx.msk [tilespmem:v25+s6+$0x0], $0xffff  }
0xcd: {  	v45 =	vor.u32 v13, v32;
	[tilespmem:v26+s20+$0x0] =	vst.idx.add.f32.msk $0xffff, v27  }
0xce: {  	v26 =	vor.u32 v14, v35;
	v27 =	vld.idx.msk [tilespmem:v41+s6+$0x0], $0xffff  }
0xcf: {  	v41 =	vld.idx.msk [tilespmem:v46+s6+$0x0], $0xffff;
	v46 =	vor.u32 v13, v33  }
0xd0: {  	[tilespmem:v47+s20+$0x0] =	vst.idx.add.f32.msk $0xffff, v42;
	v42 =	vor.u32 v14, v34  }
0xd1: {  	v47 =	vor.u32 v5, v37;
	v43 =	vld.idx.msk [tilespmem:v43+s6+$0x0], $0xffff  }
0xd2: {  	v48 =	vor.u32 v4, v40;
	[tilespmem:v45+s20+$0x0] =	vst.idx.add.f32.msk $0xffff, v25  }
0xd3: {  	v25 =	vor.u32 v5, v44;
	v26 =	vld.idx.msk [tilespmem:v26+s6+$0x0], $0xffff  }
0xd4: {  	v45 =	vor.u32 v14, v32;
	[tilespmem:v46+s20+$0x0] =	vst.idx.add.f32.msk $0xffff, v27  }
0xd5: {  	v27 =	vor.u32 v15, v35;
	v35 =	vmov v36;
	v42 =	vld.idx.msk [tilespmem:v42+s6+$0x0], $0xffff  }
0xd6: {  	[tilespmem:v47+s20+$0x0] =	vst.idx.add.f32.msk $0xffff, v41;
	v41 =	vor.u32 v14, v33  }
0xd7: {  	[tilespmem:v48+s20+$0x0] =	vst.idx.add.f32.msk $0xffff, v43;
	v43 =	vor.u32 v15, v34;
	v34 =	vmov v44  }
0xd8: {  	v36 =	vshll.u32 v39, $0x8;
	v39 =	vshll.u32 v39, $0x7;
	v44 =	vor.u32 v6, v35;
	v25 =	vld.idx.msk [tilespmem:v25+s6+$0x0], $0xffff  }
0xd9: {  	v46 =	vor.u32 v5, v40;
	v36 =	vand.u32 $0xFFFFF800, v36;
	v39 =	vand.u32 $0x380, v39;
	[tilespmem:v45+s20+$0x0] =	vst.idx.add.f32.msk $0xffff, v26  }
0xda: {  	v36 =	vor.u32 v39, v36;
	v26 =	vor.u32 v6, v34;
	v27 =	vld.idx.msk [tilespmem:v27+s6+$0x0], $0xffff  }
0xdb: {  	v39 =	vor.u32 v0, v36;
	[tilespmem:v41+s20+$0x0] =	vst.idx.add.f32.msk $0xffff, v42  }
0xdc: {  	v42 =	vor.u32 v15, v32;
	v32 =	vmov v37;
	v47 =	vld.idx.msk [tilespmem:v43+s6+$0x0], $0xffff  }
0xdd: {  	v49 =	vor.u32 v15, v33;
	v33 =	vmov v40;
	v48 =	vld.idx.msk [tilespmem:v44+s6+$0x0], $0xffff  }
0xde: {  	v50 =	vor.u32 v6, v32;
	[tilespmem:v46+s20+$0x0] =	vst.idx.add.f32.msk $0xffff, v25  }
.Ltmp8:
0xdf: {  	v37 =	vshll.u32 v38, $0x7;
	v41 =	vor.u32 v7, v35;
	v25 =	vshll.u32 v38, $0x8;
	v40 =	vld.idx.msk [tilespmem:v26+s6+$0x0], $0xffff;
	(pc) =	sbr.rel @p4 .LBB2_9-.Ltmp8, $4  }
0xe0: {  	v44 =	vor.u32 v6, v33;
	v25 =	vand.u32 $0x3800, v25;
	v26 =	vand.u32 $0x300, v37;
	v39 =	vld.idx.msk [tilespmem:v39+s6+$0x0], $0xffff  }
0xe1: {  	v45 =	vor.u32 v7, v34;
	v37 =	vor.u32 v26, v25;
	[tilespmem:v42+s20+$0x0] =	vst.idx.add.f32.msk $0xffff, v27  }
0xe2: {  	v43 =	vor.u32 v0, v37;
	[tilespmem:v49+s20+$0x0] =	vst.idx.add.f32.msk $0xffff, v47  }
0xe3: {  	s9 =	sadd.s32 $0x1, s17;
	s17 =	sadd.s32 $0x2, s17;
	v42 =	vor.u32 v1, v36;
	[tilespmem:v50+s20+$0x0] =	vst.idx.add.f32.msk $0xffff, v48  }
0xe4: {  	v25 =	vmov s9;
	_ =	sdelay $0x4  }
0xe5: {  	v26 =	vld.idx.msk [tilespmem:v25+s19+$0x0], $0xffff;
	_ =	sdelay $0x4  }
0xe6: {  	v27 =	vshll.u32 v26, $0x8;
	v26 =	vshll.u32 v26, $0x7  }
0xe7: {  	v27 =	vand.u32 $0xFFFFF800, v27;
	v26 =	vand.u32 $0x380, v26  }
0xe8: {  	v38 =	vor.u32 v26, v27  }
0xe9: {  	[tilespmem:v44+s20+$0x0] =	vst.idx.add.f32.msk $0xffff, v40;
	v27 =	vor.u32 v0, v38  }
0xea: {  	v51 =	vor.u32 v7, v32;
	v26 =	vld.idx.msk [tilespmem:v41+s6+$0x0], $0xffff  }
0xeb: {  	v57 =	vor.u32 v7, v33;
	v44 =	vld.idx.msk [tilespmem:v45+s6+$0x0], $0xffff;
	v56 =	vshll.u32 v25, $0x8;
	v25 =	vshll.u32 v25, $0x7  }
0xec: {  	v59 =	vor.u32 v8, v34;
	[tilespmem:v43+s20+$0x0] =	vst.idx.add.f32.msk $0xffff, v39;
	v58 =	vand.u32 $0x3800, v56;
	v25 =	vand.u32 $0x380, v25  }
0xed: {  	v60 =	vor.u32 v1, v37;
	v42 =	vld.idx.msk [tilespmem:v42+s6+$0x0], $0xffff;
	v39 =	vor.u32 v25, v58  }
0xee: {  	v25 =	vld.idx.msk [tilespmem:v27+s6+$0x0], $0xffff;
	v27 =	vor.u32 v0, v39  }
0xef: {  	[tilespmem:v51+s20+$0x0] =	vst.idx.add.f32.msk $0xffff, v26;
	v26 =	vor.u32 v1, v38  }
0xf0: {  	v46 =	vor.u32 v2, v36;
	[tilespmem:v57+s20+$0x0] =	vst.idx.add.f32.msk $0xffff, v44  }
0xf1: {  	v63 =	vor.u32 v8, v33;
	v44 =	vld.idx.msk [tilespmem:v59+s6+$0x0], $0xffff  }
0xf2: {  	v48 =	vor.u32 v9, v34;
	[tilespmem:v60+s20+$0x0] =	vst.idx.add.f32.msk $0xffff, v42  }
0xf3: {  	v55 =	vor.u32 v8, v35;
	[tilespmem:v27+s20+$0x0] =	vst.idx.add.f32.msk $0xffff, v25  }
0xf4: {  	v25 =	vld.idx.msk [tilespmem:v26+s6+$0x0], $0xffff;
	v26 =	vor.u32 v1, v39  }
0xf5: {  	v42 =	vld.idx.msk [tilespmem:v46+s6+$0x0], $0xffff;
	v27 =	vor.u32 v2, v38  }
0xf6: {  	v49 =	vor.u32 v2, v37;
	[tilespmem:v63+s20+$0x0] =	vst.idx.add.f32.msk $0xffff, v44  }
0xf7: {  	v58 =	vor.u32 v9, v33;
	v44 =	vld.idx.msk [tilespmem:v48+s6+$0x0], $0xffff  }
0xf8: {  	v61 =	vor.u32 v8, v32;
	v40 =	vld.idx.msk [tilespmem:v55+s6+$0x0], $0xffff  }
0xf9: {  	v50 =	vor.u32 v3, v36;
	[tilespmem:v26+s20+$0x0] =	vst.idx.add.f32.msk $0xffff, v25  }
0xfa: {  	v26 =	vor.u32 v2, v39;
	v25 =	vld.idx.msk [tilespmem:v27+s6+$0x0], $0xffff  }
0xfb: {  	[tilespmem:v49+s20+$0x0] =	vst.idx.add.f32.msk $0xffff, v42;
	v27 =	vor.u32 v3, v38  }
0xfc: {  	v59 =	vor.u32 v10, v34;
	[tilespmem:v58+s20+$0x0] =	vst.idx.add.f32.msk $0xffff, v44  }
0xfd: {  	v62 =	vor.u32 v9, v35;
	[tilespmem:v61+s20+$0x0] =	vst.idx.add.f32.msk $0xffff, v40  }
0xfe: {  	v56 =	vor.u32 v3, v37;
	v40 =	vld.idx.msk [tilespmem:v50+s6+$0x0], $0xffff  }
0xff: {  	v57 =	vor.u32 v4, v36;
	[tilespmem:v26+s20+$0x0] =	vst.idx.add.f32.msk $0xffff, v25  }
0x100: {  	v26 =	vor.u32 v3, v39;
	v25 =	vld.idx.msk [tilespmem:v27+s6+$0x0], $0xffff  }
0x101: {  	v44 =	vld.idx.msk [tilespmem:v59+s6+$0x0], $0xffff;
	v27 =	vor.u32 v4, v38  }
0x102: {  	v51 =	vor.u32 v9, v32;
	v43 =	vld.idx.msk [tilespmem:v62+s6+$0x0], $0xffff  }
0x103: {  	v55 =	vor.u32 v10, v35;
	[tilespmem:v56+s20+$0x0] =	vst.idx.add.f32.msk $0xffff, v40  }
0x104: {  	v60 =	vor.u32 v4, v37;
	v40 =	vld.idx.msk [tilespmem:v57+s6+$0x0], $0xffff  }
0x105: {  	v61 =	vor.u32 v5, v36;
	[tilespmem:v26+s20+$0x0] =	vst.idx.add.f32.msk $0xffff, v25  }
0x106: {  	v26 =	vor.u32 v4, v39;
	v25 =	vld.idx.msk [tilespmem:v27+s6+$0x0], $0xffff  }
0x107: {  	[tilespmem:v51+s20+$0x0] =	vst.idx.add.f32.msk $0xffff, v43;
	v27 =	vor.u32 v5, v38  }
0x108: {  	v50 =	vor.u32 v10, v33;
	v43 =	vld.idx.msk [tilespmem:v55+s6+$0x0], $0xffff  }
0x109: {  	v62 =	vor.u32 v10, v32;
	[tilespmem:v60+s20+$0x0] =	vst.idx.add.f32.msk $0xffff, v40  }
0x10a: {  	v48 =	vor.u32 v5, v37;
	v40 =	vld.idx.msk [tilespmem:v61+s6+$0x0], $0xffff  }
0x10b: {  	[tilespmem:v26+s20+$0x0] =	vst.idx.add.f32.msk $0xffff, v25;
	v25 =	vor.u32 v6, v36  }
0x10c: {  	v26 =	vld.idx.msk [tilespmem:v27+s6+$0x0], $0xffff;
	v27 =	vor.u32 v5, v39  }
0x10d: {  	v49 =	vor.u32 v6, v38;
	[tilespmem:v50+s20+$0x0] =	vst.idx.add.f32.msk $0xffff, v44  }
0x10e: {  	v55 =	vor.u32 v11, v34;
	[tilespmem:v62+s20+$0x0] =	vst.idx.add.f32.msk $0xffff, v43  }
0x10f: {  	v63 =	vor.u32 v11, v35;
	[tilespmem:v48+s20+$0x0] =	vst.idx.add.f32.msk $0xffff, v40  }
0x110: {  	v56 =	vor.u32 v6, v37;
	v25 =	vld.idx.msk [tilespmem:v25+s6+$0x0], $0xffff  }
0x111: {  	[tilespmem:v27+s20+$0x0] =	vst.idx.add.f32.msk $0xffff, v26;
	v26 =	vor.u32 v7, v36  }
0x112: {  	v57 =	vor.u32 v6, v39;
	v27 =	vld.idx.msk [tilespmem:v49+s6+$0x0], $0xffff  }
0x113: {  	v58 =	vor.u32 v7, v38;
	v44 =	vld.idx.msk [tilespmem:v55+s6+$0x0], $0xffff  }
0x114: {  	v59 =	vor.u32 v11, v32;
	v51 =	vld.idx.msk [tilespmem:v63+s6+$0x0], $0xffff  }
0x115: {  	v60 =	vor.u32 v12, v35;
	[tilespmem:v56+s20+$0x0] =	vst.idx.add.f32.msk $0xffff, v25  }
0x116: {  	v25 =	vld.idx.msk [tilespmem:v26+s6+$0x0], $0xffff;
	v26 =	vor.u32 v7, v37  }
0x117: {  	[tilespmem:v57+s20+$0x0] =	vst.idx.add.f32.msk $0xffff, v27;
	v27 =	vor.u32 v8, v36  }
0x118: {  	v62 =	vor.u32 v7, v39;
	v61 =	vld.idx.msk [tilespmem:v58+s6+$0x0], $0xffff  }
0x119: {  	v63 =	vor.u32 v8, v38;
	[tilespmem:v59+s20+$0x0] =	vst.idx.add.f32.msk $0xffff, v51  }
0x11a: {  	v48 =	vor.u32 v11, v33;
	v45 =	vld.idx.msk [tilespmem:v60+s6+$0x0], $0xffff  }
0x11b: {  	v55 =	vor.u32 v12, v32;
	[tilespmem:v26+s20+$0x0] =	vst.idx.add.f32.msk $0xffff, v25  }
0x11c: {  	v26 =	vor.u32 v8, v37;
	v25 =	vld.idx.msk [tilespmem:v27+s6+$0x0], $0xffff  }
0x11d: {  	v27 =	vor.u32 v9, v36;
	[tilespmem:v62+s20+$0x0] =	vst.idx.add.f32.msk $0xffff, v61  }
0x11e: {  	v50 =	vor.u32 v8, v39;
	v40 =	vld.idx.msk [tilespmem:v63+s6+$0x0], $0xffff  }
0x11f: {  	v51 =	vor.u32 v9, v38;
	[tilespmem:v48+s20+$0x0] =	vst.idx.add.f32.msk $0xffff, v44  }
0x120: {  	[tilespmem:v55+s20+$0x0] =	vst.idx.add.f32.msk $0xffff, v45;
	v49 =	vor.u32 v12, v34  }
0x121: {  	v56 =	vor.u32 v13, v35;
	[tilespmem:v26+s20+$0x0] =	vst.idx.add.f32.msk $0xffff, v25  }
0x122: {  	v26 =	vor.u32 v9, v37;
	v25 =	vld.idx.msk [tilespmem:v27+s6+$0x0], $0xffff  }
0x123: {  	v27 =	vor.u32 v10, v36;
	[tilespmem:v50+s20+$0x0] =	vst.idx.add.f32.msk $0xffff, v40  }
0x124: {  	v57 =	vor.u32 v9, v39;
	v40 =	vld.idx.msk [tilespmem:v51+s6+$0x0], $0xffff  }
0x125: {  	v44 =	vld.idx.msk [tilespmem:v49+s6+$0x0], $0xffff;
	v58 =	vor.u32 v10, v38  }
0x126: {  	v59 =	vor.u32 v12, v33;
	v45 =	vld.idx.msk [tilespmem:v56+s6+$0x0], $0xffff  }
0x127: {  	v60 =	vor.u32 v13, v34;
	[tilespmem:v26+s20+$0x0] =	vst.idx.add.f32.msk $0xffff, v25  }
0x128: {  	v26 =	vor.u32 v10, v37;
	v25 =	vld.idx.msk [tilespmem:v27+s6+$0x0], $0xffff  }
0x129: {  	v27 =	vor.u32 v11, v36;
	[tilespmem:v57+s20+$0x0] =	vst.idx.add.f32.msk $0xffff, v40  }
0x12a: {  	v61 =	vor.u32 v10, v39;
	v40 =	vld.idx.msk [tilespmem:v58+s6+$0x0], $0xffff  }
0x12b: {  	[tilespmem:v59+s20+$0x0] =	vst.idx.add.f32.msk $0xffff, v44;
	v62 =	vor.u32 v11, v38  }
0x12c: {  	v44 =	vld.idx.msk [tilespmem:v60+s6+$0x0], $0xffff;
	v63 =	vor.u32 v13, v32  }
0x12d: {  	v48 =	vor.u32 v14, v35;
	[tilespmem:v26+s20+$0x0] =	vst.idx.add.f32.msk $0xffff, v25  }
0x12e: {  	v26 =	vor.u32 v11, v37;
	v25 =	vld.idx.msk [tilespmem:v27+s6+$0x0], $0xffff  }
0x12f: {  	v27 =	vor.u32 v12, v36;
	[tilespmem:v61+s20+$0x0] =	vst.idx.add.f32.msk $0xffff, v40  }
0x130: {  	v49 =	vor.u32 v11, v39;
	v40 =	vld.idx.msk [tilespmem:v62+s6+$0x0], $0xffff  }
0x131: {  	[tilespmem:v63+s20+$0x0] =	vst.idx.add.f32.msk $0xffff, v45;
	v50 =	vor.u32 v12, v38  }
0x132: {  	v51 =	vor.u32 v13, v33;
	v45 =	vld.idx.msk [tilespmem:v48+s6+$0x0], $0xffff  }
0x133: {  	v55 =	vor.u32 v14, v34;
	[tilespmem:v26+s20+$0x0] =	vst.idx.add.f32.msk $0xffff, v25  }
0x134: {  	v26 =	vor.u32 v12, v37;
	v25 =	vld.idx.msk [tilespmem:v27+s6+$0x0], $0xffff  }
0x135: {  	v27 =	vor.u32 v13, v36;
	[tilespmem:v49+s20+$0x0] =	vst.idx.add.f32.msk $0xffff, v40  }
0x136: {  	v56 =	vor.u32 v12, v39;
	v40 =	vld.idx.msk [tilespmem:v50+s6+$0x0], $0xffff  }
0x137: {  	[tilespmem:v51+s20+$0x0] =	vst.idx.add.f32.msk $0xffff, v44;
	v57 =	vor.u32 v13, v38  }
0x138: {  	v58 =	vor.u32 v14, v32;
	v44 =	vld.idx.msk [tilespmem:v55+s6+$0x0], $0xffff  }
0x139: {  	v59 =	vor.u32 v15, v35;
	[tilespmem:v26+s20+$0x0] =	vst.idx.add.f32.msk $0xffff, v25  }
0x13a: {  	v26 =	vor.u32 v13, v37;
	v25 =	vld.idx.msk [tilespmem:v27+s6+$0x0], $0xffff  }
0x13b: {  	v27 =	vor.u32 v14, v36;
	[tilespmem:v56+s20+$0x0] =	vst.idx.add.f32.msk $0xffff, v40  }
0x13c: {  	v60 =	vor.u32 v13, v39;
	v40 =	vld.idx.msk [tilespmem:v57+s6+$0x0], $0xffff  }
0x13d: {  	[tilespmem:v58+s20+$0x0] =	vst.idx.add.f32.msk $0xffff, v45;
	v61 =	vor.u32 v14, v38  }
0x13e: {  	v62 =	vor.u32 v14, v33;
	v35 =	vld.idx.msk [tilespmem:v59+s6+$0x0], $0xffff  }
0x13f: {  	v63 =	vor.u32 v15, v34;
	[tilespmem:v26+s20+$0x0] =	vst.idx.add.f32.msk $0xffff, v25  }
0x140: {  	v26 =	vor.u32 v14, v37;
	v25 =	vld.idx.msk [tilespmem:v27+s6+$0x0], $0xffff  }
0x141: {  	v27 =	vor.u32 v15, v36;
	[tilespmem:v60+s20+$0x0] =	vst.idx.add.f32.msk $0xffff, v40  }
0x142: {  	v46 =	vor.u32 v14, v39;
	v45 =	vld.idx.msk [tilespmem:v61+s6+$0x0], $0xffff  }
0x143: {  	v38 =	vor.u32 v15, v38;
	[tilespmem:v62+s20+$0x0] =	vst.idx.add.f32.msk $0xffff, v44  }
0x144: {  	v34 =	vld.idx.msk [tilespmem:v63+s6+$0x0], $0xffff  }
0x145: {  	v47 =	vor.u32 v15, v32;
	[tilespmem:v26+s20+$0x0] =	vst.idx.add.f32.msk $0xffff, v25  }
0x146: {  	s18 =	simm.s32 $0x0;
	v25 =	vor.u32 v15, v33;
	v26 =	vld.idx.msk [tilespmem:v27+s6+$0x0], $0xffff  }
0x147: {  	v48 =	vmov s18;
	v27 =	vor.u32 v15, v37;
	[tilespmem:v46+s20+$0x0] =	vst.idx.add.f32.msk $0xffff, v45  }
0x148: {  	s17 =	simm.s32 $0x1;
	v49 =	vor.u32 v15, v39;
	v33 =	vadd.s32 $0x28, v48;
	v36 =	vld.idx.msk [tilespmem:v38+s6+$0x0], $0xffff  }
0x149: {  	v50 =	vmov s17;
	v33 =	vbroadcast v33, $0x0  }
0x14a: {  	[tilespmem:v47+s20+$0x0] =	vst.idx.add.f32.msk $0xffff, v35;
	s17 =	sadd.s32 s11, s12;
	v51 =	vadd.s32 $0x28, v50  }
0x14b: {  	s25 =	smul.u32 $0x1400, s17;
	[tilespmem:v25+s20+$0x0] =	vst.idx.add.f32.msk $0xffff, v34;
	v25 =	vbroadcast v51, $0x0  }
0x14c: {  	[tilespmem:v27+s20+$0x0] =	vst.idx.add.f32.msk $0xffff, v26  }
0x14d: {  	s25 =	sadd.s32 s5, s25;
	[tilespmem:v49+s20+$0x0] =	vst.idx.add.f32.msk $0xffff, v36  }
0x14e: {  	[hbm4b:s25+s18] =	stream.linear.scatter [tilespmem:s20], [sflag:$0x5], $0x2800, $0x38;
	[tilespmem:$0x1DA00] =	vst v63  }
0x14f: {  	v26 =	vld.idx.msk [tilespmem:v33+s19+$0x0], $0xffff;
	_ =	sdelay $0x1  }
0x150: {  	v27 =	vld.idx.msk [tilespmem:v25+s19+$0x0], $0xffff;
	_ =	sdelay $0x2  }
0x151: {  	v55 =	vshll.u32 v26, $0x8;
	v26 =	vshll.u32 v26, $0x7  }
0x152: {  	v32 =	vand.u32 $0xFFFFF800, v55;
	v26 =	vand.u32 $0x380, v26  }
0x153: {  	v36 =	vor.u32 v26, v32;
	v26 =	vshll.u32 v27, $0x8;
	v27 =	vshll.u32 v27, $0x7  }
0x154: {  	v32 =	vor.u32 v0, v36;
	v26 =	vand.u32 $0xFFFFF800, v26;
	v27 =	vand.u32 $0x380, v27  }
0x155: {  	v37 =	vor.u32 v27, v26  }
0x156: {  	v26 =	vshll.u32 v33, $0x8;
	v27 =	vshll.u32 v33, $0x7;
	v56 =	vor.u32 v0, v37  }
0x157: {  	v26 =	vand.u32 $0x7800, v26;
	v27 =	vand.u32 $0x300, v27  }
0x158: {  	v38 =	vor.u32 v27, v26;
	v26 =	vshll.u32 v25, $0x8;
	v25 =	vshll.u32 v25, $0x7  }
0x159: {  	v57 =	vor.u32 v0, v38;
	v26 =	vand.u32 $0x7FFFF800, v26;
	v25 =	vand.u32 $0x380, v25;
	v27 =	vld.idx.msk [tilespmem:v32+s6+$0x0], $0xffff  }
0x15a: {  	v58 =	vor.u32 v1, v36;
	v39 =	vor.u32 v25, v26  }
0x15b: {  	v26 =	vor.u32 v0, v39;
	v25 =	vld.idx.msk [tilespmem:v56+s6+$0x0], $0xffff  }
0x15c: {  	v59 =	vor.u32 v1, v37;
	_ =	sdelay $0x1  }
0x15d: {  	[tilespmem:v57+s20+$0x0] =	vst.idx.add.f32.msk $0xffff, v27  }
0x15e: {  	v60 =	vor.u32 v1, v38;
	v27 =	vld.idx.msk [tilespmem:v58+s6+$0x0], $0xffff  }
0x15f: {  	v61 =	vor.u32 v2, v36;
	[tilespmem:v26+s20+$0x0] =	vst.idx.add.f32.msk $0xffff, v25  }
0x160: {  	v26 =	vor.u32 v1, v39;
	v25 =	vld.idx.msk [tilespmem:v59+s6+$0x0], $0xffff  }
0x161: {  	v62 =	vor.u32 v2, v37;
	_ =	sdelay $0x1  }
0x162: {  	[tilespmem:v60+s20+$0x0] =	vst.idx.add.f32.msk $0xffff, v27  }
0x163: {  	v63 =	vor.u32 v2, v38;
	v27 =	vld.idx.msk [tilespmem:v61+s6+$0x0], $0xffff  }
0x164: {  	v40 =	vor.u32 v3, v36;
	[tilespmem:v26+s20+$0x0] =	vst.idx.add.f32.msk $0xffff, v25  }
0x165: {  	v26 =	vor.u32 v2, v39;
	v25 =	vld.idx.msk [tilespmem:v62+s6+$0x0], $0xffff  }
0x166: {  	v41 =	vor.u32 v3, v37;
	_ =	sdelay $0x1  }
0x167: {  	[tilespmem:v63+s20+$0x0] =	vst.idx.add.f32.msk $0xffff, v27  }
0x168: {  	s25 =	simm.s32 $0x2;
	v42 =	vor.u32 v3, v38;
	v27 =	vld.idx.msk [tilespmem:v40+s6+$0x0], $0xffff  }
0x169: {  	v43 =	vmov s25;
	v44 =	vor.u32 v4, v36;
	[tilespmem:v26+s20+$0x0] =	vst.idx.add.f32.msk $0xffff, v25  }
0x16a: {  	v45 =	vor.u32 v3, v39;
	v25 =	vadd.s32 $0x28, v43;
	v26 =	vld.idx.msk [tilespmem:v41+s6+$0x0], $0xffff  }
0x16b: {  	v46 =	vor.u32 v4, v37;
	v25 =	vbroadcast v25, $0x0;
	_ =	sdelay $0x1  }
0x16c: {  	[tilespmem:v42+s20+$0x0] =	vst.idx.add.f32.msk $0xffff, v27  }
0x16d: {  	v47 =	vor.u32 v4, v38;
	v27 =	vld.idx.msk [tilespmem:v44+s6+$0x0], $0xffff  }
0x16e: {  	v48 =	vor.u32 v5, v36;
	[tilespmem:v45+s20+$0x0] =	vst.idx.add.f32.msk $0xffff, v26  }
0x16f: {  	v49 =	vor.u32 v4, v39;
	v26 =	vld.idx.msk [tilespmem:v46+s6+$0x0], $0xffff  }
0x170: {  	v51 =	vor.u32 v5, v37;
	v50 =	vld.idx.msk [tilespmem:v25+s19+$0x0], $0xffff  }
0x171: {  	v55 =	vor.u32 v5, v38  }
0x172: {  	v58 =	vor.u32 v5, v39;
	v61 =	vshll.u32 v25, $0x8;
	v25 =	vshll.u32 v25, $0x7;
	[tilespmem:v47+s20+$0x0] =	vst.idx.add.f32.msk $0xffff, v27  }
0x173: {  	s18 =	simm.s32 $0x3;
	v59 =	vor.u32 v6, v37;
	v32 =	vand.u32 $0x7800, v61;
	v25 =	vand.u32 $0x300, v25;
	v27 =	vld.idx.msk [tilespmem:v48+s6+$0x0], $0xffff  }
0x174: {  	v32 =	vor.u32 v25, v32;
	v25 =	vmov s18;
	[tilespmem:v49+s20+$0x0] =	vst.idx.add.f32.msk $0xffff, v26;
	v26 =	vor.u32 v6, v36  }
0x175: {  	v25 =	vadd.s32 $0x28, v25;
	v56 =	vshll.u32 v50, $0x8;
	v34 =	vshll.u32 v50, $0x7;
	v57 =	vld.idx.msk [tilespmem:v51+s6+$0x0], $0xffff  }
0x176: {  	v25 =	vbroadcast v25, $0x0;
	v33 =	vand.u32 $0xFFFFF800, v56;
	v34 =	vand.u32 $0x380, v34  }
0x177: {  	v33 =	vor.u32 v34, v33  }
0x178: {  	[tilespmem:v55+s20+$0x0] =	vst.idx.add.f32.msk $0xffff, v27;
	v27 =	vor.u32 v0, v33  }
0x179: {  	v60 =	vor.u32 v6, v38;
	v26 =	vld.idx.msk [tilespmem:v26+s6+$0x0], $0xffff  }
0x17a: {  	s25 =	simm.s32 $0x4;
	v62 =	vor.u32 v7, v36;
	[tilespmem:v58+s20+$0x0] =	vst.idx.add.f32.msk $0xffff, v57  }
0x17b: {  	v63 =	vor.u32 v6, v39;
	v56 =	vmov s25;
	v40 =	vld.idx.msk [tilespmem:v59+s6+$0x0], $0xffff  }
0x17c: {  	v48 =	vor.u32 v7, v37;
	v41 =	vadd.s32 $0x28, v56;
	v45 =	vld.idx.msk [tilespmem:v25+s19+$0x0], $0xffff  }
0x17d: {  	v49 =	vor.u32 v0, v32;
	v41 =	vbroadcast v41, $0x0;
	v27 =	vld.idx.msk [tilespmem:v27+s6+$0x0], $0xffff  }
0x17e: {  	[tilespmem:v60+s20+$0x0] =	vst.idx.add.f32.msk $0xffff, v26  }
0x17f: {  	v50 =	vor.u32 v1, v33;
	v26 =	vld.idx.msk [tilespmem:v62+s6+$0x0], $0xffff  }
0x180: {  	v51 =	vor.u32 v7, v38;
	[tilespmem:v63+s20+$0x0] =	vst.idx.add.f32.msk $0xffff, v40  }
0x181: {  	v55 =	vor.u32 v8, v36;
	v40 =	vld.idx.msk [tilespmem:v48+s6+$0x0], $0xffff  }
0x182: {  	[tilespmem:v49+s20+$0x0] =	vst.idx.add.f32.msk $0xffff, v27;
	v27 =	vor.u32 v7, v39  }
0x183: {  	v58 =	vor.u32 v8, v37;
	v46 =	vld.idx.msk [tilespmem:v41+s19+$0x0], $0xffff  }
0x184: {  	v59 =	vor.u32 v1, v32;
	v57 =	vld.idx.msk [tilespmem:v50+s6+$0x0], $0xffff  }
0x185: {  	v60 =	vor.u32 v2, v33;
	[tilespmem:v51+s20+$0x0] =	vst.idx.add.f32.msk $0xffff, v26  }
0x186: {  	v61 =	vor.u32 v8, v38;
	v26 =	vld.idx.msk [tilespmem:v55+s6+$0x0], $0xffff  }
0x187: {  	[tilespmem:v27+s20+$0x0] =	vst.idx.add.f32.msk $0xffff, v40;
	v27 =	vor.u32 v9, v36  }
0x188: {  	v62 =	vor.u32 v8, v39;
	v40 =	vld.idx.msk [tilespmem:v58+s6+$0x0], $0xffff  }
0x189: {  	v56 =	vor.u32 v9, v37;
	v51 =	vshll.u32 v45, $0x8;
	v55 =	vshll.u32 v45, $0x7;
	[tilespmem:v59+s20+$0x0] =	vst.idx.add.f32.msk $0xffff, v57  }
0x18a: {  	v47 =	vor.u32 v2, v32;
	v34 =	vand.u32 $0xFFFFF800, v51;
	v44 =	vand.u32 $0x380, v55;
	v63 =	vld.idx.msk [tilespmem:v60+s6+$0x0], $0xffff  }
0x18b: {  	v48 =	vor.u32 v3, v33;
	v34 =	vor.u32 v44, v34;
	[tilespmem:v61+s20+$0x0] =	vst.idx.add.f32.msk $0xffff, v26  }
0x18c: {  	v26 =	vor.u32 v0, v34;
	v27 =	vld.idx.msk [tilespmem:v27+s6+$0x0], $0xffff  }
0x18d: {  	v57 =	vor.u32 v9, v38;
	[tilespmem:v62+s20+$0x0] =	vst.idx.add.f32.msk $0xffff, v40  }
0x18e: {  	v58 =	vor.u32 v10, v36;
	v42 =	vld.idx.msk [tilespmem:v56+s6+$0x0], $0xffff  }
0x18f: {  	v59 =	vshll.u32 v25, $0x8;
	v25 =	vshll.u32 v25, $0x7;
	v60 =	vor.u32 v9, v39;
	[tilespmem:v47+s20+$0x0] =	vst.idx.add.f32.msk $0xffff, v63  }
0x190: {  	v35 =	vand.u32 $0x7FFFF800, v59;
	v25 =	vand.u32 $0x380, v25;
	v62 =	vor.u32 v10, v37;
	v61 =	vld.idx.msk [tilespmem:v48+s6+$0x0], $0xffff  }
0x191: {  	v35 =	vor.u32 v25, v35;
	v63 =	vor.u32 v3, v32;
	v26 =	vld.idx.msk [tilespmem:v26+s6+$0x0], $0xffff  }
0x192: {  	v25 =	vor.u32 v0, v35;
	[tilespmem:v57+s20+$0x0] =	vst.idx.add.f32.msk $0xffff, v27  }
0x193: {  	v27 =	vor.u32 v1, v34;
	v40 =	vld.idx.msk [tilespmem:v58+s6+$0x0], $0xffff  }
0x194: {  	v51 =	vor.u32 v10, v38;
	[tilespmem:v60+s20+$0x0] =	vst.idx.add.f32.msk $0xffff, v42  }
0x195: {  	v55 =	vor.u32 v11, v36;
	v43 =	vld.idx.msk [tilespmem:v62+s6+$0x0], $0xffff  }
0x196: {  	v56 =	vor.u32 v10, v39;
	[tilespmem:v63+s20+$0x0] =	vst.idx.add.f32.msk $0xffff, v61  }
0x197: {  	[tilespmem:v25+s20+$0x0] =	vst.idx.add.f32.msk $0xffff, v26;
	v26 =	vor.u32 v4, v33  }
0x198: {  	v25 =	vor.u32 v11, v37;
	v27 =	vld.idx.msk [tilespmem:v27+s6+$0x0], $0xffff  }
0x199: {  	v57 =	vor.u32 v1, v35;
	[tilespmem:v51+s20+$0x0] =	vst.idx.add.f32.msk $0xffff, v40  }
0x19a: {  	v58 =	vor.u32 v2, v34;
	v42 =	vld.idx.msk [tilespmem:v55+s6+$0x0], $0xffff  }
0x19b: {  	v59 =	vor.u32 v11, v38;
	[tilespmem:v56+s20+$0x0] =	vst.idx.add.f32.msk $0xffff, v43  }
0x19c: {  	v60 =	vor.u32 v12, v36;
	v26 =	vld.idx.msk [tilespmem:v26+s6+$0x0], $0xffff  }
0x19d: {  	v62 =	vor.u32 v4, v32;
	v25 =	vld.idx.msk [tilespmem:v25+s6+$0x0], $0xffff  }
0x19e: {  	v61 =	vor.u32 v11, v39;
	[tilespmem:v57+s20+$0x0] =	vst.idx.add.f32.msk $0xffff, v27  }
0x19f: {  	v27 =	vor.u32 v12, v37;
	v40 =	vld.idx.msk [tilespmem:v58+s6+$0x0], $0xffff  }
0x1a0: {  	v57 =	vor.u32 v5, v33;
	[tilespmem:v59+s20+$0x0] =	vst.idx.add.f32.msk $0xffff, v42  }
0x1a1: {  	v63 =	vor.u32 v2, v35;
	v43 =	vld.idx.msk [tilespmem:v60+s6+$0x0], $0xffff  }
0x1a2: {  	v51 =	vor.u32 v3, v34;
	[tilespmem:v62+s20+$0x0] =	vst.idx.add.f32.msk $0xffff, v26  }
0x1a3: {  	v55 =	vor.u32 v12, v38;
	[tilespmem:v61+s20+$0x0] =	vst.idx.add.f32.msk $0xffff, v25  }
0x1a4: {  	v25 =	vor.u32 v13, v36;
	v27 =	vld.idx.msk [tilespmem:v27+s6+$0x0], $0xffff  }
0x1a5: {  	v26 =	vor.u32 v12, v39;
	v61 =	vld.idx.msk [tilespmem:v57+s6+$0x0], $0xffff  }
0x1a6: {  	v56 =	vor.u32 v13, v37;
	[tilespmem:v63+s20+$0x0] =	vst.idx.add.f32.msk $0xffff, v40  }
0x1a7: {  	v58 =	vor.u32 v3, v35;
	v42 =	vld.idx.msk [tilespmem:v51+s6+$0x0], $0xffff  }
0x1a8: {  	v59 =	vor.u32 v4, v34;
	[tilespmem:v55+s20+$0x0] =	vst.idx.add.f32.msk $0xffff, v43  }
0x1a9: {  	v55 =	vor.u32 v5, v32;
	v25 =	vld.idx.msk [tilespmem:v25+s6+$0x0], $0xffff  }
0x1aa: {  	v60 =	vor.u32 v13, v38;
	[tilespmem:v26+s20+$0x0] =	vst.idx.add.f32.msk $0xffff, v27  }
0x1ab: {  	v26 =	vor.u32 v14, v36;
	v27 =	vld.idx.msk [tilespmem:v56+s6+$0x0], $0xffff  }
0x1ac: {  	v62 =	vor.u32 v13, v39;
	[tilespmem:v58+s20+$0x0] =	vst.idx.add.f32.msk $0xffff, v42  }
0x1ad: {  	v63 =	vor.u32 v14, v37;
	v43 =	vld.idx.msk [tilespmem:v59+s6+$0x0], $0xffff  }
0x1ae: {  	v56 =	vor.u32 v4, v35;
	[tilespmem:v55+s20+$0x0] =	vst.idx.add.f32.msk $0xffff, v61  }
0x1af: {  	v61 =	vor.u32 v6, v33;
	[tilespmem:v60+s20+$0x0] =	vst.idx.add.f32.msk $0xffff, v25  }
0x1b0: {  	v25 =	vor.u32 v5, v34;
	v26 =	vld.idx.msk [tilespmem:v26+s6+$0x0], $0xffff  }
0x1b1: {  	v57 =	vor.u32 v14, v38;
	[tilespmem:v62+s20+$0x0] =	vst.idx.add.f32.msk $0xffff, v27  }
0x1b2: {  	v27 =	vor.u32 v15, v36;
	v45 =	vld.idx.msk [tilespmem:v63+s6+$0x0], $0xffff  }
0x1b3: {  	v58 =	vor.u32 v14, v39;
	[tilespmem:v56+s20+$0x0] =	vst.idx.add.f32.msk $0xffff, v43  }
0x1b4: {  	v37 =	vor.u32 v15, v37;
	v59 =	vshll.u32 v46, $0x8;
	v60 =	vshll.u32 v46, $0x7;
	v43 =	vld.idx.msk [tilespmem:v61+s6+$0x0], $0xffff  }
0x1b5: {  	v42 =	vand.u32 $0x380, v60;
	v36 =	vand.u32 $0xFFFFF800, v59;
	v62 =	vor.u32 v5, v35;
	v25 =	vld.idx.msk [tilespmem:v25+s6+$0x0], $0xffff  }
0x1b6: {  	v36 =	vor.u32 v42, v36;
	[tilespmem:v57+s20+$0x0] =	vst.idx.add.f32.msk $0xffff, v26;
	v26 =	vor.u32 v6, v34  }
0x1b7: {  	v42 =	vld.idx.msk [tilespmem:v27+s6+$0x0], $0xffff;
	v27 =	vor.u32 v0, v36  }
0x1b8: {  	v46 =	vor.u32 v15, v38;
	[tilespmem:v58+s20+$0x0] =	vst.idx.add.f32.msk $0xffff, v45  }
0x1b9: {  	v38 =	vor.u32 v15, v39;
	v37 =	vld.idx.msk [tilespmem:v37+s6+$0x0], $0xffff  }
0x1ba: {  	v44 =	vor.u32 v6, v32;
	[tilespmem:v62+s20+$0x0] =	vst.idx.add.f32.msk $0xffff, v25  }
0x1bb: {  	v47 =	vor.u32 v7, v33;
	v63 =	vshll.u32 v41, $0x7;
	v25 =	vshll.u32 v41, $0x8;
	v45 =	vld.idx.msk [tilespmem:v26+s6+$0x0], $0xffff  }
0x1bc: {  	s9 =	simm.s32 $0x5;
	s25 =	simm.s32 $0x6;
	v48 =	vor.u32 v6, v35;
	v25 =	vand.u32 $0x7800, v25;
	v26 =	vand.u32 $0x300, v63;
	v41 =	vld.idx.msk [tilespmem:v27+s6+$0x0], $0xffff  }
.LBB2_11:
0x1bd: {  	p4 =	slt.u32 s25, $0x26;
	v39 =	vor.u32 v26, v25;
	v25 =	vmov s9;
	v26 =	vor.u32 v7, v34;
	[tilespmem:v46+s20+$0x0] =	vst.idx.add.f32.msk $0xffff, v42  }
0x1be: {  	v27 =	vor.u32 v0, v39;
	v25 =	vadd.s32 $0x28, v25;
	[tilespmem:v38+s20+$0x0] =	vst.idx.add.f32.msk $0xffff, v37  }
0x1bf: {  	v37 =	vor.u32 v1, v36;
	v25 =	vbroadcast v25, $0x0;
	[tilespmem:v44+s20+$0x0] =	vst.idx.add.f32.msk $0xffff, v43  }
0x1c0: {  	v38 =	vld.idx.msk [tilespmem:v47+s6+$0x0], $0xffff  }
0x1c1: {  	v42 =	vor.u32 v7, v32;
	[tilespmem:v48+s20+$0x0] =	vst.idx.add.f32.msk $0xffff, v45  }
0x1c2: {  	v43 =	vor.u32 v8, v33;
	v26 =	vld.idx.msk [tilespmem:v26+s6+$0x0], $0xffff  }
0x1c3: {  	[tilespmem:v27+s20+$0x0] =	vst.idx.add.f32.msk $0xffff, v41;
	v27 =	vor.u32 v7, v35  }
0x1c4: {  	v40 =	vmov s25;
	v41 =	vor.u32 v8, v34;
	v37 =	vld.idx.msk [tilespmem:v37+s6+$0x0], $0xffff  }
0x1c5: {  	v40 =	vadd.s32 $0x28, v40;
	v44 =	vor.u32 v1, v39;
	v45 =	vld.idx.msk [tilespmem:v25+s19+$0x0], $0xffff  }
0x1c6: {  	v46 =	vor.u32 v2, v36;
	v40 =	vbroadcast v40, $0x0;
	[tilespmem:v42+s20+$0x0] =	vst.idx.add.f32.msk $0xffff, v38  }
0x1c7: {  	v38 =	vld.idx.msk [tilespmem:v43+s6+$0x0], $0xffff  }
0x1c8: {  	v42 =	vor.u32 v8, v32;
	[tilespmem:v27+s20+$0x0] =	vst.idx.add.f32.msk $0xffff, v26  }
0x1c9: {  	v26 =	vor.u32 v9, v33;
	v27 =	vld.idx.msk [tilespmem:v41+s6+$0x0], $0xffff  }
0x1ca: {  	v41 =	vor.u32 v8, v35;
	[tilespmem:v44+s20+$0x0] =	vst.idx.add.f32.msk $0xffff, v37  }
0x1cb: {  	v44 =	vshll.u32 v45, $0x8;
	v45 =	vshll.u32 v45, $0x7;
	v43 =	vld.idx.msk [tilespmem:v46+s6+$0x0], $0xffff;
	v46 =	vor.u32 v9, v34  }
0x1cc: {  	v47 =	vor.u32 v2, v39;
	v44 =	vand.u32 $0xFFFFF800, v44;
	v45 =	vand.u32 $0x380, v45;
	v37 =	vld.idx.msk [tilespmem:v40+s19+$0x0], $0xffff  }
0x1cd: {  	v48 =	vor.u32 v3, v36;
	v44 =	vor.u32 v45, v44;
	[tilespmem:v42+s20+$0x0] =	vst.idx.add.f32.msk $0xffff, v38  }
0x1ce: {  	v38 =	vor.u32 v0, v44;
	v26 =	vld.idx.msk [tilespmem:v26+s6+$0x0], $0xffff  }
0x1cf: {  	v42 =	vor.u32 v9, v32;
	[tilespmem:v41+s20+$0x0] =	vst.idx.add.f32.msk $0xffff, v27  }
0x1d0: {  	v27 =	vor.u32 v10, v33;
	v45 =	vld.idx.msk [tilespmem:v46+s6+$0x0], $0xffff  }
0x1d1: {  	v41 =	vshll.u32 v25, $0x8;
	v25 =	vshll.u32 v25, $0x7;
	[tilespmem:v47+s20+$0x0] =	vst.idx.add.f32.msk $0xffff, v43;
	v43 =	vor.u32 v9, v35  }
0x1d2: {  	v41 =	vand.u32 $0x7FFFF800, v41;
	v25 =	vand.u32 $0x380, v25;
	v47 =	vor.u32 v10, v34;
	v46 =	vld.idx.msk [tilespmem:v48+s6+$0x0], $0xffff  }
0x1d3: {  	v41 =	vor.u32 v25, v41;
	v48 =	vor.u32 v3, v39;
	v38 =	vld.idx.msk [tilespmem:v38+s6+$0x0], $0xffff  }
0x1d4: {  	v25 =	vor.u32 v0, v41;
	[tilespmem:v42+s20+$0x0] =	vst.idx.add.f32.msk $0xffff, v26  }
0x1d5: {  	v26 =	vor.u32 v1, v44;
	v27 =	vld.idx.msk [tilespmem:v27+s6+$0x0], $0xffff  }
0x1d6: {  	v42 =	vor.u32 v10, v32;
	[tilespmem:v43+s20+$0x0] =	vst.idx.add.f32.msk $0xffff, v45  }
0x1d7: {  	v43 =	vor.u32 v11, v33;
	v45 =	vld.idx.msk [tilespmem:v47+s6+$0x0], $0xffff  }
0x1d8: {  	[tilespmem:v48+s20+$0x0] =	vst.idx.add.f32.msk $0xffff, v46;
	v46 =	vor.u32 v10, v35  }
0x1d9: {  	[tilespmem:v25+s20+$0x0] =	vst.idx.add.f32.msk $0xffff, v38;
	v25 =	vor.u32 v11, v34  }
0x1da: {  	v38 =	vor.u32 v4, v36;
	v26 =	vld.idx.msk [tilespmem:v26+s6+$0x0], $0xffff  }
0x1db: {  	v47 =	vor.u32 v1, v41;
	[tilespmem:v42+s20+$0x0] =	vst.idx.add.f32.msk $0xffff, v27  }
0x1dc: {  	v27 =	vor.u32 v2, v44;
	v42 =	vld.idx.msk [tilespmem:v43+s6+$0x0], $0xffff  }
0x1dd: {  	v43 =	vor.u32 v11, v32;
	[tilespmem:v46+s20+$0x0] =	vst.idx.add.f32.msk $0xffff, v45  }
0x1de: {  	v45 =	vor.u32 v12, v33;
	v25 =	vld.idx.msk [tilespmem:v25+s6+$0x0], $0xffff  }
0x1df: {  	v46 =	vor.u32 v11, v35;
	v38 =	vld.idx.msk [tilespmem:v38+s6+$0x0], $0xffff  }
0x1e0: {  	[tilespmem:v47+s20+$0x0] =	vst.idx.add.f32.msk $0xffff, v26;
	v26 =	vor.u32 v12, v34  }
0x1e1: {  	v47 =	vor.u32 v4, v39;
	v27 =	vld.idx.msk [tilespmem:v27+s6+$0x0], $0xffff  }
0x1e2: {  	v48 =	vor.u32 v2, v41;
	[tilespmem:v43+s20+$0x0] =	vst.idx.add.f32.msk $0xffff, v42  }
0x1e3: {  	v42 =	vor.u32 v3, v44;
	v43 =	vld.idx.msk [tilespmem:v45+s6+$0x0], $0xffff  }
0x1e4: {  	v45 =	vor.u32 v12, v32;
	[tilespmem:v46+s20+$0x0] =	vst.idx.add.f32.msk $0xffff, v25  }
0x1e5: {  	v25 =	vor.u32 v13, v33;
	v26 =	vld.idx.msk [tilespmem:v26+s6+$0x0], $0xffff  }
0x1e6: {  	[tilespmem:v47+s20+$0x0] =	vst.idx.add.f32.msk $0xffff, v38;
	v38 =	vor.u32 v12, v35  }
0x1e7: {  	[tilespmem:v48+s20+$0x0] =	vst.idx.add.f32.msk $0xffff, v27;
	v27 =	vor.u32 v13, v34  }
0x1e8: {  	v46 =	vor.u32 v5, v36;
	v42 =	vld.idx.msk [tilespmem:v42+s6+$0x0], $0xffff  }
0x1e9: {  	v47 =	vor.u32 v3, v41;
	[tilespmem:v45+s20+$0x0] =	vst.idx.add.f32.msk $0xffff, v43  }
0x1ea: {  	v43 =	vor.u32 v4, v44;
	v25 =	vld.idx.msk [tilespmem:v25+s6+$0x0], $0xffff  }
0x1eb: {  	v45 =	vor.u32 v13, v32;
	[tilespmem:v38+s20+$0x0] =	vst.idx.add.f32.msk $0xffff, v26  }
0x1ec: {  	v26 =	vor.u32 v14, v33;
	v27 =	vld.idx.msk [tilespmem:v27+s6+$0x0], $0xffff  }
0x1ed: {  	v38 =	vld.idx.msk [tilespmem:v46+s6+$0x0], $0xffff;
	v46 =	vor.u32 v13, v35  }
0x1ee: {  	[tilespmem:v47+s20+$0x0] =	vst.idx.add.f32.msk $0xffff, v42;
	v42 =	vor.u32 v14, v34  }
0x1ef: {  	v47 =	vor.u32 v5, v39;
	v43 =	vld.idx.msk [tilespmem:v43+s6+$0x0], $0xffff  }
0x1f0: {  	v48 =	vor.u32 v4, v41;
	[tilespmem:v45+s20+$0x0] =	vst.idx.add.f32.msk $0xffff, v25  }
0x1f1: {  	v25 =	vor.u32 v5, v44;
	v26 =	vld.idx.msk [tilespmem:v26+s6+$0x0], $0xffff  }
0x1f2: {  	v45 =	vor.u32 v14, v32;
	[tilespmem:v46+s20+$0x0] =	vst.idx.add.f32.msk $0xffff, v27  }
0x1f3: {  	v27 =	vor.u32 v15, v33;
	v33 =	vmov v36;
	v46 =	vld.idx.msk [tilespmem:v42+s6+$0x0], $0xffff  }
0x1f4: {  	[tilespmem:v47+s20+$0x0] =	vst.idx.add.f32.msk $0xffff, v38;
	v38 =	vor.u32 v14, v35  }
0x1f5: {  	[tilespmem:v48+s20+$0x0] =	vst.idx.add.f32.msk $0xffff, v43;
	v43 =	vor.u32 v15, v34;
	v34 =	vmov v44  }
0x1f6: {  	v36 =	vshll.u32 v37, $0x8;
	v37 =	vshll.u32 v37, $0x7;
	v44 =	vor.u32 v6, v33;
	v25 =	vld.idx.msk [tilespmem:v25+s6+$0x0], $0xffff  }
0x1f7: {  	v36 =	vand.u32 $0xFFFFF800, v36;
	v37 =	vand.u32 $0x380, v37;
	v47 =	vor.u32 v5, v41;
	[tilespmem:v45+s20+$0x0] =	vst.idx.add.f32.msk $0xffff, v26  }
0x1f8: {  	v36 =	vor.u32 v37, v36;
	v26 =	vor.u32 v6, v34;
	v42 =	vld.idx.msk [tilespmem:v27+s6+$0x0], $0xffff  }
0x1f9: {  	v27 =	vor.u32 v0, v36;
	[tilespmem:v38+s20+$0x0] =	vst.idx.add.f32.msk $0xffff, v46  }
.Ltmp9:
0x1fa: {  	v46 =	vor.u32 v15, v32;
	v32 =	vmov v39;
	v37 =	vld.idx.msk [tilespmem:v43+s6+$0x0], $0xffff;
	(pc) =	sbr.rel @p4 .LBB2_11-.Ltmp9, $4  }
0x1fb: {  	v38 =	vor.u32 v15, v35;
	v35 =	vmov v41;
	v43 =	vld.idx.msk [tilespmem:v44+s6+$0x0], $0xffff  }
0x1fc: {  	v44 =	vor.u32 v6, v32;
	[tilespmem:v47+s20+$0x0] =	vst.idx.add.f32.msk $0xffff, v25  }
0x1fd: {  	v39 =	vshll.u32 v40, $0x7;
	v25 =	vshll.u32 v40, $0x8;
	v47 =	vor.u32 v7, v33;
	v45 =	vld.idx.msk [tilespmem:v26+s6+$0x0], $0xffff  }
0x1fe: {  	s9 =	sadd.s32 $0x1, s25;
	s25 =	sadd.s32 $0x2, s25;
	v48 =	vor.u32 v6, v35;
	v25 =	vand.u32 $0x7800, v25;
	v26 =	vand.u32 $0x300, v39;
	v41 =	vld.idx.msk [tilespmem:v27+s6+$0x0], $0xffff  }
0x1ff: {  	v27 =	vmov s9  }
0x200: {  	v27 =	vadd.s32 $0x28, v27  }
0x201: {  	v27 =	vbroadcast v27, $0x0;
	_ =	sdelay $0x3  }
0x202: {  	v39 =	vor.u32 v26, v25;
	v25 =	vor.u32 v7, v34;
	_ =	sdelay $0x1  }
0x203: {  	v40 =	vld.idx.msk [tilespmem:v27+s19+$0x0], $0xffff;
	_ =	sdelay $0x1  }
0x204: {  	[tilespmem:v48+s20+$0x0] =	vst.idx.add.f32.msk $0xffff, v45  }
0x205: {  	v63 =	vor.u32 v7, v35;
	v25 =	vld.idx.msk [tilespmem:v25+s6+$0x0], $0xffff;
	_ =	sdelay $0x1  }
0x206: {  	v56 =	vor.u32 v8, v34;
	v26 =	vshll.u32 v40, $0x8;
	v40 =	vshll.u32 v40, $0x7  }
0x207: {  	[tilespmem:v46+s20+$0x0] =	vst.idx.add.f32.msk $0xffff, v42;
	v57 =	vor.u32 v0, v39;
	v26 =	vand.u32 $0xFFFFF800, v26;
	v40 =	vand.u32 $0x380, v40  }
0x208: {  	v58 =	vor.u32 v1, v36;
	[tilespmem:v44+s20+$0x0] =	vst.idx.add.f32.msk $0xffff, v43;
	v40 =	vor.u32 v40, v26  }
0x209: {  	[tilespmem:v63+s20+$0x0] =	vst.idx.add.f32.msk $0xffff, v25;
	v59 =	vor.u32 v0, v40  }
0x20a: {  	v60 =	vor.u32 v7, v32;
	v62 =	vshll.u32 v27, $0x8;
	v26 =	vld.idx.msk [tilespmem:v47+s6+$0x0], $0xffff  }
0x20b: {  	v55 =	vand.u32 $0x7FFFF800, v62;
	v62 =	vor.u32 v8, v35;
	v27 =	vshll.u32 v27, $0x7;
	v42 =	vld.idx.msk [tilespmem:v56+s6+$0x0], $0xffff  }
0x20c: {  	[tilespmem:v57+s20+$0x0] =	vst.idx.add.f32.msk $0xffff, v41;
	v27 =	vand.u32 $0x380, v27;
	v63 =	vor.u32 v9, v34  }
0x20d: {  	v61 =	vor.u32 v8, v33;
	v46 =	vld.idx.msk [tilespmem:v58+s6+$0x0], $0xffff;
	v41 =	vor.u32 v27, v55  }
0x20e: {  	v57 =	vor.u32 v0, v41;
	v27 =	vld.idx.msk [tilespmem:v59+s6+$0x0], $0xffff  }
0x20f: {  	[tilespmem:v60+s20+$0x0] =	vst.idx.add.f32.msk $0xffff, v26;
	v26 =	vor.u32 v1, v40  }
0x210: {  	v58 =	vor.u32 v1, v39;
	[tilespmem:v62+s20+$0x0] =	vst.idx.add.f32.msk $0xffff, v42  }
0x211: {  	v62 =	vor.u32 v9, v35;
	v44 =	vld.idx.msk [tilespmem:v63+s6+$0x0], $0xffff  }
0x212: {  	v45 =	vld.idx.msk [tilespmem:v61+s6+$0x0], $0xffff;
	v59 =	vor.u32 v2, v36  }
0x213: {  	v25 =	vor.u32 v8, v32;
	[tilespmem:v57+s20+$0x0] =	vst.idx.add.f32.msk $0xffff, v27  }
0x214: {  	v27 =	vor.u32 v1, v41;
	v26 =	vld.idx.msk [tilespmem:v26+s6+$0x0], $0xffff  }
0x215: {  	[tilespmem:v58+s20+$0x0] =	vst.idx.add.f32.msk $0xffff, v46;
	v61 =	vor.u32 v2, v40  }
0x216: {  	v63 =	vor.u32 v10, v34;
	[tilespmem:v62+s20+$0x0] =	vst.idx.add.f32.msk $0xffff, v44  }
0x217: {  	v60 =	vor.u32 v9, v33;
	v46 =	vld.idx.msk [tilespmem:v59+s6+$0x0], $0xffff  }
0x218: {  	[tilespmem:v25+s20+$0x0] =	vst.idx.add.f32.msk $0xffff, v45;
	v25 =	vor.u32 v2, v39  }
0x219: {  	v55 =	vor.u32 v3, v36;
	[tilespmem:v27+s20+$0x0] =	vst.idx.add.f32.msk $0xffff, v26  }
0x21a: {  	v27 =	vor.u32 v2, v41;
	v26 =	vld.idx.msk [tilespmem:v61+s6+$0x0], $0xffff  }
0x21b: {  	v56 =	vor.u32 v3, v40;
	v44 =	vld.idx.msk [tilespmem:v63+s6+$0x0], $0xffff  }
0x21c: {  	v45 =	vld.idx.msk [tilespmem:v60+s6+$0x0], $0xffff  }
0x21d: {  	v63 =	vor.u32 v10, v35;
	[tilespmem:v25+s20+$0x0] =	vst.idx.add.f32.msk $0xffff, v46  }
0x21e: {  	v59 =	vor.u32 v3, v39;
	v25 =	vld.idx.msk [tilespmem:v55+s6+$0x0], $0xffff  }
0x21f: {  	v60 =	vor.u32 v4, v36;
	[tilespmem:v27+s20+$0x0] =	vst.idx.add.f32.msk $0xffff, v26  }
0x220: {  	v27 =	vor.u32 v3, v41;
	v26 =	vld.idx.msk [tilespmem:v56+s6+$0x0], $0xffff  }
0x221: {  	v61 =	vor.u32 v4, v40  }
0x222: {  	v57 =	vor.u32 v9, v32;
	[tilespmem:v63+s20+$0x0] =	vst.idx.add.f32.msk $0xffff, v44  }
0x223: {  	v58 =	vor.u32 v10, v33;
	[tilespmem:v59+s20+$0x0] =	vst.idx.add.f32.msk $0xffff, v25  }
0x224: {  	v55 =	vor.u32 v4, v39;
	v25 =	vld.idx.msk [tilespmem:v60+s6+$0x0], $0xffff  }
0x225: {  	v56 =	vor.u32 v5, v36;
	[tilespmem:v27+s20+$0x0] =	vst.idx.add.f32.msk $0xffff, v26  }
0x226: {  	v27 =	vor.u32 v4, v41;
	v26 =	vld.idx.msk [tilespmem:v61+s6+$0x0], $0xffff  }
0x227: {  	[tilespmem:v57+s20+$0x0] =	vst.idx.add.f32.msk $0xffff, v45;
	v57 =	vor.u32 v5, v40  }
0x228: {  	v45 =	vld.idx.msk [tilespmem:v58+s6+$0x0], $0xffff;
	v58 =	vor.u32 v10, v32  }
0x229: {  	v59 =	vor.u32 v11, v33;
	[tilespmem:v55+s20+$0x0] =	vst.idx.add.f32.msk $0xffff, v25  }
0x22a: {  	v60 =	vor.u32 v5, v39;
	v25 =	vld.idx.msk [tilespmem:v56+s6+$0x0], $0xffff  }
0x22b: {  	[tilespmem:v27+s20+$0x0] =	vst.idx.add.f32.msk $0xffff, v26;
	v26 =	vor.u32 v6, v36  }
0x22c: {  	v61 =	vor.u32 v5, v41;
	v27 =	vld.idx.msk [tilespmem:v57+s6+$0x0], $0xffff  }
0x22d: {  	v62 =	vor.u32 v6, v40;
	[tilespmem:v58+s20+$0x0] =	vst.idx.add.f32.msk $0xffff, v45  }
0x22e: {  	v55 =	vld.idx.msk [tilespmem:v59+s6+$0x0], $0xffff;
	v59 =	vor.u32 v11, v32  }
0x22f: {  	v56 =	vor.u32 v11, v34;
	[tilespmem:v60+s20+$0x0] =	vst.idx.add.f32.msk $0xffff, v25  }
0x230: {  	v25 =	vld.idx.msk [tilespmem:v26+s6+$0x0], $0xffff;
	v26 =	vor.u32 v6, v39  }
0x231: {  	[tilespmem:v61+s20+$0x0] =	vst.idx.add.f32.msk $0xffff, v27;
	v27 =	vor.u32 v7, v36  }
0x232: {  	v57 =	vor.u32 v6, v41;
	v42 =	vld.idx.msk [tilespmem:v62+s6+$0x0], $0xffff  }
0x233: {  	v58 =	vor.u32 v7, v40;
	[tilespmem:v59+s20+$0x0] =	vst.idx.add.f32.msk $0xffff, v55  }
0x234: {  	v60 =	vld.idx.msk [tilespmem:v56+s6+$0x0], $0xffff  }
0x235: {  	v55 =	vor.u32 v11, v35;
	[tilespmem:v26+s20+$0x0] =	vst.idx.add.f32.msk $0xffff, v25  }
0x236: {  	v26 =	vor.u32 v7, v39;
	v25 =	vld.idx.msk [tilespmem:v27+s6+$0x0], $0xffff  }
0x237: {  	v27 =	vor.u32 v8, v36;
	[tilespmem:v57+s20+$0x0] =	vst.idx.add.f32.msk $0xffff, v42  }
0x238: {  	v62 =	vor.u32 v7, v41;
	v42 =	vld.idx.msk [tilespmem:v58+s6+$0x0], $0xffff  }
0x239: {  	v63 =	vor.u32 v8, v40  }
0x23a: {  	v56 =	vor.u32 v12, v34;
	[tilespmem:v55+s20+$0x0] =	vst.idx.add.f32.msk $0xffff, v60  }
0x23b: {  	v61 =	vor.u32 v12, v33;
	[tilespmem:v26+s20+$0x0] =	vst.idx.add.f32.msk $0xffff, v25  }
0x23c: {  	v26 =	vor.u32 v8, v39;
	v25 =	vld.idx.msk [tilespmem:v27+s6+$0x0], $0xffff  }
0x23d: {  	v27 =	vor.u32 v9, v36;
	[tilespmem:v62+s20+$0x0] =	vst.idx.add.f32.msk $0xffff, v42  }
0x23e: {  	v57 =	vor.u32 v8, v41;
	v42 =	vld.idx.msk [tilespmem:v63+s6+$0x0], $0xffff  }
0x23f: {  	v46 =	vld.idx.msk [tilespmem:v56+s6+$0x0], $0xffff;
	v58 =	vor.u32 v9, v40  }
0x240: {  	v59 =	vor.u32 v12, v32;
	v47 =	vld.idx.msk [tilespmem:v61+s6+$0x0], $0xffff  }
0x241: {  	v60 =	vor.u32 v13, v33;
	[tilespmem:v26+s20+$0x0] =	vst.idx.add.f32.msk $0xffff, v25  }
0x242: {  	v26 =	vor.u32 v9, v39;
	v25 =	vld.idx.msk [tilespmem:v27+s6+$0x0], $0xffff  }
0x243: {  	v27 =	vor.u32 v10, v36;
	[tilespmem:v57+s20+$0x0] =	vst.idx.add.f32.msk $0xffff, v42  }
0x244: {  	v61 =	vor.u32 v9, v41;
	v42 =	vld.idx.msk [tilespmem:v58+s6+$0x0], $0xffff  }
0x245: {  	[tilespmem:v59+s20+$0x0] =	vst.idx.add.f32.msk $0xffff, v47;
	v62 =	vor.u32 v10, v40  }
0x246: {  	v47 =	vld.idx.msk [tilespmem:v60+s6+$0x0], $0xffff;
	v63 =	vor.u32 v12, v35  }
0x247: {  	v55 =	vor.u32 v13, v34;
	[tilespmem:v26+s20+$0x0] =	vst.idx.add.f32.msk $0xffff, v25  }
0x248: {  	v26 =	vor.u32 v10, v39;
	v25 =	vld.idx.msk [tilespmem:v27+s6+$0x0], $0xffff  }
0x249: {  	v27 =	vor.u32 v11, v36;
	[tilespmem:v61+s20+$0x0] =	vst.idx.add.f32.msk $0xffff, v42  }
0x24a: {  	v56 =	vor.u32 v10, v41;
	v42 =	vld.idx.msk [tilespmem:v62+s6+$0x0], $0xffff  }
0x24b: {  	[tilespmem:v63+s20+$0x0] =	vst.idx.add.f32.msk $0xffff, v46;
	v57 =	vor.u32 v11, v40  }
0x24c: {  	v58 =	vor.u32 v13, v32;
	v46 =	vld.idx.msk [tilespmem:v55+s6+$0x0], $0xffff  }
0x24d: {  	v59 =	vor.u32 v14, v33;
	[tilespmem:v26+s20+$0x0] =	vst.idx.add.f32.msk $0xffff, v25  }
0x24e: {  	v26 =	vor.u32 v11, v39;
	v25 =	vld.idx.msk [tilespmem:v27+s6+$0x0], $0xffff  }
0x24f: {  	v27 =	vor.u32 v12, v36;
	[tilespmem:v56+s20+$0x0] =	vst.idx.add.f32.msk $0xffff, v42  }
0x250: {  	v60 =	vor.u32 v11, v41;
	v42 =	vld.idx.msk [tilespmem:v57+s6+$0x0], $0xffff  }
0x251: {  	[tilespmem:v58+s20+$0x0] =	vst.idx.add.f32.msk $0xffff, v47;
	v61 =	vor.u32 v12, v40  }
0x252: {  	v62 =	vor.u32 v13, v35;
	v47 =	vld.idx.msk [tilespmem:v59+s6+$0x0], $0xffff  }
0x253: {  	v63 =	vor.u32 v14, v34;
	[tilespmem:v26+s20+$0x0] =	vst.idx.add.f32.msk $0xffff, v25  }
0x254: {  	v26 =	vor.u32 v12, v39;
	v25 =	vld.idx.msk [tilespmem:v27+s6+$0x0], $0xffff  }
0x255: {  	v27 =	vor.u32 v13, v36;
	[tilespmem:v60+s20+$0x0] =	vst.idx.add.f32.msk $0xffff, v42  }
0x256: {  	v51 =	vor.u32 v12, v41;
	v42 =	vld.idx.msk [tilespmem:v61+s6+$0x0], $0xffff  }
0x257: {  	v55 =	vor.u32 v13, v40;
	[tilespmem:v62+s20+$0x0] =	vst.idx.add.f32.msk $0xffff, v46  }
0x258: {  	v56 =	vor.u32 v14, v32;
	v46 =	vld.idx.msk [tilespmem:v63+s6+$0x0], $0xffff  }
0x259: {  	v57 =	vor.u32 v15, v33;
	[tilespmem:v26+s20+$0x0] =	vst.idx.add.f32.msk $0xffff, v25  }
0x25a: {  	v26 =	vor.u32 v13, v39;
	v25 =	vld.idx.msk [tilespmem:v27+s6+$0x0], $0xffff  }
0x25b: {  	v27 =	vor.u32 v14, v36;
	[tilespmem:v51+s20+$0x0] =	vst.idx.add.f32.msk $0xffff, v42  }
0x25c: {  	v58 =	vor.u32 v13, v41;
	v42 =	vld.idx.msk [tilespmem:v55+s6+$0x0], $0xffff  }
0x25d: {  	v59 =	vor.u32 v14, v40;
	[tilespmem:v56+s20+$0x0] =	vst.idx.add.f32.msk $0xffff, v47  }
0x25e: {  	v60 =	vor.u32 v14, v35;
	v33 =	vld.idx.msk [tilespmem:v57+s6+$0x0], $0xffff  }
0x25f: {  	v61 =	vor.u32 v15, v34;
	[tilespmem:v26+s20+$0x0] =	vst.idx.add.f32.msk $0xffff, v25  }
0x260: {  	v26 =	vor.u32 v14, v39;
	v25 =	vld.idx.msk [tilespmem:v27+s6+$0x0], $0xffff  }
0x261: {  	v27 =	vor.u32 v15, v36;
	[tilespmem:v58+s20+$0x0] =	vst.idx.add.f32.msk $0xffff, v42  }
0x262: {  	v63 =	vor.u32 v14, v41;
	v62 =	vld.idx.msk [tilespmem:v59+s6+$0x0], $0xffff  }
0x263: {  	v40 =	vor.u32 v15, v40;
	[tilespmem:v60+s20+$0x0] =	vst.idx.add.f32.msk $0xffff, v46  }
0x264: {  	v34 =	vld.idx.msk [tilespmem:v61+s6+$0x0], $0xffff  }
0x265: {  	v44 =	vor.u32 v15, v32;
	[tilespmem:v26+s20+$0x0] =	vst.idx.add.f32.msk $0xffff, v25  }
0x266: {  	s9 =	simm.s32 $0x0;
	v25 =	vor.u32 v15, v35;
	v26 =	vld.idx.msk [tilespmem:v27+s6+$0x0], $0xffff  }
0x267: {  	v45 =	vmov s9;
	v27 =	vor.u32 v15, v39;
	[tilespmem:v63+s20+$0x0] =	vst.idx.add.f32.msk $0xffff, v62  }
0x268: {  	s25 =	simm.s32 $0x1;
	v46 =	vor.u32 v15, v41;
	v35 =	vadd.s32 $0x50, v45;
	v36 =	vld.idx.msk [tilespmem:v40+s6+$0x0], $0xffff  }
0x269: {  	[tilespmem:v38+s20+$0x0] =	vst.idx.add.f32.msk $0xffff, v37;
	s17 =	smul.u32 $0xA000, s17;
	v47 =	vmov s25;
	v35 =	vbroadcast v35, $0x0  }
0x26a: {  	v48 =	vadd.s32 $0x50, v47;
	[tilespmem:v44+s20+$0x0] =	vst.idx.add.f32.msk $0xffff, v33  }
0x26b: {  	s17 =	sshrl.u32 s17, $0x3;
	[tilespmem:v25+s20+$0x0] =	vst.idx.add.f32.msk $0xffff, v34;
	v25 =	vbroadcast v48, $0x0  }
0x26c: {  	s17 =	sadd.s32 s5, s17;
	[tilespmem:v27+s20+$0x0] =	vst.idx.add.f32.msk $0xffff, v26  }
0x26d: {  	s18 =	sadd.s32 $0x500, s17;
	[tilespmem:v46+s20+$0x0] =	vst.idx.add.f32.msk $0xffff, v36  }
0x26e: {  	[hbm4b:s18+s9] =	stream.linear.scatter [tilespmem:s21], [sflag:$0x5], $0x2800, $0x38;
	[tilespmem:$0x1DA00] =	vst v63  }
0x26f: {  	v26 =	vld.idx.msk [tilespmem:v35+s19+$0x0], $0xffff;
	_ =	sdelay $0x1  }
0x270: {  	v27 =	vld.idx.msk [tilespmem:v25+s19+$0x0], $0xffff;
	_ =	sdelay $0x2  }
0x271: {  	v49 =	vshll.u32 v26, $0x8;
	v26 =	vshll.u32 v26, $0x7  }
0x272: {  	v32 =	vand.u32 $0xFFFFF800, v49;
	v26 =	vand.u32 $0x380, v26  }
0x273: {  	v36 =	vor.u32 v26, v32;
	v26 =	vshll.u32 v27, $0x8;
	v27 =	vshll.u32 v27, $0x7  }
0x274: {  	v32 =	vor.u32 v0, v36;
	v26 =	vand.u32 $0xFFFFF800, v26;
	v27 =	vand.u32 $0x380, v27  }
0x275: {  	v37 =	vor.u32 v27, v26  }
0x276: {  	v26 =	vshll.u32 v35, $0x8;
	v27 =	vshll.u32 v35, $0x7;
	v50 =	vor.u32 v0, v37  }
0x277: {  	v26 =	vand.u32 $0xF800, v26;
	v27 =	vand.u32 $0x300, v27  }
0x278: {  	v38 =	vor.u32 v27, v26;
	v26 =	vshll.u32 v25, $0x8;
	v25 =	vshll.u32 v25, $0x7  }
0x279: {  	v51 =	vor.u32 v0, v38;
	v26 =	vand.u32 $0x7FFFF800, v26;
	v25 =	vand.u32 $0x380, v25;
	v27 =	vld.idx.msk [tilespmem:v32+s6+$0x0], $0xffff  }
0x27a: {  	v55 =	vor.u32 v1, v36;
	v39 =	vor.u32 v25, v26  }
0x27b: {  	v26 =	vor.u32 v0, v39;
	v25 =	vld.idx.msk [tilespmem:v50+s6+$0x0], $0xffff  }
0x27c: {  	v56 =	vor.u32 v1, v37;
	_ =	sdelay $0x1  }
0x27d: {  	[tilespmem:v51+s20+$0x0] =	vst.idx.add.f32.msk $0xffff, v27  }
0x27e: {  	v57 =	vor.u32 v1, v38;
	v27 =	vld.idx.msk [tilespmem:v55+s6+$0x0], $0xffff  }
0x27f: {  	v58 =	vor.u32 v2, v36;
	[tilespmem:v26+s20+$0x0] =	vst.idx.add.f32.msk $0xffff, v25  }
0x280: {  	v26 =	vor.u32 v1, v39;
	v25 =	vld.idx.msk [tilespmem:v56+s6+$0x0], $0xffff  }
0x281: {  	v59 =	vor.u32 v2, v37;
	_ =	sdelay $0x1  }
0x282: {  	[tilespmem:v57+s20+$0x0] =	vst.idx.add.f32.msk $0xffff, v27  }
0x283: {  	v60 =	vor.u32 v2, v38;
	v27 =	vld.idx.msk [tilespmem:v58+s6+$0x0], $0xffff  }
0x284: {  	v61 =	vor.u32 v3, v36;
	[tilespmem:v26+s20+$0x0] =	vst.idx.add.f32.msk $0xffff, v25  }
0x285: {  	v26 =	vor.u32 v2, v39;
	v25 =	vld.idx.msk [tilespmem:v59+s6+$0x0], $0xffff  }
0x286: {  	v62 =	vor.u32 v3, v37;
	_ =	sdelay $0x1  }
0x287: {  	[tilespmem:v60+s20+$0x0] =	vst.idx.add.f32.msk $0xffff, v27  }
0x288: {  	s25 =	simm.s32 $0x2;
	v63 =	vor.u32 v3, v38;
	v27 =	vld.idx.msk [tilespmem:v61+s6+$0x0], $0xffff  }
0x289: {  	v40 =	vmov s25;
	v41 =	vor.u32 v4, v36;
	[tilespmem:v26+s20+$0x0] =	vst.idx.add.f32.msk $0xffff, v25  }
0x28a: {  	v42 =	vor.u32 v3, v39;
	v25 =	vadd.s32 $0x50, v40;
	v26 =	vld.idx.msk [tilespmem:v62+s6+$0x0], $0xffff  }
0x28b: {  	v43 =	vor.u32 v4, v37;
	v25 =	vbroadcast v25, $0x0;
	_ =	sdelay $0x1  }
0x28c: {  	[tilespmem:v63+s20+$0x0] =	vst.idx.add.f32.msk $0xffff, v27  }
0x28d: {  	v44 =	vor.u32 v4, v38;
	v27 =	vld.idx.msk [tilespmem:v41+s6+$0x0], $0xffff  }
0x28e: {  	v45 =	vor.u32 v5, v36;
	[tilespmem:v42+s20+$0x0] =	vst.idx.add.f32.msk $0xffff, v26  }
0x28f: {  	v46 =	vor.u32 v4, v39;
	v26 =	vld.idx.msk [tilespmem:v43+s6+$0x0], $0xffff  }
0x290: {  	v48 =	vor.u32 v5, v37;
	v47 =	vld.idx.msk [tilespmem:v25+s19+$0x0], $0xffff  }
0x291: {  	v49 =	vor.u32 v5, v38  }
0x292: {  	v55 =	vor.u32 v5, v39;
	v58 =	vshll.u32 v25, $0x8;
	v25 =	vshll.u32 v25, $0x7;
	[tilespmem:v44+s20+$0x0] =	vst.idx.add.f32.msk $0xffff, v27  }
0x293: {  	s18 =	simm.s32 $0x3;
	v56 =	vor.u32 v6, v37;
	v32 =	vand.u32 $0xF800, v58;
	v25 =	vand.u32 $0x300, v25;
	v27 =	vld.idx.msk [tilespmem:v45+s6+$0x0], $0xffff  }
0x294: {  	v32 =	vor.u32 v25, v32;
	v25 =	vmov s18;
	[tilespmem:v46+s20+$0x0] =	vst.idx.add.f32.msk $0xffff, v26;
	v26 =	vor.u32 v6, v36  }
0x295: {  	v25 =	vadd.s32 $0x50, v25;
	v50 =	vshll.u32 v47, $0x8;
	v34 =	vshll.u32 v47, $0x7;
	v51 =	vld.idx.msk [tilespmem:v48+s6+$0x0], $0xffff  }
0x296: {  	v25 =	vbroadcast v25, $0x0;
	v33 =	vand.u32 $0xFFFFF800, v50;
	v34 =	vand.u32 $0x380, v34  }
0x297: {  	v33 =	vor.u32 v34, v33  }
0x298: {  	[tilespmem:v49+s20+$0x0] =	vst.idx.add.f32.msk $0xffff, v27;
	v27 =	vor.u32 v0, v33  }
0x299: {  	v57 =	vor.u32 v6, v38;
	v26 =	vld.idx.msk [tilespmem:v26+s6+$0x0], $0xffff  }
0x29a: {  	s25 =	simm.s32 $0x4;
	v59 =	vor.u32 v7, v36;
	[tilespmem:v55+s20+$0x0] =	vst.idx.add.f32.msk $0xffff, v51  }
0x29b: {  	v60 =	vor.u32 v6, v39;
	v50 =	vmov s25;
	v40 =	vld.idx.msk [tilespmem:v56+s6+$0x0], $0xffff  }
0x29c: {  	v61 =	vor.u32 v7, v37;
	v41 =	vadd.s32 $0x50, v50;
	v45 =	vld.idx.msk [tilespmem:v25+s19+$0x0], $0xffff  }
0x29d: {  	v62 =	vor.u32 v0, v32;
	v41 =	vbroadcast v41, $0x0;
	v27 =	vld.idx.msk [tilespmem:v27+s6+$0x0], $0xffff  }
0x29e: {  	[tilespmem:v57+s20+$0x0] =	vst.idx.add.f32.msk $0xffff, v26  }
0x29f: {  	v63 =	vor.u32 v1, v33;
	v26 =	vld.idx.msk [tilespmem:v59+s6+$0x0], $0xffff  }
0x2a0: {  	v48 =	vor.u32 v7, v38;
	[tilespmem:v60+s20+$0x0] =	vst.idx.add.f32.msk $0xffff, v40  }
0x2a1: {  	v49 =	vor.u32 v8, v36;
	v40 =	vld.idx.msk [tilespmem:v61+s6+$0x0], $0xffff  }
0x2a2: {  	[tilespmem:v62+s20+$0x0] =	vst.idx.add.f32.msk $0xffff, v27;
	v27 =	vor.u32 v7, v39  }
0x2a3: {  	v55 =	vor.u32 v8, v37;
	v46 =	vld.idx.msk [tilespmem:v41+s19+$0x0], $0xffff  }
0x2a4: {  	v56 =	vor.u32 v1, v32;
	v51 =	vld.idx.msk [tilespmem:v63+s6+$0x0], $0xffff  }
0x2a5: {  	v57 =	vor.u32 v2, v33;
	[tilespmem:v48+s20+$0x0] =	vst.idx.add.f32.msk $0xffff, v26  }
0x2a6: {  	v58 =	vor.u32 v8, v38;
	v26 =	vld.idx.msk [tilespmem:v49+s6+$0x0], $0xffff  }
0x2a7: {  	[tilespmem:v27+s20+$0x0] =	vst.idx.add.f32.msk $0xffff, v40;
	v27 =	vor.u32 v9, v36  }
0x2a8: {  	v59 =	vor.u32 v8, v39;
	v40 =	vld.idx.msk [tilespmem:v55+s6+$0x0], $0xffff  }
0x2a9: {  	v61 =	vshll.u32 v45, $0x8;
	v62 =	vshll.u32 v45, $0x7;
	v63 =	vor.u32 v9, v37;
	[tilespmem:v56+s20+$0x0] =	vst.idx.add.f32.msk $0xffff, v51  }
0x2aa: {  	v34 =	vand.u32 $0xFFFFF800, v61;
	v44 =	vand.u32 $0x380, v62;
	v55 =	vor.u32 v2, v32;
	v60 =	vld.idx.msk [tilespmem:v57+s6+$0x0], $0xffff  }
0x2ab: {  	v34 =	vor.u32 v44, v34;
	v56 =	vor.u32 v3, v33;
	[tilespmem:v58+s20+$0x0] =	vst.idx.add.f32.msk $0xffff, v26  }
0x2ac: {  	v26 =	vor.u32 v0, v34;
	v27 =	vld.idx.msk [tilespmem:v27+s6+$0x0], $0xffff  }
0x2ad: {  	v57 =	vor.u32 v9, v38;
	[tilespmem:v59+s20+$0x0] =	vst.idx.add.f32.msk $0xffff, v40  }
0x2ae: {  	v58 =	vor.u32 v10, v36;
	v42 =	vld.idx.msk [tilespmem:v63+s6+$0x0], $0xffff  }
0x2af: {  	v59 =	vshll.u32 v25, $0x8;
	v25 =	vshll.u32 v25, $0x7;
	[tilespmem:v55+s20+$0x0] =	vst.idx.add.f32.msk $0xffff, v60;
	v60 =	vor.u32 v9, v39  }
0x2b0: {  	v62 =	vor.u32 v10, v37;
	v35 =	vand.u32 $0x7FFFF800, v59;
	v25 =	vand.u32 $0x380, v25;
	v61 =	vld.idx.msk [tilespmem:v56+s6+$0x0], $0xffff  }
0x2b1: {  	v63 =	vor.u32 v3, v32;
	v26 =	vld.idx.msk [tilespmem:v26+s6+$0x0], $0xffff;
	v35 =	vor.u32 v25, v35  }
0x2b2: {  	v25 =	vor.u32 v0, v35;
	[tilespmem:v57+s20+$0x0] =	vst.idx.add.f32.msk $0xffff, v27  }
0x2b3: {  	v27 =	vor.u32 v1, v34;
	v40 =	vld.idx.msk [tilespmem:v58+s6+$0x0], $0xffff  }
0x2b4: {  	v51 =	vor.u32 v10, v38;
	[tilespmem:v60+s20+$0x0] =	vst.idx.add.f32.msk $0xffff, v42  }
0x2b5: {  	v55 =	vor.u32 v11, v36;
	v43 =	vld.idx.msk [tilespmem:v62+s6+$0x0], $0xffff  }
0x2b6: {  	v56 =	vor.u32 v10, v39;
	[tilespmem:v63+s20+$0x0] =	vst.idx.add.f32.msk $0xffff, v61  }
0x2b7: {  	[tilespmem:v25+s20+$0x0] =	vst.idx.add.f32.msk $0xffff, v26;
	v25 =	vor.u32 v11, v37  }
0x2b8: {  	v26 =	vor.u32 v4, v33;
	v27 =	vld.idx.msk [tilespmem:v27+s6+$0x0], $0xffff  }
0x2b9: {  	v57 =	vor.u32 v1, v35;
	[tilespmem:v51+s20+$0x0] =	vst.idx.add.f32.msk $0xffff, v40  }
0x2ba: {  	v58 =	vor.u32 v2, v34;
	v42 =	vld.idx.msk [tilespmem:v55+s6+$0x0], $0xffff  }
0x2bb: {  	v59 =	vor.u32 v11, v38;
	[tilespmem:v56+s20+$0x0] =	vst.idx.add.f32.msk $0xffff, v43  }
0x2bc: {  	v60 =	vor.u32 v12, v36;
	v25 =	vld.idx.msk [tilespmem:v25+s6+$0x0], $0xffff  }
0x2bd: {  	v61 =	vor.u32 v11, v39;
	v26 =	vld.idx.msk [tilespmem:v26+s6+$0x0], $0xffff  }
0x2be: {  	v62 =	vor.u32 v4, v32;
	[tilespmem:v57+s20+$0x0] =	vst.idx.add.f32.msk $0xffff, v27  }
0x2bf: {  	v27 =	vor.u32 v12, v37;
	v40 =	vld.idx.msk [tilespmem:v58+s6+$0x0], $0xffff  }
0x2c0: {  	v57 =	vor.u32 v5, v33;
	[tilespmem:v59+s20+$0x0] =	vst.idx.add.f32.msk $0xffff, v42  }
0x2c1: {  	v63 =	vor.u32 v2, v35;
	v43 =	vld.idx.msk [tilespmem:v60+s6+$0x0], $0xffff  }
0x2c2: {  	v51 =	vor.u32 v3, v34;
	[tilespmem:v61+s20+$0x0] =	vst.idx.add.f32.msk $0xffff, v25  }
0x2c3: {  	v55 =	vor.u32 v12, v38;
	[tilespmem:v62+s20+$0x0] =	vst.idx.add.f32.msk $0xffff, v26  }
0x2c4: {  	v25 =	vor.u32 v13, v36;
	v27 =	vld.idx.msk [tilespmem:v27+s6+$0x0], $0xffff  }
0x2c5: {  	v26 =	vor.u32 v12, v39;
	v61 =	vld.idx.msk [tilespmem:v57+s6+$0x0], $0xffff  }
0x2c6: {  	v56 =	vor.u32 v13, v37;
	[tilespmem:v63+s20+$0x0] =	vst.idx.add.f32.msk $0xffff, v40  }
0x2c7: {  	v58 =	vor.u32 v3, v35;
	v42 =	vld.idx.msk [tilespmem:v51+s6+$0x0], $0xffff  }
0x2c8: {  	v59 =	vor.u32 v4, v34;
	[tilespmem:v55+s20+$0x0] =	vst.idx.add.f32.msk $0xffff, v43  }
0x2c9: {  	v55 =	vor.u32 v5, v32;
	v25 =	vld.idx.msk [tilespmem:v25+s6+$0x0], $0xffff  }
0x2ca: {  	v60 =	vor.u32 v13, v38;
	[tilespmem:v26+s20+$0x0] =	vst.idx.add.f32.msk $0xffff, v27  }
0x2cb: {  	v26 =	vor.u32 v14, v36;
	v27 =	vld.idx.msk [tilespmem:v56+s6+$0x0], $0xffff  }
0x2cc: {  	v62 =	vor.u32 v13, v39;
	[tilespmem:v58+s20+$0x0] =	vst.idx.add.f32.msk $0xffff, v42  }
0x2cd: {  	v63 =	vor.u32 v14, v37;
	v43 =	vld.idx.msk [tilespmem:v59+s6+$0x0], $0xffff  }
0x2ce: {  	v56 =	vor.u32 v4, v35;
	[tilespmem:v55+s20+$0x0] =	vst.idx.add.f32.msk $0xffff, v61  }
0x2cf: {  	v61 =	vor.u32 v6, v33;
	[tilespmem:v60+s20+$0x0] =	vst.idx.add.f32.msk $0xffff, v25  }
0x2d0: {  	v25 =	vor.u32 v5, v34;
	v26 =	vld.idx.msk [tilespmem:v26+s6+$0x0], $0xffff  }
0x2d1: {  	v57 =	vor.u32 v14, v38;
	[tilespmem:v62+s20+$0x0] =	vst.idx.add.f32.msk $0xffff, v27  }
0x2d2: {  	v27 =	vor.u32 v15, v36;
	v45 =	vld.idx.msk [tilespmem:v63+s6+$0x0], $0xffff  }
0x2d3: {  	v58 =	vor.u32 v14, v39;
	[tilespmem:v56+s20+$0x0] =	vst.idx.add.f32.msk $0xffff, v43  }
0x2d4: {  	v37 =	vor.u32 v15, v37;
	v59 =	vshll.u32 v46, $0x8;
	v60 =	vshll.u32 v46, $0x7;
	v43 =	vld.idx.msk [tilespmem:v61+s6+$0x0], $0xffff  }
0x2d5: {  	v42 =	vand.u32 $0x380, v60;
	v36 =	vand.u32 $0xFFFFF800, v59;
	v62 =	vor.u32 v5, v35;
	v25 =	vld.idx.msk [tilespmem:v25+s6+$0x0], $0xffff  }
0x2d6: {  	v36 =	vor.u32 v42, v36;
	[tilespmem:v57+s20+$0x0] =	vst.idx.add.f32.msk $0xffff, v26;
	v26 =	vor.u32 v6, v34  }
0x2d7: {  	v42 =	vld.idx.msk [tilespmem:v27+s6+$0x0], $0xffff;
	v27 =	vor.u32 v0, v36  }
0x2d8: {  	v46 =	vor.u32 v15, v38;
	[tilespmem:v58+s20+$0x0] =	vst.idx.add.f32.msk $0xffff, v45  }
0x2d9: {  	v38 =	vor.u32 v15, v39;
	v37 =	vld.idx.msk [tilespmem:v37+s6+$0x0], $0xffff  }
0x2da: {  	v44 =	vor.u32 v6, v32;
	[tilespmem:v62+s20+$0x0] =	vst.idx.add.f32.msk $0xffff, v25  }
0x2db: {  	v47 =	vor.u32 v7, v33;
	v63 =	vshll.u32 v41, $0x7;
	v25 =	vshll.u32 v41, $0x8;
	v45 =	vld.idx.msk [tilespmem:v26+s6+$0x0], $0xffff  }
0x2dc: {  	s9 =	simm.s32 $0x5;
	s25 =	simm.s32 $0x6;
	v48 =	vor.u32 v6, v35;
	v25 =	vand.u32 $0xF800, v25;
	v26 =	vand.u32 $0x300, v63;
	v41 =	vld.idx.msk [tilespmem:v27+s6+$0x0], $0xffff  }
.LBB2_13:
0x2dd: {  	p4 =	slt.u32 s25, $0x26;
	v39 =	vor.u32 v26, v25;
	v25 =	vmov s9;
	v26 =	vor.u32 v7, v34;
	[tilespmem:v46+s20+$0x0] =	vst.idx.add.f32.msk $0xffff, v42  }
0x2de: {  	v27 =	vor.u32 v0, v39;
	v25 =	vadd.s32 $0x50, v25;
	[tilespmem:v38+s20+$0x0] =	vst.idx.add.f32.msk $0xffff, v37  }
0x2df: {  	v37 =	vor.u32 v1, v36;
	v25 =	vbroadcast v25, $0x0;
	[tilespmem:v44+s20+$0x0] =	vst.idx.add.f32.msk $0xffff, v43  }
0x2e0: {  	v38 =	vld.idx.msk [tilespmem:v47+s6+$0x0], $0xffff  }
0x2e1: {  	v42 =	vor.u32 v7, v32;
	[tilespmem:v48+s20+$0x0] =	vst.idx.add.f32.msk $0xffff, v45  }
0x2e2: {  	v43 =	vor.u32 v8, v33;
	v26 =	vld.idx.msk [tilespmem:v26+s6+$0x0], $0xffff  }
0x2e3: {  	[tilespmem:v27+s20+$0x0] =	vst.idx.add.f32.msk $0xffff, v41;
	v27 =	vor.u32 v7, v35  }
0x2e4: {  	v40 =	vmov s25;
	v41 =	vor.u32 v8, v34;
	v37 =	vld.idx.msk [tilespmem:v37+s6+$0x0], $0xffff  }
0x2e5: {  	v40 =	vadd.s32 $0x50, v40;
	v44 =	vor.u32 v1, v39;
	v45 =	vld.idx.msk [tilespmem:v25+s19+$0x0], $0xffff  }
0x2e6: {  	v46 =	vor.u32 v2, v36;
	v40 =	vbroadcast v40, $0x0;
	[tilespmem:v42+s20+$0x0] =	vst.idx.add.f32.msk $0xffff, v38  }
0x2e7: {  	v38 =	vld.idx.msk [tilespmem:v43+s6+$0x0], $0xffff  }
0x2e8: {  	v42 =	vor.u32 v8, v32;
	[tilespmem:v27+s20+$0x0] =	vst.idx.add.f32.msk $0xffff, v26  }
0x2e9: {  	v26 =	vor.u32 v9, v33;
	v27 =	vld.idx.msk [tilespmem:v41+s6+$0x0], $0xffff  }
0x2ea: {  	v41 =	vor.u32 v8, v35;
	[tilespmem:v44+s20+$0x0] =	vst.idx.add.f32.msk $0xffff, v37  }
0x2eb: {  	v44 =	vshll.u32 v45, $0x8;
	v45 =	vshll.u32 v45, $0x7;
	v43 =	vld.idx.msk [tilespmem:v46+s6+$0x0], $0xffff;
	v46 =	vor.u32 v9, v34  }
0x2ec: {  	v47 =	vor.u32 v2, v39;
	v44 =	vand.u32 $0xFFFFF800, v44;
	v45 =	vand.u32 $0x380, v45;
	v37 =	vld.idx.msk [tilespmem:v40+s19+$0x0], $0xffff  }
0x2ed: {  	v48 =	vor.u32 v3, v36;
	v44 =	vor.u32 v45, v44;
	[tilespmem:v42+s20+$0x0] =	vst.idx.add.f32.msk $0xffff, v38  }
0x2ee: {  	v38 =	vor.u32 v0, v44;
	v26 =	vld.idx.msk [tilespmem:v26+s6+$0x0], $0xffff  }
0x2ef: {  	v42 =	vor.u32 v9, v32;
	[tilespmem:v41+s20+$0x0] =	vst.idx.add.f32.msk $0xffff, v27  }
0x2f0: {  	v27 =	vor.u32 v10, v33;
	v45 =	vld.idx.msk [tilespmem:v46+s6+$0x0], $0xffff  }
0x2f1: {  	v41 =	vshll.u32 v25, $0x8;
	v25 =	vshll.u32 v25, $0x7;
	[tilespmem:v47+s20+$0x0] =	vst.idx.add.f32.msk $0xffff, v43;
	v43 =	vor.u32 v9, v35  }
0x2f2: {  	v41 =	vand.u32 $0x7FFFF800, v41;
	v25 =	vand.u32 $0x380, v25;
	v47 =	vor.u32 v10, v34;
	v46 =	vld.idx.msk [tilespmem:v48+s6+$0x0], $0xffff  }
0x2f3: {  	v41 =	vor.u32 v25, v41;
	v48 =	vor.u32 v3, v39;
	v38 =	vld.idx.msk [tilespmem:v38+s6+$0x0], $0xffff  }
0x2f4: {  	v25 =	vor.u32 v0, v41;
	[tilespmem:v42+s20+$0x0] =	vst.idx.add.f32.msk $0xffff, v26  }
0x2f5: {  	v26 =	vor.u32 v1, v44;
	v27 =	vld.idx.msk [tilespmem:v27+s6+$0x0], $0xffff  }
0x2f6: {  	v42 =	vor.u32 v10, v32;
	[tilespmem:v43+s20+$0x0] =	vst.idx.add.f32.msk $0xffff, v45  }
0x2f7: {  	v43 =	vor.u32 v11, v33;
	v45 =	vld.idx.msk [tilespmem:v47+s6+$0x0], $0xffff  }
0x2f8: {  	[tilespmem:v48+s20+$0x0] =	vst.idx.add.f32.msk $0xffff, v46;
	v46 =	vor.u32 v10, v35  }
0x2f9: {  	[tilespmem:v25+s20+$0x0] =	vst.idx.add.f32.msk $0xffff, v38;
	v25 =	vor.u32 v11, v34  }
0x2fa: {  	v38 =	vor.u32 v4, v36;
	v26 =	vld.idx.msk [tilespmem:v26+s6+$0x0], $0xffff  }
0x2fb: {  	v47 =	vor.u32 v1, v41;
	[tilespmem:v42+s20+$0x0] =	vst.idx.add.f32.msk $0xffff, v27  }
0x2fc: {  	v27 =	vor.u32 v2, v44;
	v42 =	vld.idx.msk [tilespmem:v43+s6+$0x0], $0xffff  }
0x2fd: {  	v43 =	vor.u32 v11, v32;
	[tilespmem:v46+s20+$0x0] =	vst.idx.add.f32.msk $0xffff, v45  }
0x2fe: {  	v45 =	vor.u32 v12, v33;
	v25 =	vld.idx.msk [tilespmem:v25+s6+$0x0], $0xffff  }
0x2ff: {  	v46 =	vor.u32 v11, v35;
	v38 =	vld.idx.msk [tilespmem:v38+s6+$0x0], $0xffff  }
0x300: {  	[tilespmem:v47+s20+$0x0] =	vst.idx.add.f32.msk $0xffff, v26;
	v26 =	vor.u32 v12, v34  }
0x301: {  	v47 =	vor.u32 v4, v39;
	v27 =	vld.idx.msk [tilespmem:v27+s6+$0x0], $0xffff  }
0x302: {  	v48 =	vor.u32 v2, v41;
	[tilespmem:v43+s20+$0x0] =	vst.idx.add.f32.msk $0xffff, v42  }
0x303: {  	v42 =	vor.u32 v3, v44;
	v43 =	vld.idx.msk [tilespmem:v45+s6+$0x0], $0xffff  }
0x304: {  	v45 =	vor.u32 v12, v32;
	[tilespmem:v46+s20+$0x0] =	vst.idx.add.f32.msk $0xffff, v25  }
0x305: {  	v25 =	vor.u32 v13, v33;
	v26 =	vld.idx.msk [tilespmem:v26+s6+$0x0], $0xffff  }
0x306: {  	[tilespmem:v47+s20+$0x0] =	vst.idx.add.f32.msk $0xffff, v38;
	v38 =	vor.u32 v12, v35  }
0x307: {  	[tilespmem:v48+s20+$0x0] =	vst.idx.add.f32.msk $0xffff, v27;
	v27 =	vor.u32 v13, v34  }
0x308: {  	v46 =	vor.u32 v5, v36;
	v42 =	vld.idx.msk [tilespmem:v42+s6+$0x0], $0xffff  }
0x309: {  	v47 =	vor.u32 v3, v41;
	[tilespmem:v45+s20+$0x0] =	vst.idx.add.f32.msk $0xffff, v43  }
0x30a: {  	v43 =	vor.u32 v4, v44;
	v25 =	vld.idx.msk [tilespmem:v25+s6+$0x0], $0xffff  }
0x30b: {  	v45 =	vor.u32 v13, v32;
	[tilespmem:v38+s20+$0x0] =	vst.idx.add.f32.msk $0xffff, v26  }
0x30c: {  	v26 =	vor.u32 v14, v33;
	v27 =	vld.idx.msk [tilespmem:v27+s6+$0x0], $0xffff  }
0x30d: {  	v38 =	vld.idx.msk [tilespmem:v46+s6+$0x0], $0xffff;
	v46 =	vor.u32 v13, v35  }
0x30e: {  	[tilespmem:v47+s20+$0x0] =	vst.idx.add.f32.msk $0xffff, v42;
	v42 =	vor.u32 v14, v34  }
0x30f: {  	v47 =	vor.u32 v5, v39;
	v43 =	vld.idx.msk [tilespmem:v43+s6+$0x0], $0xffff  }
0x310: {  	v48 =	vor.u32 v4, v41;
	[tilespmem:v45+s20+$0x0] =	vst.idx.add.f32.msk $0xffff, v25  }
0x311: {  	v25 =	vor.u32 v5, v44;
	v26 =	vld.idx.msk [tilespmem:v26+s6+$0x0], $0xffff  }
0x312: {  	v45 =	vor.u32 v14, v32;
	[tilespmem:v46+s20+$0x0] =	vst.idx.add.f32.msk $0xffff, v27  }
0x313: {  	v27 =	vor.u32 v15, v33;
	v33 =	vmov v36;
	v46 =	vld.idx.msk [tilespmem:v42+s6+$0x0], $0xffff  }
0x314: {  	[tilespmem:v47+s20+$0x0] =	vst.idx.add.f32.msk $0xffff, v38;
	v38 =	vor.u32 v14, v35  }
0x315: {  	[tilespmem:v48+s20+$0x0] =	vst.idx.add.f32.msk $0xffff, v43;
	v43 =	vor.u32 v15, v34;
	v34 =	vmov v44  }
0x316: {  	v36 =	vshll.u32 v37, $0x8;
	v37 =	vshll.u32 v37, $0x7;
	v44 =	vor.u32 v6, v33;
	v25 =	vld.idx.msk [tilespmem:v25+s6+$0x0], $0xffff  }
0x317: {  	v36 =	vand.u32 $0xFFFFF800, v36;
	v37 =	vand.u32 $0x380, v37;
	v47 =	vor.u32 v5, v41;
	[tilespmem:v45+s20+$0x0] =	vst.idx.add.f32.msk $0xffff, v26  }
0x318: {  	v36 =	vor.u32 v37, v36;
	v26 =	vor.u32 v6, v34;
	v42 =	vld.idx.msk [tilespmem:v27+s6+$0x0], $0xffff  }
0x319: {  	v27 =	vor.u32 v0, v36;
	[tilespmem:v38+s20+$0x0] =	vst.idx.add.f32.msk $0xffff, v46  }
.Ltmp10:
0x31a: {  	v46 =	vor.u32 v15, v32;
	v32 =	vmov v39;
	v37 =	vld.idx.msk [tilespmem:v43+s6+$0x0], $0xffff;
	(pc) =	sbr.rel @p4 .LBB2_13-.Ltmp10, $4  }
0x31b: {  	v38 =	vor.u32 v15, v35;
	v35 =	vmov v41;
	v43 =	vld.idx.msk [tilespmem:v44+s6+$0x0], $0xffff  }
0x31c: {  	v44 =	vor.u32 v6, v32;
	[tilespmem:v47+s20+$0x0] =	vst.idx.add.f32.msk $0xffff, v25  }
0x31d: {  	v39 =	vshll.u32 v40, $0x7;
	v25 =	vshll.u32 v40, $0x8;
	v47 =	vor.u32 v7, v33;
	v45 =	vld.idx.msk [tilespmem:v26+s6+$0x0], $0xffff  }
0x31e: {  	s9 =	sadd.s32 $0x1, s25;
	s25 =	sadd.s32 $0x2, s25;
	v48 =	vor.u32 v6, v35;
	v25 =	vand.u32 $0xF800, v25;
	v26 =	vand.u32 $0x300, v39;
	v41 =	vld.idx.msk [tilespmem:v27+s6+$0x0], $0xffff  }
0x31f: {  	v27 =	vmov s9  }
0x320: {  	v27 =	vadd.s32 $0x50, v27  }
0x321: {  	v27 =	vbroadcast v27, $0x0;
	_ =	sdelay $0x3  }
0x322: {  	v39 =	vor.u32 v26, v25;
	v25 =	vor.u32 v7, v34;
	_ =	sdelay $0x1  }
0x323: {  	v40 =	vld.idx.msk [tilespmem:v27+s19+$0x0], $0xffff;
	_ =	sdelay $0x1  }
0x324: {  	[tilespmem:v48+s20+$0x0] =	vst.idx.add.f32.msk $0xffff, v45  }
0x325: {  	v63 =	vor.u32 v7, v35;
	v25 =	vld.idx.msk [tilespmem:v25+s6+$0x0], $0xffff;
	_ =	sdelay $0x1  }
0x326: {  	v56 =	vor.u32 v8, v34;
	v26 =	vshll.u32 v40, $0x8;
	v40 =	vshll.u32 v40, $0x7  }
0x327: {  	[tilespmem:v46+s20+$0x0] =	vst.idx.add.f32.msk $0xffff, v42;
	v57 =	vor.u32 v0, v39;
	v26 =	vand.u32 $0xFFFFF800, v26;
	v40 =	vand.u32 $0x380, v40  }
0x328: {  	v58 =	vor.u32 v1, v36;
	[tilespmem:v44+s20+$0x0] =	vst.idx.add.f32.msk $0xffff, v43;
	v40 =	vor.u32 v40, v26  }
0x329: {  	[tilespmem:v63+s20+$0x0] =	vst.idx.add.f32.msk $0xffff, v25;
	v59 =	vor.u32 v0, v40  }
0x32a: {  	v60 =	vor.u32 v7, v32;
	v62 =	vshll.u32 v27, $0x8;
	v26 =	vld.idx.msk [tilespmem:v47+s6+$0x0], $0xffff  }
0x32b: {  	v55 =	vand.u32 $0x7FFFF800, v62;
	v62 =	vor.u32 v8, v35;
	v27 =	vshll.u32 v27, $0x7;
	v42 =	vld.idx.msk [tilespmem:v56+s6+$0x0], $0xffff  }
0x32c: {  	[tilespmem:v57+s20+$0x0] =	vst.idx.add.f32.msk $0xffff, v41;
	v27 =	vand.u32 $0x380, v27;
	v63 =	vor.u32 v9, v34  }
0x32d: {  	v61 =	vor.u32 v8, v33;
	v46 =	vld.idx.msk [tilespmem:v58+s6+$0x0], $0xffff;
	v41 =	vor.u32 v27, v55  }
0x32e: {  	v57 =	vor.u32 v0, v41;
	v27 =	vld.idx.msk [tilespmem:v59+s6+$0x0], $0xffff  }
0x32f: {  	[tilespmem:v60+s20+$0x0] =	vst.idx.add.f32.msk $0xffff, v26;
	v26 =	vor.u32 v1, v40  }
0x330: {  	v58 =	vor.u32 v1, v39;
	[tilespmem:v62+s20+$0x0] =	vst.idx.add.f32.msk $0xffff, v42  }
0x331: {  	v62 =	vor.u32 v9, v35;
	v44 =	vld.idx.msk [tilespmem:v63+s6+$0x0], $0xffff  }
0x332: {  	v45 =	vld.idx.msk [tilespmem:v61+s6+$0x0], $0xffff;
	v59 =	vor.u32 v2, v36  }
0x333: {  	v25 =	vor.u32 v8, v32;
	[tilespmem:v57+s20+$0x0] =	vst.idx.add.f32.msk $0xffff, v27  }
0x334: {  	v27 =	vor.u32 v1, v41;
	v26 =	vld.idx.msk [tilespmem:v26+s6+$0x0], $0xffff  }
0x335: {  	[tilespmem:v58+s20+$0x0] =	vst.idx.add.f32.msk $0xffff, v46;
	v61 =	vor.u32 v2, v40  }
0x336: {  	v63 =	vor.u32 v10, v34;
	[tilespmem:v62+s20+$0x0] =	vst.idx.add.f32.msk $0xffff, v44  }
0x337: {  	v60 =	vor.u32 v9, v33;
	v46 =	vld.idx.msk [tilespmem:v59+s6+$0x0], $0xffff  }
0x338: {  	[tilespmem:v25+s20+$0x0] =	vst.idx.add.f32.msk $0xffff, v45;
	v25 =	vor.u32 v2, v39  }
0x339: {  	v55 =	vor.u32 v3, v36;
	[tilespmem:v27+s20+$0x0] =	vst.idx.add.f32.msk $0xffff, v26  }
0x33a: {  	v27 =	vor.u32 v2, v41;
	v26 =	vld.idx.msk [tilespmem:v61+s6+$0x0], $0xffff  }
0x33b: {  	v56 =	vor.u32 v3, v40;
	v44 =	vld.idx.msk [tilespmem:v63+s6+$0x0], $0xffff  }
0x33c: {  	v45 =	vld.idx.msk [tilespmem:v60+s6+$0x0], $0xffff  }
0x33d: {  	v63 =	vor.u32 v10, v35;
	[tilespmem:v25+s20+$0x0] =	vst.idx.add.f32.msk $0xffff, v46  }
0x33e: {  	v59 =	vor.u32 v3, v39;
	v25 =	vld.idx.msk [tilespmem:v55+s6+$0x0], $0xffff  }
0x33f: {  	v60 =	vor.u32 v4, v36;
	[tilespmem:v27+s20+$0x0] =	vst.idx.add.f32.msk $0xffff, v26  }
0x340: {  	v27 =	vor.u32 v3, v41;
	v26 =	vld.idx.msk [tilespmem:v56+s6+$0x0], $0xffff  }
0x341: {  	v61 =	vor.u32 v4, v40  }
0x342: {  	v57 =	vor.u32 v9, v32;
	[tilespmem:v63+s20+$0x0] =	vst.idx.add.f32.msk $0xffff, v44  }
0x343: {  	v58 =	vor.u32 v10, v33;
	[tilespmem:v59+s20+$0x0] =	vst.idx.add.f32.msk $0xffff, v25  }
0x344: {  	v55 =	vor.u32 v4, v39;
	v25 =	vld.idx.msk [tilespmem:v60+s6+$0x0], $0xffff  }
0x345: {  	v56 =	vor.u32 v5, v36;
	[tilespmem:v27+s20+$0x0] =	vst.idx.add.f32.msk $0xffff, v26  }
0x346: {  	v27 =	vor.u32 v4, v41;
	v26 =	vld.idx.msk [tilespmem:v61+s6+$0x0], $0xffff  }
0x347: {  	[tilespmem:v57+s20+$0x0] =	vst.idx.add.f32.msk $0xffff, v45;
	v57 =	vor.u32 v5, v40  }
0x348: {  	v45 =	vld.idx.msk [tilespmem:v58+s6+$0x0], $0xffff;
	v58 =	vor.u32 v10, v32  }
0x349: {  	v59 =	vor.u32 v11, v33;
	[tilespmem:v55+s20+$0x0] =	vst.idx.add.f32.msk $0xffff, v25  }
0x34a: {  	v60 =	vor.u32 v5, v39;
	v25 =	vld.idx.msk [tilespmem:v56+s6+$0x0], $0xffff  }
0x34b: {  	[tilespmem:v27+s20+$0x0] =	vst.idx.add.f32.msk $0xffff, v26;
	v26 =	vor.u32 v6, v36  }
0x34c: {  	v61 =	vor.u32 v5, v41;
	v27 =	vld.idx.msk [tilespmem:v57+s6+$0x0], $0xffff  }
0x34d: {  	v62 =	vor.u32 v6, v40;
	[tilespmem:v58+s20+$0x0] =	vst.idx.add.f32.msk $0xffff, v45  }
0x34e: {  	v55 =	vld.idx.msk [tilespmem:v59+s6+$0x0], $0xffff;
	v59 =	vor.u32 v11, v32  }
0x34f: {  	v56 =	vor.u32 v11, v34;
	[tilespmem:v60+s20+$0x0] =	vst.idx.add.f32.msk $0xffff, v25  }
0x350: {  	v25 =	vld.idx.msk [tilespmem:v26+s6+$0x0], $0xffff;
	v26 =	vor.u32 v6, v39  }
0x351: {  	[tilespmem:v61+s20+$0x0] =	vst.idx.add.f32.msk $0xffff, v27;
	v27 =	vor.u32 v7, v36  }
0x352: {  	v57 =	vor.u32 v6, v41;
	v42 =	vld.idx.msk [tilespmem:v62+s6+$0x0], $0xffff  }
0x353: {  	v58 =	vor.u32 v7, v40;
	[tilespmem:v59+s20+$0x0] =	vst.idx.add.f32.msk $0xffff, v55  }
0x354: {  	v60 =	vld.idx.msk [tilespmem:v56+s6+$0x0], $0xffff  }
0x355: {  	v55 =	vor.u32 v11, v35;
	[tilespmem:v26+s20+$0x0] =	vst.idx.add.f32.msk $0xffff, v25  }
0x356: {  	v26 =	vor.u32 v7, v39;
	v25 =	vld.idx.msk [tilespmem:v27+s6+$0x0], $0xffff  }
0x357: {  	v27 =	vor.u32 v8, v36;
	[tilespmem:v57+s20+$0x0] =	vst.idx.add.f32.msk $0xffff, v42  }
0x358: {  	v62 =	vor.u32 v7, v41;
	v42 =	vld.idx.msk [tilespmem:v58+s6+$0x0], $0xffff  }
0x359: {  	v63 =	vor.u32 v8, v40  }
0x35a: {  	v56 =	vor.u32 v12, v34;
	[tilespmem:v55+s20+$0x0] =	vst.idx.add.f32.msk $0xffff, v60  }
0x35b: {  	v61 =	vor.u32 v12, v33;
	[tilespmem:v26+s20+$0x0] =	vst.idx.add.f32.msk $0xffff, v25  }
0x35c: {  	v26 =	vor.u32 v8, v39;
	v25 =	vld.idx.msk [tilespmem:v27+s6+$0x0], $0xffff  }
0x35d: {  	v27 =	vor.u32 v9, v36;
	[tilespmem:v62+s20+$0x0] =	vst.idx.add.f32.msk $0xffff, v42  }
0x35e: {  	v57 =	vor.u32 v8, v41;
	v42 =	vld.idx.msk [tilespmem:v63+s6+$0x0], $0xffff  }
0x35f: {  	v46 =	vld.idx.msk [tilespmem:v56+s6+$0x0], $0xffff;
	v58 =	vor.u32 v9, v40  }
0x360: {  	v59 =	vor.u32 v12, v32;
	v47 =	vld.idx.msk [tilespmem:v61+s6+$0x0], $0xffff  }
0x361: {  	v60 =	vor.u32 v13, v33;
	[tilespmem:v26+s20+$0x0] =	vst.idx.add.f32.msk $0xffff, v25  }
0x362: {  	v26 =	vor.u32 v9, v39;
	v25 =	vld.idx.msk [tilespmem:v27+s6+$0x0], $0xffff  }
0x363: {  	v27 =	vor.u32 v10, v36;
	[tilespmem:v57+s20+$0x0] =	vst.idx.add.f32.msk $0xffff, v42  }
0x364: {  	v61 =	vor.u32 v9, v41;
	v42 =	vld.idx.msk [tilespmem:v58+s6+$0x0], $0xffff  }
0x365: {  	[tilespmem:v59+s20+$0x0] =	vst.idx.add.f32.msk $0xffff, v47;
	v62 =	vor.u32 v10, v40  }
0x366: {  	v47 =	vld.idx.msk [tilespmem:v60+s6+$0x0], $0xffff;
	v63 =	vor.u32 v12, v35  }
0x367: {  	v55 =	vor.u32 v13, v34;
	[tilespmem:v26+s20+$0x0] =	vst.idx.add.f32.msk $0xffff, v25  }
0x368: {  	v26 =	vor.u32 v10, v39;
	v25 =	vld.idx.msk [tilespmem:v27+s6+$0x0], $0xffff  }
0x369: {  	v27 =	vor.u32 v11, v36;
	[tilespmem:v61+s20+$0x0] =	vst.idx.add.f32.msk $0xffff, v42  }
0x36a: {  	v56 =	vor.u32 v10, v41;
	v42 =	vld.idx.msk [tilespmem:v62+s6+$0x0], $0xffff  }
0x36b: {  	[tilespmem:v63+s20+$0x0] =	vst.idx.add.f32.msk $0xffff, v46;
	v57 =	vor.u32 v11, v40  }
0x36c: {  	v58 =	vor.u32 v13, v32;
	v46 =	vld.idx.msk [tilespmem:v55+s6+$0x0], $0xffff  }
0x36d: {  	v59 =	vor.u32 v14, v33;
	[tilespmem:v26+s20+$0x0] =	vst.idx.add.f32.msk $0xffff, v25  }
0x36e: {  	v26 =	vor.u32 v11, v39;
	v25 =	vld.idx.msk [tilespmem:v27+s6+$0x0], $0xffff  }
0x36f: {  	v27 =	vor.u32 v12, v36;
	[tilespmem:v56+s20+$0x0] =	vst.idx.add.f32.msk $0xffff, v42  }
0x370: {  	v60 =	vor.u32 v11, v41;
	v42 =	vld.idx.msk [tilespmem:v57+s6+$0x0], $0xffff  }
0x371: {  	[tilespmem:v58+s20+$0x0] =	vst.idx.add.f32.msk $0xffff, v47;
	v61 =	vor.u32 v12, v40  }
0x372: {  	v62 =	vor.u32 v13, v35;
	v47 =	vld.idx.msk [tilespmem:v59+s6+$0x0], $0xffff  }
0x373: {  	v63 =	vor.u32 v14, v34;
	[tilespmem:v26+s20+$0x0] =	vst.idx.add.f32.msk $0xffff, v25  }
0x374: {  	v26 =	vor.u32 v12, v39;
	v25 =	vld.idx.msk [tilespmem:v27+s6+$0x0], $0xffff  }
0x375: {  	v27 =	vor.u32 v13, v36;
	[tilespmem:v60+s20+$0x0] =	vst.idx.add.f32.msk $0xffff, v42  }
0x376: {  	v51 =	vor.u32 v12, v41;
	v42 =	vld.idx.msk [tilespmem:v61+s6+$0x0], $0xffff  }
0x377: {  	v55 =	vor.u32 v13, v40;
	[tilespmem:v62+s20+$0x0] =	vst.idx.add.f32.msk $0xffff, v46  }
0x378: {  	v56 =	vor.u32 v14, v32;
	v46 =	vld.idx.msk [tilespmem:v63+s6+$0x0], $0xffff  }
0x379: {  	v57 =	vor.u32 v15, v33;
	[tilespmem:v26+s20+$0x0] =	vst.idx.add.f32.msk $0xffff, v25  }
0x37a: {  	v26 =	vor.u32 v13, v39;
	v25 =	vld.idx.msk [tilespmem:v27+s6+$0x0], $0xffff  }
0x37b: {  	v27 =	vor.u32 v14, v36;
	[tilespmem:v51+s20+$0x0] =	vst.idx.add.f32.msk $0xffff, v42  }
0x37c: {  	v58 =	vor.u32 v13, v41;
	v42 =	vld.idx.msk [tilespmem:v55+s6+$0x0], $0xffff  }
0x37d: {  	v59 =	vor.u32 v14, v40;
	[tilespmem:v56+s20+$0x0] =	vst.idx.add.f32.msk $0xffff, v47  }
0x37e: {  	v60 =	vor.u32 v14, v35;
	v33 =	vld.idx.msk [tilespmem:v57+s6+$0x0], $0xffff  }
0x37f: {  	v61 =	vor.u32 v15, v34;
	[tilespmem:v26+s20+$0x0] =	vst.idx.add.f32.msk $0xffff, v25  }
0x380: {  	v26 =	vor.u32 v14, v39;
	v25 =	vld.idx.msk [tilespmem:v27+s6+$0x0], $0xffff  }
0x381: {  	v27 =	vor.u32 v15, v36;
	[tilespmem:v58+s20+$0x0] =	vst.idx.add.f32.msk $0xffff, v42  }
0x382: {  	v63 =	vor.u32 v14, v41;
	v62 =	vld.idx.msk [tilespmem:v59+s6+$0x0], $0xffff  }
0x383: {  	v40 =	vor.u32 v15, v40;
	[tilespmem:v60+s20+$0x0] =	vst.idx.add.f32.msk $0xffff, v46  }
0x384: {  	v34 =	vld.idx.msk [tilespmem:v61+s6+$0x0], $0xffff  }
0x385: {  	v44 =	vor.u32 v15, v32;
	[tilespmem:v26+s20+$0x0] =	vst.idx.add.f32.msk $0xffff, v25  }
0x386: {  	s9 =	simm.s32 $0x0;
	v25 =	vor.u32 v15, v35;
	v26 =	vld.idx.msk [tilespmem:v27+s6+$0x0], $0xffff  }
0x387: {  	v45 =	vmov s9;
	v27 =	vor.u32 v15, v39;
	[tilespmem:v63+s20+$0x0] =	vst.idx.add.f32.msk $0xffff, v62  }
0x388: {  	s25 =	simm.s32 $0x1;
	v46 =	vor.u32 v15, v41;
	v35 =	vadd.s32 $0x78, v45;
	v36 =	vld.idx.msk [tilespmem:v40+s6+$0x0], $0xffff  }
0x389: {  	[tilespmem:v38+s20+$0x0] =	vst.idx.add.f32.msk $0xffff, v37;
	v47 =	vmov s25;
	v35 =	vbroadcast v35, $0x0  }
0x38a: {  	v48 =	vadd.s32 $0x78, v47;
	[tilespmem:v44+s20+$0x0] =	vst.idx.add.f32.msk $0xffff, v33  }
0x38b: {  	[tilespmem:v25+s20+$0x0] =	vst.idx.add.f32.msk $0xffff, v34;
	v25 =	vbroadcast v48, $0x0  }
0x38c: {  	[tilespmem:v27+s20+$0x0] =	vst.idx.add.f32.msk $0xffff, v26  }
0x38d: {  	s18 =	sadd.s32 $0xA00, s17;
	[tilespmem:v46+s20+$0x0] =	vst.idx.add.f32.msk $0xffff, v36  }
0x38e: {  	[hbm4b:s18+s9] =	stream.linear.scatter [tilespmem:s22], [sflag:$0x5], $0x2800, $0x38;
	[tilespmem:$0x1DA00] =	vst v63  }
0x38f: {  	v26 =	vld.idx.msk [tilespmem:v35+s19+$0x0], $0xffff;
	_ =	sdelay $0x1  }
0x390: {  	v27 =	vld.idx.msk [tilespmem:v25+s19+$0x0], $0xffff;
	_ =	sdelay $0x2  }
0x391: {  	v49 =	vshll.u32 v26, $0x8;
	v26 =	vshll.u32 v26, $0x7  }
0x392: {  	v32 =	vand.u32 $0xFFFFF800, v49;
	v26 =	vand.u32 $0x380, v26  }
0x393: {  	v36 =	vor.u32 v26, v32;
	v26 =	vshll.u32 v27, $0x8;
	v27 =	vshll.u32 v27, $0x7  }
0x394: {  	v32 =	vor.u32 v0, v36;
	v26 =	vand.u32 $0xFFFFF800, v26;
	v27 =	vand.u32 $0x380, v27  }
0x395: {  	v37 =	vor.u32 v27, v26  }
0x396: {  	v26 =	vshll.u32 v35, $0x8;
	v27 =	vshll.u32 v35, $0x7;
	v50 =	vor.u32 v0, v37  }
0x397: {  	v26 =	vand.u32 $0xF800, v26;
	v27 =	vand.u32 $0x300, v27  }
0x398: {  	v38 =	vor.u32 v27, v26;
	v26 =	vshll.u32 v25, $0x8;
	v25 =	vshll.u32 v25, $0x7  }
0x399: {  	v51 =	vor.u32 v0, v38;
	v26 =	vand.u32 $0x7FFFF800, v26;
	v25 =	vand.u32 $0x380, v25;
	v27 =	vld.idx.msk [tilespmem:v32+s6+$0x0], $0xffff  }
0x39a: {  	v55 =	vor.u32 v1, v36;
	v39 =	vor.u32 v25, v26  }
0x39b: {  	v26 =	vor.u32 v0, v39;
	v25 =	vld.idx.msk [tilespmem:v50+s6+$0x0], $0xffff  }
0x39c: {  	v56 =	vor.u32 v1, v37;
	_ =	sdelay $0x1  }
0x39d: {  	[tilespmem:v51+s20+$0x0] =	vst.idx.add.f32.msk $0xffff, v27  }
0x39e: {  	v57 =	vor.u32 v1, v38;
	v27 =	vld.idx.msk [tilespmem:v55+s6+$0x0], $0xffff  }
0x39f: {  	v58 =	vor.u32 v2, v36;
	[tilespmem:v26+s20+$0x0] =	vst.idx.add.f32.msk $0xffff, v25  }
0x3a0: {  	v26 =	vor.u32 v1, v39;
	v25 =	vld.idx.msk [tilespmem:v56+s6+$0x0], $0xffff  }
0x3a1: {  	v59 =	vor.u32 v2, v37;
	_ =	sdelay $0x1  }
0x3a2: {  	[tilespmem:v57+s20+$0x0] =	vst.idx.add.f32.msk $0xffff, v27  }
0x3a3: {  	v60 =	vor.u32 v2, v38;
	v27 =	vld.idx.msk [tilespmem:v58+s6+$0x0], $0xffff  }
0x3a4: {  	v61 =	vor.u32 v3, v36;
	[tilespmem:v26+s20+$0x0] =	vst.idx.add.f32.msk $0xffff, v25  }
0x3a5: {  	v26 =	vor.u32 v2, v39;
	v25 =	vld.idx.msk [tilespmem:v59+s6+$0x0], $0xffff  }
0x3a6: {  	v62 =	vor.u32 v3, v37;
	_ =	sdelay $0x1  }
0x3a7: {  	[tilespmem:v60+s20+$0x0] =	vst.idx.add.f32.msk $0xffff, v27  }
0x3a8: {  	s25 =	simm.s32 $0x2;
	v63 =	vor.u32 v3, v38;
	v27 =	vld.idx.msk [tilespmem:v61+s6+$0x0], $0xffff  }
0x3a9: {  	v40 =	vmov s25;
	v41 =	vor.u32 v4, v36;
	[tilespmem:v26+s20+$0x0] =	vst.idx.add.f32.msk $0xffff, v25  }
0x3aa: {  	v42 =	vor.u32 v3, v39;
	v25 =	vadd.s32 $0x78, v40;
	v26 =	vld.idx.msk [tilespmem:v62+s6+$0x0], $0xffff  }
0x3ab: {  	v43 =	vor.u32 v4, v37;
	v25 =	vbroadcast v25, $0x0;
	_ =	sdelay $0x1  }
0x3ac: {  	[tilespmem:v63+s20+$0x0] =	vst.idx.add.f32.msk $0xffff, v27  }
0x3ad: {  	v44 =	vor.u32 v4, v38;
	v27 =	vld.idx.msk [tilespmem:v41+s6+$0x0], $0xffff  }
0x3ae: {  	v45 =	vor.u32 v5, v36;
	[tilespmem:v42+s20+$0x0] =	vst.idx.add.f32.msk $0xffff, v26  }
0x3af: {  	v46 =	vor.u32 v4, v39;
	v26 =	vld.idx.msk [tilespmem:v43+s6+$0x0], $0xffff  }
0x3b0: {  	v48 =	vor.u32 v5, v37;
	v47 =	vld.idx.msk [tilespmem:v25+s19+$0x0], $0xffff  }
0x3b1: {  	v49 =	vor.u32 v5, v38  }
0x3b2: {  	v55 =	vor.u32 v5, v39;
	v58 =	vshll.u32 v25, $0x8;
	v25 =	vshll.u32 v25, $0x7;
	[tilespmem:v44+s20+$0x0] =	vst.idx.add.f32.msk $0xffff, v27  }
0x3b3: {  	s18 =	simm.s32 $0x3;
	v56 =	vor.u32 v6, v37;
	v32 =	vand.u32 $0xF800, v58;
	v25 =	vand.u32 $0x300, v25;
	v27 =	vld.idx.msk [tilespmem:v45+s6+$0x0], $0xffff  }
0x3b4: {  	v32 =	vor.u32 v25, v32;
	v25 =	vmov s18;
	[tilespmem:v46+s20+$0x0] =	vst.idx.add.f32.msk $0xffff, v26;
	v26 =	vor.u32 v6, v36  }
0x3b5: {  	v25 =	vadd.s32 $0x78, v25;
	v50 =	vshll.u32 v47, $0x8;
	v34 =	vshll.u32 v47, $0x7;
	v51 =	vld.idx.msk [tilespmem:v48+s6+$0x0], $0xffff  }
0x3b6: {  	v25 =	vbroadcast v25, $0x0;
	v33 =	vand.u32 $0xFFFFF800, v50;
	v34 =	vand.u32 $0x380, v34  }
0x3b7: {  	v33 =	vor.u32 v34, v33  }
0x3b8: {  	[tilespmem:v49+s20+$0x0] =	vst.idx.add.f32.msk $0xffff, v27;
	v27 =	vor.u32 v0, v33  }
0x3b9: {  	v57 =	vor.u32 v6, v38;
	v26 =	vld.idx.msk [tilespmem:v26+s6+$0x0], $0xffff  }
0x3ba: {  	s25 =	simm.s32 $0x4;
	v59 =	vor.u32 v7, v36;
	[tilespmem:v55+s20+$0x0] =	vst.idx.add.f32.msk $0xffff, v51  }
0x3bb: {  	v60 =	vor.u32 v6, v39;
	v50 =	vmov s25;
	v40 =	vld.idx.msk [tilespmem:v56+s6+$0x0], $0xffff  }
0x3bc: {  	v61 =	vor.u32 v7, v37;
	v41 =	vadd.s32 $0x78, v50;
	v45 =	vld.idx.msk [tilespmem:v25+s19+$0x0], $0xffff  }
0x3bd: {  	v62 =	vor.u32 v0, v32;
	v41 =	vbroadcast v41, $0x0;
	v27 =	vld.idx.msk [tilespmem:v27+s6+$0x0], $0xffff  }
0x3be: {  	[tilespmem:v57+s20+$0x0] =	vst.idx.add.f32.msk $0xffff, v26  }
0x3bf: {  	v63 =	vor.u32 v1, v33;
	v26 =	vld.idx.msk [tilespmem:v59+s6+$0x0], $0xffff  }
0x3c0: {  	v48 =	vor.u32 v7, v38;
	[tilespmem:v60+s20+$0x0] =	vst.idx.add.f32.msk $0xffff, v40  }
0x3c1: {  	v49 =	vor.u32 v8, v36;
	v40 =	vld.idx.msk [tilespmem:v61+s6+$0x0], $0xffff  }
0x3c2: {  	[tilespmem:v62+s20+$0x0] =	vst.idx.add.f32.msk $0xffff, v27;
	v27 =	vor.u32 v7, v39  }
0x3c3: {  	v55 =	vor.u32 v8, v37;
	v46 =	vld.idx.msk [tilespmem:v41+s19+$0x0], $0xffff  }
0x3c4: {  	v56 =	vor.u32 v1, v32;
	v51 =	vld.idx.msk [tilespmem:v63+s6+$0x0], $0xffff  }
0x3c5: {  	v57 =	vor.u32 v2, v33;
	[tilespmem:v48+s20+$0x0] =	vst.idx.add.f32.msk $0xffff, v26  }
0x3c6: {  	v58 =	vor.u32 v8, v38;
	v26 =	vld.idx.msk [tilespmem:v49+s6+$0x0], $0xffff  }
0x3c7: {  	[tilespmem:v27+s20+$0x0] =	vst.idx.add.f32.msk $0xffff, v40;
	v27 =	vor.u32 v9, v36  }
0x3c8: {  	v59 =	vor.u32 v8, v39;
	v40 =	vld.idx.msk [tilespmem:v55+s6+$0x0], $0xffff  }
0x3c9: {  	v61 =	vshll.u32 v45, $0x8;
	v62 =	vshll.u32 v45, $0x7;
	v63 =	vor.u32 v9, v37;
	[tilespmem:v56+s20+$0x0] =	vst.idx.add.f32.msk $0xffff, v51  }
0x3ca: {  	v34 =	vand.u32 $0xFFFFF800, v61;
	v44 =	vand.u32 $0x380, v62;
	v55 =	vor.u32 v2, v32;
	v60 =	vld.idx.msk [tilespmem:v57+s6+$0x0], $0xffff  }
0x3cb: {  	v34 =	vor.u32 v44, v34;
	v56 =	vor.u32 v3, v33;
	[tilespmem:v58+s20+$0x0] =	vst.idx.add.f32.msk $0xffff, v26  }
0x3cc: {  	v26 =	vor.u32 v0, v34;
	v27 =	vld.idx.msk [tilespmem:v27+s6+$0x0], $0xffff  }
0x3cd: {  	v57 =	vor.u32 v9, v38;
	[tilespmem:v59+s20+$0x0] =	vst.idx.add.f32.msk $0xffff, v40  }
0x3ce: {  	v58 =	vor.u32 v10, v36;
	v42 =	vld.idx.msk [tilespmem:v63+s6+$0x0], $0xffff  }
0x3cf: {  	v59 =	vshll.u32 v25, $0x8;
	v25 =	vshll.u32 v25, $0x7;
	[tilespmem:v55+s20+$0x0] =	vst.idx.add.f32.msk $0xffff, v60;
	v60 =	vor.u32 v9, v39  }
0x3d0: {  	v62 =	vor.u32 v10, v37;
	v35 =	vand.u32 $0x7FFFF800, v59;
	v25 =	vand.u32 $0x380, v25;
	v61 =	vld.idx.msk [tilespmem:v56+s6+$0x0], $0xffff  }
0x3d1: {  	v63 =	vor.u32 v3, v32;
	v26 =	vld.idx.msk [tilespmem:v26+s6+$0x0], $0xffff;
	v35 =	vor.u32 v25, v35  }
0x3d2: {  	v25 =	vor.u32 v0, v35;
	[tilespmem:v57+s20+$0x0] =	vst.idx.add.f32.msk $0xffff, v27  }
0x3d3: {  	v27 =	vor.u32 v1, v34;
	v40 =	vld.idx.msk [tilespmem:v58+s6+$0x0], $0xffff  }
0x3d4: {  	v51 =	vor.u32 v10, v38;
	[tilespmem:v60+s20+$0x0] =	vst.idx.add.f32.msk $0xffff, v42  }
0x3d5: {  	v55 =	vor.u32 v11, v36;
	v43 =	vld.idx.msk [tilespmem:v62+s6+$0x0], $0xffff  }
0x3d6: {  	v56 =	vor.u32 v10, v39;
	[tilespmem:v63+s20+$0x0] =	vst.idx.add.f32.msk $0xffff, v61  }
0x3d7: {  	[tilespmem:v25+s20+$0x0] =	vst.idx.add.f32.msk $0xffff, v26;
	v25 =	vor.u32 v11, v37  }
0x3d8: {  	v26 =	vor.u32 v4, v33;
	v27 =	vld.idx.msk [tilespmem:v27+s6+$0x0], $0xffff  }
0x3d9: {  	v57 =	vor.u32 v1, v35;
	[tilespmem:v51+s20+$0x0] =	vst.idx.add.f32.msk $0xffff, v40  }
0x3da: {  	v58 =	vor.u32 v2, v34;
	v42 =	vld.idx.msk [tilespmem:v55+s6+$0x0], $0xffff  }
0x3db: {  	v59 =	vor.u32 v11, v38;
	[tilespmem:v56+s20+$0x0] =	vst.idx.add.f32.msk $0xffff, v43  }
0x3dc: {  	v60 =	vor.u32 v12, v36;
	v25 =	vld.idx.msk [tilespmem:v25+s6+$0x0], $0xffff  }
0x3dd: {  	v61 =	vor.u32 v11, v39;
	v26 =	vld.idx.msk [tilespmem:v26+s6+$0x0], $0xffff  }
0x3de: {  	v62 =	vor.u32 v4, v32;
	[tilespmem:v57+s20+$0x0] =	vst.idx.add.f32.msk $0xffff, v27  }
0x3df: {  	v27 =	vor.u32 v12, v37;
	v40 =	vld.idx.msk [tilespmem:v58+s6+$0x0], $0xffff  }
0x3e0: {  	v57 =	vor.u32 v5, v33;
	[tilespmem:v59+s20+$0x0] =	vst.idx.add.f32.msk $0xffff, v42  }
0x3e1: {  	v63 =	vor.u32 v2, v35;
	v43 =	vld.idx.msk [tilespmem:v60+s6+$0x0], $0xffff  }
0x3e2: {  	v51 =	vor.u32 v3, v34;
	[tilespmem:v61+s20+$0x0] =	vst.idx.add.f32.msk $0xffff, v25  }
0x3e3: {  	v55 =	vor.u32 v12, v38;
	[tilespmem:v62+s20+$0x0] =	vst.idx.add.f32.msk $0xffff, v26  }
0x3e4: {  	v25 =	vor.u32 v13, v36;
	v27 =	vld.idx.msk [tilespmem:v27+s6+$0x0], $0xffff  }
0x3e5: {  	v26 =	vor.u32 v12, v39;
	v61 =	vld.idx.msk [tilespmem:v57+s6+$0x0], $0xffff  }
0x3e6: {  	v56 =	vor.u32 v13, v37;
	[tilespmem:v63+s20+$0x0] =	vst.idx.add.f32.msk $0xffff, v40  }
0x3e7: {  	v58 =	vor.u32 v3, v35;
	v42 =	vld.idx.msk [tilespmem:v51+s6+$0x0], $0xffff  }
0x3e8: {  	v59 =	vor.u32 v4, v34;
	[tilespmem:v55+s20+$0x0] =	vst.idx.add.f32.msk $0xffff, v43  }
0x3e9: {  	v55 =	vor.u32 v5, v32;
	v25 =	vld.idx.msk [tilespmem:v25+s6+$0x0], $0xffff  }
0x3ea: {  	v60 =	vor.u32 v13, v38;
	[tilespmem:v26+s20+$0x0] =	vst.idx.add.f32.msk $0xffff, v27  }
0x3eb: {  	v26 =	vor.u32 v14, v36;
	v27 =	vld.idx.msk [tilespmem:v56+s6+$0x0], $0xffff  }
0x3ec: {  	v62 =	vor.u32 v13, v39;
	[tilespmem:v58+s20+$0x0] =	vst.idx.add.f32.msk $0xffff, v42  }
0x3ed: {  	v63 =	vor.u32 v14, v37;
	v43 =	vld.idx.msk [tilespmem:v59+s6+$0x0], $0xffff  }
0x3ee: {  	v56 =	vor.u32 v4, v35;
	[tilespmem:v55+s20+$0x0] =	vst.idx.add.f32.msk $0xffff, v61  }
0x3ef: {  	v61 =	vor.u32 v6, v33;
	[tilespmem:v60+s20+$0x0] =	vst.idx.add.f32.msk $0xffff, v25  }
0x3f0: {  	v25 =	vor.u32 v5, v34;
	v26 =	vld.idx.msk [tilespmem:v26+s6+$0x0], $0xffff  }
0x3f1: {  	v57 =	vor.u32 v14, v38;
	[tilespmem:v62+s20+$0x0] =	vst.idx.add.f32.msk $0xffff, v27  }
0x3f2: {  	v27 =	vor.u32 v15, v36;
	v45 =	vld.idx.msk [tilespmem:v63+s6+$0x0], $0xffff  }
0x3f3: {  	v58 =	vor.u32 v14, v39;
	[tilespmem:v56+s20+$0x0] =	vst.idx.add.f32.msk $0xffff, v43  }
0x3f4: {  	v37 =	vor.u32 v15, v37;
	v59 =	vshll.u32 v46, $0x8;
	v60 =	vshll.u32 v46, $0x7;
	v43 =	vld.idx.msk [tilespmem:v61+s6+$0x0], $0xffff  }
0x3f5: {  	v42 =	vand.u32 $0x380, v60;
	v36 =	vand.u32 $0xFFFFF800, v59;
	v62 =	vor.u32 v5, v35;
	v25 =	vld.idx.msk [tilespmem:v25+s6+$0x0], $0xffff  }
0x3f6: {  	v36 =	vor.u32 v42, v36;
	[tilespmem:v57+s20+$0x0] =	vst.idx.add.f32.msk $0xffff, v26;
	v26 =	vor.u32 v6, v34  }
0x3f7: {  	v42 =	vld.idx.msk [tilespmem:v27+s6+$0x0], $0xffff;
	v27 =	vor.u32 v0, v36  }
0x3f8: {  	v44 =	vor.u32 v15, v38;
	[tilespmem:v58+s20+$0x0] =	vst.idx.add.f32.msk $0xffff, v45  }
0x3f9: {  	v38 =	vor.u32 v15, v39;
	v37 =	vld.idx.msk [tilespmem:v37+s6+$0x0], $0xffff  }
0x3fa: {  	v45 =	vor.u32 v6, v32;
	[tilespmem:v62+s20+$0x0] =	vst.idx.add.f32.msk $0xffff, v25  }
0x3fb: {  	v47 =	vor.u32 v7, v33;
	v63 =	vshll.u32 v41, $0x7;
	v25 =	vshll.u32 v41, $0x8;
	v46 =	vld.idx.msk [tilespmem:v26+s6+$0x0], $0xffff  }
0x3fc: {  	s9 =	simm.s32 $0x5;
	s25 =	simm.s32 $0x6;
	v48 =	vor.u32 v6, v35;
	v25 =	vand.u32 $0xF800, v25;
	v26 =	vand.u32 $0x300, v63;
	v41 =	vld.idx.msk [tilespmem:v27+s6+$0x0], $0xffff  }
.LBB2_15:
0x3fd: {  	p4 =	slt.u32 s25, $0x26;
	v39 =	vor.u32 v26, v25;
	v25 =	vmov s9;
	v26 =	vor.u32 v7, v34;
	[tilespmem:v44+s20+$0x0] =	vst.idx.add.f32.msk $0xffff, v42  }
0x3fe: {  	v27 =	vor.u32 v0, v39;
	v25 =	vadd.s32 $0x78, v25;
	[tilespmem:v38+s20+$0x0] =	vst.idx.add.f32.msk $0xffff, v37  }
0x3ff: {  	v37 =	vor.u32 v1, v36;
	v25 =	vbroadcast v25, $0x0;
	[tilespmem:v45+s20+$0x0] =	vst.idx.add.f32.msk $0xffff, v43  }
0x400: {  	v38 =	vld.idx.msk [tilespmem:v47+s6+$0x0], $0xffff  }
0x401: {  	v42 =	vor.u32 v7, v32;
	[tilespmem:v48+s20+$0x0] =	vst.idx.add.f32.msk $0xffff, v46  }
0x402: {  	v43 =	vor.u32 v8, v33;
	v26 =	vld.idx.msk [tilespmem:v26+s6+$0x0], $0xffff  }
0x403: {  	[tilespmem:v27+s20+$0x0] =	vst.idx.add.f32.msk $0xffff, v41;
	v27 =	vor.u32 v7, v35  }
0x404: {  	v40 =	vmov s25;
	v41 =	vor.u32 v8, v34;
	v37 =	vld.idx.msk [tilespmem:v37+s6+$0x0], $0xffff  }
0x405: {  	v40 =	vadd.s32 $0x78, v40;
	v44 =	vor.u32 v1, v39;
	v45 =	vld.idx.msk [tilespmem:v25+s19+$0x0], $0xffff  }
0x406: {  	v40 =	vbroadcast v40, $0x0;
	v46 =	vor.u32 v2, v36;
	[tilespmem:v42+s20+$0x0] =	vst.idx.add.f32.msk $0xffff, v38  }
0x407: {  	v38 =	vld.idx.msk [tilespmem:v43+s6+$0x0], $0xffff  }
0x408: {  	v42 =	vor.u32 v8, v32;
	[tilespmem:v27+s20+$0x0] =	vst.idx.add.f32.msk $0xffff, v26  }
0x409: {  	v26 =	vor.u32 v9, v33;
	v27 =	vld.idx.msk [tilespmem:v41+s6+$0x0], $0xffff  }
0x40a: {  	v41 =	vor.u32 v8, v35;
	[tilespmem:v44+s20+$0x0] =	vst.idx.add.f32.msk $0xffff, v37  }
0x40b: {  	v44 =	vshll.u32 v45, $0x8;
	v45 =	vshll.u32 v45, $0x7;
	v43 =	vld.idx.msk [tilespmem:v46+s6+$0x0], $0xffff;
	v46 =	vor.u32 v9, v34  }
0x40c: {  	v47 =	vor.u32 v2, v39;
	v44 =	vand.u32 $0xFFFFF800, v44;
	v45 =	vand.u32 $0x380, v45;
	v37 =	vld.idx.msk [tilespmem:v40+s19+$0x0], $0xffff  }
0x40d: {  	v48 =	vor.u32 v3, v36;
	v44 =	vor.u32 v45, v44;
	[tilespmem:v42+s20+$0x0] =	vst.idx.add.f32.msk $0xffff, v38  }
0x40e: {  	v38 =	vor.u32 v0, v44;
	v26 =	vld.idx.msk [tilespmem:v26+s6+$0x0], $0xffff  }
0x40f: {  	v42 =	vor.u32 v9, v32;
	[tilespmem:v41+s20+$0x0] =	vst.idx.add.f32.msk $0xffff, v27  }
0x410: {  	v27 =	vor.u32 v10, v33;
	v45 =	vld.idx.msk [tilespmem:v46+s6+$0x0], $0xffff  }
0x411: {  	v41 =	vshll.u32 v25, $0x8;
	v25 =	vshll.u32 v25, $0x7;
	[tilespmem:v47+s20+$0x0] =	vst.idx.add.f32.msk $0xffff, v43;
	v43 =	vor.u32 v9, v35  }
0x412: {  	v41 =	vand.u32 $0x7FFFF800, v41;
	v25 =	vand.u32 $0x380, v25;
	v47 =	vor.u32 v10, v34;
	v46 =	vld.idx.msk [tilespmem:v48+s6+$0x0], $0xffff  }
0x413: {  	v41 =	vor.u32 v25, v41;
	v48 =	vor.u32 v3, v39;
	v38 =	vld.idx.msk [tilespmem:v38+s6+$0x0], $0xffff  }
0x414: {  	v25 =	vor.u32 v0, v41;
	[tilespmem:v42+s20+$0x0] =	vst.idx.add.f32.msk $0xffff, v26  }
0x415: {  	v26 =	vor.u32 v1, v44;
	v27 =	vld.idx.msk [tilespmem:v27+s6+$0x0], $0xffff  }
0x416: {  	v42 =	vor.u32 v10, v32;
	[tilespmem:v43+s20+$0x0] =	vst.idx.add.f32.msk $0xffff, v45  }
0x417: {  	v43 =	vor.u32 v11, v33;
	v45 =	vld.idx.msk [tilespmem:v47+s6+$0x0], $0xffff  }
0x418: {  	[tilespmem:v48+s20+$0x0] =	vst.idx.add.f32.msk $0xffff, v46;
	v46 =	vor.u32 v10, v35  }
0x419: {  	[tilespmem:v25+s20+$0x0] =	vst.idx.add.f32.msk $0xffff, v38;
	v25 =	vor.u32 v11, v34  }
0x41a: {  	v38 =	vor.u32 v4, v36;
	v26 =	vld.idx.msk [tilespmem:v26+s6+$0x0], $0xffff  }
0x41b: {  	v47 =	vor.u32 v1, v41;
	[tilespmem:v42+s20+$0x0] =	vst.idx.add.f32.msk $0xffff, v27  }
0x41c: {  	v27 =	vor.u32 v2, v44;
	v42 =	vld.idx.msk [tilespmem:v43+s6+$0x0], $0xffff  }
0x41d: {  	v43 =	vor.u32 v11, v32;
	[tilespmem:v46+s20+$0x0] =	vst.idx.add.f32.msk $0xffff, v45  }
0x41e: {  	v45 =	vor.u32 v12, v33;
	v25 =	vld.idx.msk [tilespmem:v25+s6+$0x0], $0xffff  }
0x41f: {  	v46 =	vor.u32 v11, v35;
	v38 =	vld.idx.msk [tilespmem:v38+s6+$0x0], $0xffff  }
0x420: {  	[tilespmem:v47+s20+$0x0] =	vst.idx.add.f32.msk $0xffff, v26;
	v26 =	vor.u32 v12, v34  }
0x421: {  	v47 =	vor.u32 v4, v39;
	v27 =	vld.idx.msk [tilespmem:v27+s6+$0x0], $0xffff  }
0x422: {  	v48 =	vor.u32 v2, v41;
	[tilespmem:v43+s20+$0x0] =	vst.idx.add.f32.msk $0xffff, v42  }
0x423: {  	v42 =	vor.u32 v3, v44;
	v43 =	vld.idx.msk [tilespmem:v45+s6+$0x0], $0xffff  }
0x424: {  	v45 =	vor.u32 v12, v32;
	[tilespmem:v46+s20+$0x0] =	vst.idx.add.f32.msk $0xffff, v25  }
0x425: {  	v25 =	vor.u32 v13, v33;
	v26 =	vld.idx.msk [tilespmem:v26+s6+$0x0], $0xffff  }
0x426: {  	[tilespmem:v47+s20+$0x0] =	vst.idx.add.f32.msk $0xffff, v38;
	v38 =	vor.u32 v12, v35  }
0x427: {  	[tilespmem:v48+s20+$0x0] =	vst.idx.add.f32.msk $0xffff, v27;
	v27 =	vor.u32 v13, v34  }
0x428: {  	v46 =	vor.u32 v5, v36;
	v42 =	vld.idx.msk [tilespmem:v42+s6+$0x0], $0xffff  }
0x429: {  	v47 =	vor.u32 v3, v41;
	[tilespmem:v45+s20+$0x0] =	vst.idx.add.f32.msk $0xffff, v43  }
0x42a: {  	v43 =	vor.u32 v4, v44;
	v25 =	vld.idx.msk [tilespmem:v25+s6+$0x0], $0xffff  }
0x42b: {  	v45 =	vor.u32 v13, v32;
	[tilespmem:v38+s20+$0x0] =	vst.idx.add.f32.msk $0xffff, v26  }
0x42c: {  	v26 =	vor.u32 v14, v33;
	v27 =	vld.idx.msk [tilespmem:v27+s6+$0x0], $0xffff  }
0x42d: {  	v38 =	vld.idx.msk [tilespmem:v46+s6+$0x0], $0xffff;
	v46 =	vor.u32 v13, v35  }
0x42e: {  	[tilespmem:v47+s20+$0x0] =	vst.idx.add.f32.msk $0xffff, v42;
	v42 =	vor.u32 v14, v34  }
0x42f: {  	v47 =	vor.u32 v5, v39;
	v43 =	vld.idx.msk [tilespmem:v43+s6+$0x0], $0xffff  }
0x430: {  	v48 =	vor.u32 v4, v41;
	[tilespmem:v45+s20+$0x0] =	vst.idx.add.f32.msk $0xffff, v25  }
0x431: {  	v25 =	vor.u32 v5, v44;
	v26 =	vld.idx.msk [tilespmem:v26+s6+$0x0], $0xffff  }
0x432: {  	v45 =	vor.u32 v14, v32;
	[tilespmem:v46+s20+$0x0] =	vst.idx.add.f32.msk $0xffff, v27  }
0x433: {  	v27 =	vor.u32 v15, v33;
	v33 =	vmov v36;
	v46 =	vld.idx.msk [tilespmem:v42+s6+$0x0], $0xffff  }
0x434: {  	[tilespmem:v47+s20+$0x0] =	vst.idx.add.f32.msk $0xffff, v38;
	v38 =	vor.u32 v14, v35  }
0x435: {  	[tilespmem:v48+s20+$0x0] =	vst.idx.add.f32.msk $0xffff, v43;
	v43 =	vor.u32 v15, v34;
	v34 =	vmov v44  }
0x436: {  	v36 =	vshll.u32 v37, $0x8;
	v37 =	vshll.u32 v37, $0x7;
	v47 =	vor.u32 v6, v33;
	v25 =	vld.idx.msk [tilespmem:v25+s6+$0x0], $0xffff  }
0x437: {  	v36 =	vand.u32 $0xFFFFF800, v36;
	v37 =	vand.u32 $0x380, v37;
	v48 =	vor.u32 v5, v41;
	[tilespmem:v45+s20+$0x0] =	vst.idx.add.f32.msk $0xffff, v26  }
0x438: {  	v36 =	vor.u32 v37, v36;
	v26 =	vor.u32 v6, v34;
	v42 =	vld.idx.msk [tilespmem:v27+s6+$0x0], $0xffff  }
0x439: {  	v27 =	vor.u32 v0, v36;
	[tilespmem:v38+s20+$0x0] =	vst.idx.add.f32.msk $0xffff, v46  }
.Ltmp11:
0x43a: {  	v44 =	vor.u32 v15, v32;
	v32 =	vmov v39;
	v37 =	vld.idx.msk [tilespmem:v43+s6+$0x0], $0xffff;
	(pc) =	sbr.rel @p4 .LBB2_15-.Ltmp11, $4  }
0x43b: {  	v38 =	vor.u32 v15, v35;
	v35 =	vmov v41;
	v43 =	vld.idx.msk [tilespmem:v47+s6+$0x0], $0xffff  }
0x43c: {  	v45 =	vor.u32 v6, v32;
	[tilespmem:v48+s20+$0x0] =	vst.idx.add.f32.msk $0xffff, v25  }
0x43d: {  	v39 =	vshll.u32 v40, $0x7;
	v47 =	vor.u32 v7, v33;
	v25 =	vshll.u32 v40, $0x8;
	v46 =	vld.idx.msk [tilespmem:v26+s6+$0x0], $0xffff  }
0x43e: {  	s9 =	sadd.s32 $0x1, s25;
	s25 =	sadd.s32 $0x2, s25;
	v48 =	vor.u32 v6, v35;
	v25 =	vand.u32 $0xF800, v25;
	v26 =	vand.u32 $0x300, v39;
	v41 =	vld.idx.msk [tilespmem:v27+s6+$0x0], $0xffff  }
0x43f: {  	v27 =	vmov s9  }
0x440: {  	v27 =	vadd.s32 $0x78, v27  }
0x441: {  	v27 =	vbroadcast v27, $0x0;
	_ =	sdelay $0x5  }
0x442: {  	v40 =	vld.idx.msk [tilespmem:v27+s19+$0x0], $0xffff;
	_ =	sdelay $0x4  }
0x443: {  	v39 =	vor.u32 v26, v25;
	v25 =	vshll.u32 v40, $0x8;
	v26 =	vshll.u32 v40, $0x7  }
0x444: {  	v49 =	vor.u32 v7, v34;
	v25 =	vand.u32 $0xFFFFF800, v25;
	v26 =	vand.u32 $0x380, v26  }
0x445: {  	[tilespmem:v44+s20+$0x0] =	vst.idx.add.f32.msk $0xffff, v42;
	v51 =	vor.u32 v0, v39;
	v40 =	vor.u32 v26, v25  }
0x446: {  	[tilespmem:v45+s20+$0x0] =	vst.idx.add.f32.msk $0xffff, v43;
	v25 =	vor.u32 v0, v40  }
0x447: {  	v55 =	vor.u32 v7, v32;
	v43 =	vld.idx.msk [tilespmem:v47+s6+$0x0], $0xffff  }
0x448: {  	v58 =	vor.u32 v8, v33;
	[tilespmem:v48+s20+$0x0] =	vst.idx.add.f32.msk $0xffff, v46;
	v56 =	vshll.u32 v27, $0x8;
	v27 =	vshll.u32 v27, $0x7  }
0x449: {  	v46 =	vld.idx.msk [tilespmem:v49+s6+$0x0], $0xffff;
	v45 =	vand.u32 $0x7FFFF800, v56;
	v27 =	vand.u32 $0x380, v27;
	v26 =	vor.u32 v1, v36  }
0x44a: {  	v57 =	vor.u32 v7, v35;
	[tilespmem:v51+s20+$0x0] =	vst.idx.add.f32.msk $0xffff, v41;
	v41 =	vor.u32 v27, v45  }
0x44b: {  	v27 =	vor.u32 v0, v41;
	v25 =	vld.idx.msk [tilespmem:v25+s6+$0x0], $0xffff  }
0x44c: {  	[tilespmem:v55+s20+$0x0] =	vst.idx.add.f32.msk $0xffff, v43;
	v59 =	vor.u32 v1, v40  }
0x44d: {  	v60 =	vor.u32 v8, v34;
	v42 =	vld.idx.msk [tilespmem:v58+s6+$0x0], $0xffff  }
0x44e: {  	v61 =	vor.u32 v1, v39;
	v26 =	vld.idx.msk [tilespmem:v26+s6+$0x0], $0xffff  }
0x44f: {  	v63 =	vor.u32 v8, v32;
	[tilespmem:v57+s20+$0x0] =	vst.idx.add.f32.msk $0xffff, v46  }
0x450: {  	v62 =	vor.u32 v2, v36;
	[tilespmem:v27+s20+$0x0] =	vst.idx.add.f32.msk $0xffff, v25  }
0x451: {  	v27 =	vor.u32 v1, v41;
	v25 =	vld.idx.msk [tilespmem:v59+s6+$0x0], $0xffff  }
0x452: {  	v43 =	vld.idx.msk [tilespmem:v60+s6+$0x0], $0xffff;
	v48 =	vor.u32 v2, v40  }
0x453: {  	[tilespmem:v61+s20+$0x0] =	vst.idx.add.f32.msk $0xffff, v26;
	v26 =	vor.u32 v8, v35  }
0x454: {  	v49 =	vor.u32 v9, v33;
	[tilespmem:v63+s20+$0x0] =	vst.idx.add.f32.msk $0xffff, v42  }
0x455: {  	v50 =	vor.u32 v2, v39;
	v46 =	vld.idx.msk [tilespmem:v62+s6+$0x0], $0xffff  }
0x456: {  	v51 =	vor.u32 v3, v36;
	[tilespmem:v27+s20+$0x0] =	vst.idx.add.f32.msk $0xffff, v25  }
0x457: {  	v27 =	vor.u32 v2, v41;
	v25 =	vld.idx.msk [tilespmem:v48+s6+$0x0], $0xffff  }
0x458: {  	[tilespmem:v26+s20+$0x0] =	vst.idx.add.f32.msk $0xffff, v43;
	v26 =	vor.u32 v3, v40  }
0x459: {  	v56 =	vor.u32 v9, v32;
	v44 =	vld.idx.msk [tilespmem:v49+s6+$0x0], $0xffff  }
0x45a: {  	v55 =	vor.u32 v9, v34;
	[tilespmem:v50+s20+$0x0] =	vst.idx.add.f32.msk $0xffff, v46  }
0x45b: {  	v57 =	vor.u32 v3, v39;
	v42 =	vld.idx.msk [tilespmem:v51+s6+$0x0], $0xffff  }
0x45c: {  	v58 =	vor.u32 v4, v36;
	[tilespmem:v27+s20+$0x0] =	vst.idx.add.f32.msk $0xffff, v25  }
0x45d: {  	v25 =	vld.idx.msk [tilespmem:v26+s6+$0x0], $0xffff;
	v26 =	vor.u32 v3, v41  }
0x45e: {  	[tilespmem:v56+s20+$0x0] =	vst.idx.add.f32.msk $0xffff, v44;
	v59 =	vor.u32 v4, v40  }
0x45f: {  	v60 =	vor.u32 v9, v35;
	v27 =	vld.idx.msk [tilespmem:v55+s6+$0x0], $0xffff  }
0x460: {  	v61 =	vor.u32 v10, v33;
	[tilespmem:v57+s20+$0x0] =	vst.idx.add.f32.msk $0xffff, v42  }
0x461: {  	v62 =	vor.u32 v4, v39;
	v42 =	vld.idx.msk [tilespmem:v58+s6+$0x0], $0xffff  }
0x462: {  	v63 =	vor.u32 v5, v36;
	[tilespmem:v26+s20+$0x0] =	vst.idx.add.f32.msk $0xffff, v25  }
0x463: {  	v26 =	vor.u32 v4, v41;
	v25 =	vld.idx.msk [tilespmem:v59+s6+$0x0], $0xffff  }
0x464: {  	[tilespmem:v60+s20+$0x0] =	vst.idx.add.f32.msk $0xffff, v27;
	v27 =	vor.u32 v5, v40  }
0x465: {  	v49 =	vld.idx.msk [tilespmem:v61+s6+$0x0], $0xffff;
	v50 =	vor.u32 v10, v32  }
0x466: {  	v48 =	vor.u32 v10, v34;
	[tilespmem:v62+s20+$0x0] =	vst.idx.add.f32.msk $0xffff, v42  }
0x467: {  	v51 =	vor.u32 v5, v39;
	v42 =	vld.idx.msk [tilespmem:v63+s6+$0x0], $0xffff  }
0x468: {  	[tilespmem:v26+s20+$0x0] =	vst.idx.add.f32.msk $0xffff, v25;
	v25 =	vor.u32 v6, v36  }
0x469: {  	v26 =	vld.idx.msk [tilespmem:v27+s6+$0x0], $0xffff;
	v27 =	vor.u32 v5, v41  }
0x46a: {  	[tilespmem:v50+s20+$0x0] =	vst.idx.add.f32.msk $0xffff, v49;
	v55 =	vor.u32 v6, v40  }
0x46b: {  	v57 =	vor.u32 v11, v33;
	v43 =	vld.idx.msk [tilespmem:v48+s6+$0x0], $0xffff  }
0x46c: {  	v56 =	vor.u32 v10, v35;
	[tilespmem:v51+s20+$0x0] =	vst.idx.add.f32.msk $0xffff, v42  }
0x46d: {  	v58 =	vor.u32 v6, v39;
	v25 =	vld.idx.msk [tilespmem:v25+s6+$0x0], $0xffff  }
0x46e: {  	[tilespmem:v27+s20+$0x0] =	vst.idx.add.f32.msk $0xffff, v26;
	v26 =	vor.u32 v7, v36  }
0x46f: {  	v59 =	vor.u32 v6, v41;
	v27 =	vld.idx.msk [tilespmem:v55+s6+$0x0], $0xffff  }
0x470: {  	v61 =	vor.u32 v11, v34;
	v45 =	vld.idx.msk [tilespmem:v57+s6+$0x0], $0xffff  }
0x471: {  	v60 =	vor.u32 v7, v40;
	[tilespmem:v56+s20+$0x0] =	vst.idx.add.f32.msk $0xffff, v43  }
0x472: {  	v62 =	vor.u32 v11, v32;
	[tilespmem:v58+s20+$0x0] =	vst.idx.add.f32.msk $0xffff, v25  }
0x473: {  	v25 =	vld.idx.msk [tilespmem:v26+s6+$0x0], $0xffff;
	v26 =	vor.u32 v7, v39  }
0x474: {  	[tilespmem:v59+s20+$0x0] =	vst.idx.add.f32.msk $0xffff, v27;
	v27 =	vor.u32 v8, v36  }
0x475: {  	v50 =	vor.u32 v11, v35;
	v44 =	vld.idx.msk [tilespmem:v61+s6+$0x0], $0xffff  }
0x476: {  	v48 =	vor.u32 v7, v41;
	v63 =	vld.idx.msk [tilespmem:v60+s6+$0x0], $0xffff  }
0x477: {  	v49 =	vor.u32 v8, v40;
	[tilespmem:v62+s20+$0x0] =	vst.idx.add.f32.msk $0xffff, v45  }
0x478: {  	v51 =	vor.u32 v12, v33;
	[tilespmem:v26+s20+$0x0] =	vst.idx.add.f32.msk $0xffff, v25  }
0x479: {  	v26 =	vor.u32 v8, v39;
	v25 =	vld.idx.msk [tilespmem:v27+s6+$0x0], $0xffff  }
0x47a: {  	[tilespmem:v50+s20+$0x0] =	vst.idx.add.f32.msk $0xffff, v44;
	v27 =	vor.u32 v9, v36  }
0x47b: {  	v57 =	vor.u32 v12, v34;
	[tilespmem:v48+s20+$0x0] =	vst.idx.add.f32.msk $0xffff, v63  }
0x47c: {  	v55 =	vor.u32 v8, v41;
	v42 =	vld.idx.msk [tilespmem:v49+s6+$0x0], $0xffff  }
0x47d: {  	v56 =	vor.u32 v9, v40;
	v58 =	vld.idx.msk [tilespmem:v51+s6+$0x0], $0xffff  }
0x47e: {  	v59 =	vor.u32 v12, v32;
	[tilespmem:v26+s20+$0x0] =	vst.idx.add.f32.msk $0xffff, v25  }
0x47f: {  	v26 =	vor.u32 v9, v39;
	v25 =	vld.idx.msk [tilespmem:v27+s6+$0x0], $0xffff  }
0x480: {  	v45 =	vld.idx.msk [tilespmem:v57+s6+$0x0], $0xffff;
	v27 =	vor.u32 v10, v36  }
0x481: {  	v61 =	vor.u32 v13, v33;
	[tilespmem:v55+s20+$0x0] =	vst.idx.add.f32.msk $0xffff, v42  }
0x482: {  	v60 =	vor.u32 v9, v41;
	v42 =	vld.idx.msk [tilespmem:v56+s6+$0x0], $0xffff  }
0x483: {  	v62 =	vor.u32 v10, v40;
	[tilespmem:v59+s20+$0x0] =	vst.idx.add.f32.msk $0xffff, v58  }
0x484: {  	v63 =	vor.u32 v12, v35;
	[tilespmem:v26+s20+$0x0] =	vst.idx.add.f32.msk $0xffff, v25  }
0x485: {  	v26 =	vor.u32 v10, v39;
	v25 =	vld.idx.msk [tilespmem:v27+s6+$0x0], $0xffff  }
0x486: {  	v49 =	vld.idx.msk [tilespmem:v61+s6+$0x0], $0xffff;
	v27 =	vor.u32 v11, v36  }
0x487: {  	v48 =	vor.u32 v13, v34;
	[tilespmem:v60+s20+$0x0] =	vst.idx.add.f32.msk $0xffff, v42  }
0x488: {  	v51 =	vor.u32 v10, v41;
	v50 =	vld.idx.msk [tilespmem:v62+s6+$0x0], $0xffff  }
0x489: {  	[tilespmem:v63+s20+$0x0] =	vst.idx.add.f32.msk $0xffff, v45;
	v55 =	vor.u32 v11, v40  }
0x48a: {  	v56 =	vor.u32 v13, v32;
	[tilespmem:v26+s20+$0x0] =	vst.idx.add.f32.msk $0xffff, v25  }
0x48b: {  	v26 =	vor.u32 v11, v39;
	v25 =	vld.idx.msk [tilespmem:v27+s6+$0x0], $0xffff  }
0x48c: {  	v57 =	vor.u32 v12, v36;
	v27 =	vld.idx.msk [tilespmem:v48+s6+$0x0], $0xffff  }
0x48d: {  	v58 =	vor.u32 v13, v35;
	[tilespmem:v51+s20+$0x0] =	vst.idx.add.f32.msk $0xffff, v50  }
0x48e: {  	v59 =	vor.u32 v11, v41;
	v45 =	vld.idx.msk [tilespmem:v55+s6+$0x0], $0xffff  }
0x48f: {  	[tilespmem:v56+s20+$0x0] =	vst.idx.add.f32.msk $0xffff, v49;
	v60 =	vor.u32 v12, v40  }
0x490: {  	[tilespmem:v26+s20+$0x0] =	vst.idx.add.f32.msk $0xffff, v25;
	v25 =	vor.u32 v14, v33  }
0x491: {  	v61 =	vor.u32 v12, v39;
	v26 =	vld.idx.msk [tilespmem:v57+s6+$0x0], $0xffff  }
0x492: {  	[tilespmem:v58+s20+$0x0] =	vst.idx.add.f32.msk $0xffff, v27;
	v27 =	vor.u32 v14, v34  }
0x493: {  	v62 =	vor.u32 v13, v36;
	[tilespmem:v59+s20+$0x0] =	vst.idx.add.f32.msk $0xffff, v45  }
0x494: {  	v63 =	vor.u32 v12, v41;
	v43 =	vld.idx.msk [tilespmem:v60+s6+$0x0], $0xffff  }
0x495: {  	v48 =	vor.u32 v13, v40;
	v25 =	vld.idx.msk [tilespmem:v25+s6+$0x0], $0xffff  }
0x496: {  	[tilespmem:v61+s20+$0x0] =	vst.idx.add.f32.msk $0xffff, v26;
	v26 =	vor.u32 v14, v32  }
0x497: {  	v49 =	vor.u32 v15, v33;
	v27 =	vld.idx.msk [tilespmem:v27+s6+$0x0], $0xffff  }
0x498: {  	v50 =	vor.u32 v13, v39;
	v42 =	vld.idx.msk [tilespmem:v62+s6+$0x0], $0xffff  }
0x499: {  	v51 =	vor.u32 v14, v36;
	[tilespmem:v63+s20+$0x0] =	vst.idx.add.f32.msk $0xffff, v43  }
0x49a: {  	v55 =	vor.u32 v13, v41;
	v45 =	vld.idx.msk [tilespmem:v48+s6+$0x0], $0xffff  }
0x49b: {  	[tilespmem:v26+s20+$0x0] =	vst.idx.add.f32.msk $0xffff, v25;
	v25 =	vor.u32 v14, v40  }
0x49c: {  	v26 =	vor.u32 v14, v35;
	v33 =	vld.idx.msk [tilespmem:v49+s6+$0x0], $0xffff  }
0x49d: {  	v56 =	vor.u32 v15, v34;
	[tilespmem:v50+s20+$0x0] =	vst.idx.add.f32.msk $0xffff, v42  }
0x49e: {  	v57 =	vor.u32 v14, v39;
	v42 =	vld.idx.msk [tilespmem:v51+s6+$0x0], $0xffff  }
0x49f: {  	v58 =	vor.u32 v15, v36;
	[tilespmem:v55+s20+$0x0] =	vst.idx.add.f32.msk $0xffff, v45  }
0x4a0: {  	v59 =	vor.u32 v14, v41;
	v25 =	vld.idx.msk [tilespmem:v25+s6+$0x0], $0xffff  }
0x4a1: {  	[tilespmem:v26+s20+$0x0] =	vst.idx.add.f32.msk $0xffff, v27;
	v26 =	vor.u32 v15, v40  }
0x4a2: {  	v27 =	vld.idx.msk [tilespmem:v56+s6+$0x0], $0xffff  }
0x4a3: {  	v60 =	vor.u32 v15, v32;
	[tilespmem:v57+s20+$0x0] =	vst.idx.add.f32.msk $0xffff, v42  }
0x4a4: {  	v61 =	vor.u32 v15, v35;
	v62 =	vld.idx.msk [tilespmem:v58+s6+$0x0], $0xffff  }
0x4a5: {  	[tilespmem:v59+s20+$0x0] =	vst.idx.add.f32.msk $0xffff, v25;
	v25 =	vor.u32 v15, v39  }
0x4a6: {  	v63 =	vor.u32 v15, v41;
	v26 =	vld.idx.msk [tilespmem:v26+s6+$0x0], $0xffff  }
0x4a7: {  	[tilespmem:v38+s20+$0x0] =	vst.idx.add.f32.msk $0xffff, v37  }
0x4a8: {  	[tilespmem:v60+s20+$0x0] =	vst.idx.add.f32.msk $0xffff, v33  }
0x4a9: {  	p4 =	seq.s32 s10, $0x9;
	[tilespmem:v61+s20+$0x0] =	vst.idx.add.f32.msk $0xffff, v27  }
0x4aa: {  	s9 =	sadd.s32 @!p4 s12, s15;
	[tilespmem:v25+s20+$0x0] =	vst.idx.add.f32.msk $0xffff, v62  }
0x4ab: {  	s17 =	sadd.s32 $0xF00, s17;
	s25 =	smul.u32 @!p4 $0x14, s9;
	[tilespmem:v63+s20+$0x0] =	vst.idx.add.f32.msk $0xffff, v26  }
0x4ac: {  	[hbm4b:s17+s6] =	stream.linear.scatter [tilespmem:s23], [sflag:$0x5], $0x2800, $0x38;
	[tilespmem:$0x1DA00] =	vst v63  }
0x4ad: {  	s18 =	simm.s32 @!p4 $0x9800;
	s17 =	sadd.s32 @!p4 s2, s25;
	s25 =	simm.s32 @!p4 $0x0  }
0x4ae: {  	[tilespmem:s18], [sflag:$0x1] =	stream.linear.gather @!p4 [hbm4b:s17+s25], $0xA0, $0x38;
	[tilespmem:$0x1DA00] =	vst v63  }
0x4af: {  	_ =	swait.ge [sflag:s0], $0x2800  }
0x4b0: {  	[sflag:s0] =	ssyncset.done $0x0  }
0x4b1: {  	[sflag:s0] =	ssyncadd.s32 $0xFFFFD800  }
0x4b2: {  	_ =	swait.ge [sflag:s0], $0x2800  }
0x4b3: {  	[sflag:s0] =	ssyncset.done $0x0  }
0x4b4: {  	[sflag:s0] =	ssyncadd.s32 $0xFFFFD800  }
0x4b5: {  	_ =	swait.ge [sflag:s0], $0x2800  }
0x4b6: {  	s17 =	smul.u32 @!p4 $0x1400, s9;
	[sflag:s0] =	ssyncset.done $0x0  }
0x4b7: {  	s9 =	smul.u32 @!p4 $0xA000, s9;
	[sflag:s0] =	ssyncadd.s32 $0xFFFFD800  }
0x4b8: {  	_ =	swait.ge [sflag:s0], $0x2800  }
0x4b9: {  	s18 =	simm.s32 @!p4 $0x9A00;
	s9 =	sshrl.u32 @!p4 s9, $0x3;
	[sflag:s0] =	ssyncset.done $0x0  }
0x4ba: {  	s17 =	sadd.s32 @!p4 s1, s17;
	s9 =	sadd.s32 @!p4 s1, s9;
	[sflag:s0] =	ssyncadd.s32 $0xFFFFD800  }
0x4bb: {  	[tilespmem:s18], [sflag:$0x3] =	stream.linear.gather @!p4 [hbm4b:s17+s25], $0x2800, $0x38;
	[tilespmem:$0x1DA00] =	vst v63  }
0x4bc: {  	s17 =	sadd.s32 @!p4 $0x500, s9;
	s18 =	simm.s32 @!p4 $0xC200  }
0x4bd: {  	[tilespmem:s18], [sflag:$0x3] =	stream.linear.gather @!p4 [hbm4b:s17+s25], $0x2800, $0x38;
	[tilespmem:$0x1DA00] =	vst v63  }
.Ltmp12:
0x4be: {  	_ = 	snop;
	(pc) =	sbr.rel @!p5 .LBB2_26-.Ltmp12, $4  }
0x4bf: {  	s17 =	sadd.s32 @!p4 $0xA00, s9;
	s18 =	simm.s32 @!p4 $0xEA00  }
0x4c0: {  	[tilespmem:s18], [sflag:$0x3] =	stream.linear.gather @!p4 [hbm4b:s17+s25], $0x2800, $0x38;
	[tilespmem:$0x1DA00] =	vst v63  }
0x4c1: {  	s9 =	sadd.s32 @!p4 $0xF00, s9;
	s17 =	simm.s32 @!p4 $0x11200  }
0x4c2: {  	[tilespmem:s17], [sflag:$0x3] =	stream.linear.gather @!p4 [hbm4b:s9+s25], $0x2800, $0x38;
	[tilespmem:$0x1DA00] =	vst v63  }
0x4c3: {  	_ =	swait.ge [sflag:s4], $0x2800  }
0x4c4: {  	[sflag:s4] =	ssyncset.done $0x0  }
0x4c5: {  	[sflag:s4] =	ssyncadd.s32 $0xFFFFD800  }
0x4c6: {  	_ =	swait.ge [sflag:s4], $0x2800  }
0x4c7: {  	[sflag:s4] =	ssyncset.done $0x0  }
0x4c8: {  	[sflag:s4] =	ssyncadd.s32 $0xFFFFD800  }
0x4c9: {  	_ =	swait.ge [sflag:s4], $0x2800  }
0x4ca: {  	[sflag:s4] =	ssyncset.done $0x0  }
0x4cb: {  	[sflag:s4] =	ssyncadd.s32 $0xFFFFD800  }
0x4cc: {  	s9 =	simm.s32 $0x0;
	_ =	swait.ge [sflag:s4], $0x2800  }
0x4cd: {  	v25 =	vmov s9;
	[sflag:s4] =	ssyncset.done $0x0  }
0x4ce: {  	s18 =	simm.s32 $0x1;
	[sflag:s4] =	ssyncadd.s32 $0xFFFFD800  }
0x4cf: {  	v26 =	vmov s18;
	_ =	swait.ge [sflag:s7], $0xA0  }
0x4d0: {  	[sflag:s7] =	ssyncset.done $0x0  }
0x4d1: {  	[sflag:s7] =	ssyncadd.s32 $0xFFFFFF60  }
0x4d2: {  	v27 =	vld.idx.msk [tilespmem:v25+s24+$0x0], $0xffff;
	_ =	sdelay $0x1  }
0x4d3: {  	v32 =	vld.idx.msk [tilespmem:v26+s24+$0x0], $0xffff;
	_ =	sdelay $0x2  }
0x4d4: {  	v33 =	vshll.u32 v27, $0x8;
	v27 =	vshll.u32 v27, $0x7  }
0x4d5: {  	v33 =	vand.u32 $0xFFFFF800, v33;
	v27 =	vand.u32 $0x380, v27  }
0x4d6: {  	v59 =	vshll.u32 v32, $0x8;
	v32 =	vshll.u32 v32, $0x7;
	v35 =	vor.u32 v27, v33  }
0x4d7: {  	v32 =	vand.u32 $0x380, v32;
	v33 =	vand.u32 $0xFFFFF800, v59;
	v27 =	vor.u32 v0, v35  }
0x4d8: {  	v34 =	vor.u32 v32, v33  }
0x4d9: {  	v36 =	vshll.u32 v25, $0x8;
	v25 =	vshll.u32 v25, $0x7;
	v61 =	vor.u32 v0, v34  }
0x4da: {  	v60 =	vand.u32 $0x3800, v36;
	v25 =	vand.u32 $0x300, v25  }
0x4db: {  	v62 =	vshll.u32 v26, $0x8;
	v26 =	vshll.u32 v26, $0x7;
	v32 =	vor.u32 v25, v60  }
0x4dc: {  	v26 =	vand.u32 $0x380, v26;
	v33 =	vand.u32 $0x3800, v62;
	v25 =	vld.idx.msk [tilespmem:v27+s6+$0x0], $0xffff;
	v27 =	vadd.s32 v16, v32  }
0x4dd: {  	v37 =	vor.u32 v1, v35;
	v33 =	vor.u32 v26, v33  }
0x4de: {  	v63 =	vadd.s32 v16, v33;
	v26 =	vld.idx.msk [tilespmem:v61+s6+$0x0], $0xffff  }
0x4df: {  	v39 =	vor.u32 v1, v34;
	_ =	sdelay $0x1  }
0x4e0: {  	v38 =	vadd.s32 $0xA000, v32;
	[tilespmem:v27+s20+$0x0] =	vst.idx.add.f32.msk $0xffff, v25  }
0x4e1: {  	v27 =	vor.u32 v1, v38;
	v25 =	vld.idx.msk [tilespmem:v37+s6+$0x0], $0xffff  }
0x4e2: {  	v42 =	vor.u32 v2, v35;
	[tilespmem:v63+s20+$0x0] =	vst.idx.add.f32.msk $0xffff, v26  }
0x4e3: {  	v43 =	vadd.s32 v28, v33;
	v26 =	vld.idx.msk [tilespmem:v39+s6+$0x0], $0xffff  }
0x4e4: {  	v44 =	vor.u32 v2, v34;
	_ =	sdelay $0x1  }
0x4e5: {  	[tilespmem:v27+s20+$0x0] =	vst.idx.add.f32.msk $0xffff, v25  }
0x4e6: {  	v27 =	vor.u32 v2, v38;
	v25 =	vld.idx.msk [tilespmem:v42+s6+$0x0], $0xffff  }
0x4e7: {  	v45 =	vor.u32 v3, v35;
	[tilespmem:v43+s20+$0x0] =	vst.idx.add.f32.msk $0xffff, v26  }
0x4e8: {  	v46 =	vadd.s32 v29, v33;
	v26 =	vld.idx.msk [tilespmem:v44+s6+$0x0], $0xffff  }
0x4e9: {  	v47 =	vor.u32 v3, v34  }
0x4ea: {  	s25 =	simm.s32 $0x2  }
0x4eb: {  	v40 =	vmov s25;
	[tilespmem:v27+s20+$0x0] =	vst.idx.add.f32.msk $0xffff, v25  }
0x4ec: {  	v27 =	vor.u32 v3, v38;
	v25 =	vld.idx.msk [tilespmem:v45+s6+$0x0], $0xffff  }
0x4ed: {  	v48 =	vor.u32 v4, v35;
	[tilespmem:v46+s20+$0x0] =	vst.idx.add.f32.msk $0xffff, v26  }
0x4ee: {  	v49 =	vadd.s32 v30, v33;
	v26 =	vld.idx.msk [tilespmem:v47+s6+$0x0], $0xffff  }
0x4ef: {  	v50 =	vor.u32 v4, v34  }
0x4f0: {  	v51 =	vld.idx.msk [tilespmem:v40+s24+$0x0], $0xffff  }
0x4f1: {  	[tilespmem:v27+s20+$0x0] =	vst.idx.add.f32.msk $0xffff, v25  }
0x4f2: {  	v27 =	vor.u32 v4, v38;
	v25 =	vld.idx.msk [tilespmem:v48+s6+$0x0], $0xffff  }
0x4f3: {  	v41 =	vor.u32 v5, v35;
	[tilespmem:v49+s20+$0x0] =	vst.idx.add.f32.msk $0xffff, v26  }
0x4f4: {  	v55 =	vadd.s32 v31, v33;
	v26 =	vld.idx.msk [tilespmem:v50+s6+$0x0], $0xffff  }
0x4f5: {  	v56 =	vor.u32 v5, v34;
	_ =	sdelay $0x1  }
0x4f6: {  	[tilespmem:v27+s20+$0x0] =	vst.idx.add.f32.msk $0xffff, v25  }
0x4f7: {  	v27 =	vor.u32 v5, v38;
	v25 =	vld.idx.msk [tilespmem:v41+s6+$0x0], $0xffff  }
0x4f8: {  	v58 =	vshll.u32 v51, $0x7;
	v57 =	vor.u32 v6, v35;
	[tilespmem:v55+s20+$0x0] =	vst.idx.add.f32.msk $0xffff, v26;
	v26 =	vshll.u32 v51, $0x8  }
0x4f9: {  	v36 =	vand.u32 $0x380, v58;
	v60 =	vadd.s32 v52, v33;
	v59 =	vld.idx.msk [tilespmem:v56+s6+$0x0], $0xffff;
	v26 =	vand.u32 $0xFFFFF800, v26  }
0x4fa: {  	v36 =	vor.u32 v36, v26;
	v26 =	vor.u32 v6, v34;
	_ =	sdelay $0x1  }
0x4fb: {  	[tilespmem:v27+s20+$0x0] =	vst.idx.add.f32.msk $0xffff, v25;
	v25 =	vor.u32 v0, v36  }
0x4fc: {  	v47 =	vor.u32 v6, v38;
	v27 =	vld.idx.msk [tilespmem:v57+s6+$0x0], $0xffff  }
0x4fd: {  	v62 =	vshll.u32 v40, $0x7;
	v61 =	vshll.u32 v40, $0x8;
	v42 =	vor.u32 v7, v35;
	[tilespmem:v60+s20+$0x0] =	vst.idx.add.f32.msk $0xffff, v59  }
0x4fe: {  	v63 =	vand.u32 $0x300, v62;
	v45 =	vadd.s32 v53, v33;
	v41 =	vld.idx.msk [tilespmem:v26+s6+$0x0], $0xffff;
	v26 =	vand.u32 $0x3800, v61  }
0x4ff: {  	v46 =	vor.u32 v7, v34;
	v37 =	vor.u32 v63, v26  }
0x500: {  	v44 =	vadd.s32 v16, v37;
	v40 =	vld.idx.msk [tilespmem:v25+s6+$0x0], $0xffff  }
0x501: {  	s17 =	simm.s32 $0x4;
	s9 =	simm.s32 $0x3;
	v43 =	vor.u32 v1, v36;
	[tilespmem:v47+s20+$0x0] =	vst.idx.add.f32.msk $0xffff, v27  }
.LBB2_18:
0x502: {  	p5 =	slt.u32 s17, $0x26;
	v25 =	vmov s9;
	v26 =	vld.idx.msk [tilespmem:v42+s6+$0x0], $0xffff  }
0x503: {  	v27 =	vor.u32 v7, v38;
	[tilespmem:v45+s20+$0x0] =	vst.idx.add.f32.msk $0xffff, v41  }
0x504: {  	v41 =	vor.u32 v8, v35;
	v42 =	vld.idx.msk [tilespmem:v46+s6+$0x0], $0xffff  }
0x505: {  	[tilespmem:v44+s20+$0x0] =	vst.idx.add.f32.msk $0xffff, v40;
	v40 =	vadd.s32 v54, v33  }
0x506: {  	v38 =	vadd.s32 $0xA000, v37;
	v44 =	vor.u32 v8, v34;
	v43 =	vld.idx.msk [tilespmem:v43+s6+$0x0], $0xffff  }
0x507: {  	v45 =	vor.u32 v1, v38;
	v46 =	vld.idx.msk [tilespmem:v25+s24+$0x0], $0xffff  }
0x508: {  	v47 =	vor.u32 v2, v36;
	[tilespmem:v27+s20+$0x0] =	vst.idx.add.f32.msk $0xffff, v26  }
0x509: {  	v39 =	vmov s17;
	v26 =	vld.idx.msk [tilespmem:v41+s6+$0x0], $0xffff  }
0x50a: {  	v27 =	vadd.s32 v17, v32;
	[tilespmem:v40+s20+$0x0] =	vst.idx.add.f32.msk $0xffff, v42  }
0x50b: {  	v41 =	vor.u32 v9, v35;
	v42 =	vld.idx.msk [tilespmem:v44+s6+$0x0], $0xffff  }
0x50c: {  	[tilespmem:v45+s20+$0x0] =	vst.idx.add.f32.msk $0xffff, v43;
	v43 =	vadd.s32 v17, v33  }
0x50d: {  	v45 =	vshll.u32 v46, $0x8;
	v46 =	vshll.u32 v46, $0x7;
	v44 =	vld.idx.msk [tilespmem:v47+s6+$0x0], $0xffff;
	v47 =	vor.u32 v9, v34  }
0x50e: {  	v48 =	vor.u32 v2, v38;
	v45 =	vand.u32 $0xFFFFF800, v45;
	v46 =	vand.u32 $0x380, v46;
	v40 =	vld.idx.msk [tilespmem:v39+s24+$0x0], $0xffff  }
0x50f: {  	v49 =	vor.u32 v3, v36;
	v45 =	vor.u32 v46, v45;
	[tilespmem:v27+s20+$0x0] =	vst.idx.add.f32.msk $0xffff, v26  }
0x510: {  	v26 =	vor.u32 v0, v45;
	v27 =	vld.idx.msk [tilespmem:v41+s6+$0x0], $0xffff  }
0x511: {  	v46 =	vadd.s32 v18, v32;
	[tilespmem:v43+s20+$0x0] =	vst.idx.add.f32.msk $0xffff, v42  }
0x512: {  	v42 =	vor.u32 v10, v35;
	v43 =	vld.idx.msk [tilespmem:v47+s6+$0x0], $0xffff  }
0x513: {  	v41 =	vshll.u32 v25, $0x8;
	v25 =	vshll.u32 v25, $0x7;
	[tilespmem:v48+s20+$0x0] =	vst.idx.add.f32.msk $0xffff, v44;
	v44 =	vadd.s32 v18, v33  }
0x514: {  	v41 =	vand.u32 $0x3800, v41;
	v25 =	vand.u32 $0x380, v25;
	v48 =	vor.u32 v10, v34;
	v47 =	vld.idx.msk [tilespmem:v49+s6+$0x0], $0xffff  }
0x515: {  	v41 =	vor.u32 v25, v41;
	v49 =	vor.u32 v3, v38;
	v26 =	vld.idx.msk [tilespmem:v26+s6+$0x0], $0xffff  }
0x516: {  	v25 =	vadd.s32 v16, v41;
	[tilespmem:v46+s20+$0x0] =	vst.idx.add.f32.msk $0xffff, v27  }
0x517: {  	v27 =	vor.u32 v1, v45;
	v42 =	vld.idx.msk [tilespmem:v42+s6+$0x0], $0xffff  }
0x518: {  	v46 =	vadd.s32 v19, v32;
	[tilespmem:v44+s20+$0x0] =	vst.idx.add.f32.msk $0xffff, v43  }
0x519: {  	v43 =	vor.u32 v11, v35;
	v44 =	vld.idx.msk [tilespmem:v48+s6+$0x0], $0xffff  }
0x51a: {  	[tilespmem:v49+s20+$0x0] =	vst.idx.add.f32.msk $0xffff, v47;
	v47 =	vadd.s32 v19, v33  }
0x51b: {  	[tilespmem:v25+s20+$0x0] =	vst.idx.add.f32.msk $0xffff, v26;
	v25 =	vor.u32 v11, v34  }
0x51c: {  	v26 =	vor.u32 v4, v36;
	v27 =	vld.idx.msk [tilespmem:v27+s6+$0x0], $0xffff  }
0x51d: {  	v48 =	vadd.s32 v28, v41;
	[tilespmem:v46+s20+$0x0] =	vst.idx.add.f32.msk $0xffff, v42  }
0x51e: {  	v42 =	vor.u32 v2, v45;
	v43 =	vld.idx.msk [tilespmem:v43+s6+$0x0], $0xffff  }
0x51f: {  	v46 =	vadd.s32 v20, v32;
	[tilespmem:v47+s20+$0x0] =	vst.idx.add.f32.msk $0xffff, v44  }
0x520: {  	v44 =	vor.u32 v12, v35;
	v25 =	vld.idx.msk [tilespmem:v25+s6+$0x0], $0xffff  }
0x521: {  	v47 =	vadd.s32 v20, v33;
	v26 =	vld.idx.msk [tilespmem:v26+s6+$0x0], $0xffff  }
0x522: {  	[tilespmem:v48+s20+$0x0] =	vst.idx.add.f32.msk $0xffff, v27;
	v27 =	vor.u32 v12, v34  }
0x523: {  	v48 =	vor.u32 v4, v38;
	v42 =	vld.idx.msk [tilespmem:v42+s6+$0x0], $0xffff  }
0x524: {  	v49 =	vadd.s32 v29, v41;
	[tilespmem:v46+s20+$0x0] =	vst.idx.add.f32.msk $0xffff, v43  }
0x525: {  	v43 =	vor.u32 v3, v45;
	v44 =	vld.idx.msk [tilespmem:v44+s6+$0x0], $0xffff  }
0x526: {  	v46 =	vadd.s32 v21, v32;
	[tilespmem:v47+s20+$0x0] =	vst.idx.add.f32.msk $0xffff, v25  }
0x527: {  	v25 =	vor.u32 v13, v35;
	v27 =	vld.idx.msk [tilespmem:v27+s6+$0x0], $0xffff  }
0x528: {  	[tilespmem:v48+s20+$0x0] =	vst.idx.add.f32.msk $0xffff, v26;
	v26 =	vadd.s32 v21, v33  }
0x529: {  	[tilespmem:v49+s20+$0x0] =	vst.idx.add.f32.msk $0xffff, v42;
	v42 =	vor.u32 v13, v34  }
0x52a: {  	v47 =	vor.u32 v5, v36;
	v43 =	vld.idx.msk [tilespmem:v43+s6+$0x0], $0xffff  }
0x52b: {  	v48 =	vadd.s32 v30, v41;
	[tilespmem:v46+s20+$0x0] =	vst.idx.add.f32.msk $0xffff, v44  }
0x52c: {  	v44 =	vor.u32 v4, v45;
	v25 =	vld.idx.msk [tilespmem:v25+s6+$0x0], $0xffff  }
0x52d: {  	v46 =	vadd.s32 v22, v32;
	[tilespmem:v26+s20+$0x0] =	vst.idx.add.f32.msk $0xffff, v27  }
0x52e: {  	v26 =	vor.u32 v14, v35;
	v27 =	vld.idx.msk [tilespmem:v42+s6+$0x0], $0xffff  }
0x52f: {  	v42 =	vld.idx.msk [tilespmem:v47+s6+$0x0], $0xffff;
	v47 =	vadd.s32 v22, v33  }
0x530: {  	[tilespmem:v48+s20+$0x0] =	vst.idx.add.f32.msk $0xffff, v43;
	v43 =	vor.u32 v14, v34  }
0x531: {  	v48 =	vor.u32 v5, v38;
	v44 =	vld.idx.msk [tilespmem:v44+s6+$0x0], $0xffff  }
0x532: {  	v49 =	vadd.s32 v31, v41;
	[tilespmem:v46+s20+$0x0] =	vst.idx.add.f32.msk $0xffff, v25  }
0x533: {  	v25 =	vor.u32 v5, v45;
	v26 =	vld.idx.msk [tilespmem:v26+s6+$0x0], $0xffff  }
0x534: {  	v46 =	vadd.s32 v23, v32;
	[tilespmem:v47+s20+$0x0] =	vst.idx.add.f32.msk $0xffff, v27  }
0x535: {  	v27 =	vor.u32 v15, v35;
	v35 =	vmov v36;
	v43 =	vld.idx.msk [tilespmem:v43+s6+$0x0], $0xffff  }
0x536: {  	[tilespmem:v48+s20+$0x0] =	vst.idx.add.f32.msk $0xffff, v42;
	v42 =	vadd.s32 v23, v33  }
0x537: {  	[tilespmem:v49+s20+$0x0] =	vst.idx.add.f32.msk $0xffff, v44;
	v44 =	vor.u32 v15, v34;
	v34 =	vmov v45  }
0x538: {  	v36 =	vshll.u32 v40, $0x8;
	v40 =	vshll.u32 v40, $0x7;
	v45 =	vor.u32 v6, v35;
	v25 =	vld.idx.msk [tilespmem:v25+s6+$0x0], $0xffff  }
0x539: {  	v47 =	vadd.s32 v52, v41;
	v36 =	vand.u32 $0xFFFFF800, v36;
	v40 =	vand.u32 $0x380, v40;
	[tilespmem:v46+s20+$0x0] =	vst.idx.add.f32.msk $0xffff, v26  }
0x53a: {  	v36 =	vor.u32 v40, v36;
	v26 =	vor.u32 v6, v34;
	v27 =	vld.idx.msk [tilespmem:v27+s6+$0x0], $0xffff  }
0x53b: {  	v40 =	vor.u32 v0, v36;
	[tilespmem:v42+s20+$0x0] =	vst.idx.add.f32.msk $0xffff, v43  }
0x53c: {  	v43 =	vadd.s32 v24, v32;
	v32 =	vmov v37;
	v48 =	vld.idx.msk [tilespmem:v44+s6+$0x0], $0xffff  }
0x53d: {  	v50 =	vadd.s32 v24, v33;
	v33 =	vmov v41;
	v49 =	vld.idx.msk [tilespmem:v45+s6+$0x0], $0xffff  }
0x53e: {  	v51 =	vor.u32 v6, v38;
	[tilespmem:v47+s20+$0x0] =	vst.idx.add.f32.msk $0xffff, v25  }
.Ltmp13:
0x53f: {  	v37 =	vshll.u32 v39, $0x7;
	v42 =	vor.u32 v7, v35;
	v25 =	vshll.u32 v39, $0x8;
	v41 =	vld.idx.msk [tilespmem:v26+s6+$0x0], $0xffff;
	(pc) =	sbr.rel @p5 .LBB2_18-.Ltmp13, $4  }
0x540: {  	v45 =	vadd.s32 v53, v33;
	v25 =	vand.u32 $0x3800, v25;
	v26 =	vand.u32 $0x300, v37;
	v40 =	vld.idx.msk [tilespmem:v40+s6+$0x0], $0xffff  }
0x541: {  	v46 =	vor.u32 v7, v34;
	v37 =	vor.u32 v26, v25;
	[tilespmem:v43+s20+$0x0] =	vst.idx.add.f32.msk $0xffff, v27  }
0x542: {  	v44 =	vadd.s32 v16, v37;
	[tilespmem:v50+s20+$0x0] =	vst.idx.add.f32.msk $0xffff, v48  }
0x543: {  	s9 =	sadd.s32 $0x1, s17;
	s17 =	sadd.s32 $0x2, s17;
	v43 =	vor.u32 v1, v36;
	[tilespmem:v51+s20+$0x0] =	vst.idx.add.f32.msk $0xffff, v49  }
0x544: {  	v25 =	vmov s9;
	_ =	sdelay $0x4  }
0x545: {  	v26 =	vld.idx.msk [tilespmem:v25+s24+$0x0], $0xffff;
	_ =	sdelay $0x4  }
0x546: {  	v27 =	vshll.u32 v26, $0x8;
	v26 =	vshll.u32 v26, $0x7  }
0x547: {  	v27 =	vand.u32 $0xFFFFF800, v27;
	v26 =	vand.u32 $0x380, v26  }
0x548: {  	v39 =	vor.u32 v26, v27  }
0x549: {  	[tilespmem:v45+s20+$0x0] =	vst.idx.add.f32.msk $0xffff, v41;
	v27 =	vor.u32 v0, v39  }
0x54a: {  	v63 =	vor.u32 v7, v38;
	v50 =	vadd.s32 v54, v33;
	v26 =	vld.idx.msk [tilespmem:v42+s6+$0x0], $0xffff  }
0x54b: {  	v51 =	vor.u32 v8, v34;
	v45 =	vld.idx.msk [tilespmem:v46+s6+$0x0], $0xffff;
	v49 =	vshll.u32 v25, $0x8;
	v25 =	vshll.u32 v25, $0x7  }
0x54c: {  	[tilespmem:v44+s20+$0x0] =	vst.idx.add.f32.msk $0xffff, v40;
	v46 =	vadd.s32 $0xA000, v37;
	v38 =	vand.u32 $0x3800, v49;
	v25 =	vand.u32 $0x380, v25  }
0x54d: {  	v43 =	vld.idx.msk [tilespmem:v43+s6+$0x0], $0xffff;
	v55 =	vor.u32 v1, v46;
	v38 =	vor.u32 v25, v38  }
0x54e: {  	v25 =	vld.idx.msk [tilespmem:v27+s6+$0x0], $0xffff;
	v27 =	vadd.s32 v16, v38  }
0x54f: {  	[tilespmem:v63+s20+$0x0] =	vst.idx.add.f32.msk $0xffff, v26;
	v26 =	vor.u32 v1, v39  }
0x550: {  	v47 =	vor.u32 v2, v36;
	[tilespmem:v50+s20+$0x0] =	vst.idx.add.f32.msk $0xffff, v45  }
0x551: {  	v58 =	vadd.s32 v17, v33;
	v44 =	vld.idx.msk [tilespmem:v51+s6+$0x0], $0xffff  }
0x552: {  	v59 =	vor.u32 v9, v34;
	[tilespmem:v55+s20+$0x0] =	vst.idx.add.f32.msk $0xffff, v43  }
0x553: {  	v48 =	vor.u32 v8, v35;
	[tilespmem:v27+s20+$0x0] =	vst.idx.add.f32.msk $0xffff, v25  }
0x554: {  	v25 =	vld.idx.msk [tilespmem:v26+s6+$0x0], $0xffff;
	v26 =	vadd.s32 v28, v38  }
0x555: {  	v43 =	vld.idx.msk [tilespmem:v47+s6+$0x0], $0xffff;
	v27 =	vor.u32 v2, v39  }
0x556: {  	v60 =	vor.u32 v2, v46;
	[tilespmem:v58+s20+$0x0] =	vst.idx.add.f32.msk $0xffff, v44  }
0x557: {  	v61 =	vor.u32 v3, v36;
	v44 =	vld.idx.msk [tilespmem:v59+s6+$0x0], $0xffff  }
0x558: {  	v50 =	vadd.s32 v18, v33;
	v41 =	vld.idx.msk [tilespmem:v48+s6+$0x0], $0xffff  }
0x559: {  	v56 =	vadd.s32 v17, v32;
	[tilespmem:v26+s20+$0x0] =	vst.idx.add.f32.msk $0xffff, v25  }
0x55a: {  	v26 =	vadd.s32 v29, v38;
	v25 =	vld.idx.msk [tilespmem:v27+s6+$0x0], $0xffff  }
0x55b: {  	[tilespmem:v60+s20+$0x0] =	vst.idx.add.f32.msk $0xffff, v43;
	v27 =	vor.u32 v3, v39  }
0x55c: {  	v40 =	vld.idx.msk [tilespmem:v61+s6+$0x0], $0xffff;
	v48 =	vor.u32 v3, v46  }
0x55d: {  	v57 =	vor.u32 v9, v35;
	[tilespmem:v50+s20+$0x0] =	vst.idx.add.f32.msk $0xffff, v44  }
0x55e: {  	v49 =	vor.u32 v4, v36;
	[tilespmem:v56+s20+$0x0] =	vst.idx.add.f32.msk $0xffff, v41  }
0x55f: {  	v51 =	vor.u32 v10, v34;
	[tilespmem:v26+s20+$0x0] =	vst.idx.add.f32.msk $0xffff, v25  }
0x560: {  	v26 =	vadd.s32 v30, v38;
	v25 =	vld.idx.msk [tilespmem:v27+s6+$0x0], $0xffff  }
0x561: {  	[tilespmem:v48+s20+$0x0] =	vst.idx.add.f32.msk $0xffff, v40;
	v27 =	vor.u32 v4, v39  }
0x562: {  	v62 =	vadd.s32 v18, v32;
	v41 =	vld.idx.msk [tilespmem:v57+s6+$0x0], $0xffff  }
0x563: {  	v55 =	vor.u32 v4, v46;
	v40 =	vld.idx.msk [tilespmem:v49+s6+$0x0], $0xffff  }
0x564: {  	v63 =	vor.u32 v10, v35;
	v44 =	vld.idx.msk [tilespmem:v51+s6+$0x0], $0xffff  }
0x565: {  	v56 =	vor.u32 v5, v36;
	[tilespmem:v26+s20+$0x0] =	vst.idx.add.f32.msk $0xffff, v25  }
0x566: {  	v26 =	vadd.s32 v31, v38;
	v25 =	vld.idx.msk [tilespmem:v27+s6+$0x0], $0xffff  }
0x567: {  	[tilespmem:v62+s20+$0x0] =	vst.idx.add.f32.msk $0xffff, v41;
	v27 =	vor.u32 v5, v39  }
0x568: {  	v61 =	vadd.s32 v19, v33;
	[tilespmem:v55+s20+$0x0] =	vst.idx.add.f32.msk $0xffff, v40  }
0x569: {  	v57 =	vadd.s32 v19, v32;
	v42 =	vld.idx.msk [tilespmem:v63+s6+$0x0], $0xffff  }
0x56a: {  	v59 =	vor.u32 v5, v46;
	v40 =	vld.idx.msk [tilespmem:v56+s6+$0x0], $0xffff  }
0x56b: {  	[tilespmem:v26+s20+$0x0] =	vst.idx.add.f32.msk $0xffff, v25;
	v25 =	vor.u32 v6, v36  }
0x56c: {  	v26 =	vld.idx.msk [tilespmem:v27+s6+$0x0], $0xffff;
	v27 =	vadd.s32 v52, v38  }
0x56d: {  	v60 =	vor.u32 v6, v39;
	[tilespmem:v61+s20+$0x0] =	vst.idx.add.f32.msk $0xffff, v44  }
0x56e: {  	v63 =	vor.u32 v11, v34;
	[tilespmem:v57+s20+$0x0] =	vst.idx.add.f32.msk $0xffff, v42  }
0x56f: {  	v58 =	vor.u32 v11, v35;
	[tilespmem:v59+s20+$0x0] =	vst.idx.add.f32.msk $0xffff, v40  }
0x570: {  	v30 =	vor.u32 v6, v46;
	v25 =	vld.idx.msk [tilespmem:v25+s6+$0x0], $0xffff  }
0x571: {  	[tilespmem:v27+s20+$0x0] =	vst.idx.add.f32.msk $0xffff, v26;
	v26 =	vor.u32 v7, v36  }
0x572: {  	v31 =	vadd.s32 v53, v38;
	v27 =	vld.idx.msk [tilespmem:v60+s6+$0x0], $0xffff  }
0x573: {  	v48 =	vor.u32 v7, v39;
	v44 =	vld.idx.msk [tilespmem:v63+s6+$0x0], $0xffff  }
0x574: {  	v49 =	vadd.s32 v20, v32;
	v62 =	vld.idx.msk [tilespmem:v58+s6+$0x0], $0xffff  }
0x575: {  	v50 =	vor.u32 v12, v35;
	[tilespmem:v30+s20+$0x0] =	vst.idx.add.f32.msk $0xffff, v25  }
0x576: {  	v25 =	vld.idx.msk [tilespmem:v26+s6+$0x0], $0xffff;
	v26 =	vor.u32 v7, v46  }
0x577: {  	[tilespmem:v31+s20+$0x0] =	vst.idx.add.f32.msk $0xffff, v27;
	v27 =	vor.u32 v8, v36  }
0x578: {  	v52 =	vadd.s32 v54, v38;
	v51 =	vld.idx.msk [tilespmem:v48+s6+$0x0], $0xffff  }
0x579: {  	[tilespmem:v49+s20+$0x0] =	vst.idx.add.f32.msk $0xffff, v62;
	v53 =	vor.u32 v8, v39  }
0x57a: {  	v58 =	vadd.s32 v21, v32;
	v45 =	vld.idx.msk [tilespmem:v50+s6+$0x0], $0xffff  }
0x57b: {  	v59 =	vor.u32 v13, v35;
	[tilespmem:v26+s20+$0x0] =	vst.idx.add.f32.msk $0xffff, v25  }
0x57c: {  	v26 =	vadd.s32 v17, v37;
	v25 =	vld.idx.msk [tilespmem:v27+s6+$0x0], $0xffff  }
0x57d: {  	v27 =	vor.u32 v9, v36;
	[tilespmem:v52+s20+$0x0] =	vst.idx.add.f32.msk $0xffff, v51  }
0x57e: {  	v56 =	vadd.s32 v17, v38;
	v40 =	vld.idx.msk [tilespmem:v53+s6+$0x0], $0xffff  }
0x57f: {  	v57 =	vor.u32 v9, v39;
	[tilespmem:v58+s20+$0x0] =	vst.idx.add.f32.msk $0xffff, v45  }
0x580: {  	v54 =	vadd.s32 v20, v33;
	v45 =	vld.idx.msk [tilespmem:v59+s6+$0x0], $0xffff  }
0x581: {  	v55 =	vor.u32 v12, v34;
	[tilespmem:v26+s20+$0x0] =	vst.idx.add.f32.msk $0xffff, v25  }
0x582: {  	v26 =	vadd.s32 v18, v37;
	v25 =	vld.idx.msk [tilespmem:v27+s6+$0x0], $0xffff  }
0x583: {  	v27 =	vor.u32 v10, v36;
	[tilespmem:v56+s20+$0x0] =	vst.idx.add.f32.msk $0xffff, v40  }
0x584: {  	v60 =	vadd.s32 v18, v38;
	v40 =	vld.idx.msk [tilespmem:v57+s6+$0x0], $0xffff  }
0x585: {  	v61 =	vor.u32 v10, v39;
	[tilespmem:v54+s20+$0x0] =	vst.idx.add.f32.msk $0xffff, v44  }
0x586: {  	v62 =	vadd.s32 v21, v33;
	v44 =	vld.idx.msk [tilespmem:v55+s6+$0x0], $0xffff  }
0x587: {  	v63 =	vor.u32 v13, v34;
	[tilespmem:v26+s20+$0x0] =	vst.idx.add.f32.msk $0xffff, v25  }
0x588: {  	v26 =	vadd.s32 v19, v37;
	v25 =	vld.idx.msk [tilespmem:v27+s6+$0x0], $0xffff  }
0x589: {  	v27 =	vor.u32 v11, v36;
	[tilespmem:v60+s20+$0x0] =	vst.idx.add.f32.msk $0xffff, v40  }
0x58a: {  	v30 =	vadd.s32 v19, v38;
	v40 =	vld.idx.msk [tilespmem:v61+s6+$0x0], $0xffff  }
0x58b: {  	[tilespmem:v62+s20+$0x0] =	vst.idx.add.f32.msk $0xffff, v44;
	v31 =	vor.u32 v11, v39  }
0x58c: {  	v48 =	vadd.s32 v22, v32;
	v44 =	vld.idx.msk [tilespmem:v63+s6+$0x0], $0xffff  }
0x58d: {  	v49 =	vor.u32 v14, v35;
	[tilespmem:v26+s20+$0x0] =	vst.idx.add.f32.msk $0xffff, v25  }
0x58e: {  	v26 =	vadd.s32 v20, v37;
	v25 =	vld.idx.msk [tilespmem:v27+s6+$0x0], $0xffff  }
0x58f: {  	v27 =	vor.u32 v12, v36;
	[tilespmem:v30+s20+$0x0] =	vst.idx.add.f32.msk $0xffff, v40  }
0x590: {  	v50 =	vadd.s32 v20, v38;
	v40 =	vld.idx.msk [tilespmem:v31+s6+$0x0], $0xffff  }
0x591: {  	[tilespmem:v48+s20+$0x0] =	vst.idx.add.f32.msk $0xffff, v45;
	v51 =	vor.u32 v12, v39  }
0x592: {  	v52 =	vadd.s32 v22, v33;
	v45 =	vld.idx.msk [tilespmem:v49+s6+$0x0], $0xffff  }
0x593: {  	v53 =	vor.u32 v14, v34;
	[tilespmem:v26+s20+$0x0] =	vst.idx.add.f32.msk $0xffff, v25  }
0x594: {  	v26 =	vadd.s32 v21, v37;
	v25 =	vld.idx.msk [tilespmem:v27+s6+$0x0], $0xffff  }
0x595: {  	v27 =	vor.u32 v13, v36;
	[tilespmem:v50+s20+$0x0] =	vst.idx.add.f32.msk $0xffff, v40  }
0x596: {  	v54 =	vadd.s32 v21, v38;
	v40 =	vld.idx.msk [tilespmem:v51+s6+$0x0], $0xffff  }
0x597: {  	v55 =	vor.u32 v13, v39;
	[tilespmem:v52+s20+$0x0] =	vst.idx.add.f32.msk $0xffff, v44  }
0x598: {  	v56 =	vadd.s32 v23, v32;
	v44 =	vld.idx.msk [tilespmem:v53+s6+$0x0], $0xffff  }
0x599: {  	v57 =	vor.u32 v15, v35;
	[tilespmem:v26+s20+$0x0] =	vst.idx.add.f32.msk $0xffff, v25  }
0x59a: {  	v26 =	vadd.s32 v22, v37;
	v25 =	vld.idx.msk [tilespmem:v27+s6+$0x0], $0xffff  }
0x59b: {  	v27 =	vor.u32 v14, v36;
	[tilespmem:v54+s20+$0x0] =	vst.idx.add.f32.msk $0xffff, v40  }
0x59c: {  	v58 =	vadd.s32 v22, v38;
	v40 =	vld.idx.msk [tilespmem:v55+s6+$0x0], $0xffff  }
0x59d: {  	v59 =	vor.u32 v14, v39;
	[tilespmem:v56+s20+$0x0] =	vst.idx.add.f32.msk $0xffff, v45  }
0x59e: {  	v60 =	vadd.s32 v23, v33;
	v35 =	vld.idx.msk [tilespmem:v57+s6+$0x0], $0xffff  }
0x59f: {  	v61 =	vor.u32 v15, v34;
	[tilespmem:v26+s20+$0x0] =	vst.idx.add.f32.msk $0xffff, v25  }
0x5a0: {  	v26 =	vadd.s32 v23, v37;
	v25 =	vld.idx.msk [tilespmem:v27+s6+$0x0], $0xffff  }
0x5a1: {  	v27 =	vor.u32 v15, v36;
	[tilespmem:v58+s20+$0x0] =	vst.idx.add.f32.msk $0xffff, v40  }
0x5a2: {  	v63 =	vadd.s32 v23, v38;
	v62 =	vld.idx.msk [tilespmem:v59+s6+$0x0], $0xffff  }
0x5a3: {  	v39 =	vor.u32 v15, v39;
	[tilespmem:v60+s20+$0x0] =	vst.idx.add.f32.msk $0xffff, v44  }
0x5a4: {  	v34 =	vld.idx.msk [tilespmem:v61+s6+$0x0], $0xffff  }
0x5a5: {  	v45 =	vadd.s32 v24, v32;
	[tilespmem:v26+s20+$0x0] =	vst.idx.add.f32.msk $0xffff, v25  }
0x5a6: {  	v25 =	vadd.s32 v24, v33;
	v26 =	vld.idx.msk [tilespmem:v27+s6+$0x0], $0xffff  }
0x5a7: {  	v27 =	vadd.s32 v24, v37;
	[tilespmem:v63+s20+$0x0] =	vst.idx.add.f32.msk $0xffff, v62  }
0x5a8: {  	s18 =	simm.s32 $0x1;
	v47 =	vadd.s32 v24, v38;
	v46 =	vld.idx.msk [tilespmem:v39+s6+$0x0], $0xffff  }
0x5a9: {  	s17 =	sadd.s32 s11, s13;
	s13 =	smov.u32 s14;
	v48 =	vmov s18  }
0x5aa: {  	s25 =	simm.s32 $0x0;
	s13 =	smov.u32 @p3 s17;
	v49 =	vadd.s32 $0x28, v48;
	[tilespmem:v45+s20+$0x0] =	vst.idx.add.f32.msk $0xffff, v35  }
0x5ab: {  	s17 =	smul.u32 $0x1400, s13;
	[tilespmem:v25+s20+$0x0] =	vst.idx.add.f32.msk $0xffff, v34;
	v25 =	vmov s25  }
0x5ac: {  	[tilespmem:v27+s20+$0x0] =	vst.idx.add.f32.msk $0xffff, v26;
	v26 =	vadd.s32 $0x28, v25  }
0x5ad: {  	s17 =	sadd.s32 s5, s17;
	[tilespmem:v47+s20+$0x0] =	vst.idx.add.f32.msk $0xffff, v46  }
0x5ae: {  	[hbm4b:s17+s25] =	stream.linear.scatter [tilespmem:s26], [sflag:$0x6], $0x2800, $0x38;
	[tilespmem:$0x1DA00] =	vst v63  }
0x5af: {  	v27 =	vld.idx.msk [tilespmem:v49+s24+$0x0], $0xffff;
	_ =	sdelay $0x1  }
0x5b0: {  	v26 =	vld.idx.msk [tilespmem:v26+s24+$0x0], $0xffff;
	_ =	sdelay $0x2  }
0x5b1: {  	v32 =	vshll.u32 v27, $0x8;
	v27 =	vshll.u32 v27, $0x7  }
0x5b2: {  	v32 =	vand.u32 $0xFFFFF800, v32;
	v27 =	vand.u32 $0x380, v27  }
0x5b3: {  	v50 =	vshll.u32 v26, $0x8;
	v26 =	vshll.u32 v26, $0x7;
	v52 =	vor.u32 v27, v32  }
0x5b4: {  	v27 =	vand.u32 $0xFFFFF800, v50;
	v26 =	vand.u32 $0x380, v26;
	v32 =	vor.u32 v0, v52  }
0x5b5: {  	v46 =	vor.u32 v26, v27  }
0x5b6: {  	v53 =	vshll.u32 v48, $0x7;
	v27 =	vshll.u32 v48, $0x8;
	v26 =	vor.u32 v0, v46  }
0x5b7: {  	v42 =	vor.u32 $0xC800, v0;
	v33 =	vand.u32 $0x380, v53;
	v27 =	vand.u32 $0x3800, v27  }
0x5b8: {  	v54 =	vshll.u32 v25, $0x8;
	v25 =	vshll.u32 v25, $0x7;
	v57 =	vor.u32 v33, v27  }
0x5b9: {  	v25 =	vand.u32 $0x300, v25;
	v27 =	vand.u32 $0x3800, v54;
	v33 =	vadd.s32 v42, v57;
	v32 =	vld.idx.msk [tilespmem:v32+s6+$0x0], $0xffff  }
0x5ba: {  	v16 =	vor.u32 v25, v27;
	v25 =	vor.u32 v1, v52  }
0x5bb: {  	v27 =	vadd.s32 v42, v16;
	v26 =	vld.idx.msk [tilespmem:v26+s6+$0x0], $0xffff  }
0x5bc: {  	v55 =	vor.u32 v1, v46;
	_ =	sdelay $0x1  }
0x5bd: {  	v45 =	vor.u32 $0xC810, v0;
	[tilespmem:v33+s20+$0x0] =	vst.idx.add.f32.msk $0xffff, v32  }
0x5be: {  	v56 =	vadd.s32 v45, v57;
	v25 =	vld.idx.msk [tilespmem:v25+s6+$0x0], $0xffff  }
0x5bf: {  	[tilespmem:v27+s20+$0x0] =	vst.idx.add.f32.msk $0xffff, v26;
	v26 =	vadd.s32 $0xC800, v16;
	v27 =	vor.u32 v2, v52  }
0x5c0: {  	v58 =	vld.idx.msk [tilespmem:v55+s6+$0x0], $0xffff;
	v59 =	vor.u32 v1, v26  }
0x5c1: {  	v60 =	vor.u32 v2, v46;
	_ =	sdelay $0x1  }
0x5c2: {  	v43 =	vor.u32 $0xC820, v0;
	[tilespmem:v56+s20+$0x0] =	vst.idx.add.f32.msk $0xffff, v25  }
0x5c3: {  	v25 =	vld.idx.msk [tilespmem:v27+s6+$0x0], $0xffff;
	v27 =	vadd.s32 v43, v57  }
0x5c4: {  	v61 =	vor.u32 v3, v52;
	[tilespmem:v59+s20+$0x0] =	vst.idx.add.f32.msk $0xffff, v58  }
0x5c5: {  	v62 =	vor.u32 v2, v26;
	v33 =	vld.idx.msk [tilespmem:v60+s6+$0x0], $0xffff  }
0x5c6: {  	v63 =	vor.u32 v3, v46;
	_ =	sdelay $0x1  }
0x5c7: {  	v41 =	vor.u32 $0xC830, v0;
	[tilespmem:v27+s20+$0x0] =	vst.idx.add.f32.msk $0xffff, v25  }
0x5c8: {  	v27 =	vadd.s32 v41, v57;
	v25 =	vld.idx.msk [tilespmem:v61+s6+$0x0], $0xffff  }
0x5c9: {  	v36 =	vor.u32 v4, v52;
	[tilespmem:v62+s20+$0x0] =	vst.idx.add.f32.msk $0xffff, v33  }
0x5ca: {  	v37 =	vor.u32 v3, v26;
	v33 =	vld.idx.msk [tilespmem:v63+s6+$0x0], $0xffff  }
0x5cb: {  	v38 =	vor.u32 v4, v46;
	_ =	sdelay $0x1  }
0x5cc: {  	v40 =	vor.u32 $0xC840, v0;
	[tilespmem:v27+s20+$0x0] =	vst.idx.add.f32.msk $0xffff, v25  }
0x5cd: {  	v27 =	vadd.s32 v40, v57;
	v25 =	vld.idx.msk [tilespmem:v36+s6+$0x0], $0xffff  }
0x5ce: {  	v44 =	vor.u32 v5, v52;
	[tilespmem:v37+s20+$0x0] =	vst.idx.add.f32.msk $0xffff, v33  }
0x5cf: {  	v47 =	vor.u32 v4, v26;
	v33 =	vld.idx.msk [tilespmem:v38+s6+$0x0], $0xffff  }
0x5d0: {  	v48 =	vor.u32 v5, v46;
	_ =	sdelay $0x1  }
0x5d1: {  	v38 =	vor.u32 $0xC850, v0;
	[tilespmem:v27+s20+$0x0] =	vst.idx.add.f32.msk $0xffff, v25  }
0x5d2: {  	v27 =	vadd.s32 v38, v57;
	v25 =	vld.idx.msk [tilespmem:v44+s6+$0x0], $0xffff  }
0x5d3: {  	v49 =	vor.u32 v6, v52;
	[tilespmem:v47+s20+$0x0] =	vst.idx.add.f32.msk $0xffff, v33  }
0x5d4: {  	s17 =	simm.s32 $0x3;
	v50 =	vor.u32 v5, v26;
	v33 =	vld.idx.msk [tilespmem:v48+s6+$0x0], $0xffff  }
0x5d5: {  	s18 =	simm.s32 $0x2;
	v51 =	vor.u32 v6, v46;
	v47 =	vmov s17  }
0x5d6: {  	v55 =	vadd.s32 $0x28, v47;
	v48 =	vmov s18  }
0x5d7: {  	v36 =	vor.u32 $0xC860, v0;
	v58 =	vadd.s32 $0x28, v48;
	[tilespmem:v27+s20+$0x0] =	vst.idx.add.f32.msk $0xffff, v25  }
0x5d8: {  	v27 =	vadd.s32 v36, v57;
	v25 =	vld.idx.msk [tilespmem:v49+s6+$0x0], $0xffff  }
0x5d9: {  	v53 =	vor.u32 v7, v52;
	[tilespmem:v50+s20+$0x0] =	vst.idx.add.f32.msk $0xffff, v33  }
0x5da: {  	v54 =	vor.u32 v6, v26;
	v33 =	vld.idx.msk [tilespmem:v51+s6+$0x0], $0xffff  }
0x5db: {  	v56 =	vor.u32 v7, v46;
	v60 =	vld.idx.msk [tilespmem:v55+s24+$0x0], $0xffff  }
0x5dc: {  	v61 =	vld.idx.msk [tilespmem:v58+s24+$0x0], $0xffff  }
0x5dd: {  	v39 =	vor.u32 $0xC870, v0;
	[tilespmem:v27+s20+$0x0] =	vst.idx.add.f32.msk $0xffff, v25  }
0x5de: {  	v27 =	vadd.s32 v39, v57;
	v25 =	vld.idx.msk [tilespmem:v53+s6+$0x0], $0xffff  }
0x5df: {  	v59 =	vor.u32 v8, v52;
	[tilespmem:v54+s20+$0x0] =	vst.idx.add.f32.msk $0xffff, v33  }
0x5e0: {  	v26 =	vor.u32 v7, v26;
	v34 =	vld.idx.msk [tilespmem:v56+s6+$0x0], $0xffff  }
0x5e1: {  	s25 =	simm.s32 $0x4;
	v56 =	vor.u32 v8, v46  }
0x5e2: {  	v53 =	vmov s25  }
0x5e3: {  	v37 =	vor.u32 $0xCC00, v0;
	v50 =	vshll.u32 v60, $0x8;
	v49 =	vadd.s32 $0x28, v53;
	[tilespmem:v27+s20+$0x0] =	vst.idx.add.f32.msk $0xffff, v25  }
0x5e4: {  	v58 =	vadd.s32 v37, v57;
	v33 =	vshll.u32 v60, $0x7;
	v62 =	vand.u32 $0xFFFFF800, v50;
	v27 =	vld.idx.msk [tilespmem:v59+s6+$0x0], $0xffff  }
0x5e5: {  	v51 =	vshll.u32 v61, $0x7;
	v33 =	vand.u32 $0x380, v33;
	[tilespmem:v26+s20+$0x0] =	vst.idx.add.f32.msk $0xffff, v34;
	v26 =	vor.u32 v9, v52  }
0x5e6: {  	v35 =	vor.u32 v33, v62;
	v25 =	vadd.s32 v37, v16;
	v59 =	vshll.u32 v61, $0x8;
	v63 =	vld.idx.msk [tilespmem:v56+s6+$0x0], $0xffff  }
0x5e7: {  	v33 =	vor.u32 v9, v46;
	v61 =	vand.u32 $0x380, v51;
	v60 =	vand.u32 $0xFFFFF800, v59  }
0x5e8: {  	v55 =	vld.idx.msk [tilespmem:v49+s24+$0x0], $0xffff;
	v49 =	vor.u32 v0, v35;
	v34 =	vor.u32 v61, v60  }
0x5e9: {  	v44 =	vor.u32 $0xCC10, v0;
	v54 =	vor.u32 v10, v52;
	[tilespmem:v58+s20+$0x0] =	vst.idx.add.f32.msk $0xffff, v27;
	v27 =	vor.u32 v0, v34  }
0x5ea: {  	v62 =	vshll.u32 v47, $0x8;
	v47 =	vshll.u32 v47, $0x7;
	v56 =	vadd.s32 v44, v57;
	v26 =	vld.idx.msk [tilespmem:v26+s6+$0x0], $0xffff  }
0x5eb: {  	v51 =	vshll.u32 v48, $0x8;
	[tilespmem:v25+s20+$0x0] =	vst.idx.add.f32.msk $0xffff, v63;
	v25 =	vand.u32 $0x3800, v62;
	v63 =	vand.u32 $0x380, v47  }
0x5ec: {  	v60 =	vshll.u32 v48, $0x7;
	v61 =	vld.idx.msk [tilespmem:v33+s6+$0x0], $0xffff;
	v32 =	vor.u32 v63, v25;
	v25 =	vadd.s32 v44, v16  }
0x5ed: {  	v49 =	vld.idx.msk [tilespmem:v49+s6+$0x0], $0xffff;
	v62 =	vand.u32 $0x3800, v51;
	v47 =	vand.u32 $0x300, v60;
	v63 =	vadd.s32 v42, v32  }
0x5ee: {  	v58 =	vor.u32 v1, v35;
	v33 =	vor.u32 v47, v62;
	v27 =	vld.idx.msk [tilespmem:v27+s6+$0x0], $0xffff  }
0x5ef: {  	v59 =	vadd.s32 v42, v33;
	[tilespmem:v56+s20+$0x0] =	vst.idx.add.f32.msk $0xffff, v26  }
0x5f0: {  	v47 =	vor.u32 $0xCC20, v0;
	v26 =	vor.u32 v1, v34;
	v50 =	vld.idx.msk [tilespmem:v54+s6+$0x0], $0xffff  }
0x5f1: {  	[tilespmem:v25+s20+$0x0] =	vst.idx.add.f32.msk $0xffff, v61;
	v25 =	vadd.s32 v47, v57  }
0x5f2: {  	v30 =	vor.u32 v10, v46;
	[tilespmem:v63+s20+$0x0] =	vst.idx.add.f32.msk $0xffff, v49  }
0x5f3: {  	v49 =	vor.u32 v11, v52;
	v51 =	vld.idx.msk [tilespmem:v58+s6+$0x0], $0xffff  }
0x5f4: {  	[tilespmem:v59+s20+$0x0] =	vst.idx.add.f32.msk $0xffff, v27;
	v27 =	vadd.s32 v45, v32  }
0x5f5: {  	v31 =	vor.u32 v2, v35;
	v56 =	vadd.s32 $0xC800, v33;
	v26 =	vld.idx.msk [tilespmem:v26+s6+$0x0], $0xffff  }
0x5f6: {  	v60 =	vor.u32 v1, v56;
	[tilespmem:v25+s20+$0x0] =	vst.idx.add.f32.msk $0xffff, v50  }
0x5f7: {  	v25 =	vor.u32 v2, v34;
	v50 =	vld.idx.msk [tilespmem:v30+s6+$0x0], $0xffff  }
0x5f8: {  	v48 =	vor.u32 $0xCC30, v0;
	v30 =	vadd.s32 v47, v16;
	v49 =	vld.idx.msk [tilespmem:v49+s6+$0x0], $0xffff  }
0x5f9: {  	v54 =	vadd.s32 v48, v57;
	[tilespmem:v27+s20+$0x0] =	vst.idx.add.f32.msk $0xffff, v51  }
0x5fa: {  	v27 =	vor.u32 v12, v52;
	v59 =	vld.idx.msk [tilespmem:v31+s6+$0x0], $0xffff  }
0x5fb: {  	[tilespmem:v60+s20+$0x0] =	vst.idx.add.f32.msk $0xffff, v26;
	v26 =	vadd.s32 v43, v32  }
0x5fc: {  	v31 =	vor.u32 v3, v35;
	v25 =	vld.idx.msk [tilespmem:v25+s6+$0x0], $0xffff  }
0x5fd: {  	v61 =	vor.u32 v2, v56;
	[tilespmem:v30+s20+$0x0] =	vst.idx.add.f32.msk $0xffff, v50  }
0x5fe: {  	[tilespmem:v54+s20+$0x0] =	vst.idx.add.f32.msk $0xffff, v49;
	v54 =	vor.u32 v3, v34;
	v49 =	vor.u32 $0xCC40, v0  }
0x5ff: {  	v30 =	vadd.s32 v49, v57;
	v27 =	vld.idx.msk [tilespmem:v27+s6+$0x0], $0xffff  }
0x600: {  	[tilespmem:v26+s20+$0x0] =	vst.idx.add.f32.msk $0xffff, v59;
	v26 =	vor.u32 v13, v52  }
0x601: {  	v63 =	vld.idx.msk [tilespmem:v31+s6+$0x0], $0xffff;
	v31 =	vor.u32 v11, v46  }
0x602: {  	[tilespmem:v61+s20+$0x0] =	vst.idx.add.f32.msk $0xffff, v25;
	v25 =	vadd.s32 v41, v32  }
0x603: {  	v60 =	vor.u32 v4, v35;
	v58 =	vld.idx.msk [tilespmem:v54+s6+$0x0], $0xffff  }
0x604: {  	v54 =	vor.u32 v3, v56;
	[tilespmem:v30+s20+$0x0] =	vst.idx.add.f32.msk $0xffff, v27  }
0x605: {  	v50 =	vor.u32 $0xCC50, v0;
	v27 =	vor.u32 v4, v34;
	v30 =	vld.idx.msk [tilespmem:v26+s6+$0x0], $0xffff  }
0x606: {  	v62 =	vadd.s32 v50, v57;
	v59 =	vld.idx.msk [tilespmem:v31+s6+$0x0], $0xffff  }
0x607: {  	[tilespmem:v25+s20+$0x0] =	vst.idx.add.f32.msk $0xffff, v63;
	v25 =	vor.u32 v14, v52  }
0x608: {  	v31 =	vadd.s32 v48, v16;
	v60 =	vld.idx.msk [tilespmem:v60+s6+$0x0], $0xffff  }
0x609: {  	[tilespmem:v54+s20+$0x0] =	vst.idx.add.f32.msk $0xffff, v58;
	v58 =	vadd.s32 v40, v32  }
0x60a: {  	v54 =	vor.u32 v5, v35;
	v27 =	vld.idx.msk [tilespmem:v27+s6+$0x0], $0xffff  }
0x60b: {  	v26 =	vor.u32 v4, v56;
	[tilespmem:v62+s20+$0x0] =	vst.idx.add.f32.msk $0xffff, v30  }
0x60c: {  	v61 =	vor.u32 v12, v46;
	v25 =	vld.idx.msk [tilespmem:v25+s6+$0x0], $0xffff  }
0x60d: {  	v51 =	vor.u32 $0xCC60, v0;
	v30 =	vor.u32 v5, v34;
	[tilespmem:v31+s20+$0x0] =	vst.idx.add.f32.msk $0xffff, v59  }
0x60e: {  	v31 =	vadd.s32 v51, v57;
	[tilespmem:v58+s20+$0x0] =	vst.idx.add.f32.msk $0xffff, v60  }
0x60f: {  	v58 =	vor.u32 v15, v52;
	v60 =	vld.idx.msk [tilespmem:v54+s6+$0x0], $0xffff  }
0x610: {  	[tilespmem:v26+s20+$0x0] =	vst.idx.add.f32.msk $0xffff, v27;
	v26 =	vadd.s32 v38, v32  }
0x611: {  	v63 =	vor.u32 v6, v35;
	v59 =	vld.idx.msk [tilespmem:v61+s6+$0x0], $0xffff  }
0x612: {  	v54 =	vor.u32 v5, v56;
	v17 =	vld.idx.msk [tilespmem:v30+s6+$0x0], $0xffff  }
0x613: {  	v28 =	vor.u32 v6, v34;
	v52 =	vor.u32 $0xCC70, v0;
	[tilespmem:v31+s20+$0x0] =	vst.idx.add.f32.msk $0xffff, v25  }
0x614: {  	v27 =	vadd.s32 v52, v57;
	v29 =	vld.idx.msk [tilespmem:v58+s6+$0x0], $0xffff  }
0x615: {  	v62 =	vadd.s32 v49, v16;
	[tilespmem:v26+s20+$0x0] =	vst.idx.add.f32.msk $0xffff, v60  }
0x616: {  	v58 =	vld.idx.msk [tilespmem:v63+s6+$0x0], $0xffff;
	v63 =	vor.u32 v13, v46  }
0x617: {  	v25 =	vadd.s32 v36, v32;
	[tilespmem:v54+s20+$0x0] =	vst.idx.add.f32.msk $0xffff, v17  }
0x618: {  	v61 =	vadd.s32 v50, v16;
	v57 =	vadd.s32 v51, v16;
	v26 =	vor.u32 v7, v35;
	v60 =	vld.idx.msk [tilespmem:v28+s6+$0x0], $0xffff  }
0x619: {  	s9 =	simm.s32 $0x5;
	s17 =	simm.s32 $0x6;
	v54 =	vadd.s32 v52, v16;
	[tilespmem:v27+s20+$0x0] =	vst.idx.add.f32.msk $0xffff, v29;
	v27 =	vor.u32 v6, v56  }
.LBB2_20:
0x61a: {  	p3 =	slt.u32 s17, $0x26;
	v28 =	vmov s9;
	v29 =	vor.u32 v7, v34;
	[tilespmem:v62+s20+$0x0] =	vst.idx.add.f32.msk $0xffff, v59  }
0x61b: {  	v59 =	vadd.s32 $0x28, v28;
	v62 =	vld.idx.msk [tilespmem:v63+s6+$0x0], $0xffff  }
0x61c: {  	[tilespmem:v25+s20+$0x0] =	vst.idx.add.f32.msk $0xffff, v58  }
0x61d: {  	v25 =	vld.idx.msk [tilespmem:v26+s6+$0x0], $0xffff;
	v26 =	vor.u32 v14, v46  }
0x61e: {  	[tilespmem:v27+s20+$0x0] =	vst.idx.add.f32.msk $0xffff, v60;
	v27 =	vadd.s32 v39, v32  }
0x61f: {  	v58 =	vor.u32 v8, v35;
	v29 =	vld.idx.msk [tilespmem:v29+s6+$0x0], $0xffff  }
0x620: {  	v56 =	vor.u32 v7, v56;
	v59 =	vld.idx.msk [tilespmem:v59+s24+$0x0], $0xffff  }
0x621: {  	v63 =	vor.u32 v8, v34;
	v60 =	vmov s17;
	[tilespmem:v61+s20+$0x0] =	vst.idx.add.f32.msk $0xffff, v62  }
0x622: {  	v61 =	vadd.s32 $0x28, v60;
	v26 =	vld.idx.msk [tilespmem:v26+s6+$0x0], $0xffff  }
0x623: {  	[tilespmem:v27+s20+$0x0] =	vst.idx.add.f32.msk $0xffff, v25  }
0x624: {  	v25 =	vshll.u32 v53, $0x8;
	v27 =	vld.idx.msk [tilespmem:v58+s6+$0x0], $0xffff;
	v58 =	vor.u32 v15, v46;
	v46 =	vmov v34  }
0x625: {  	v62 =	vshll.u32 v53, $0x7;
	[tilespmem:v56+s20+$0x0] =	vst.idx.add.f32.msk $0xffff, v29;
	v29 =	vadd.s32 v37, v33;
	v56 =	vadd.s32 v37, v32  }
0x626: {  	v30 =	vor.u32 v9, v35;
	v53 =	vmovc v60;
	v34 =	vshll.u32 v59, $0x8;
	v59 =	vshll.u32 v59, $0x7;
	v63 =	vld.idx.msk [tilespmem:v63+s6+$0x0], $0xffff  }
0x627: {  	v34 =	vand.u32 $0xFFFFF800, v34;
	v59 =	vand.u32 $0x380, v59;
	v60 =	vld.idx.msk [tilespmem:v61+s24+$0x0], $0xffff;
	v61 =	vshll.u32 v55, $0x8  }
0x628: {  	v31 =	vor.u32 v9, v46;
	v55 =	vshll.u32 v55, $0x7;
	v59 =	vor.u32 v59, v34;
	[tilespmem:v57+s20+$0x0] =	vst.idx.add.f32.msk $0xffff, v26  }
0x629: {  	v26 =	vand.u32 $0xFFFFF800, v61;
	v34 =	vand.u32 $0x380, v55;
	v57 =	vor.u32 v0, v59;
	v61 =	vld.idx.msk [tilespmem:v58+s6+$0x0], $0xffff  }
0x62a: {  	v25 =	vand.u32 $0x3800, v25;
	v34 =	vor.u32 v34, v26;
	v26 =	vand.u32 $0x300, v62;
	[tilespmem:v56+s20+$0x0] =	vst.idx.add.f32.msk $0xffff, v27  }
0x62b: {  	v27 =	vor.u32 v0, v34;
	v58 =	vor.u32 v26, v25;
	v25 =	vld.idx.msk [tilespmem:v30+s6+$0x0], $0xffff  }
0x62c: {  	v26 =	vshll.u32 v28, $0x8;
	v28 =	vshll.u32 v28, $0x7;
	[tilespmem:v29+s20+$0x0] =	vst.idx.add.f32.msk $0xffff, v63;
	v29 =	vadd.s32 v44, v32  }
0x62d: {  	v26 =	vand.u32 $0x3800, v26;
	v28 =	vand.u32 $0x380, v28;
	v55 =	vmovc v60;
	v30 =	vld.idx.msk [tilespmem:v31+s6+$0x0], $0xffff;
	v31 =	vor.u32 v10, v35  }
0x62e: {  	v60 =	vor.u32 v28, v26;
	v26 =	vadd.s32 v44, v33;
	v56 =	vld.idx.msk [tilespmem:v57+s6+$0x0], $0xffff  }
0x62f: {  	v28 =	vadd.s32 v42, v58;
	v57 =	vadd.s32 v42, v60;
	[tilespmem:v54+s20+$0x0] =	vst.idx.add.f32.msk $0xffff, v61  }
0x630: {  	v54 =	vor.u32 v1, v59;
	v27 =	vld.idx.msk [tilespmem:v27+s6+$0x0], $0xffff  }
0x631: {  	[tilespmem:v29+s20+$0x0] =	vst.idx.add.f32.msk $0xffff, v25  }
0x632: {  	v25 =	vor.u32 v1, v34;
	v29 =	vld.idx.msk [tilespmem:v31+s6+$0x0], $0xffff  }
0x633: {  	[tilespmem:v26+s20+$0x0] =	vst.idx.add.f32.msk $0xffff, v30;
	v26 =	vadd.s32 v47, v33;
	v30 =	vadd.s32 v47, v32  }
0x634: {  	v31 =	vor.u32 v11, v35;
	[tilespmem:v57+s20+$0x0] =	vst.idx.add.f32.msk $0xffff, v56  }
0x635: {  	v57 =	vor.u32 v10, v46;
	v54 =	vld.idx.msk [tilespmem:v54+s6+$0x0], $0xffff  }
0x636: {  	[tilespmem:v28+s20+$0x0] =	vst.idx.add.f32.msk $0xffff, v27;
	v27 =	vadd.s32 v45, v60  }
0x637: {  	v56 =	vadd.s32 $0xC800, v58;
	v28 =	vor.u32 v2, v59;
	v25 =	vld.idx.msk [tilespmem:v25+s6+$0x0], $0xffff  }
0x638: {  	v61 =	vor.u32 v1, v56;
	[tilespmem:v30+s20+$0x0] =	vst.idx.add.f32.msk $0xffff, v29  }
0x639: {  	v29 =	vor.u32 v2, v34;
	v30 =	vld.idx.msk [tilespmem:v31+s6+$0x0], $0xffff  }
0x63a: {  	v62 =	vadd.s32 v48, v32;
	v31 =	vld.idx.msk [tilespmem:v57+s6+$0x0], $0xffff;
	v57 =	vadd.s32 v48, v33  }
0x63b: {  	[tilespmem:v27+s20+$0x0] =	vst.idx.add.f32.msk $0xffff, v54;
	v27 =	vor.u32 v12, v35  }
0x63c: {  	v28 =	vld.idx.msk [tilespmem:v28+s6+$0x0], $0xffff  }
0x63d: {  	[tilespmem:v61+s20+$0x0] =	vst.idx.add.f32.msk $0xffff, v25;
	v25 =	vadd.s32 v43, v60  }
0x63e: {  	v54 =	vor.u32 v3, v59;
	v29 =	vld.idx.msk [tilespmem:v29+s6+$0x0], $0xffff  }
0x63f: {  	v61 =	vor.u32 v2, v56;
	[tilespmem:v62+s20+$0x0] =	vst.idx.add.f32.msk $0xffff, v30  }
0x640: {  	v30 =	vor.u32 v3, v34;
	v27 =	vld.idx.msk [tilespmem:v27+s6+$0x0], $0xffff  }
0x641: {  	v62 =	vadd.s32 v49, v33;
	[tilespmem:v26+s20+$0x0] =	vst.idx.add.f32.msk $0xffff, v31;
	v26 =	vadd.s32 v49, v32  }
0x642: {  	[tilespmem:v25+s20+$0x0] =	vst.idx.add.f32.msk $0xffff, v28;
	v25 =	vor.u32 v13, v35  }
0x643: {  	v31 =	vor.u32 v11, v46;
	v28 =	vld.idx.msk [tilespmem:v54+s6+$0x0], $0xffff  }
0x644: {  	[tilespmem:v61+s20+$0x0] =	vst.idx.add.f32.msk $0xffff, v29;
	v29 =	vadd.s32 v41, v60  }
0x645: {  	v54 =	vor.u32 v4, v59;
	v30 =	vld.idx.msk [tilespmem:v30+s6+$0x0], $0xffff  }
0x646: {  	v63 =	vor.u32 v3, v56;
	[tilespmem:v26+s20+$0x0] =	vst.idx.add.f32.msk $0xffff, v27  }
0x647: {  	v26 =	vor.u32 v4, v34;
	v25 =	vld.idx.msk [tilespmem:v25+s6+$0x0], $0xffff  }
0x648: {  	v61 =	vadd.s32 v50, v33;
	v27 =	vld.idx.msk [tilespmem:v31+s6+$0x0], $0xffff;
	v31 =	vadd.s32 v50, v32  }
0x649: {  	[tilespmem:v29+s20+$0x0] =	vst.idx.add.f32.msk $0xffff, v28;
	v28 =	vor.u32 v14, v35  }
0x64a: {  	v29 =	vld.idx.msk [tilespmem:v54+s6+$0x0], $0xffff  }
0x64b: {  	[tilespmem:v63+s20+$0x0] =	vst.idx.add.f32.msk $0xffff, v30;
	v30 =	vadd.s32 v40, v60  }
0x64c: {  	v54 =	vor.u32 v5, v59;
	v26 =	vld.idx.msk [tilespmem:v26+s6+$0x0], $0xffff  }
0x64d: {  	v63 =	vor.u32 v4, v56;
	[tilespmem:v31+s20+$0x0] =	vst.idx.add.f32.msk $0xffff, v25  }
0x64e: {  	v25 =	vor.u32 v5, v34;
	v28 =	vld.idx.msk [tilespmem:v28+s6+$0x0], $0xffff  }
0x64f: {  	[tilespmem:v57+s20+$0x0] =	vst.idx.add.f32.msk $0xffff, v27;
	v57 =	vadd.s32 v51, v33;
	v27 =	vadd.s32 v51, v32  }
0x650: {  	[tilespmem:v30+s20+$0x0] =	vst.idx.add.f32.msk $0xffff, v29;
	v29 =	vor.u32 v15, v35;
	v35 =	vmov v59  }
0x651: {  	v31 =	vor.u32 v12, v46;
	v30 =	vld.idx.msk [tilespmem:v54+s6+$0x0], $0xffff  }
0x652: {  	[tilespmem:v63+s20+$0x0] =	vst.idx.add.f32.msk $0xffff, v26;
	v26 =	vadd.s32 v38, v60  }
0x653: {  	v63 =	vor.u32 v6, v35;
	v25 =	vld.idx.msk [tilespmem:v25+s6+$0x0], $0xffff  }
0x654: {  	v16 =	vor.u32 v5, v56;
	[tilespmem:v27+s20+$0x0] =	vst.idx.add.f32.msk $0xffff, v28  }
0x655: {  	v27 =	vor.u32 v6, v34;
	v28 =	vld.idx.msk [tilespmem:v29+s6+$0x0], $0xffff  }
0x656: {  	v54 =	vadd.s32 v52, v33;
	v33 =	vmovc v58;
	v29 =	vadd.s32 v52, v32;
	v32 =	vmov v60;
	v59 =	vld.idx.msk [tilespmem:v31+s6+$0x0], $0xffff  }
.Ltmp14:
0x657: {  	[tilespmem:v26+s20+$0x0] =	vst.idx.add.f32.msk $0xffff, v30;
	(pc) =	sbr.rel @p3 .LBB2_20-.Ltmp14, $4  }
0x658: {  	v58 =	vld.idx.msk [tilespmem:v63+s6+$0x0], $0xffff;
	v63 =	vor.u32 v13, v46  }
0x659: {  	[tilespmem:v16+s20+$0x0] =	vst.idx.add.f32.msk $0xffff, v25;
	v25 =	vadd.s32 v36, v32  }
0x65a: {  	v26 =	vor.u32 v7, v35;
	v60 =	vld.idx.msk [tilespmem:v27+s6+$0x0], $0xffff  }
0x65b: {  	s9 =	sadd.s32 $0x1, s17;
	s17 =	sadd.s32 $0x2, s17;
	v27 =	vor.u32 v6, v56;
	[tilespmem:v29+s20+$0x0] =	vst.idx.add.f32.msk $0xffff, v28  }
0x65c: {  	v16 =	vmov s9  }
0x65d: {  	v28 =	vadd.s32 $0x28, v16;
	_ =	sdelay $0x4  }
0x65e: {  	v28 =	vld.idx.msk [tilespmem:v28+s24+$0x0], $0xffff  }
0x65f: {  	v29 =	vor.u32 v7, v34;
	[tilespmem:v62+s20+$0x0] =	vst.idx.add.f32.msk $0xffff, v59  }
0x660: {  	v30 =	vld.idx.msk [tilespmem:v63+s6+$0x0], $0xffff  }
0x661: {  	[tilespmem:v25+s20+$0x0] =	vst.idx.add.f32.msk $0xffff, v58;
	v25 =	vor.u32 v14, v46  }
0x662: {  	v31 =	vadd.s32 v39, v32;
	v59 =	vshll.u32 v55, $0x8;
	v58 =	vor.u32 v8, v35;
	v26 =	vld.idx.msk [tilespmem:v26+s6+$0x0], $0xffff  }
0x663: {  	[tilespmem:v27+s20+$0x0] =	vst.idx.add.f32.msk $0xffff, v60;
	v27 =	vor.u32 v7, v56;
	v62 =	vshll.u32 v28, $0x8;
	v28 =	vshll.u32 v28, $0x7  }
0x664: {  	v60 =	vshll.u32 v55, $0x7;
	v29 =	vld.idx.msk [tilespmem:v29+s6+$0x0], $0xffff;
	v56 =	vand.u32 $0xFFFFF800, v62;
	v28 =	vand.u32 $0x380, v28  }
0x665: {  	[tilespmem:v61+s20+$0x0] =	vst.idx.add.f32.msk $0xffff, v30;
	v30 =	vand.u32 $0x380, v60;
	v60 =	vor.u32 v8, v34;
	v55 =	vor.u32 v28, v56  }
0x666: {  	v25 =	vld.idx.msk [tilespmem:v25+s6+$0x0], $0xffff;
	v28 =	vand.u32 $0xFFFFF800, v59;
	v59 =	vor.u32 v0, v55  }
0x667: {  	v63 =	vshll.u32 v53, $0x8;
	v61 =	vor.u32 v15, v46;
	[tilespmem:v31+s20+$0x0] =	vst.idx.add.f32.msk $0xffff, v26;
	v56 =	vor.u32 v30, v28  }
0x668: {  	v31 =	vld.idx.msk [tilespmem:v58+s6+$0x0], $0xffff;
	v28 =	vshll.u32 v16, $0x8;
	v16 =	vshll.u32 v16, $0x7;
	v26 =	vor.u32 v0, v56  }
0x669: {  	[tilespmem:v27+s20+$0x0] =	vst.idx.add.f32.msk $0xffff, v29;
	v62 =	vshll.u32 v53, $0x7;
	v28 =	vand.u32 $0x3800, v28;
	v16 =	vand.u32 $0x380, v16  }
0x66a: {  	v27 =	vand.u32 $0x300, v62;
	v62 =	vadd.s32 v37, v33;
	v30 =	vld.idx.msk [tilespmem:v60+s6+$0x0], $0xffff;
	v46 =	vor.u32 v16, v28  }
0x66b: {  	v16 =	vand.u32 $0x3800, v63;
	v29 =	vadd.s32 v42, v46;
	v28 =	vld.idx.msk [tilespmem:v59+s6+$0x0], $0xffff  }
0x66c: {  	[tilespmem:v57+s20+$0x0] =	vst.idx.add.f32.msk $0xffff, v25;
	v53 =	vor.u32 v27, v16;
	v16 =	vor.u32 v1, v55  }
0x66d: {  	v27 =	vadd.s32 v42, v53;
	v26 =	vld.idx.msk [tilespmem:v26+s6+$0x0], $0xffff  }
0x66e: {  	v25 =	vor.u32 v1, v56;
	v42 =	vld.idx.msk [tilespmem:v61+s6+$0x0], $0xffff  }
0x66f: {  	v63 =	vadd.s32 v37, v32;
	[tilespmem:v62+s20+$0x0] =	vst.idx.add.f32.msk $0xffff, v30  }
0x670: {  	v60 =	vor.u32 v9, v35;
	[tilespmem:v29+s20+$0x0] =	vst.idx.add.f32.msk $0xffff, v28  }
0x671: {  	v28 =	vadd.s32 v45, v46;
	v16 =	vld.idx.msk [tilespmem:v16+s6+$0x0], $0xffff  }
0x672: {  	[tilespmem:v27+s20+$0x0] =	vst.idx.add.f32.msk $0xffff, v26;
	v26 =	vadd.s32 $0xC800, v53;
	v27 =	vor.u32 v2, v55  }
0x673: {  	v25 =	vld.idx.msk [tilespmem:v25+s6+$0x0], $0xffff;
	v29 =	vor.u32 v1, v26  }
0x674: {  	v61 =	vor.u32 v2, v56;
	[tilespmem:v63+s20+$0x0] =	vst.idx.add.f32.msk $0xffff, v31  }
0x675: {  	v57 =	vld.idx.msk [tilespmem:v60+s6+$0x0], $0xffff;
	v60 =	vadd.s32 v44, v32  }
0x676: {  	v63 =	vor.u32 v9, v34;
	[tilespmem:v28+s20+$0x0] =	vst.idx.add.f32.msk $0xffff, v16  }
0x677: {  	v16 =	vld.idx.msk [tilespmem:v27+s6+$0x0], $0xffff;
	v27 =	vadd.s32 v43, v46  }
0x678: {  	[tilespmem:v29+s20+$0x0] =	vst.idx.add.f32.msk $0xffff, v25;
	v25 =	vor.u32 v3, v55  }
0x679: {  	v29 =	vor.u32 v2, v26;
	v28 =	vld.idx.msk [tilespmem:v61+s6+$0x0], $0xffff  }
0x67a: {  	v59 =	vor.u32 v3, v56;
	[tilespmem:v60+s20+$0x0] =	vst.idx.add.f32.msk $0xffff, v57  }
0x67b: {  	v62 =	vor.u32 v10, v35;
	v61 =	vld.idx.msk [tilespmem:v63+s6+$0x0], $0xffff  }
0x67c: {  	v57 =	vadd.s32 v44, v33;
	[tilespmem:v27+s20+$0x0] =	vst.idx.add.f32.msk $0xffff, v16  }
0x67d: {  	v16 =	vld.idx.msk [tilespmem:v25+s6+$0x0], $0xffff;
	v25 =	vadd.s32 v41, v46  }
0x67e: {  	v27 =	vor.u32 v4, v55;
	[tilespmem:v29+s20+$0x0] =	vst.idx.add.f32.msk $0xffff, v28  }
0x67f: {  	v29 =	vor.u32 v3, v26;
	v28 =	vld.idx.msk [tilespmem:v59+s6+$0x0], $0xffff  }
0x680: {  	v58 =	vld.idx.msk [tilespmem:v62+s6+$0x0], $0xffff;
	v63 =	vor.u32 v4, v56  }
0x681: {  	[tilespmem:v57+s20+$0x0] =	vst.idx.add.f32.msk $0xffff, v61;
	v59 =	vadd.s32 v47, v32  }
0x682: {  	v61 =	vor.u32 v11, v35;
	[tilespmem:v25+s20+$0x0] =	vst.idx.add.f32.msk $0xffff, v16  }
0x683: {  	v25 =	vadd.s32 v40, v46;
	v16 =	vld.idx.msk [tilespmem:v27+s6+$0x0], $0xffff  }
0x684: {  	[tilespmem:v29+s20+$0x0] =	vst.idx.add.f32.msk $0xffff, v28;
	v27 =	vor.u32 v5, v55  }
0x685: {  	v29 =	vor.u32 v4, v26;
	v28 =	vld.idx.msk [tilespmem:v63+s6+$0x0], $0xffff  }
0x686: {  	v60 =	vor.u32 v5, v56;
	[tilespmem:v59+s20+$0x0] =	vst.idx.add.f32.msk $0xffff, v58  }
0x687: {  	v62 =	vor.u32 v10, v34;
	v63 =	vld.idx.msk [tilespmem:v61+s6+$0x0], $0xffff  }
0x688: {  	v58 =	vadd.s32 v48, v32;
	[tilespmem:v25+s20+$0x0] =	vst.idx.add.f32.msk $0xffff, v16  }
0x689: {  	v25 =	vadd.s32 v38, v46;
	v16 =	vld.idx.msk [tilespmem:v27+s6+$0x0], $0xffff  }
0x68a: {  	[tilespmem:v29+s20+$0x0] =	vst.idx.add.f32.msk $0xffff, v28;
	v27 =	vor.u32 v6, v55  }
0x68b: {  	v29 =	vor.u32 v5, v26;
	v28 =	vld.idx.msk [tilespmem:v60+s6+$0x0], $0xffff  }
0x68c: {  	v45 =	vor.u32 v6, v56;
	v57 =	vld.idx.msk [tilespmem:v62+s6+$0x0], $0xffff  }
0x68d: {  	v61 =	vadd.s32 v47, v33;
	[tilespmem:v58+s20+$0x0] =	vst.idx.add.f32.msk $0xffff, v63  }
0x68e: {  	v59 =	vor.u32 v12, v35;
	[tilespmem:v25+s20+$0x0] =	vst.idx.add.f32.msk $0xffff, v16  }
0x68f: {  	v25 =	vadd.s32 v36, v46;
	v16 =	vld.idx.msk [tilespmem:v27+s6+$0x0], $0xffff  }
0x690: {  	[tilespmem:v29+s20+$0x0] =	vst.idx.add.f32.msk $0xffff, v28;
	v27 =	vor.u32 v7, v55  }
0x691: {  	v29 =	vor.u32 v6, v26;
	v28 =	vld.idx.msk [tilespmem:v45+s6+$0x0], $0xffff  }
0x692: {  	[tilespmem:v61+s20+$0x0] =	vst.idx.add.f32.msk $0xffff, v57;
	v60 =	vor.u32 v7, v56  }
0x693: {  	v40 =	vor.u32 v11, v34;
	v62 =	vld.idx.msk [tilespmem:v59+s6+$0x0], $0xffff  }
0x694: {  	v63 =	vadd.s32 v49, v32;
	[tilespmem:v25+s20+$0x0] =	vst.idx.add.f32.msk $0xffff, v16  }
0x695: {  	v25 =	vadd.s32 v39, v46;
	v16 =	vld.idx.msk [tilespmem:v27+s6+$0x0], $0xffff  }
0x696: {  	[tilespmem:v29+s20+$0x0] =	vst.idx.add.f32.msk $0xffff, v28;
	v27 =	vor.u32 v8, v55  }
0x697: {  	v26 =	vor.u32 v7, v26;
	v28 =	vld.idx.msk [tilespmem:v60+s6+$0x0], $0xffff  }
0x698: {  	v31 =	vld.idx.msk [tilespmem:v40+s6+$0x0], $0xffff;
	v29 =	vor.u32 v8, v56  }
0x699: {  	v57 =	vadd.s32 v48, v33;
	[tilespmem:v63+s20+$0x0] =	vst.idx.add.f32.msk $0xffff, v62  }
0x69a: {  	v39 =	vor.u32 v13, v35;
	[tilespmem:v25+s20+$0x0] =	vst.idx.add.f32.msk $0xffff, v16  }
0x69b: {  	v25 =	vadd.s32 v37, v46;
	v16 =	vld.idx.msk [tilespmem:v27+s6+$0x0], $0xffff  }
0x69c: {  	[tilespmem:v26+s20+$0x0] =	vst.idx.add.f32.msk $0xffff, v28;
	v26 =	vor.u32 v9, v55  }
0x69d: {  	v27 =	vadd.s32 v37, v53;
	v28 =	vld.idx.msk [tilespmem:v29+s6+$0x0], $0xffff  }
0x69e: {  	v41 =	vor.u32 v9, v56;
	[tilespmem:v57+s20+$0x0] =	vst.idx.add.f32.msk $0xffff, v31  }
0x69f: {  	v43 =	vadd.s32 v50, v32;
	v29 =	vld.idx.msk [tilespmem:v39+s6+$0x0], $0xffff  }
0x6a0: {  	v60 =	vor.u32 v12, v34;
	[tilespmem:v25+s20+$0x0] =	vst.idx.add.f32.msk $0xffff, v16  }
0x6a1: {  	v25 =	vadd.s32 v44, v46;
	v16 =	vld.idx.msk [tilespmem:v26+s6+$0x0], $0xffff  }
0x6a2: {  	[tilespmem:v27+s20+$0x0] =	vst.idx.add.f32.msk $0xffff, v28;
	v26 =	vor.u32 v10, v55  }
0x6a3: {  	v28 =	vadd.s32 v44, v53;
	v27 =	vld.idx.msk [tilespmem:v41+s6+$0x0], $0xffff  }
0x6a4: {  	[tilespmem:v43+s20+$0x0] =	vst.idx.add.f32.msk $0xffff, v29;
	v29 =	vor.u32 v10, v56  }
0x6a5: {  	v31 =	vld.idx.msk [tilespmem:v60+s6+$0x0], $0xffff  }
0x6a6: {  	v62 =	vadd.s32 v49, v33;
	[tilespmem:v25+s20+$0x0] =	vst.idx.add.f32.msk $0xffff, v16  }
0x6a7: {  	v25 =	vadd.s32 v47, v46;
	v16 =	vld.idx.msk [tilespmem:v26+s6+$0x0], $0xffff  }
0x6a8: {  	[tilespmem:v28+s20+$0x0] =	vst.idx.add.f32.msk $0xffff, v27;
	v26 =	vor.u32 v11, v55  }
0x6a9: {  	v27 =	vadd.s32 v47, v53;
	v28 =	vld.idx.msk [tilespmem:v29+s6+$0x0], $0xffff  }
0x6aa: {  	v29 =	vor.u32 v11, v56  }
0x6ab: {  	v63 =	vor.u32 v13, v34;
	[tilespmem:v62+s20+$0x0] =	vst.idx.add.f32.msk $0xffff, v31  }
0x6ac: {  	v45 =	vor.u32 v14, v35;
	[tilespmem:v25+s20+$0x0] =	vst.idx.add.f32.msk $0xffff, v16  }
0x6ad: {  	v25 =	vadd.s32 v48, v46;
	v16 =	vld.idx.msk [tilespmem:v26+s6+$0x0], $0xffff  }
0x6ae: {  	v26 =	vor.u32 v12, v55;
	[tilespmem:v27+s20+$0x0] =	vst.idx.add.f32.msk $0xffff, v28  }
0x6af: {  	v27 =	vadd.s32 v48, v53;
	v28 =	vld.idx.msk [tilespmem:v29+s6+$0x0], $0xffff  }
0x6b0: {  	v61 =	vor.u32 v12, v56;
	v59 =	vor.u32 v15, v35;
	v35 =	vld.idx.msk [tilespmem:v63+s6+$0x0], $0xffff  }
0x6b1: {  	v36 =	vld.idx.msk [tilespmem:v45+s6+$0x0], $0xffff;
	v41 =	vadd.s32 v50, v33  }
0x6b2: {  	v43 =	vor.u32 v14, v34;
	[tilespmem:v25+s20+$0x0] =	vst.idx.add.f32.msk $0xffff, v16  }
0x6b3: {  	v25 =	vadd.s32 v49, v46;
	v16 =	vld.idx.msk [tilespmem:v26+s6+$0x0], $0xffff  }
0x6b4: {  	v26 =	vor.u32 v13, v55;
	[tilespmem:v27+s20+$0x0] =	vst.idx.add.f32.msk $0xffff, v28  }
0x6b5: {  	v27 =	vadd.s32 v49, v53;
	v28 =	vld.idx.msk [tilespmem:v61+s6+$0x0], $0xffff  }
0x6b6: {  	v40 =	vor.u32 v13, v56;
	[tilespmem:v41+s20+$0x0] =	vst.idx.add.f32.msk $0xffff, v35  }
0x6b7: {  	v58 =	vadd.s32 v51, v32;
	v35 =	vld.idx.msk [tilespmem:v43+s6+$0x0], $0xffff  }
0x6b8: {  	v45 =	vadd.s32 v51, v33;
	[tilespmem:v25+s20+$0x0] =	vst.idx.add.f32.msk $0xffff, v16  }
0x6b9: {  	v25 =	vadd.s32 v50, v46;
	v16 =	vld.idx.msk [tilespmem:v26+s6+$0x0], $0xffff  }
0x6ba: {  	v26 =	vor.u32 v14, v55;
	[tilespmem:v27+s20+$0x0] =	vst.idx.add.f32.msk $0xffff, v28  }
0x6bb: {  	v27 =	vadd.s32 v50, v53;
	v28 =	vld.idx.msk [tilespmem:v40+s6+$0x0], $0xffff  }
0x6bc: {  	v44 =	vor.u32 v14, v56;
	[tilespmem:v58+s20+$0x0] =	vst.idx.add.f32.msk $0xffff, v36  }
0x6bd: {  	[tilespmem:v45+s20+$0x0] =	vst.idx.add.f32.msk $0xffff, v35  }
0x6be: {  	v47 =	vor.u32 v15, v34;
	[tilespmem:v25+s20+$0x0] =	vst.idx.add.f32.msk $0xffff, v16  }
0x6bf: {  	v25 =	vadd.s32 v51, v46;
	v16 =	vld.idx.msk [tilespmem:v26+s6+$0x0], $0xffff  }
0x6c0: {  	v26 =	vor.u32 v15, v55;
	[tilespmem:v27+s20+$0x0] =	vst.idx.add.f32.msk $0xffff, v28  }
0x6c1: {  	v27 =	vadd.s32 v51, v53;
	v28 =	vld.idx.msk [tilespmem:v44+s6+$0x0], $0xffff  }
0x6c2: {  	v48 =	vor.u32 v15, v56;
	v29 =	vld.idx.msk [tilespmem:v59+s6+$0x0], $0xffff  }
0x6c3: {  	v31 =	vld.idx.msk [tilespmem:v47+s6+$0x0], $0xffff  }
0x6c4: {  	v49 =	vadd.s32 v52, v32;
	[tilespmem:v25+s20+$0x0] =	vst.idx.add.f32.msk $0xffff, v16  }
0x6c5: {  	v16 =	vadd.s32 v52, v33;
	v25 =	vld.idx.msk [tilespmem:v26+s6+$0x0], $0xffff  }
0x6c6: {  	v26 =	vadd.s32 v52, v46;
	[tilespmem:v27+s20+$0x0] =	vst.idx.add.f32.msk $0xffff, v28  }
0x6c7: {  	s18 =	simm.s32 $0x1;
	v27 =	vadd.s32 v52, v53;
	v28 =	vld.idx.msk [tilespmem:v48+s6+$0x0], $0xffff  }
0x6c8: {  	s13 =	smul.u32 $0xA000, s13;
	[tilespmem:v54+s20+$0x0] =	vst.idx.add.f32.msk $0xffff, v42;
	v50 =	vmov s18  }
0x6c9: {  	s25 =	simm.s32 $0x0;
	[tilespmem:v49+s20+$0x0] =	vst.idx.add.f32.msk $0xffff, v29;
	v29 =	vadd.s32 $0x50, v50  }
0x6ca: {  	s13 =	sshrl.u32 s13, $0x3;
	[tilespmem:v16+s20+$0x0] =	vst.idx.add.f32.msk $0xffff, v31;
	v16 =	vmov s25  }
0x6cb: {  	s13 =	sadd.s32 s5, s13;
	[tilespmem:v26+s20+$0x0] =	vst.idx.add.f32.msk $0xffff, v25;
	v25 =	vadd.s32 $0x50, v16  }
0x6cc: {  	s17 =	sadd.s32 $0x500, s13;
	[tilespmem:v27+s20+$0x0] =	vst.idx.add.f32.msk $0xffff, v28  }
0x6cd: {  	[hbm4b:s17+s25] =	stream.linear.scatter [tilespmem:s28], [sflag:$0x6], $0x2800, $0x38;
	[tilespmem:$0x1DA00] =	vst v63  }
0x6ce: {  	v26 =	vld.idx.msk [tilespmem:v29+s24+$0x0], $0xffff;
	_ =	sdelay $0x1  }
0x6cf: {  	v25 =	vld.idx.msk [tilespmem:v25+s24+$0x0], $0xffff;
	_ =	sdelay $0x2  }
0x6d0: {  	v27 =	vshll.u32 v26, $0x8;
	v26 =	vshll.u32 v26, $0x7  }
0x6d1: {  	v27 =	vand.u32 $0xFFFFF800, v27;
	v26 =	vand.u32 $0x380, v26  }
0x6d2: {  	v28 =	vshll.u32 v25, $0x8;
	v25 =	vshll.u32 v25, $0x7;
	v52 =	vor.u32 v26, v27  }
0x6d3: {  	v26 =	vand.u32 $0xFFFFF800, v28;
	v25 =	vand.u32 $0x380, v25;
	v27 =	vor.u32 v0, v52  }
0x6d4: {  	v46 =	vor.u32 v25, v26  }
0x6d5: {  	v28 =	vshll.u32 v50, $0x7;
	v26 =	vshll.u32 v50, $0x8;
	v25 =	vor.u32 v0, v46  }
0x6d6: {  	v42 =	vor.u32 $0xF000, v0;
	v28 =	vand.u32 $0x380, v28;
	v26 =	vand.u32 $0x3800, v26  }
0x6d7: {  	v29 =	vshll.u32 v16, $0x8;
	v16 =	vshll.u32 v16, $0x7;
	v57 =	vor.u32 v28, v26  }
0x6d8: {  	v16 =	vand.u32 $0x300, v16;
	v26 =	vand.u32 $0x3800, v29;
	v28 =	vadd.s32 v42, v57;
	v27 =	vld.idx.msk [tilespmem:v27+s6+$0x0], $0xffff  }
0x6d9: {  	v54 =	vor.u32 v16, v26;
	v16 =	vor.u32 v1, v52  }
0x6da: {  	v26 =	vadd.s32 v42, v54;
	v25 =	vld.idx.msk [tilespmem:v25+s6+$0x0], $0xffff  }
0x6db: {  	v29 =	vor.u32 v1, v46;
	_ =	sdelay $0x1  }
0x6dc: {  	v45 =	vor.u32 $0xF010, v0;
	[tilespmem:v28+s20+$0x0] =	vst.idx.add.f32.msk $0xffff, v27  }
0x6dd: {  	v27 =	vadd.s32 v45, v57;
	v16 =	vld.idx.msk [tilespmem:v16+s6+$0x0], $0xffff  }
0x6de: {  	[tilespmem:v26+s20+$0x0] =	vst.idx.add.f32.msk $0xffff, v25;
	v25 =	vadd.s32 $0xF000, v54;
	v26 =	vor.u32 v2, v52  }
0x6df: {  	v28 =	vld.idx.msk [tilespmem:v29+s6+$0x0], $0xffff;
	v29 =	vor.u32 v1, v25  }
0x6e0: {  	v55 =	vor.u32 v2, v46;
	_ =	sdelay $0x1  }
0x6e1: {  	v43 =	vor.u32 $0xF020, v0;
	[tilespmem:v27+s20+$0x0] =	vst.idx.add.f32.msk $0xffff, v16  }
0x6e2: {  	v16 =	vld.idx.msk [tilespmem:v26+s6+$0x0], $0xffff;
	v26 =	vadd.s32 v43, v57  }
0x6e3: {  	v27 =	vor.u32 v3, v52;
	[tilespmem:v29+s20+$0x0] =	vst.idx.add.f32.msk $0xffff, v28  }
0x6e4: {  	v29 =	vor.u32 v2, v25;
	v28 =	vld.idx.msk [tilespmem:v55+s6+$0x0], $0xffff  }
0x6e5: {  	v56 =	vor.u32 v3, v46;
	_ =	sdelay $0x1  }
0x6e6: {  	v41 =	vor.u32 $0xF030, v0;
	[tilespmem:v26+s20+$0x0] =	vst.idx.add.f32.msk $0xffff, v16  }
0x6e7: {  	v26 =	vadd.s32 v41, v57;
	v16 =	vld.idx.msk [tilespmem:v27+s6+$0x0], $0xffff  }
0x6e8: {  	v27 =	vor.u32 v4, v52;
	[tilespmem:v29+s20+$0x0] =	vst.idx.add.f32.msk $0xffff, v28  }
0x6e9: {  	v29 =	vor.u32 v3, v25;
	v28 =	vld.idx.msk [tilespmem:v56+s6+$0x0], $0xffff  }
0x6ea: {  	v58 =	vor.u32 v4, v46;
	_ =	sdelay $0x1  }
0x6eb: {  	v40 =	vor.u32 $0xF040, v0;
	[tilespmem:v26+s20+$0x0] =	vst.idx.add.f32.msk $0xffff, v16  }
0x6ec: {  	v26 =	vadd.s32 v40, v57;
	v16 =	vld.idx.msk [tilespmem:v27+s6+$0x0], $0xffff  }
0x6ed: {  	v27 =	vor.u32 v5, v52;
	[tilespmem:v29+s20+$0x0] =	vst.idx.add.f32.msk $0xffff, v28  }
0x6ee: {  	v29 =	vor.u32 v4, v25;
	v28 =	vld.idx.msk [tilespmem:v58+s6+$0x0], $0xffff  }
0x6ef: {  	v59 =	vor.u32 v5, v46;
	_ =	sdelay $0x1  }
0x6f0: {  	v38 =	vor.u32 $0xF050, v0;
	[tilespmem:v26+s20+$0x0] =	vst.idx.add.f32.msk $0xffff, v16  }
0x6f1: {  	v26 =	vadd.s32 v38, v57;
	v16 =	vld.idx.msk [tilespmem:v27+s6+$0x0], $0xffff  }
0x6f2: {  	v27 =	vor.u32 v6, v52;
	[tilespmem:v29+s20+$0x0] =	vst.idx.add.f32.msk $0xffff, v28  }
0x6f3: {  	v29 =	vor.u32 v5, v25;
	v28 =	vld.idx.msk [tilespmem:v59+s6+$0x0], $0xffff  }
0x6f4: {  	s18 =	simm.s32 $0x2;
	v60 =	vor.u32 v6, v46  }
0x6f5: {  	v63 =	vmov s18  }
0x6f6: {  	v36 =	vor.u32 $0xF060, v0;
	v47 =	vadd.s32 $0x50, v63;
	[tilespmem:v26+s20+$0x0] =	vst.idx.add.f32.msk $0xffff, v16  }
0x6f7: {  	v26 =	vadd.s32 v36, v57;
	v16 =	vld.idx.msk [tilespmem:v27+s6+$0x0], $0xffff  }
0x6f8: {  	s17 =	simm.s32 $0x3;
	v27 =	vor.u32 v7, v52;
	[tilespmem:v29+s20+$0x0] =	vst.idx.add.f32.msk $0xffff, v28  }
0x6f9: {  	v61 =	vmov s17;
	v29 =	vor.u32 v6, v25;
	v28 =	vld.idx.msk [tilespmem:v60+s6+$0x0], $0xffff  }
0x6fa: {  	v62 =	vadd.s32 $0x50, v61  }
0x6fb: {  	v48 =	vld.idx.msk [tilespmem:v47+s24+$0x0], $0xffff;
	v44 =	vor.u32 v7, v46  }
0x6fc: {  	[tilespmem:v26+s20+$0x0] =	vst.idx.add.f32.msk $0xffff, v16  }
0x6fd: {  	v39 =	vor.u32 $0xF070, v0;
	v16 =	vld.idx.msk [tilespmem:v27+s6+$0x0], $0xffff  }
0x6fe: {  	v26 =	vadd.s32 v39, v57;
	[tilespmem:v29+s20+$0x0] =	vst.idx.add.f32.msk $0xffff, v28  }
0x6ff: {  	v27 =	vor.u32 v8, v52;
	v28 =	vld.idx.msk [tilespmem:v62+s24+$0x0], $0xffff  }
0x700: {  	v25 =	vor.u32 v7, v25;
	v29 =	vld.idx.msk [tilespmem:v44+s6+$0x0], $0xffff  }
0x701: {  	s25 =	simm.s32 $0x4;
	v49 =	vor.u32 v8, v46  }
0x702: {  	v53 =	vmov s25  }
0x703: {  	v37 =	vor.u32 $0xF400, v0;
	v31 =	vshll.u32 v48, $0x7;
	v50 =	vadd.s32 $0x50, v53;
	[tilespmem:v26+s20+$0x0] =	vst.idx.add.f32.msk $0xffff, v16  }
0x704: {  	v31 =	vand.u32 $0x380, v31;
	v55 =	vshll.u32 v48, $0x8;
	v26 =	vld.idx.msk [tilespmem:v27+s6+$0x0], $0xffff;
	v27 =	vadd.s32 v37, v57  }
0x705: {  	v51 =	vshll.u32 v28, $0x8;
	v28 =	vshll.u32 v28, $0x7;
	[tilespmem:v25+s20+$0x0] =	vst.idx.add.f32.msk $0xffff, v29;
	v25 =	vor.u32 v9, v52  }
0x706: {  	v16 =	vadd.s32 v37, v54;
	v29 =	vand.u32 $0xFFFFF800, v51;
	v28 =	vand.u32 $0x380, v28;
	v33 =	vld.idx.msk [tilespmem:v49+s6+$0x0], $0xffff  }
0x707: {  	v35 =	vor.u32 v28, v29;
	v28 =	vor.u32 v9, v46;
	v29 =	vand.u32 $0xFFFFF800, v55  }
0x708: {  	v55 =	vld.idx.msk [tilespmem:v50+s24+$0x0], $0xffff;
	v56 =	vor.u32 v0, v35;
	v34 =	vor.u32 v31, v29  }
0x709: {  	v30 =	vshll.u32 v61, $0x7;
	v44 =	vor.u32 $0xF410, v0;
	[tilespmem:v27+s20+$0x0] =	vst.idx.add.f32.msk $0xffff, v26;
	v26 =	vor.u32 v0, v34  }
0x70a: {  	v59 =	vor.u32 v10, v52;
	v58 =	vadd.s32 v44, v57;
	v27 =	vshll.u32 v61, $0x8;
	v25 =	vld.idx.msk [tilespmem:v25+s6+$0x0], $0xffff  }
0x70b: {  	v60 =	vshll.u32 v63, $0x7;
	[tilespmem:v16+s20+$0x0] =	vst.idx.add.f32.msk $0xffff, v33;
	v16 =	vand.u32 $0x3800, v27;
	v27 =	vand.u32 $0x380, v30  }
0x70c: {  	v29 =	vshll.u32 v63, $0x8;
	v28 =	vld.idx.msk [tilespmem:v28+s6+$0x0], $0xffff;
	v32 =	vor.u32 v27, v16;
	v16 =	vadd.s32 v44, v54  }
0x70d: {  	v27 =	vand.u32 $0x3800, v29;
	v29 =	vand.u32 $0x300, v60;
	v61 =	vld.idx.msk [tilespmem:v56+s6+$0x0], $0xffff;
	v62 =	vadd.s32 v42, v32  }
0x70e: {  	v33 =	vor.u32 v29, v27;
	v27 =	vor.u32 v1, v35;
	v26 =	vld.idx.msk [tilespmem:v26+s6+$0x0], $0xffff  }
0x70f: {  	v29 =	vadd.s32 v42, v33;
	[tilespmem:v58+s20+$0x0] =	vst.idx.add.f32.msk $0xffff, v25  }
0x710: {  	v63 =	vor.u32 v10, v46;
	v30 =	vld.idx.msk [tilespmem:v59+s6+$0x0], $0xffff  }
0x711: {  	v47 =	vor.u32 $0xF420, v0;
	v25 =	vor.u32 v1, v34;
	[tilespmem:v16+s20+$0x0] =	vst.idx.add.f32.msk $0xffff, v28  }
0x712: {  	v16 =	vadd.s32 v47, v57;
	[tilespmem:v62+s20+$0x0] =	vst.idx.add.f32.msk $0xffff, v61  }
0x713: {  	v28 =	vor.u32 v11, v52;
	v27 =	vld.idx.msk [tilespmem:v27+s6+$0x0], $0xffff  }
0x714: {  	[tilespmem:v29+s20+$0x0] =	vst.idx.add.f32.msk $0xffff, v26;
	v26 =	vadd.s32 v45, v32  }
0x715: {  	v56 =	vadd.s32 $0xF000, v33;
	v60 =	vld.idx.msk [tilespmem:v63+s6+$0x0], $0xffff;
	v29 =	vor.u32 v2, v35  }
0x716: {  	v59 =	vor.u32 v1, v56;
	v25 =	vld.idx.msk [tilespmem:v25+s6+$0x0], $0xffff  }
0x717: {  	v48 =	vor.u32 $0xF430, v0;
	[tilespmem:v16+s20+$0x0] =	vst.idx.add.f32.msk $0xffff, v30;
	v16 =	vor.u32 v2, v34  }
0x718: {  	v61 =	vadd.s32 v48, v57;
	v28 =	vld.idx.msk [tilespmem:v28+s6+$0x0], $0xffff  }
0x719: {  	[tilespmem:v26+s20+$0x0] =	vst.idx.add.f32.msk $0xffff, v27;
	v26 =	vor.u32 v12, v52  }
0x71a: {  	v27 =	vadd.s32 v47, v54;
	v29 =	vld.idx.msk [tilespmem:v29+s6+$0x0], $0xffff  }
0x71b: {  	[tilespmem:v59+s20+$0x0] =	vst.idx.add.f32.msk $0xffff, v25;
	v25 =	vadd.s32 v43, v32  }
0x71c: {  	v62 =	vor.u32 v3, v35;
	v16 =	vld.idx.msk [tilespmem:v16+s6+$0x0], $0xffff  }
0x71d: {  	v63 =	vor.u32 v2, v56;
	[tilespmem:v61+s20+$0x0] =	vst.idx.add.f32.msk $0xffff, v28  }
0x71e: {  	v49 =	vor.u32 $0xF440, v0;
	v28 =	vor.u32 v3, v34;
	v26 =	vld.idx.msk [tilespmem:v26+s6+$0x0], $0xffff  }
0x71f: {  	[tilespmem:v27+s20+$0x0] =	vst.idx.add.f32.msk $0xffff, v60;
	v27 =	vadd.s32 v49, v57  }
0x720: {  	v58 =	vor.u32 v11, v46;
	[tilespmem:v25+s20+$0x0] =	vst.idx.add.f32.msk $0xffff, v29  }
0x721: {  	v25 =	vor.u32 v13, v52;
	v29 =	vld.idx.msk [tilespmem:v62+s6+$0x0], $0xffff  }
0x722: {  	[tilespmem:v63+s20+$0x0] =	vst.idx.add.f32.msk $0xffff, v16;
	v16 =	vadd.s32 v41, v32  }
0x723: {  	v59 =	vor.u32 v4, v35;
	v28 =	vld.idx.msk [tilespmem:v28+s6+$0x0], $0xffff  }
0x724: {  	v60 =	vor.u32 v3, v56;
	[tilespmem:v27+s20+$0x0] =	vst.idx.add.f32.msk $0xffff, v26  }
0x725: {  	v50 =	vor.u32 $0xF450, v0;
	v26 =	vor.u32 v4, v34;
	v27 =	vld.idx.msk [tilespmem:v58+s6+$0x0], $0xffff  }
0x726: {  	v61 =	vadd.s32 v50, v57;
	v25 =	vld.idx.msk [tilespmem:v25+s6+$0x0], $0xffff  }
0x727: {  	[tilespmem:v16+s20+$0x0] =	vst.idx.add.f32.msk $0xffff, v29;
	v16 =	vor.u32 v14, v52  }
0x728: {  	v29 =	vadd.s32 v48, v54;
	v31 =	vld.idx.msk [tilespmem:v59+s6+$0x0], $0xffff  }
0x729: {  	[tilespmem:v60+s20+$0x0] =	vst.idx.add.f32.msk $0xffff, v28;
	v28 =	vadd.s32 v40, v32  }
0x72a: {  	v62 =	vor.u32 v5, v35;
	v26 =	vld.idx.msk [tilespmem:v26+s6+$0x0], $0xffff  }
0x72b: {  	v63 =	vor.u32 v4, v56;
	[tilespmem:v61+s20+$0x0] =	vst.idx.add.f32.msk $0xffff, v25  }
0x72c: {  	v58 =	vor.u32 v12, v46;
	v16 =	vld.idx.msk [tilespmem:v16+s6+$0x0], $0xffff  }
0x72d: {  	v51 =	vor.u32 $0xF460, v0;
	v25 =	vor.u32 v5, v34;
	[tilespmem:v29+s20+$0x0] =	vst.idx.add.f32.msk $0xffff, v27  }
0x72e: {  	v27 =	vadd.s32 v51, v57;
	[tilespmem:v28+s20+$0x0] =	vst.idx.add.f32.msk $0xffff, v31  }
0x72f: {  	v28 =	vor.u32 v15, v52;
	v29 =	vld.idx.msk [tilespmem:v62+s6+$0x0], $0xffff  }
0x730: {  	[tilespmem:v63+s20+$0x0] =	vst.idx.add.f32.msk $0xffff, v26;
	v26 =	vadd.s32 v38, v32  }
0x731: {  	v31 =	vor.u32 v6, v35;
	v59 =	vld.idx.msk [tilespmem:v58+s6+$0x0], $0xffff  }
0x732: {  	v60 =	vor.u32 v5, v56;
	v25 =	vld.idx.msk [tilespmem:v25+s6+$0x0], $0xffff  }
0x733: {  	v52 =	vor.u32 $0xF470, v0;
	[tilespmem:v27+s20+$0x0] =	vst.idx.add.f32.msk $0xffff, v16;
	v16 =	vor.u32 v6, v34  }
0x734: {  	v30 =	vadd.s32 v52, v57;
	v28 =	vld.idx.msk [tilespmem:v28+s6+$0x0], $0xffff  }
0x735: {  	v62 =	vadd.s32 v49, v54;
	[tilespmem:v26+s20+$0x0] =	vst.idx.add.f32.msk $0xffff, v29  }
0x736: {  	v63 =	vor.u32 v13, v46;
	v58 =	vld.idx.msk [tilespmem:v31+s6+$0x0], $0xffff  }
0x737: {  	[tilespmem:v60+s20+$0x0] =	vst.idx.add.f32.msk $0xffff, v25;
	v25 =	vadd.s32 v36, v32  }
0x738: {  	v61 =	vadd.s32 v50, v54;
	v57 =	vadd.s32 v51, v54;
	v26 =	vor.u32 v7, v35;
	v60 =	vld.idx.msk [tilespmem:v16+s6+$0x0], $0xffff  }
0x739: {  	s25 =	simm.s32 $0x5;
	s17 =	simm.s32 $0x6;
	v54 =	vadd.s32 v52, v54;
	v27 =	vor.u32 v6, v56;
	[tilespmem:v30+s20+$0x0] =	vst.idx.add.f32.msk $0xffff, v28  }
.LBB2_22:
0x73a: {  	p3 =	slt.u32 s17, $0x26;
	v16 =	vmov s25;
	v28 =	vor.u32 v7, v34;
	[tilespmem:v62+s20+$0x0] =	vst.idx.add.f32.msk $0xffff, v59  }
0x73b: {  	v29 =	vadd.s32 $0x50, v16;
	v30 =	vld.idx.msk [tilespmem:v63+s6+$0x0], $0xffff  }
0x73c: {  	[tilespmem:v25+s20+$0x0] =	vst.idx.add.f32.msk $0xffff, v58  }
0x73d: {  	v25 =	vld.idx.msk [tilespmem:v26+s6+$0x0], $0xffff;
	v26 =	vor.u32 v14, v46  }
0x73e: {  	[tilespmem:v27+s20+$0x0] =	vst.idx.add.f32.msk $0xffff, v60;
	v27 =	vadd.s32 v39, v32  }
0x73f: {  	v31 =	vor.u32 v8, v35;
	v28 =	vld.idx.msk [tilespmem:v28+s6+$0x0], $0xffff  }
0x740: {  	v56 =	vor.u32 v7, v56;
	v29 =	vld.idx.msk [tilespmem:v29+s24+$0x0], $0xffff  }
0x741: {  	v59 =	vor.u32 v8, v34;
	v58 =	vmov s17;
	[tilespmem:v61+s20+$0x0] =	vst.idx.add.f32.msk $0xffff, v30  }
0x742: {  	v30 =	vadd.s32 $0x50, v58;
	v26 =	vld.idx.msk [tilespmem:v26+s6+$0x0], $0xffff  }
0x743: {  	[tilespmem:v27+s20+$0x0] =	vst.idx.add.f32.msk $0xffff, v25  }
0x744: {  	v25 =	vshll.u32 v53, $0x8;
	v27 =	vld.idx.msk [tilespmem:v31+s6+$0x0], $0xffff;
	v31 =	vor.u32 v15, v46;
	v46 =	vmov v34  }
0x745: {  	v60 =	vshll.u32 v53, $0x7;
	[tilespmem:v56+s20+$0x0] =	vst.idx.add.f32.msk $0xffff, v28;
	v28 =	vadd.s32 v37, v33;
	v56 =	vadd.s32 v37, v32  }
0x746: {  	v62 =	vor.u32 v9, v35;
	v53 =	vmovc v58;
	v34 =	vshll.u32 v29, $0x8;
	v29 =	vshll.u32 v29, $0x7;
	v61 =	vld.idx.msk [tilespmem:v59+s6+$0x0], $0xffff  }
0x747: {  	v58 =	vshll.u32 v55, $0x8;
	v34 =	vand.u32 $0xFFFFF800, v34;
	v29 =	vand.u32 $0x380, v29;
	v30 =	vld.idx.msk [tilespmem:v30+s24+$0x0], $0xffff  }
0x748: {  	v55 =	vshll.u32 v55, $0x7;
	v59 =	vor.u32 v29, v34;
	v29 =	vor.u32 v9, v46;
	[tilespmem:v57+s20+$0x0] =	vst.idx.add.f32.msk $0xffff, v26  }
0x749: {  	v34 =	vand.u32 $0x380, v55;
	v26 =	vand.u32 $0xFFFFF800, v58;
	v57 =	vor.u32 v0, v59;
	v31 =	vld.idx.msk [tilespmem:v31+s6+$0x0], $0xffff  }
0x74a: {  	v25 =	vand.u32 $0x3800, v25;
	v34 =	vor.u32 v34, v26;
	v26 =	vand.u32 $0x300, v60;
	[tilespmem:v56+s20+$0x0] =	vst.idx.add.f32.msk $0xffff, v27  }
0x74b: {  	v27 =	vor.u32 v0, v34;
	v58 =	vor.u32 v26, v25;
	v25 =	vld.idx.msk [tilespmem:v62+s6+$0x0], $0xffff  }
0x74c: {  	v26 =	vshll.u32 v16, $0x8;
	v16 =	vshll.u32 v16, $0x7;
	[tilespmem:v28+s20+$0x0] =	vst.idx.add.f32.msk $0xffff, v61;
	v28 =	vadd.s32 v44, v32  }
0x74d: {  	v56 =	vor.u32 v10, v35;
	v26 =	vand.u32 $0x3800, v26;
	v16 =	vand.u32 $0x380, v16;
	v55 =	vmovc v30;
	v29 =	vld.idx.msk [tilespmem:v29+s6+$0x0], $0xffff  }
0x74e: {  	v60 =	vor.u32 v16, v26;
	v16 =	vadd.s32 v44, v33;
	v30 =	vld.idx.msk [tilespmem:v57+s6+$0x0], $0xffff  }
0x74f: {  	v26 =	vadd.s32 v42, v58;
	v57 =	vadd.s32 v42, v60;
	[tilespmem:v54+s20+$0x0] =	vst.idx.add.f32.msk $0xffff, v31  }
0x750: {  	v31 =	vor.u32 v1, v59;
	v27 =	vld.idx.msk [tilespmem:v27+s6+$0x0], $0xffff  }
0x751: {  	[tilespmem:v28+s20+$0x0] =	vst.idx.add.f32.msk $0xffff, v25  }
0x752: {  	v25 =	vor.u32 v1, v34;
	v28 =	vld.idx.msk [tilespmem:v56+s6+$0x0], $0xffff  }
0x753: {  	[tilespmem:v16+s20+$0x0] =	vst.idx.add.f32.msk $0xffff, v29;
	v16 =	vadd.s32 v47, v33;
	v29 =	vadd.s32 v47, v32  }
0x754: {  	[tilespmem:v57+s20+$0x0] =	vst.idx.add.f32.msk $0xffff, v30;
	v30 =	vor.u32 v11, v35  }
0x755: {  	v54 =	vor.u32 v10, v46;
	v31 =	vld.idx.msk [tilespmem:v31+s6+$0x0], $0xffff  }
0x756: {  	[tilespmem:v26+s20+$0x0] =	vst.idx.add.f32.msk $0xffff, v27;
	v26 =	vadd.s32 v45, v60  }
0x757: {  	v56 =	vadd.s32 $0xF000, v58;
	v27 =	vor.u32 v2, v59;
	v25 =	vld.idx.msk [tilespmem:v25+s6+$0x0], $0xffff  }
0x758: {  	v57 =	vor.u32 v1, v56;
	[tilespmem:v29+s20+$0x0] =	vst.idx.add.f32.msk $0xffff, v28  }
0x759: {  	v28 =	vor.u32 v2, v34;
	v29 =	vld.idx.msk [tilespmem:v30+s6+$0x0], $0xffff  }
0x75a: {  	v61 =	vadd.s32 v48, v32;
	v30 =	vld.idx.msk [tilespmem:v54+s6+$0x0], $0xffff;
	v54 =	vadd.s32 v48, v33  }
0x75b: {  	[tilespmem:v26+s20+$0x0] =	vst.idx.add.f32.msk $0xffff, v31;
	v26 =	vor.u32 v12, v35  }
0x75c: {  	v27 =	vld.idx.msk [tilespmem:v27+s6+$0x0], $0xffff  }
0x75d: {  	[tilespmem:v57+s20+$0x0] =	vst.idx.add.f32.msk $0xffff, v25;
	v25 =	vadd.s32 v43, v60  }
0x75e: {  	v31 =	vor.u32 v3, v59;
	v28 =	vld.idx.msk [tilespmem:v28+s6+$0x0], $0xffff  }
0x75f: {  	v57 =	vor.u32 v2, v56;
	[tilespmem:v61+s20+$0x0] =	vst.idx.add.f32.msk $0xffff, v29  }
0x760: {  	v29 =	vor.u32 v3, v34;
	v26 =	vld.idx.msk [tilespmem:v26+s6+$0x0], $0xffff  }
0x761: {  	v62 =	vadd.s32 v49, v33;
	[tilespmem:v16+s20+$0x0] =	vst.idx.add.f32.msk $0xffff, v30;
	v16 =	vadd.s32 v49, v32  }
0x762: {  	[tilespmem:v25+s20+$0x0] =	vst.idx.add.f32.msk $0xffff, v27;
	v25 =	vor.u32 v13, v35  }
0x763: {  	v30 =	vor.u32 v11, v46;
	v27 =	vld.idx.msk [tilespmem:v31+s6+$0x0], $0xffff  }
0x764: {  	[tilespmem:v57+s20+$0x0] =	vst.idx.add.f32.msk $0xffff, v28;
	v28 =	vadd.s32 v41, v60  }
0x765: {  	v31 =	vor.u32 v4, v59;
	v29 =	vld.idx.msk [tilespmem:v29+s6+$0x0], $0xffff  }
0x766: {  	v57 =	vor.u32 v3, v56;
	[tilespmem:v16+s20+$0x0] =	vst.idx.add.f32.msk $0xffff, v26  }
0x767: {  	v16 =	vor.u32 v4, v34;
	v25 =	vld.idx.msk [tilespmem:v25+s6+$0x0], $0xffff  }
0x768: {  	v61 =	vadd.s32 v50, v33;
	v26 =	vld.idx.msk [tilespmem:v30+s6+$0x0], $0xffff;
	v30 =	vadd.s32 v50, v32  }
0x769: {  	[tilespmem:v28+s20+$0x0] =	vst.idx.add.f32.msk $0xffff, v27;
	v27 =	vor.u32 v14, v35  }
0x76a: {  	v28 =	vld.idx.msk [tilespmem:v31+s6+$0x0], $0xffff  }
0x76b: {  	[tilespmem:v57+s20+$0x0] =	vst.idx.add.f32.msk $0xffff, v29;
	v29 =	vadd.s32 v40, v60  }
0x76c: {  	v31 =	vor.u32 v5, v59;
	v16 =	vld.idx.msk [tilespmem:v16+s6+$0x0], $0xffff  }
0x76d: {  	v63 =	vor.u32 v4, v56;
	[tilespmem:v30+s20+$0x0] =	vst.idx.add.f32.msk $0xffff, v25  }
0x76e: {  	v25 =	vor.u32 v5, v34;
	v27 =	vld.idx.msk [tilespmem:v27+s6+$0x0], $0xffff  }
0x76f: {  	v57 =	vadd.s32 v51, v33;
	[tilespmem:v54+s20+$0x0] =	vst.idx.add.f32.msk $0xffff, v26;
	v26 =	vadd.s32 v51, v32  }
0x770: {  	[tilespmem:v29+s20+$0x0] =	vst.idx.add.f32.msk $0xffff, v28;
	v28 =	vor.u32 v15, v35;
	v35 =	vmov v59  }
0x771: {  	v30 =	vor.u32 v12, v46;
	v29 =	vld.idx.msk [tilespmem:v31+s6+$0x0], $0xffff  }
0x772: {  	[tilespmem:v63+s20+$0x0] =	vst.idx.add.f32.msk $0xffff, v16;
	v16 =	vadd.s32 v38, v60  }
0x773: {  	v31 =	vor.u32 v6, v35;
	v25 =	vld.idx.msk [tilespmem:v25+s6+$0x0], $0xffff  }
0x774: {  	v17 =	vor.u32 v5, v56;
	[tilespmem:v26+s20+$0x0] =	vst.idx.add.f32.msk $0xffff, v27  }
0x775: {  	v26 =	vor.u32 v6, v34;
	v28 =	vld.idx.msk [tilespmem:v28+s6+$0x0], $0xffff  }
0x776: {  	v54 =	vadd.s32 v52, v33;
	v33 =	vmovc v58;
	v59 =	vld.idx.msk [tilespmem:v30+s6+$0x0], $0xffff;
	v30 =	vadd.s32 v52, v32;
	v32 =	vmov v60  }
.Ltmp15:
0x777: {  	[tilespmem:v16+s20+$0x0] =	vst.idx.add.f32.msk $0xffff, v29;
	(pc) =	sbr.rel @p3 .LBB2_22-.Ltmp15, $4  }
0x778: {  	v63 =	vor.u32 v13, v46;
	v58 =	vld.idx.msk [tilespmem:v31+s6+$0x0], $0xffff  }
0x779: {  	[tilespmem:v17+s20+$0x0] =	vst.idx.add.f32.msk $0xffff, v25;
	v25 =	vadd.s32 v36, v32  }
0x77a: {  	v60 =	vld.idx.msk [tilespmem:v26+s6+$0x0], $0xffff;
	v26 =	vor.u32 v7, v35  }
0x77b: {  	s25 =	sadd.s32 $0x1, s17;
	s17 =	sadd.s32 $0x2, s17;
	v27 =	vor.u32 v6, v56;
	[tilespmem:v30+s20+$0x0] =	vst.idx.add.f32.msk $0xffff, v28  }
0x77c: {  	v16 =	vmov s25  }
0x77d: {  	v17 =	vadd.s32 $0x50, v16;
	_ =	sdelay $0x4  }
0x77e: {  	v17 =	vld.idx.msk [tilespmem:v17+s24+$0x0], $0xffff  }
0x77f: {  	v28 =	vor.u32 v7, v34;
	[tilespmem:v62+s20+$0x0] =	vst.idx.add.f32.msk $0xffff, v59  }
0x780: {  	v29 =	vld.idx.msk [tilespmem:v63+s6+$0x0], $0xffff  }
0x781: {  	[tilespmem:v25+s20+$0x0] =	vst.idx.add.f32.msk $0xffff, v58;
	v25 =	vor.u32 v14, v46  }
0x782: {  	v30 =	vadd.s32 v39, v32;
	v26 =	vld.idx.msk [tilespmem:v26+s6+$0x0], $0xffff  }
0x783: {  	v31 =	vor.u32 v8, v35;
	[tilespmem:v27+s20+$0x0] =	vst.idx.add.f32.msk $0xffff, v60;
	v62 =	vshll.u32 v17, $0x8;
	v17 =	vshll.u32 v17, $0x7  }
0x784: {  	v27 =	vor.u32 v7, v56;
	v28 =	vld.idx.msk [tilespmem:v28+s6+$0x0], $0xffff;
	v63 =	vand.u32 $0xFFFFF800, v62;
	v17 =	vand.u32 $0x380, v17  }
0x785: {  	v60 =	vshll.u32 v55, $0x8;
	[tilespmem:v61+s20+$0x0] =	vst.idx.add.f32.msk $0xffff, v29;
	v62 =	vshll.u32 v55, $0x7;
	v55 =	vor.u32 v17, v63  }
0x786: {  	v25 =	vld.idx.msk [tilespmem:v25+s6+$0x0], $0xffff;
	v17 =	vand.u32 $0xFFFFF800, v60;
	v29 =	vand.u32 $0x380, v62;
	v63 =	vor.u32 v0, v55  }
0x787: {  	[tilespmem:v30+s20+$0x0] =	vst.idx.add.f32.msk $0xffff, v26;
	v26 =	vshll.u32 v16, $0x8;
	v16 =	vshll.u32 v16, $0x7;
	v56 =	vor.u32 v29, v17  }
0x788: {  	v26 =	vand.u32 $0x3800, v26;
	v16 =	vand.u32 $0x380, v16;
	v17 =	vor.u32 v0, v56  }
0x789: {  	v61 =	vor.u32 v15, v46;
	v30 =	vld.idx.msk [tilespmem:v31+s6+$0x0], $0xffff;
	v46 =	vor.u32 v16, v26  }
0x78a: {  	[tilespmem:v27+s20+$0x0] =	vst.idx.add.f32.msk $0xffff, v28;
	v60 =	vor.u32 v8, v34;
	v62 =	vshll.u32 v53, $0x7;
	v29 =	vshll.u32 v53, $0x8  }
0x78b: {  	v28 =	vadd.s32 v42, v46;
	v26 =	vand.u32 $0x300, v62;
	v16 =	vand.u32 $0x3800, v29;
	v27 =	vld.idx.msk [tilespmem:v63+s6+$0x0], $0xffff  }
0x78c: {  	[tilespmem:v57+s20+$0x0] =	vst.idx.add.f32.msk $0xffff, v25;
	v53 =	vor.u32 v26, v16;
	v16 =	vor.u32 v1, v55  }
0x78d: {  	v26 =	vadd.s32 v42, v53;
	v17 =	vld.idx.msk [tilespmem:v17+s6+$0x0], $0xffff  }
0x78e: {  	v25 =	vor.u32 v1, v56;
	v42 =	vld.idx.msk [tilespmem:v61+s6+$0x0], $0xffff  }
0x78f: {  	v62 =	vadd.s32 v37, v33;
	v29 =	vld.idx.msk [tilespmem:v60+s6+$0x0], $0xffff  }
0x790: {  	v63 =	vadd.s32 v37, v32;
	[tilespmem:v28+s20+$0x0] =	vst.idx.add.f32.msk $0xffff, v27  }
0x791: {  	v27 =	vadd.s32 v45, v46;
	v16 =	vld.idx.msk [tilespmem:v16+s6+$0x0], $0xffff  }
0x792: {  	[tilespmem:v26+s20+$0x0] =	vst.idx.add.f32.msk $0xffff, v17;
	v17 =	vadd.s32 $0xF000, v53;
	v26 =	vor.u32 v2, v55  }
0x793: {  	v25 =	vld.idx.msk [tilespmem:v25+s6+$0x0], $0xffff;
	v28 =	vor.u32 v1, v17  }
0x794: {  	v61 =	vor.u32 v2, v56;
	[tilespmem:v62+s20+$0x0] =	vst.idx.add.f32.msk $0xffff, v29  }
0x795: {  	v60 =	vor.u32 v9, v35;
	[tilespmem:v63+s20+$0x0] =	vst.idx.add.f32.msk $0xffff, v30  }
0x796: {  	v63 =	vor.u32 v9, v34;
	[tilespmem:v27+s20+$0x0] =	vst.idx.add.f32.msk $0xffff, v16  }
0x797: {  	v16 =	vld.idx.msk [tilespmem:v26+s6+$0x0], $0xffff;
	v26 =	vadd.s32 v43, v46  }
0x798: {  	[tilespmem:v28+s20+$0x0] =	vst.idx.add.f32.msk $0xffff, v25;
	v25 =	vor.u32 v3, v55  }
0x799: {  	v28 =	vor.u32 v2, v17;
	v27 =	vld.idx.msk [tilespmem:v61+s6+$0x0], $0xffff  }
0x79a: {  	v29 =	vor.u32 v3, v56;
	v31 =	vld.idx.msk [tilespmem:v60+s6+$0x0], $0xffff  }
0x79b: {  	v59 =	vadd.s32 v44, v32;
	v60 =	vld.idx.msk [tilespmem:v63+s6+$0x0], $0xffff  }
0x79c: {  	v61 =	vor.u32 v10, v35;
	[tilespmem:v26+s20+$0x0] =	vst.idx.add.f32.msk $0xffff, v16  }
0x79d: {  	v16 =	vld.idx.msk [tilespmem:v25+s6+$0x0], $0xffff;
	v25 =	vadd.s32 v41, v46  }
0x79e: {  	v26 =	vor.u32 v4, v55;
	[tilespmem:v28+s20+$0x0] =	vst.idx.add.f32.msk $0xffff, v27  }
0x79f: {  	v28 =	vor.u32 v3, v17;
	v27 =	vld.idx.msk [tilespmem:v29+s6+$0x0], $0xffff  }
0x7a0: {  	[tilespmem:v59+s20+$0x0] =	vst.idx.add.f32.msk $0xffff, v31;
	v29 =	vor.u32 v4, v56  }
0x7a1: {  	v62 =	vadd.s32 v44, v33;
	v31 =	vld.idx.msk [tilespmem:v61+s6+$0x0], $0xffff  }
0x7a2: {  	v63 =	vadd.s32 v47, v32;
	[tilespmem:v25+s20+$0x0] =	vst.idx.add.f32.msk $0xffff, v16  }
0x7a3: {  	v25 =	vadd.s32 v40, v46;
	v16 =	vld.idx.msk [tilespmem:v26+s6+$0x0], $0xffff  }
0x7a4: {  	[tilespmem:v28+s20+$0x0] =	vst.idx.add.f32.msk $0xffff, v27;
	v26 =	vor.u32 v5, v55  }
0x7a5: {  	v28 =	vor.u32 v4, v17;
	v27 =	vld.idx.msk [tilespmem:v29+s6+$0x0], $0xffff  }
0x7a6: {  	[tilespmem:v62+s20+$0x0] =	vst.idx.add.f32.msk $0xffff, v60;
	v29 =	vor.u32 v5, v56  }
0x7a7: {  	v57 =	vor.u32 v10, v34;
	[tilespmem:v63+s20+$0x0] =	vst.idx.add.f32.msk $0xffff, v31  }
0x7a8: {  	v45 =	vor.u32 v11, v35;
	[tilespmem:v25+s20+$0x0] =	vst.idx.add.f32.msk $0xffff, v16  }
0x7a9: {  	v25 =	vadd.s32 v38, v46;
	v16 =	vld.idx.msk [tilespmem:v26+s6+$0x0], $0xffff  }
0x7aa: {  	[tilespmem:v28+s20+$0x0] =	vst.idx.add.f32.msk $0xffff, v27;
	v26 =	vor.u32 v6, v55  }
0x7ab: {  	v28 =	vor.u32 v5, v17;
	v27 =	vld.idx.msk [tilespmem:v29+s6+$0x0], $0xffff  }
0x7ac: {  	v58 =	vor.u32 v6, v56;
	v31 =	vld.idx.msk [tilespmem:v57+s6+$0x0], $0xffff  }
0x7ad: {  	v59 =	vadd.s32 v48, v32;
	v29 =	vld.idx.msk [tilespmem:v45+s6+$0x0], $0xffff  }
0x7ae: {  	v60 =	vor.u32 v12, v35;
	[tilespmem:v25+s20+$0x0] =	vst.idx.add.f32.msk $0xffff, v16  }
0x7af: {  	v25 =	vadd.s32 v36, v46;
	v16 =	vld.idx.msk [tilespmem:v26+s6+$0x0], $0xffff  }
0x7b0: {  	[tilespmem:v28+s20+$0x0] =	vst.idx.add.f32.msk $0xffff, v27;
	v26 =	vor.u32 v7, v55  }
0x7b1: {  	v28 =	vor.u32 v6, v17;
	v27 =	vld.idx.msk [tilespmem:v58+s6+$0x0], $0xffff  }
0x7b2: {  	[tilespmem:v59+s20+$0x0] =	vst.idx.add.f32.msk $0xffff, v29;
	v29 =	vor.u32 v7, v56  }
0x7b3: {  	v61 =	vadd.s32 v47, v33;
	v62 =	vld.idx.msk [tilespmem:v60+s6+$0x0], $0xffff  }
0x7b4: {  	v63 =	vadd.s32 v49, v32;
	[tilespmem:v25+s20+$0x0] =	vst.idx.add.f32.msk $0xffff, v16  }
0x7b5: {  	v25 =	vadd.s32 v39, v46;
	v16 =	vld.idx.msk [tilespmem:v26+s6+$0x0], $0xffff  }
0x7b6: {  	[tilespmem:v28+s20+$0x0] =	vst.idx.add.f32.msk $0xffff, v27;
	v26 =	vor.u32 v8, v55  }
0x7b7: {  	v17 =	vor.u32 v7, v17;
	v27 =	vld.idx.msk [tilespmem:v29+s6+$0x0], $0xffff  }
0x7b8: {  	[tilespmem:v61+s20+$0x0] =	vst.idx.add.f32.msk $0xffff, v31;
	v28 =	vor.u32 v8, v56  }
0x7b9: {  	[tilespmem:v63+s20+$0x0] =	vst.idx.add.f32.msk $0xffff, v62;
	v29 =	vor.u32 v13, v35  }
0x7ba: {  	v40 =	vor.u32 v11, v34;
	[tilespmem:v25+s20+$0x0] =	vst.idx.add.f32.msk $0xffff, v16  }
0x7bb: {  	v25 =	vadd.s32 v37, v46;
	v16 =	vld.idx.msk [tilespmem:v26+s6+$0x0], $0xffff  }
0x7bc: {  	[tilespmem:v17+s20+$0x0] =	vst.idx.add.f32.msk $0xffff, v27;
	v17 =	vor.u32 v9, v55  }
0x7bd: {  	v26 =	vadd.s32 v37, v53;
	v27 =	vld.idx.msk [tilespmem:v28+s6+$0x0], $0xffff  }
0x7be: {  	v28 =	vld.idx.msk [tilespmem:v29+s6+$0x0], $0xffff;
	v29 =	vor.u32 v9, v56  }
0x7bf: {  	v41 =	vadd.s32 v50, v32;
	v30 =	vld.idx.msk [tilespmem:v40+s6+$0x0], $0xffff  }
0x7c0: {  	v43 =	vor.u32 v14, v35;
	[tilespmem:v25+s20+$0x0] =	vst.idx.add.f32.msk $0xffff, v16  }
0x7c1: {  	v16 =	vld.idx.msk [tilespmem:v17+s6+$0x0], $0xffff;
	v17 =	vadd.s32 v44, v46  }
0x7c2: {  	v25 =	vor.u32 v10, v55;
	[tilespmem:v26+s20+$0x0] =	vst.idx.add.f32.msk $0xffff, v27  }
0x7c3: {  	v27 =	vadd.s32 v44, v53;
	v26 =	vld.idx.msk [tilespmem:v29+s6+$0x0], $0xffff  }
0x7c4: {  	[tilespmem:v41+s20+$0x0] =	vst.idx.add.f32.msk $0xffff, v28;
	v28 =	vor.u32 v10, v56  }
0x7c5: {  	v29 =	vadd.s32 v48, v33;
	v31 =	vld.idx.msk [tilespmem:v43+s6+$0x0], $0xffff  }
0x7c6: {  	v44 =	vadd.s32 v51, v32;
	[tilespmem:v17+s20+$0x0] =	vst.idx.add.f32.msk $0xffff, v16  }
0x7c7: {  	v17 =	vadd.s32 v47, v46;
	v16 =	vld.idx.msk [tilespmem:v25+s6+$0x0], $0xffff  }
0x7c8: {  	[tilespmem:v27+s20+$0x0] =	vst.idx.add.f32.msk $0xffff, v26;
	v25 =	vor.u32 v11, v55  }
0x7c9: {  	v26 =	vadd.s32 v47, v53;
	v27 =	vld.idx.msk [tilespmem:v28+s6+$0x0], $0xffff  }
0x7ca: {  	[tilespmem:v29+s20+$0x0] =	vst.idx.add.f32.msk $0xffff, v30;
	v28 =	vor.u32 v11, v56  }
0x7cb: {  	v29 =	vor.u32 v15, v35;
	[tilespmem:v44+s20+$0x0] =	vst.idx.add.f32.msk $0xffff, v31  }
0x7cc: {  	v45 =	vor.u32 v12, v34;
	[tilespmem:v17+s20+$0x0] =	vst.idx.add.f32.msk $0xffff, v16  }
0x7cd: {  	v17 =	vadd.s32 v48, v46;
	v16 =	vld.idx.msk [tilespmem:v25+s6+$0x0], $0xffff  }
0x7ce: {  	v25 =	vor.u32 v12, v55;
	[tilespmem:v26+s20+$0x0] =	vst.idx.add.f32.msk $0xffff, v27  }
0x7cf: {  	v26 =	vadd.s32 v48, v53;
	v27 =	vld.idx.msk [tilespmem:v28+s6+$0x0], $0xffff  }
0x7d0: {  	v28 =	vld.idx.msk [tilespmem:v29+s6+$0x0], $0xffff;
	v29 =	vor.u32 v12, v56  }
0x7d1: {  	v47 =	vadd.s32 v49, v33;
	v30 =	vld.idx.msk [tilespmem:v45+s6+$0x0], $0xffff  }
0x7d2: {  	v48 =	vor.u32 v13, v34;
	[tilespmem:v17+s20+$0x0] =	vst.idx.add.f32.msk $0xffff, v16  }
0x7d3: {  	v17 =	vadd.s32 v49, v46;
	v16 =	vld.idx.msk [tilespmem:v25+s6+$0x0], $0xffff  }
0x7d4: {  	v25 =	vor.u32 v13, v55;
	[tilespmem:v26+s20+$0x0] =	vst.idx.add.f32.msk $0xffff, v27  }
0x7d5: {  	v26 =	vadd.s32 v49, v53;
	v27 =	vld.idx.msk [tilespmem:v29+s6+$0x0], $0xffff  }
0x7d6: {  	[tilespmem:v47+s20+$0x0] =	vst.idx.add.f32.msk $0xffff, v30;
	v29 =	vor.u32 v13, v56  }
0x7d7: {  	v57 =	vadd.s32 v50, v33;
	v31 =	vld.idx.msk [tilespmem:v48+s6+$0x0], $0xffff  }
0x7d8: {  	v58 =	vor.u32 v14, v34;
	[tilespmem:v17+s20+$0x0] =	vst.idx.add.f32.msk $0xffff, v16  }
0x7d9: {  	v17 =	vadd.s32 v50, v46;
	v16 =	vld.idx.msk [tilespmem:v25+s6+$0x0], $0xffff  }
0x7da: {  	v25 =	vor.u32 v14, v55;
	[tilespmem:v26+s20+$0x0] =	vst.idx.add.f32.msk $0xffff, v27  }
0x7db: {  	v26 =	vadd.s32 v50, v53;
	v27 =	vld.idx.msk [tilespmem:v29+s6+$0x0], $0xffff  }
0x7dc: {  	[tilespmem:v57+s20+$0x0] =	vst.idx.add.f32.msk $0xffff, v31;
	v29 =	vor.u32 v14, v56  }
0x7dd: {  	v59 =	vadd.s32 v51, v33;
	v31 =	vld.idx.msk [tilespmem:v58+s6+$0x0], $0xffff  }
0x7de: {  	v60 =	vor.u32 v15, v34;
	[tilespmem:v17+s20+$0x0] =	vst.idx.add.f32.msk $0xffff, v16  }
0x7df: {  	v17 =	vadd.s32 v51, v46;
	v16 =	vld.idx.msk [tilespmem:v25+s6+$0x0], $0xffff  }
0x7e0: {  	v25 =	vor.u32 v15, v55;
	[tilespmem:v26+s20+$0x0] =	vst.idx.add.f32.msk $0xffff, v27  }
0x7e1: {  	v26 =	vadd.s32 v51, v53;
	v27 =	vld.idx.msk [tilespmem:v29+s6+$0x0], $0xffff  }
0x7e2: {  	[tilespmem:v59+s20+$0x0] =	vst.idx.add.f32.msk $0xffff, v31;
	v29 =	vor.u32 v15, v56  }
0x7e3: {  	v30 =	vld.idx.msk [tilespmem:v60+s6+$0x0], $0xffff  }
0x7e4: {  	v61 =	vadd.s32 v52, v32;
	[tilespmem:v17+s20+$0x0] =	vst.idx.add.f32.msk $0xffff, v16  }
0x7e5: {  	v16 =	vadd.s32 v52, v33;
	v17 =	vld.idx.msk [tilespmem:v25+s6+$0x0], $0xffff  }
0x7e6: {  	v25 =	vadd.s32 v52, v46;
	[tilespmem:v26+s20+$0x0] =	vst.idx.add.f32.msk $0xffff, v27  }
0x7e7: {  	s9 =	simm.s32 $0x1;
	v26 =	vadd.s32 v52, v53;
	v27 =	vld.idx.msk [tilespmem:v29+s6+$0x0], $0xffff  }
0x7e8: {  	[tilespmem:v54+s20+$0x0] =	vst.idx.add.f32.msk $0xffff, v42;
	v29 =	vmov s9  }
0x7e9: {  	s25 =	simm.s32 $0x0;
	[tilespmem:v61+s20+$0x0] =	vst.idx.add.f32.msk $0xffff, v28;
	v28 =	vadd.s32 $0x78, v29  }
0x7ea: {  	[tilespmem:v16+s20+$0x0] =	vst.idx.add.f32.msk $0xffff, v30;
	v16 =	vmov s25  }
0x7eb: {  	[tilespmem:v25+s20+$0x0] =	vst.idx.add.f32.msk $0xffff, v17;
	v17 =	vadd.s32 $0x78, v16  }
0x7ec: {  	s17 =	sadd.s32 $0xA00, s13;
	[tilespmem:v26+s20+$0x0] =	vst.idx.add.f32.msk $0xffff, v27  }
0x7ed: {  	[hbm4b:s17+s25] =	stream.linear.scatter [tilespmem:s29], [sflag:$0x6], $0x2800, $0x38;
	[tilespmem:$0x1DA00] =	vst v63  }
0x7ee: {  	v25 =	vld.idx.msk [tilespmem:v28+s24+$0x0], $0xffff;
	_ =	sdelay $0x1  }
0x7ef: {  	v17 =	vld.idx.msk [tilespmem:v17+s24+$0x0], $0xffff;
	_ =	sdelay $0x2  }
0x7f0: {  	v26 =	vshll.u32 v25, $0x8;
	v25 =	vshll.u32 v25, $0x7  }
0x7f1: {  	v26 =	vand.u32 $0xFFFFF800, v26;
	v25 =	vand.u32 $0x380, v25  }
0x7f2: {  	v27 =	vshll.u32 v17, $0x8;
	v17 =	vshll.u32 v17, $0x7;
	v52 =	vor.u32 v25, v26  }
0x7f3: {  	v25 =	vand.u32 $0xFFFFF800, v27;
	v17 =	vand.u32 $0x380, v17;
	v26 =	vor.u32 v0, v52  }
0x7f4: {  	v46 =	vor.u32 v17, v25  }
0x7f5: {  	v27 =	vshll.u32 v29, $0x7;
	v25 =	vshll.u32 v29, $0x8;
	v17 =	vor.u32 v0, v46  }
0x7f6: {  	v42 =	vor.u32 $0x11800, v0;
	v27 =	vand.u32 $0x380, v27;
	v25 =	vand.u32 $0x3800, v25  }
0x7f7: {  	v28 =	vshll.u32 v16, $0x8;
	v16 =	vshll.u32 v16, $0x7;
	v57 =	vor.u32 v27, v25  }
0x7f8: {  	v16 =	vand.u32 $0x300, v16;
	v25 =	vand.u32 $0x3800, v28;
	v27 =	vadd.s32 v42, v57;
	v26 =	vld.idx.msk [tilespmem:v26+s6+$0x0], $0xffff  }
0x7f9: {  	v54 =	vor.u32 v16, v25;
	v16 =	vor.u32 v1, v52  }
0x7fa: {  	v25 =	vadd.s32 v42, v54;
	v17 =	vld.idx.msk [tilespmem:v17+s6+$0x0], $0xffff  }
0x7fb: {  	v28 =	vor.u32 v1, v46;
	_ =	sdelay $0x1  }
0x7fc: {  	v45 =	vor.u32 $0x11810, v0;
	[tilespmem:v27+s20+$0x0] =	vst.idx.add.f32.msk $0xffff, v26  }
0x7fd: {  	v26 =	vadd.s32 v45, v57;
	v16 =	vld.idx.msk [tilespmem:v16+s6+$0x0], $0xffff  }
0x7fe: {  	[tilespmem:v25+s20+$0x0] =	vst.idx.add.f32.msk $0xffff, v17;
	v17 =	vadd.s32 $0x11800, v54;
	v25 =	vor.u32 v2, v52  }
0x7ff: {  	v27 =	vld.idx.msk [tilespmem:v28+s6+$0x0], $0xffff;
	v28 =	vor.u32 v1, v17  }
0x800: {  	v29 =	vor.u32 v2, v46;
	_ =	sdelay $0x1  }
0x801: {  	v43 =	vor.u32 $0x11820, v0;
	[tilespmem:v26+s20+$0x0] =	vst.idx.add.f32.msk $0xffff, v16  }
0x802: {  	v16 =	vld.idx.msk [tilespmem:v25+s6+$0x0], $0xffff;
	v25 =	vadd.s32 v43, v57  }
0x803: {  	v26 =	vor.u32 v3, v52;
	[tilespmem:v28+s20+$0x0] =	vst.idx.add.f32.msk $0xffff, v27  }
0x804: {  	v28 =	vor.u32 v2, v17;
	v27 =	vld.idx.msk [tilespmem:v29+s6+$0x0], $0xffff  }
0x805: {  	v29 =	vor.u32 v3, v46;
	_ =	sdelay $0x1  }
0x806: {  	v41 =	vor.u32 $0x11830, v0;
	[tilespmem:v25+s20+$0x0] =	vst.idx.add.f32.msk $0xffff, v16  }
0x807: {  	v25 =	vadd.s32 v41, v57;
	v16 =	vld.idx.msk [tilespmem:v26+s6+$0x0], $0xffff  }
0x808: {  	v26 =	vor.u32 v4, v52;
	[tilespmem:v28+s20+$0x0] =	vst.idx.add.f32.msk $0xffff, v27  }
0x809: {  	v28 =	vor.u32 v3, v17;
	v27 =	vld.idx.msk [tilespmem:v29+s6+$0x0], $0xffff  }
0x80a: {  	v29 =	vor.u32 v4, v46;
	_ =	sdelay $0x1  }
0x80b: {  	v40 =	vor.u32 $0x11840, v0;
	[tilespmem:v25+s20+$0x0] =	vst.idx.add.f32.msk $0xffff, v16  }
0x80c: {  	v25 =	vadd.s32 v40, v57;
	v16 =	vld.idx.msk [tilespmem:v26+s6+$0x0], $0xffff  }
0x80d: {  	v26 =	vor.u32 v5, v52;
	[tilespmem:v28+s20+$0x0] =	vst.idx.add.f32.msk $0xffff, v27  }
0x80e: {  	v28 =	vor.u32 v4, v17;
	v27 =	vld.idx.msk [tilespmem:v29+s6+$0x0], $0xffff  }
0x80f: {  	v29 =	vor.u32 v5, v46;
	_ =	sdelay $0x1  }
0x810: {  	v38 =	vor.u32 $0x11850, v0;
	[tilespmem:v25+s20+$0x0] =	vst.idx.add.f32.msk $0xffff, v16  }
0x811: {  	v25 =	vadd.s32 v38, v57;
	v16 =	vld.idx.msk [tilespmem:v26+s6+$0x0], $0xffff  }
0x812: {  	v26 =	vor.u32 v6, v52;
	[tilespmem:v28+s20+$0x0] =	vst.idx.add.f32.msk $0xffff, v27  }
0x813: {  	v28 =	vor.u32 v5, v17;
	v27 =	vld.idx.msk [tilespmem:v29+s6+$0x0], $0xffff  }
0x814: {  	s18 =	simm.s32 $0x2;
	v29 =	vor.u32 v6, v46  }
0x815: {  	v63 =	vmov s18  }
0x816: {  	v36 =	vor.u32 $0x11860, v0;
	v47 =	vadd.s32 $0x78, v63;
	[tilespmem:v25+s20+$0x0] =	vst.idx.add.f32.msk $0xffff, v16  }
0x817: {  	v25 =	vadd.s32 v36, v57;
	v16 =	vld.idx.msk [tilespmem:v26+s6+$0x0], $0xffff  }
0x818: {  	s17 =	simm.s32 $0x3;
	v26 =	vor.u32 v7, v52;
	[tilespmem:v28+s20+$0x0] =	vst.idx.add.f32.msk $0xffff, v27  }
0x819: {  	v28 =	vor.u32 v6, v17;
	v27 =	vld.idx.msk [tilespmem:v29+s6+$0x0], $0xffff;
	v29 =	vmov s17  }
0x81a: {  	v62 =	vadd.s32 $0x78, v29  }
0x81b: {  	v48 =	vld.idx.msk [tilespmem:v47+s24+$0x0], $0xffff;
	v44 =	vor.u32 v7, v46  }
0x81c: {  	[tilespmem:v25+s20+$0x0] =	vst.idx.add.f32.msk $0xffff, v16  }
0x81d: {  	v39 =	vor.u32 $0x11870, v0;
	v16 =	vld.idx.msk [tilespmem:v26+s6+$0x0], $0xffff  }
0x81e: {  	v25 =	vadd.s32 v39, v57;
	[tilespmem:v28+s20+$0x0] =	vst.idx.add.f32.msk $0xffff, v27  }
0x81f: {  	v26 =	vor.u32 v8, v52;
	v27 =	vld.idx.msk [tilespmem:v62+s24+$0x0], $0xffff  }
0x820: {  	v17 =	vor.u32 v7, v17;
	v28 =	vld.idx.msk [tilespmem:v44+s6+$0x0], $0xffff  }
0x821: {  	s25 =	simm.s32 $0x4;
	v49 =	vor.u32 v8, v46  }
0x822: {  	v53 =	vmov s25  }
0x823: {  	v37 =	vor.u32 $0x11C00, v0;
	v50 =	vadd.s32 $0x78, v53;
	v30 =	vshll.u32 v48, $0x7;
	[tilespmem:v25+s20+$0x0] =	vst.idx.add.f32.msk $0xffff, v16  }
0x824: {  	v55 =	vshll.u32 v48, $0x8;
	v30 =	vand.u32 $0x380, v30;
	v25 =	vld.idx.msk [tilespmem:v26+s6+$0x0], $0xffff;
	v26 =	vadd.s32 v37, v57  }
0x825: {  	v51 =	vshll.u32 v27, $0x8;
	v27 =	vshll.u32 v27, $0x7;
	[tilespmem:v17+s20+$0x0] =	vst.idx.add.f32.msk $0xffff, v28;
	v17 =	vor.u32 v9, v52  }
0x826: {  	v16 =	vadd.s32 v37, v54;
	v28 =	vand.u32 $0xFFFFF800, v51;
	v27 =	vand.u32 $0x380, v27;
	v32 =	vld.idx.msk [tilespmem:v49+s6+$0x0], $0xffff  }
0x827: {  	v35 =	vor.u32 v27, v28;
	v27 =	vor.u32 v9, v46;
	v28 =	vand.u32 $0xFFFFF800, v55  }
0x828: {  	v55 =	vld.idx.msk [tilespmem:v50+s24+$0x0], $0xffff;
	v56 =	vor.u32 v0, v35;
	v34 =	vor.u32 v30, v28  }
0x829: {  	v31 =	vshll.u32 v63, $0x7;
	v44 =	vor.u32 $0x11C10, v0;
	[tilespmem:v26+s20+$0x0] =	vst.idx.add.f32.msk $0xffff, v25;
	v25 =	vor.u32 v0, v34  }
0x82a: {  	v58 =	vadd.s32 v44, v57;
	v26 =	vshll.u32 v29, $0x8;
	v29 =	vshll.u32 v29, $0x7;
	v17 =	vld.idx.msk [tilespmem:v17+s6+$0x0], $0xffff  }
0x82b: {  	[tilespmem:v16+s20+$0x0] =	vst.idx.add.f32.msk $0xffff, v32;
	v16 =	vand.u32 $0x3800, v26;
	v26 =	vand.u32 $0x380, v29;
	v29 =	vor.u32 v10, v52  }
0x82c: {  	v28 =	vshll.u32 v63, $0x8;
	v27 =	vld.idx.msk [tilespmem:v27+s6+$0x0], $0xffff;
	v32 =	vor.u32 v26, v16;
	v16 =	vadd.s32 v44, v54  }
0x82d: {  	v26 =	vand.u32 $0x3800, v28;
	v28 =	vand.u32 $0x300, v31;
	v59 =	vld.idx.msk [tilespmem:v56+s6+$0x0], $0xffff;
	v60 =	vadd.s32 v42, v32  }
0x82e: {  	v33 =	vor.u32 v28, v26;
	v26 =	vor.u32 v1, v35;
	v25 =	vld.idx.msk [tilespmem:v25+s6+$0x0], $0xffff  }
0x82f: {  	v28 =	vadd.s32 v42, v33;
	[tilespmem:v58+s20+$0x0] =	vst.idx.add.f32.msk $0xffff, v17  }
0x830: {  	v47 =	vor.u32 $0x11C20, v0;
	v17 =	vor.u32 v1, v34;
	v29 =	vld.idx.msk [tilespmem:v29+s6+$0x0], $0xffff  }
0x831: {  	[tilespmem:v16+s20+$0x0] =	vst.idx.add.f32.msk $0xffff, v27;
	v16 =	vadd.s32 v47, v57  }
0x832: {  	v61 =	vor.u32 v10, v46;
	[tilespmem:v60+s20+$0x0] =	vst.idx.add.f32.msk $0xffff, v59  }
0x833: {  	v27 =	vor.u32 v11, v52;
	v26 =	vld.idx.msk [tilespmem:v26+s6+$0x0], $0xffff  }
0x834: {  	[tilespmem:v28+s20+$0x0] =	vst.idx.add.f32.msk $0xffff, v25;
	v25 =	vadd.s32 v45, v32  }
0x835: {  	v56 =	vadd.s32 $0x11800, v33;
	v28 =	vor.u32 v2, v35;
	v17 =	vld.idx.msk [tilespmem:v17+s6+$0x0], $0xffff  }
0x836: {  	v62 =	vor.u32 v1, v56;
	[tilespmem:v16+s20+$0x0] =	vst.idx.add.f32.msk $0xffff, v29  }
0x837: {  	v48 =	vor.u32 $0x11C30, v0;
	v16 =	vor.u32 v2, v34;
	v29 =	vld.idx.msk [tilespmem:v61+s6+$0x0], $0xffff  }
0x838: {  	v63 =	vadd.s32 v48, v57;
	v27 =	vld.idx.msk [tilespmem:v27+s6+$0x0], $0xffff  }
0x839: {  	[tilespmem:v25+s20+$0x0] =	vst.idx.add.f32.msk $0xffff, v26;
	v25 =	vor.u32 v12, v52  }
0x83a: {  	v26 =	vadd.s32 v47, v54;
	v28 =	vld.idx.msk [tilespmem:v28+s6+$0x0], $0xffff  }
0x83b: {  	[tilespmem:v62+s20+$0x0] =	vst.idx.add.f32.msk $0xffff, v17;
	v17 =	vadd.s32 v43, v32  }
0x83c: {  	v58 =	vor.u32 v3, v35;
	v16 =	vld.idx.msk [tilespmem:v16+s6+$0x0], $0xffff  }
0x83d: {  	v59 =	vor.u32 v2, v56;
	[tilespmem:v63+s20+$0x0] =	vst.idx.add.f32.msk $0xffff, v27  }
0x83e: {  	v49 =	vor.u32 $0x11C40, v0;
	v27 =	vor.u32 v3, v34;
	v25 =	vld.idx.msk [tilespmem:v25+s6+$0x0], $0xffff  }
0x83f: {  	[tilespmem:v26+s20+$0x0] =	vst.idx.add.f32.msk $0xffff, v29;
	v26 =	vadd.s32 v49, v57  }
0x840: {  	v29 =	vor.u32 v11, v46;
	[tilespmem:v17+s20+$0x0] =	vst.idx.add.f32.msk $0xffff, v28  }
0x841: {  	v17 =	vor.u32 v13, v52;
	v28 =	vld.idx.msk [tilespmem:v58+s6+$0x0], $0xffff  }
0x842: {  	[tilespmem:v59+s20+$0x0] =	vst.idx.add.f32.msk $0xffff, v16;
	v16 =	vadd.s32 v41, v32  }
0x843: {  	v60 =	vor.u32 v4, v35;
	v27 =	vld.idx.msk [tilespmem:v27+s6+$0x0], $0xffff  }
0x844: {  	v61 =	vor.u32 v3, v56;
	[tilespmem:v26+s20+$0x0] =	vst.idx.add.f32.msk $0xffff, v25  }
0x845: {  	v50 =	vor.u32 $0x11C50, v0;
	v25 =	vor.u32 v4, v34;
	v26 =	vld.idx.msk [tilespmem:v29+s6+$0x0], $0xffff  }
0x846: {  	v29 =	vadd.s32 v50, v57;
	v17 =	vld.idx.msk [tilespmem:v17+s6+$0x0], $0xffff  }
0x847: {  	[tilespmem:v16+s20+$0x0] =	vst.idx.add.f32.msk $0xffff, v28;
	v16 =	vor.u32 v14, v52  }
0x848: {  	v28 =	vadd.s32 v48, v54;
	v30 =	vld.idx.msk [tilespmem:v60+s6+$0x0], $0xffff  }
0x849: {  	[tilespmem:v61+s20+$0x0] =	vst.idx.add.f32.msk $0xffff, v27;
	v27 =	vadd.s32 v40, v32  }
0x84a: {  	v62 =	vor.u32 v5, v35;
	v25 =	vld.idx.msk [tilespmem:v25+s6+$0x0], $0xffff  }
0x84b: {  	v63 =	vor.u32 v4, v56;
	[tilespmem:v29+s20+$0x0] =	vst.idx.add.f32.msk $0xffff, v17  }
0x84c: {  	v17 =	vor.u32 v5, v34;
	v16 =	vld.idx.msk [tilespmem:v16+s6+$0x0], $0xffff  }
0x84d: {  	v51 =	vor.u32 $0x11C60, v0;
	v29 =	vor.u32 v12, v46;
	[tilespmem:v28+s20+$0x0] =	vst.idx.add.f32.msk $0xffff, v26  }
0x84e: {  	v26 =	vadd.s32 v51, v57;
	[tilespmem:v27+s20+$0x0] =	vst.idx.add.f32.msk $0xffff, v30  }
0x84f: {  	v27 =	vor.u32 v15, v52;
	v28 =	vld.idx.msk [tilespmem:v62+s6+$0x0], $0xffff  }
0x850: {  	[tilespmem:v63+s20+$0x0] =	vst.idx.add.f32.msk $0xffff, v25;
	v25 =	vadd.s32 v38, v32  }
0x851: {  	v30 =	vor.u32 v6, v35;
	v17 =	vld.idx.msk [tilespmem:v17+s6+$0x0], $0xffff  }
0x852: {  	v31 =	vor.u32 v5, v56;
	v59 =	vld.idx.msk [tilespmem:v29+s6+$0x0], $0xffff  }
0x853: {  	v52 =	vor.u32 $0x11C70, v0;
	[tilespmem:v26+s20+$0x0] =	vst.idx.add.f32.msk $0xffff, v16;
	v16 =	vor.u32 v6, v34  }
0x854: {  	v29 =	vadd.s32 v52, v57;
	v18 =	vld.idx.msk [tilespmem:v27+s6+$0x0], $0xffff  }
0x855: {  	v62 =	vadd.s32 v49, v54;
	[tilespmem:v25+s20+$0x0] =	vst.idx.add.f32.msk $0xffff, v28  }
0x856: {  	v63 =	vor.u32 v13, v46;
	v58 =	vld.idx.msk [tilespmem:v30+s6+$0x0], $0xffff  }
0x857: {  	v25 =	vadd.s32 v36, v32;
	[tilespmem:v31+s20+$0x0] =	vst.idx.add.f32.msk $0xffff, v17  }
0x858: {  	v61 =	vadd.s32 v50, v54;
	v57 =	vadd.s32 v51, v54;
	v26 =	vor.u32 v7, v35;
	v60 =	vld.idx.msk [tilespmem:v16+s6+$0x0], $0xffff  }
0x859: {  	s25 =	simm.s32 $0x5;
	s17 =	simm.s32 $0x6;
	v54 =	vadd.s32 v52, v54;
	v27 =	vor.u32 v6, v56;
	[tilespmem:v29+s20+$0x0] =	vst.idx.add.f32.msk $0xffff, v18  }
.LBB2_24:
0x85a: {  	p3 =	slt.u32 s17, $0x26;
	v16 =	vmov s25;
	v17 =	vor.u32 v7, v34;
	[tilespmem:v62+s20+$0x0] =	vst.idx.add.f32.msk $0xffff, v59  }
0x85b: {  	v28 =	vadd.s32 $0x78, v16;
	v29 =	vld.idx.msk [tilespmem:v63+s6+$0x0], $0xffff  }
0x85c: {  	[tilespmem:v25+s20+$0x0] =	vst.idx.add.f32.msk $0xffff, v58  }
0x85d: {  	v25 =	vld.idx.msk [tilespmem:v26+s6+$0x0], $0xffff;
	v26 =	vor.u32 v14, v46  }
0x85e: {  	[tilespmem:v27+s20+$0x0] =	vst.idx.add.f32.msk $0xffff, v60;
	v27 =	vadd.s32 v39, v32  }
0x85f: {  	v30 =	vor.u32 v8, v35;
	v17 =	vld.idx.msk [tilespmem:v17+s6+$0x0], $0xffff  }
0x860: {  	v31 =	vor.u32 v7, v56;
	v28 =	vld.idx.msk [tilespmem:v28+s24+$0x0], $0xffff  }
0x861: {  	v56 =	vmov s17;
	v58 =	vor.u32 v8, v34;
	[tilespmem:v61+s20+$0x0] =	vst.idx.add.f32.msk $0xffff, v29  }
0x862: {  	v29 =	vadd.s32 $0x78, v56;
	v26 =	vld.idx.msk [tilespmem:v26+s6+$0x0], $0xffff  }
0x863: {  	[tilespmem:v27+s20+$0x0] =	vst.idx.add.f32.msk $0xffff, v25  }
0x864: {  	v25 =	vshll.u32 v53, $0x8;
	v27 =	vld.idx.msk [tilespmem:v30+s6+$0x0], $0xffff;
	v30 =	vor.u32 v15, v46;
	v46 =	vmov v34  }
0x865: {  	v60 =	vshll.u32 v53, $0x7;
	[tilespmem:v31+s20+$0x0] =	vst.idx.add.f32.msk $0xffff, v17;
	v17 =	vadd.s32 v37, v33;
	v31 =	vadd.s32 v37, v32  }
0x866: {  	v62 =	vor.u32 v9, v35;
	v53 =	vmovc v56;
	v34 =	vshll.u32 v28, $0x8;
	v28 =	vshll.u32 v28, $0x7;
	v61 =	vld.idx.msk [tilespmem:v58+s6+$0x0], $0xffff  }
0x867: {  	v56 =	vshll.u32 v55, $0x8;
	v34 =	vand.u32 $0xFFFFF800, v34;
	v28 =	vand.u32 $0x380, v28;
	v29 =	vld.idx.msk [tilespmem:v29+s24+$0x0], $0xffff  }
0x868: {  	v55 =	vshll.u32 v55, $0x7;
	v59 =	vor.u32 v28, v34;
	v28 =	vor.u32 v9, v46;
	[tilespmem:v57+s20+$0x0] =	vst.idx.add.f32.msk $0xffff, v26  }
0x869: {  	v34 =	vand.u32 $0x380, v55;
	v26 =	vand.u32 $0xFFFFF800, v56;
	v56 =	vor.u32 v0, v59;
	v30 =	vld.idx.msk [tilespmem:v30+s6+$0x0], $0xffff  }
0x86a: {  	v25 =	vand.u32 $0x3800, v25;
	v34 =	vor.u32 v34, v26;
	v26 =	vand.u32 $0x300, v60;
	[tilespmem:v31+s20+$0x0] =	vst.idx.add.f32.msk $0xffff, v27  }
0x86b: {  	v27 =	vor.u32 v0, v34;
	v58 =	vor.u32 v26, v25;
	v25 =	vld.idx.msk [tilespmem:v62+s6+$0x0], $0xffff  }
0x86c: {  	v26 =	vshll.u32 v16, $0x8;
	v16 =	vshll.u32 v16, $0x7;
	[tilespmem:v17+s20+$0x0] =	vst.idx.add.f32.msk $0xffff, v61;
	v17 =	vadd.s32 v44, v32  }
0x86d: {  	v31 =	vor.u32 v10, v35;
	v26 =	vand.u32 $0x3800, v26;
	v16 =	vand.u32 $0x380, v16;
	v55 =	vmovc v29;
	v28 =	vld.idx.msk [tilespmem:v28+s6+$0x0], $0xffff  }
0x86e: {  	v60 =	vor.u32 v16, v26;
	v16 =	vadd.s32 v44, v33;
	v29 =	vld.idx.msk [tilespmem:v56+s6+$0x0], $0xffff  }
0x86f: {  	v26 =	vadd.s32 v42, v58;
	v56 =	vadd.s32 v42, v60;
	[tilespmem:v54+s20+$0x0] =	vst.idx.add.f32.msk $0xffff, v30  }
0x870: {  	v30 =	vor.u32 v1, v59;
	v27 =	vld.idx.msk [tilespmem:v27+s6+$0x0], $0xffff  }
0x871: {  	[tilespmem:v17+s20+$0x0] =	vst.idx.add.f32.msk $0xffff, v25  }
0x872: {  	v17 =	vor.u32 v1, v34;
	v25 =	vld.idx.msk [tilespmem:v31+s6+$0x0], $0xffff  }
0x873: {  	[tilespmem:v16+s20+$0x0] =	vst.idx.add.f32.msk $0xffff, v28;
	v16 =	vadd.s32 v47, v33;
	v28 =	vadd.s32 v47, v32  }
0x874: {  	[tilespmem:v56+s20+$0x0] =	vst.idx.add.f32.msk $0xffff, v29;
	v29 =	vor.u32 v11, v35  }
0x875: {  	v31 =	vor.u32 v10, v46;
	v30 =	vld.idx.msk [tilespmem:v30+s6+$0x0], $0xffff  }
0x876: {  	[tilespmem:v26+s20+$0x0] =	vst.idx.add.f32.msk $0xffff, v27;
	v26 =	vadd.s32 v45, v60  }
0x877: {  	v56 =	vadd.s32 $0x11800, v58;
	v27 =	vor.u32 v2, v59;
	v17 =	vld.idx.msk [tilespmem:v17+s6+$0x0], $0xffff  }
0x878: {  	v54 =	vor.u32 v1, v56;
	[tilespmem:v28+s20+$0x0] =	vst.idx.add.f32.msk $0xffff, v25  }
0x879: {  	v25 =	vor.u32 v2, v34;
	v28 =	vld.idx.msk [tilespmem:v29+s6+$0x0], $0xffff  }
0x87a: {  	v57 =	vadd.s32 v48, v32;
	v29 =	vld.idx.msk [tilespmem:v31+s6+$0x0], $0xffff;
	v31 =	vadd.s32 v48, v33  }
0x87b: {  	[tilespmem:v26+s20+$0x0] =	vst.idx.add.f32.msk $0xffff, v30;
	v26 =	vor.u32 v12, v35  }
0x87c: {  	v27 =	vld.idx.msk [tilespmem:v27+s6+$0x0], $0xffff  }
0x87d: {  	[tilespmem:v54+s20+$0x0] =	vst.idx.add.f32.msk $0xffff, v17;
	v17 =	vadd.s32 v43, v60  }
0x87e: {  	v30 =	vor.u32 v3, v59;
	v25 =	vld.idx.msk [tilespmem:v25+s6+$0x0], $0xffff  }
0x87f: {  	v54 =	vor.u32 v2, v56;
	[tilespmem:v57+s20+$0x0] =	vst.idx.add.f32.msk $0xffff, v28  }
0x880: {  	v28 =	vor.u32 v3, v34;
	v26 =	vld.idx.msk [tilespmem:v26+s6+$0x0], $0xffff  }
0x881: {  	v62 =	vadd.s32 v49, v33;
	[tilespmem:v16+s20+$0x0] =	vst.idx.add.f32.msk $0xffff, v29;
	v16 =	vadd.s32 v49, v32  }
0x882: {  	[tilespmem:v17+s20+$0x0] =	vst.idx.add.f32.msk $0xffff, v27;
	v17 =	vor.u32 v13, v35  }
0x883: {  	v29 =	vor.u32 v11, v46;
	v27 =	vld.idx.msk [tilespmem:v30+s6+$0x0], $0xffff  }
0x884: {  	[tilespmem:v54+s20+$0x0] =	vst.idx.add.f32.msk $0xffff, v25;
	v25 =	vadd.s32 v41, v60  }
0x885: {  	v30 =	vor.u32 v4, v59;
	v28 =	vld.idx.msk [tilespmem:v28+s6+$0x0], $0xffff  }
0x886: {  	v54 =	vor.u32 v3, v56;
	[tilespmem:v16+s20+$0x0] =	vst.idx.add.f32.msk $0xffff, v26  }
0x887: {  	v16 =	vor.u32 v4, v34;
	v17 =	vld.idx.msk [tilespmem:v17+s6+$0x0], $0xffff  }
0x888: {  	v61 =	vadd.s32 v50, v33;
	v26 =	vld.idx.msk [tilespmem:v29+s6+$0x0], $0xffff;
	v29 =	vadd.s32 v50, v32  }
0x889: {  	[tilespmem:v25+s20+$0x0] =	vst.idx.add.f32.msk $0xffff, v27;
	v25 =	vor.u32 v14, v35  }
0x88a: {  	v27 =	vld.idx.msk [tilespmem:v30+s6+$0x0], $0xffff  }
0x88b: {  	[tilespmem:v54+s20+$0x0] =	vst.idx.add.f32.msk $0xffff, v28;
	v28 =	vadd.s32 v40, v60  }
0x88c: {  	v30 =	vor.u32 v5, v59;
	v16 =	vld.idx.msk [tilespmem:v16+s6+$0x0], $0xffff  }
0x88d: {  	v54 =	vor.u32 v4, v56;
	[tilespmem:v29+s20+$0x0] =	vst.idx.add.f32.msk $0xffff, v17  }
0x88e: {  	v17 =	vor.u32 v5, v34;
	v25 =	vld.idx.msk [tilespmem:v25+s6+$0x0], $0xffff  }
0x88f: {  	v57 =	vadd.s32 v51, v33;
	[tilespmem:v31+s20+$0x0] =	vst.idx.add.f32.msk $0xffff, v26;
	v26 =	vadd.s32 v51, v32  }
0x890: {  	[tilespmem:v28+s20+$0x0] =	vst.idx.add.f32.msk $0xffff, v27;
	v27 =	vor.u32 v15, v35;
	v35 =	vmov v59  }
0x891: {  	v29 =	vor.u32 v12, v46;
	v28 =	vld.idx.msk [tilespmem:v30+s6+$0x0], $0xffff  }
0x892: {  	[tilespmem:v54+s20+$0x0] =	vst.idx.add.f32.msk $0xffff, v16;
	v16 =	vadd.s32 v38, v60  }
0x893: {  	v30 =	vor.u32 v6, v35;
	v17 =	vld.idx.msk [tilespmem:v17+s6+$0x0], $0xffff  }
0x894: {  	v31 =	vor.u32 v5, v56;
	[tilespmem:v26+s20+$0x0] =	vst.idx.add.f32.msk $0xffff, v25  }
0x895: {  	v26 =	vor.u32 v6, v34;
	v18 =	vld.idx.msk [tilespmem:v27+s6+$0x0], $0xffff  }
0x896: {  	v54 =	vadd.s32 v52, v33;
	v33 =	vmovc v58;
	v59 =	vld.idx.msk [tilespmem:v29+s6+$0x0], $0xffff;
	v29 =	vadd.s32 v52, v32;
	v32 =	vmov v60  }
.Ltmp16:
0x897: {  	[tilespmem:v16+s20+$0x0] =	vst.idx.add.f32.msk $0xffff, v28;
	(pc) =	sbr.rel @p3 .LBB2_24-.Ltmp16, $4  }
0x898: {  	v63 =	vor.u32 v13, v46;
	v58 =	vld.idx.msk [tilespmem:v30+s6+$0x0], $0xffff  }
0x899: {  	v25 =	vadd.s32 v36, v32;
	[tilespmem:v31+s20+$0x0] =	vst.idx.add.f32.msk $0xffff, v17  }
0x89a: {  	v60 =	vld.idx.msk [tilespmem:v26+s6+$0x0], $0xffff;
	v26 =	vor.u32 v7, v35  }
0x89b: {  	s25 =	sadd.s32 $0x1, s17;
	s17 =	sadd.s32 $0x2, s17;
	v27 =	vor.u32 v6, v56;
	[tilespmem:v29+s20+$0x0] =	vst.idx.add.f32.msk $0xffff, v18  }
0x89c: {  	v16 =	vmov s25  }
0x89d: {  	v17 =	vadd.s32 $0x78, v16;
	_ =	sdelay $0x4  }
0x89e: {  	v17 =	vld.idx.msk [tilespmem:v17+s24+$0x0], $0xffff;
	_ =	sdelay $0x1  }
0x89f: {  	v18 =	vor.u32 v7, v34;
	[tilespmem:v62+s20+$0x0] =	vst.idx.add.f32.msk $0xffff, v59  }
0x8a0: {  	v28 =	vld.idx.msk [tilespmem:v63+s6+$0x0], $0xffff  }
0x8a1: {  	v29 =	vadd.s32 v39, v32;
	[tilespmem:v25+s20+$0x0] =	vst.idx.add.f32.msk $0xffff, v58;
	v25 =	vor.u32 v14, v46  }
0x8a2: {  	v30 =	vor.u32 v8, v35;
	v26 =	vld.idx.msk [tilespmem:v26+s6+$0x0], $0xffff;
	v31 =	vshll.u32 v17, $0x8;
	v17 =	vshll.u32 v17, $0x7  }
0x8a3: {  	v63 =	vshll.u32 v55, $0x8;
	[tilespmem:v27+s20+$0x0] =	vst.idx.add.f32.msk $0xffff, v60;
	v31 =	vand.u32 $0xFFFFF800, v31;
	v17 =	vand.u32 $0x380, v17  }
0x8a4: {  	v27 =	vor.u32 v7, v56;
	v60 =	vshll.u32 v55, $0x7;
	v18 =	vld.idx.msk [tilespmem:v18+s6+$0x0], $0xffff;
	v55 =	vor.u32 v17, v31  }
0x8a5: {  	[tilespmem:v61+s20+$0x0] =	vst.idx.add.f32.msk $0xffff, v28;
	v28 =	vand.u32 $0x380, v60;
	v17 =	vand.u32 $0xFFFFF800, v63;
	v31 =	vor.u32 v0, v55  }
0x8a6: {  	v62 =	vor.u32 v8, v34;
	v25 =	vld.idx.msk [tilespmem:v25+s6+$0x0], $0xffff;
	v56 =	vor.u32 v28, v17  }
0x8a7: {  	[tilespmem:v29+s20+$0x0] =	vst.idx.add.f32.msk $0xffff, v26;
	v26 =	vshll.u32 v16, $0x8;
	v16 =	vshll.u32 v16, $0x7;
	v17 =	vor.u32 v0, v56  }
0x8a8: {  	v29 =	vld.idx.msk [tilespmem:v30+s6+$0x0], $0xffff;
	v26 =	vand.u32 $0x3800, v26;
	v16 =	vand.u32 $0x380, v16;
	v30 =	vor.u32 v15, v46  }
0x8a9: {  	v46 =	vor.u32 v16, v26;
	[tilespmem:v27+s20+$0x0] =	vst.idx.add.f32.msk $0xffff, v18;
	v63 =	vshll.u32 v53, $0x7;
	v28 =	vshll.u32 v53, $0x8  }
0x8aa: {  	v27 =	vadd.s32 v42, v46;
	v18 =	vand.u32 $0x300, v63;
	v16 =	vand.u32 $0x3800, v28;
	v26 =	vld.idx.msk [tilespmem:v31+s6+$0x0], $0xffff  }
0x8ab: {  	[tilespmem:v57+s20+$0x0] =	vst.idx.add.f32.msk $0xffff, v25;
	v53 =	vor.u32 v18, v16;
	v16 =	vor.u32 v1, v55  }
0x8ac: {  	v18 =	vadd.s32 v42, v53;
	v17 =	vld.idx.msk [tilespmem:v17+s6+$0x0], $0xffff  }
0x8ad: {  	v58 =	vld.idx.msk [tilespmem:v30+s6+$0x0], $0xffff;
	v25 =	vor.u32 v1, v56  }
0x8ae: {  	v28 =	vld.idx.msk [tilespmem:v62+s6+$0x0], $0xffff;
	v31 =	vadd.s32 v37, v32  }
0x8af: {  	v30 =	vor.u32 v9, v35;
	[tilespmem:v27+s20+$0x0] =	vst.idx.add.f32.msk $0xffff, v26  }
0x8b0: {  	v26 =	vadd.s32 v45, v46;
	v16 =	vld.idx.msk [tilespmem:v16+s6+$0x0], $0xffff  }
0x8b1: {  	[tilespmem:v18+s20+$0x0] =	vst.idx.add.f32.msk $0xffff, v17;
	v17 =	vadd.s32 $0x11800, v53;
	v18 =	vor.u32 v2, v55  }
0x8b2: {  	v25 =	vld.idx.msk [tilespmem:v25+s6+$0x0], $0xffff;
	v27 =	vor.u32 v1, v17  }
0x8b3: {  	[tilespmem:v31+s20+$0x0] =	vst.idx.add.f32.msk $0xffff, v29;
	v29 =	vor.u32 v2, v56  }
0x8b4: {  	v31 =	vadd.s32 v37, v33;
	v30 =	vld.idx.msk [tilespmem:v30+s6+$0x0], $0xffff  }
0x8b5: {  	v59 =	vor.u32 v9, v34;
	[tilespmem:v26+s20+$0x0] =	vst.idx.add.f32.msk $0xffff, v16  }
0x8b6: {  	v16 =	vld.idx.msk [tilespmem:v18+s6+$0x0], $0xffff;
	v18 =	vadd.s32 v43, v46  }
0x8b7: {  	[tilespmem:v27+s20+$0x0] =	vst.idx.add.f32.msk $0xffff, v25;
	v25 =	vor.u32 v3, v55  }
0x8b8: {  	v27 =	vor.u32 v2, v17;
	v26 =	vld.idx.msk [tilespmem:v29+s6+$0x0], $0xffff  }
0x8b9: {  	[tilespmem:v31+s20+$0x0] =	vst.idx.add.f32.msk $0xffff, v28;
	v28 =	vor.u32 v3, v56  }
0x8ba: {  	v31 =	vld.idx.msk [tilespmem:v59+s6+$0x0], $0xffff;
	v29 =	vadd.s32 v44, v32  }
0x8bb: {  	v60 =	vor.u32 v10, v35;
	[tilespmem:v18+s20+$0x0] =	vst.idx.add.f32.msk $0xffff, v16  }
0x8bc: {  	v18 =	vadd.s32 v41, v46;
	v16 =	vld.idx.msk [tilespmem:v25+s6+$0x0], $0xffff  }
0x8bd: {  	[tilespmem:v27+s20+$0x0] =	vst.idx.add.f32.msk $0xffff, v26;
	v25 =	vor.u32 v4, v55  }
0x8be: {  	v27 =	vor.u32 v3, v17;
	v26 =	vld.idx.msk [tilespmem:v28+s6+$0x0], $0xffff  }
0x8bf: {  	[tilespmem:v29+s20+$0x0] =	vst.idx.add.f32.msk $0xffff, v30;
	v28 =	vor.u32 v4, v56  }
0x8c0: {  	v29 =	vadd.s32 v44, v33;
	v30 =	vld.idx.msk [tilespmem:v60+s6+$0x0], $0xffff  }
0x8c1: {  	v61 =	vadd.s32 v47, v32;
	[tilespmem:v18+s20+$0x0] =	vst.idx.add.f32.msk $0xffff, v16  }
0x8c2: {  	v18 =	vadd.s32 v40, v46;
	v16 =	vld.idx.msk [tilespmem:v25+s6+$0x0], $0xffff  }
0x8c3: {  	[tilespmem:v27+s20+$0x0] =	vst.idx.add.f32.msk $0xffff, v26;
	v25 =	vor.u32 v5, v55  }
0x8c4: {  	v27 =	vor.u32 v4, v17;
	v26 =	vld.idx.msk [tilespmem:v28+s6+$0x0], $0xffff  }
0x8c5: {  	[tilespmem:v29+s20+$0x0] =	vst.idx.add.f32.msk $0xffff, v31;
	v28 =	vor.u32 v5, v56  }
0x8c6: {  	v29 =	vor.u32 v11, v35;
	[tilespmem:v61+s20+$0x0] =	vst.idx.add.f32.msk $0xffff, v30  }
0x8c7: {  	v30 =	vor.u32 v10, v34;
	[tilespmem:v18+s20+$0x0] =	vst.idx.add.f32.msk $0xffff, v16  }
0x8c8: {  	v18 =	vadd.s32 v38, v46;
	v16 =	vld.idx.msk [tilespmem:v25+s6+$0x0], $0xffff  }
0x8c9: {  	[tilespmem:v27+s20+$0x0] =	vst.idx.add.f32.msk $0xffff, v26;
	v25 =	vor.u32 v6, v55  }
0x8ca: {  	v27 =	vor.u32 v5, v17;
	v26 =	vld.idx.msk [tilespmem:v28+s6+$0x0], $0xffff  }
0x8cb: {  	v28 =	vld.idx.msk [tilespmem:v29+s6+$0x0], $0xffff;
	v29 =	vor.u32 v6, v56  }
0x8cc: {  	v31 =	vadd.s32 v48, v32;
	v30 =	vld.idx.msk [tilespmem:v30+s6+$0x0], $0xffff  }
0x8cd: {  	v62 =	vor.u32 v12, v35;
	[tilespmem:v18+s20+$0x0] =	vst.idx.add.f32.msk $0xffff, v16  }
0x8ce: {  	v18 =	vadd.s32 v36, v46;
	v16 =	vld.idx.msk [tilespmem:v25+s6+$0x0], $0xffff  }
0x8cf: {  	[tilespmem:v27+s20+$0x0] =	vst.idx.add.f32.msk $0xffff, v26;
	v25 =	vor.u32 v7, v55  }
0x8d0: {  	v27 =	vor.u32 v6, v17;
	v26 =	vld.idx.msk [tilespmem:v29+s6+$0x0], $0xffff  }
0x8d1: {  	[tilespmem:v31+s20+$0x0] =	vst.idx.add.f32.msk $0xffff, v28;
	v28 =	vor.u32 v7, v56  }
0x8d2: {  	v29 =	vadd.s32 v47, v33;
	v31 =	vld.idx.msk [tilespmem:v62+s6+$0x0], $0xffff  }
0x8d3: {  	v63 =	vadd.s32 v49, v32;
	[tilespmem:v18+s20+$0x0] =	vst.idx.add.f32.msk $0xffff, v16  }
0x8d4: {  	v18 =	vadd.s32 v39, v46;
	v16 =	vld.idx.msk [tilespmem:v25+s6+$0x0], $0xffff  }
0x8d5: {  	[tilespmem:v27+s20+$0x0] =	vst.idx.add.f32.msk $0xffff, v26;
	v25 =	vor.u32 v8, v55  }
0x8d6: {  	v17 =	vor.u32 v7, v17;
	v26 =	vld.idx.msk [tilespmem:v28+s6+$0x0], $0xffff  }
0x8d7: {  	[tilespmem:v29+s20+$0x0] =	vst.idx.add.f32.msk $0xffff, v30;
	v27 =	vor.u32 v8, v56  }
0x8d8: {  	[tilespmem:v63+s20+$0x0] =	vst.idx.add.f32.msk $0xffff, v31;
	v28 =	vor.u32 v13, v35  }
0x8d9: {  	v29 =	vor.u32 v11, v34;
	[tilespmem:v18+s20+$0x0] =	vst.idx.add.f32.msk $0xffff, v16  }
0x8da: {  	v18 =	vadd.s32 v37, v46;
	v16 =	vld.idx.msk [tilespmem:v25+s6+$0x0], $0xffff  }
0x8db: {  	[tilespmem:v17+s20+$0x0] =	vst.idx.add.f32.msk $0xffff, v26;
	v17 =	vor.u32 v9, v55  }
0x8dc: {  	v25 =	vadd.s32 v37, v53;
	v26 =	vld.idx.msk [tilespmem:v27+s6+$0x0], $0xffff  }
0x8dd: {  	v27 =	vld.idx.msk [tilespmem:v28+s6+$0x0], $0xffff;
	v28 =	vor.u32 v9, v56  }
0x8de: {  	v30 =	vadd.s32 v50, v32;
	v29 =	vld.idx.msk [tilespmem:v29+s6+$0x0], $0xffff  }
0x8df: {  	v31 =	vor.u32 v14, v35;
	[tilespmem:v18+s20+$0x0] =	vst.idx.add.f32.msk $0xffff, v16  }
0x8e0: {  	v16 =	vld.idx.msk [tilespmem:v17+s6+$0x0], $0xffff;
	v17 =	vadd.s32 v44, v46  }
0x8e1: {  	v18 =	vor.u32 v10, v55;
	[tilespmem:v25+s20+$0x0] =	vst.idx.add.f32.msk $0xffff, v26  }
0x8e2: {  	v26 =	vadd.s32 v44, v53;
	v25 =	vld.idx.msk [tilespmem:v28+s6+$0x0], $0xffff  }
0x8e3: {  	[tilespmem:v30+s20+$0x0] =	vst.idx.add.f32.msk $0xffff, v27;
	v27 =	vor.u32 v10, v56  }
0x8e4: {  	v28 =	vadd.s32 v48, v33;
	v30 =	vld.idx.msk [tilespmem:v31+s6+$0x0], $0xffff  }
0x8e5: {  	v31 =	vadd.s32 v51, v32;
	[tilespmem:v17+s20+$0x0] =	vst.idx.add.f32.msk $0xffff, v16  }
0x8e6: {  	v17 =	vadd.s32 v47, v46;
	v16 =	vld.idx.msk [tilespmem:v18+s6+$0x0], $0xffff  }
0x8e7: {  	[tilespmem:v26+s20+$0x0] =	vst.idx.add.f32.msk $0xffff, v25;
	v18 =	vor.u32 v11, v55  }
0x8e8: {  	v25 =	vadd.s32 v47, v53;
	v26 =	vld.idx.msk [tilespmem:v27+s6+$0x0], $0xffff  }
0x8e9: {  	[tilespmem:v28+s20+$0x0] =	vst.idx.add.f32.msk $0xffff, v29;
	v27 =	vor.u32 v11, v56  }
0x8ea: {  	v28 =	vor.u32 v15, v35;
	[tilespmem:v31+s20+$0x0] =	vst.idx.add.f32.msk $0xffff, v30  }
0x8eb: {  	v29 =	vor.u32 v12, v34;
	[tilespmem:v17+s20+$0x0] =	vst.idx.add.f32.msk $0xffff, v16  }
0x8ec: {  	v17 =	vadd.s32 v48, v46;
	v16 =	vld.idx.msk [tilespmem:v18+s6+$0x0], $0xffff  }
0x8ed: {  	v18 =	vor.u32 v12, v55;
	[tilespmem:v25+s20+$0x0] =	vst.idx.add.f32.msk $0xffff, v26  }
0x8ee: {  	v25 =	vadd.s32 v48, v53;
	v26 =	vld.idx.msk [tilespmem:v27+s6+$0x0], $0xffff  }
0x8ef: {  	v27 =	vld.idx.msk [tilespmem:v28+s6+$0x0], $0xffff;
	v28 =	vor.u32 v12, v56  }
0x8f0: {  	v30 =	vadd.s32 v49, v33;
	v29 =	vld.idx.msk [tilespmem:v29+s6+$0x0], $0xffff  }
0x8f1: {  	v31 =	vor.u32 v13, v34;
	[tilespmem:v17+s20+$0x0] =	vst.idx.add.f32.msk $0xffff, v16  }
0x8f2: {  	v17 =	vadd.s32 v49, v46;
	v16 =	vld.idx.msk [tilespmem:v18+s6+$0x0], $0xffff  }
0x8f3: {  	v18 =	vor.u32 v13, v55;
	[tilespmem:v25+s20+$0x0] =	vst.idx.add.f32.msk $0xffff, v26  }
0x8f4: {  	v25 =	vadd.s32 v49, v53;
	v26 =	vld.idx.msk [tilespmem:v28+s6+$0x0], $0xffff  }
0x8f5: {  	[tilespmem:v30+s20+$0x0] =	vst.idx.add.f32.msk $0xffff, v29;
	v28 =	vor.u32 v13, v56  }
0x8f6: {  	v29 =	vadd.s32 v50, v33;
	v30 =	vld.idx.msk [tilespmem:v31+s6+$0x0], $0xffff  }
0x8f7: {  	v31 =	vor.u32 v14, v34;
	[tilespmem:v17+s20+$0x0] =	vst.idx.add.f32.msk $0xffff, v16  }
0x8f8: {  	v17 =	vadd.s32 v50, v46;
	v16 =	vld.idx.msk [tilespmem:v18+s6+$0x0], $0xffff  }
0x8f9: {  	v18 =	vor.u32 v14, v55;
	[tilespmem:v25+s20+$0x0] =	vst.idx.add.f32.msk $0xffff, v26  }
0x8fa: {  	v25 =	vadd.s32 v50, v53;
	v26 =	vld.idx.msk [tilespmem:v28+s6+$0x0], $0xffff  }
0x8fb: {  	[tilespmem:v29+s20+$0x0] =	vst.idx.add.f32.msk $0xffff, v30;
	v28 =	vor.u32 v14, v56  }
0x8fc: {  	v29 =	vadd.s32 v51, v33;
	v30 =	vld.idx.msk [tilespmem:v31+s6+$0x0], $0xffff  }
0x8fd: {  	v31 =	vor.u32 v15, v34;
	[tilespmem:v17+s20+$0x0] =	vst.idx.add.f32.msk $0xffff, v16  }
0x8fe: {  	v17 =	vadd.s32 v51, v46;
	v16 =	vld.idx.msk [tilespmem:v18+s6+$0x0], $0xffff  }
0x8ff: {  	v18 =	vor.u32 v15, v55;
	[tilespmem:v25+s20+$0x0] =	vst.idx.add.f32.msk $0xffff, v26  }
0x900: {  	v25 =	vadd.s32 v51, v53;
	v26 =	vld.idx.msk [tilespmem:v28+s6+$0x0], $0xffff  }
0x901: {  	[tilespmem:v29+s20+$0x0] =	vst.idx.add.f32.msk $0xffff, v30;
	v28 =	vor.u32 v15, v56  }
0x902: {  	v29 =	vld.idx.msk [tilespmem:v31+s6+$0x0], $0xffff  }
0x903: {  	v30 =	vadd.s32 v52, v32;
	[tilespmem:v17+s20+$0x0] =	vst.idx.add.f32.msk $0xffff, v16  }
0x904: {  	v16 =	vadd.s32 v52, v33;
	v17 =	vld.idx.msk [tilespmem:v18+s6+$0x0], $0xffff  }
0x905: {  	v18 =	vadd.s32 v52, v46;
	[tilespmem:v25+s20+$0x0] =	vst.idx.add.f32.msk $0xffff, v26  }
0x906: {  	v25 =	vadd.s32 v52, v53;
	v26 =	vld.idx.msk [tilespmem:v28+s6+$0x0], $0xffff  }
0x907: {  	[tilespmem:v54+s20+$0x0] =	vst.idx.add.f32.msk $0xffff, v58  }
0x908: {  	[tilespmem:v30+s20+$0x0] =	vst.idx.add.f32.msk $0xffff, v27  }
0x909: {  	[tilespmem:v16+s20+$0x0] =	vst.idx.add.f32.msk $0xffff, v29  }
0x90a: {  	[tilespmem:v18+s20+$0x0] =	vst.idx.add.f32.msk $0xffff, v17  }
0x90b: {  	p3 =	slt.u32 s10, $0x8;
	[tilespmem:v25+s20+$0x0] =	vst.idx.add.f32.msk $0xffff, v26  }
0x90c: {  	p3 =	por p3, p2;
	v16 =	vld [tilespmem:$0x1FF60]  }
0x90d: {  	p2 =	por !p3, p4;
	v17 =	vld [tilespmem:$0x1FF70]  }
0x90e: {  	p5 =	slt.u32 @!p2 s10, $0x8;
	v18 =	vld [tilespmem:$0x1FF80]  }
0x90f: {  	p3 =	por @!p4 !p5, !p3;
	v28 =	vld [tilespmem:$0x1FF90]  }
0x910: {  	s9 =	sadd.s32 @!p2 s12, s16;
	s12 =	smov.u32 s14;
	p3 =	por !p3, p4;
	v29 =	vld [tilespmem:$0x1FFA0]  }
.Ltmp17:
0x911: {  	s12 =	smov.u32 @p3 s9;
	v30 =	vld [tilespmem:$0x1FFB0];
	(pc) =	sbr.rel .LBB2_26-.Ltmp17, $4  }
0x912: {  	s25 =	sadd.s32 $0xF00, s13;
	s12 =	smul.u32 @!p2 $0x14, s12;
	v31 =	vld [tilespmem:$0x1FFC0]  }
0x913: {  	[hbm4b:s25+s6] =	stream.linear.scatter [tilespmem:s30], [sflag:$0x6], $0x2800, $0x38;
	v52 =	vld [tilespmem:$0x1FFD0]  }
0x914: {  	s13 =	simm.s32 @!p2 $0x9900;
	s9 =	sadd.s32 @!p2 s2, s12;
	s12 =	simm.s32 @!p2 $0x0;
	v54 =	vld [tilespmem:$0x1FFF0]  }
0x915: {  	v53 =	vld [tilespmem:$0x1FFE0];
	[tilespmem:s13], [sflag:$0x2] =	stream.linear.gather @!p2 [hbm4b:s9+s12], $0xA0, $0x38  }
.LBB2_28:
0x916: {  	_ =	sfence.sel $0x180000  }
0x917: {  	[bflag:$0x0] =	sbarrier.arrive $0xFFFF  }
0x918: {  	_ =	strace $0x90000047  }
0x919: {  	s0 =	stileid.u32;
	[bflag:$0x2] =	sbarrier.arrive $0xFFFF  }
0x91a: {  	p0 =	sne.s32 s0, $0x0;
	s0 =	rddreg [dreg:$0x4]  }
0x91b: {  	s0 =	sadd.s32 @!p0 $0x100000, s0  }
0x91c: {  	[sflag:s0] =	ssyncadd.tile.s32 @!p0 $0x1;
	_ =	shalt  }
.Lfunc_end2:
_tile_overlayer_lowered:
.L_overlay_start_2:
0x91d: {  	(tag) =	ssettag $0x2  }
0x91e: {  	s0 =	rddreg [dreg:$0x0];
	s2 =	stileid.u32  }
0x91f: {  	s1 =	rddreg [dreg:$0x1];
	p0 =	sne.s32 s2, $0x0  }
0x920: {  	s3 =	rddreg [dreg:$0x2];
	[bflag:$0x3] =	sbarrier.arrive $0xFFFF;
	s2 =	simm.s32 @!p0 $0x1C07  }
0x921: {  	[timem:s3], [sflag:s2] =	dma.local @!p0 [hbm:s0], s1  }
0x922: {  	s0 =	simm.s32 @!p0 $0x7  }
0x923: {  	_ =	swait.ge @!p0 [sflag:s0], s1  }
0x924: {  	s1 =	ssub.s32 @!p0 $0x0, s1;
	[sflag:s0] =	ssyncset.done @!p0 $0x0  }
0x925: {  	[sflag:s0] =	ssyncadd.s32 @!p0 s1  }
0x926: {  	[bflag:$0x3] =	sbarrier.arrive $0xFFFF  }
0x927: {  	_ =	shalt  }

</sc_bundles>
